<compile_context>
chip_gen: v7x
topology: tpu7x:2x2x1
jax: 0.10.2.dev20260603
libtpu: 0.0.44.dev20260713+nightly
codegen_flags: <defaults>
</compile_context>

<pallas_src>
import functools

import jax
import jax.numpy as jnp
from jax import lax
from jax.experimental import pallas as pl
from jax.experimental.pallas import tpu as pltpu
from jax.experimental.pallas import tpu_sc as plsc

_N = 131072
_D = 64
_K = 512
_COMMIT = 0.25

_ROWS = 1024
_NW = 32
_MACRO = 512


def _tc_body(at_ref, e_ref, wt2_ref, se_ref, sw_ref, enc_ref, loss_ref,
             acc_ref):
    i = pl.program_id(0)
    mm2 = jnp.dot(e_ref[...], wt2_ref[...],
                  preferred_element_type=jnp.float32)
    t = se_ref[...] + sw_ref[...]
    d = t + mm2

    at = at_ref[...]
    lo = jnp.where(at == 5.0, 0,
         jnp.where(at == 6.0, 378,
         jnp.where(at == 7.0, 434, 489)))
    hi = jnp.where(at == 5.0, 377,
         jnp.where(at == 6.0, 433,
         jnp.where(at == 7.0, 488, 511)))
    span = (hi - lo).astype(jnp.uint32)
    col = lax.broadcasted_iota(jnp.int32, d.shape, 1)
    valid = (col - lo).astype(jnp.uint32) < span
    dm = jnp.where(valid, d, jnp.inf)

    dmin = jnp.min(dm, axis=1, keepdims=True)
    enc = jnp.min(jnp.where(dm == dmin, col, _K), axis=1).astype(jnp.int32)
    enc_ref[...] = enc[:, None]

    part = jnp.sum(dmin).reshape(1, 1)

    @pl.when(i == 0)
    def _():
        acc_ref[...] = jnp.zeros((1, 1), jnp.float32)

    acc_ref[...] += part

    @pl.when(i == pl.num_programs(0) - 1)
    def _():
        loss_ref[...] = acc_ref[...]


def _tc_encode(at, e, wt2, se, sw):
    n = e.shape[0]
    grid = n // _ROWS
    return pl.pallas_call(
        _tc_body,
        grid=(grid,),
        in_specs=[
            pl.BlockSpec((_ROWS, 1), lambda i: (i, 0)),
            pl.BlockSpec((_ROWS, _D), lambda i: (i, 0)),
            pl.BlockSpec((_D, _K), lambda i: (0, 0)),
            pl.BlockSpec((_ROWS, 1), lambda i: (i, 0)),
            pl.BlockSpec((1, _K), lambda i: (0, 0)),
        ],
        out_specs=[
            pl.BlockSpec((_ROWS, 1), lambda i: (i, 0)),
            pl.BlockSpec((1, 1), lambda i: (0, 0)),
        ],
        out_shape=[
            jax.ShapeDtypeStruct((n, 1), jnp.int32),
            jax.ShapeDtypeStruct((1, 1), jnp.float32),
        ],
        scratch_shapes=[pltpu.VMEM((1, 1), jnp.float32)],
    )(at, e, wt2, se, sw)


def _sc_gather(table_flat, idx):
    n = idx.shape[0]
    rows_per_w = n // _NW
    nmacro = rows_per_w // _MACRO
    groups_per_macro = _MACRO // 16
    macro_elems = _MACRO * _D
    mesh = plsc.VectorSubcoreMesh(core_axis_name="c", subcore_axis_name="s")

    @functools.partial(
        pl.kernel,
        mesh=mesh,
        compiler_params=pltpu.CompilerParams(
            use_tc_tiling_on_sc=False, needs_layout_passes=False),
        out_type=jax.ShapeDtypeStruct((n * _D,), jnp.float32),
        scratch_types=[
            pltpu.VMEM((_K * _D,), jnp.float32),
            pltpu.VMEM((rows_per_w,), jnp.int32),
            pltpu.VMEM((macro_elems,), jnp.float32),
            pltpu.VMEM((macro_elems,), jnp.float32),
            pltpu.SemaphoreType.DMA,
            pltpu.SemaphoreType.DMA,
        ],
    )
    def k(table_hbm, idx_hbm, out_hbm, tab_v, idx_v, rows0, rows1, st0, st1):
        wid = lax.axis_index("s") * 2 + lax.axis_index("c")
        base = pl.multiple_of(wid * rows_per_w, rows_per_w)
        pltpu.sync_copy(table_hbm, tab_v)
        pltpu.sync_copy(idx_hbm.at[pl.ds(base, rows_per_w)], idx_v)

        lane64 = lax.iota(jnp.int32, 16) * _D

        def do_macro(m, rows):
            @plsc.parallel_loop(0, groups_per_macro, 1, unroll=8)
            def grp(g):
                ivec = idx_v[pl.ds(m * _MACRO + g * 16, 16)]
                addr0 = ivec * _D
                obase0 = lane64 + g * (16 * _D)
                for j in range(_D):
                    vals = plsc.load_gather(tab_v, [addr0 + j])
                    plsc.store_scatter(rows, [obase0 + j], vals)

        def store(m, rows, sem):
            e0 = pl.multiple_of((base + m * _MACRO) * _D, macro_elems)
            return pltpu.async_copy(rows, out_hbm.at[pl.ds(e0, macro_elems)], sem)

        def drain(rows, sem):
            pltpu.make_async_copy(
                rows, out_hbm.at[pl.ds(base * _D, macro_elems)], sem).wait()

        def body(gpair, carry):
            a = gpair * 2
            b = a + 1

            @pl.when(gpair > 0)
            def _():
                drain(rows0, st0)

            do_macro(a, rows0)
            store(a, rows0, st0)

            @pl.when(gpair > 0)
            def _():
                drain(rows1, st1)

            do_macro(b, rows1)
            store(b, rows1, st1)
            return carry

        lax.fori_loop(0, nmacro // 2, body, 0)
        drain(rows0, st0)
        drain(rows1, st1)

    return k(table_flat, idx)


def kernel(x, e, W):
    at = x[:, 0:1]
    wt2 = W.T * (-2.0)
    se = jnp.sum(e ** 2, axis=1, keepdims=True)
    sw = jnp.sum(W ** 2, axis=1).reshape(1, _K)
    enc2d, loss_sum = _tc_encode(at, e, wt2, se, sw)
    enc = enc2d.reshape(-1)
    quantized = _sc_gather(W.reshape(-1), enc).reshape(e.shape)
    loss = loss_sum[0, 0] * ((1.0 + _COMMIT) / (e.size))
    return quantized, loss

# --- scband reference (transcript-rebuilt; emitter-appended) ---
"""Pipeline reference for scband-vector-quantizer-4157528343202 (READ-ONLY COPY).

The authoritative reference and input builder live on the scoring server;
editing this copy changes nothing except your own understanding.
"""

import jax, jax.numpy as jnp
import numpy as np

N = 131072
D = 64
K = 512
COMMITMENT_COST = 0.25


def setup_inputs(seed: int = 0) -> dict:
    key = jax.random.key(seed)
    k1, k2, k3 = jax.random.split(key, 3)
    x = jax.random.randint(k1, (N, 8), 0, 10).astype(jnp.float32)
    e = jax.random.normal(k2, (N, D), dtype=jnp.float32)
    W = jax.random.normal(k3, (K, D), dtype=jnp.float32) * 0.02
    return {"x": x, "e": e, "W": W}


def _group_argmin(e, W, lo, hi):
    Wg = W[lo:hi]
    d = (jnp.sum(e ** 2, axis=1, keepdims=True)
         + jnp.sum(Wg ** 2, axis=1)
         - 2.0 * jnp.matmul(e, Wg.T))
    return jnp.argmin(d, axis=1) + lo


def get_code_indices(x, e, W):
    atom_type = x[:, 0]
    index_c = atom_type == 5
    index_n = atom_type == 6
    index_o = atom_type == 7
    idx_c = _group_argmin(e, W, 0, 377)
    idx_n = _group_argmin(e, W, 378, 433)
    idx_o = _group_argmin(e, W, 434, 488)
    idx_other = _group_argmin(e, W, 489, 511)
    enc = jnp.where(index_c, idx_c,
          jnp.where(index_n, idx_n,
          jnp.where(index_o, idx_o, idx_other)))
    return enc


def reference(x, e, W):
    enc = get_code_indices(x, e, W)
    quantized = jnp.take(W, enc, axis=0)
    q_latent_loss = jnp.mean((quantized - jax.lax.stop_gradient(e)) ** 2)
    e_latent_loss = jnp.mean((e - jax.lax.stop_gradient(quantized)) ** 2)
    loss = q_latent_loss + COMMITMENT_COST * e_latent_loss
    quantized = e + jax.lax.stop_gradient(quantized - e)
    return (quantized, loss)

if __name__ == "__main__":
    import jax
    _d = setup_inputs()
    print(jax.jit(kernel)(*tuple(_d.values())))

</pallas_src>

<mosaic_0001>
#map = affine_map<(d0, d1) -> (0)>
module attributes {stable_mosaic.version = 14 : i64} {
  func.func @k(%arg0: i32, %arg1: i32, %arg2: memref<32768xf32, #tpu.memory_space<hbm>>, %arg3: memref<131072xi32, #tpu.memory_space<hbm>>, %arg4: memref<8388608xf32, #tpu.memory_space<hbm>>, %arg5: memref<32768xf32, #tpu.memory_space<vmem>>, %arg6: memref<4096xi32, #tpu.memory_space<vmem>>, %arg7: memref<32768xf32, #tpu.memory_space<vmem>>, %arg8: memref<32768xf32, #tpu.memory_space<vmem>>, %arg9: memref<!tpu.dma_semaphore, #tpu.memory_space<semaphore_mem>>, %arg10: memref<!tpu.dma_semaphore, #tpu.memory_space<semaphore_mem>>) attributes {dimension_semantics = [#tpu.dimension_semantics<core_parallel>, #tpu.dimension_semantics<subcore_parallel>], iteration_bounds = array<i64: 2, 16>, scalar_prefetch = 0 : i64, scratch_operands = 6 : i64, tpu.core_type = #tpu.core_type<sc_vector_subcore>, window_params = [{transform_indices = #map}, {transform_indices = #map}, {transform_indices = #map}]} {
    %mul3A = arith.constant 2 : i32
    %mul3A_0 = arith.muli %arg1, %mul3A : i32
    %add3A = arith.addi %mul3A_0, %arg0 : i32
    %mul3A_1 = arith.constant 4096 : i32
    %mul3A_2 = arith.muli %add3A, %mul3A_1 : i32
    %multiple_of3A = tpu.assume_multiple %mul3A_2, 4096 : i32
    "tpu.region"() ({
      %run_scoped3A = tpu.sem_alloc : memref<!tpu.dma_semaphore, #tpu.memory_space<semaphore_mem>>
      tpu.enqueue_dma source(%arg2 : memref<32768xf32, #tpu.memory_space<hbm>>) target(%arg5 : memref<32768xf32, #tpu.memory_space<vmem>>) target_semaphore(%run_scoped3A : memref<!tpu.dma_semaphore, #tpu.memory_space<semaphore_mem>>)
      tpu.wait_dma2 semaphore(%run_scoped3A : memref<!tpu.dma_semaphore, #tpu.memory_space<semaphore_mem>>) src(%arg2 : memref<32768xf32, #tpu.memory_space<hbm>>) dst(%arg5 : memref<32768xf32, #tpu.memory_space<vmem>>)
      tpu.yield
    }) : () -> ()
    "tpu.region"() ({
      %run_scoped3A = tpu.sem_alloc : memref<!tpu.dma_semaphore, #tpu.memory_space<semaphore_mem>>
      %dma_start3A = tpu.memref_slice %arg3[%multiple_of3A] : memref<131072xi32, #tpu.memory_space<hbm>> -> memref<4096xi32, #tpu.memory_space<hbm>>
      %dma_start3A_18 = tpu.memref_slice %arg3[%multiple_of3A] : memref<131072xi32, #tpu.memory_space<hbm>> -> memref<4096xi32, #tpu.memory_space<hbm>>
      tpu.enqueue_dma source(%dma_start3A_18 : memref<4096xi32, #tpu.memory_space<hbm>>) target(%arg6 : memref<4096xi32, #tpu.memory_space<vmem>>) target_semaphore(%run_scoped3A : memref<!tpu.dma_semaphore, #tpu.memory_space<semaphore_mem>>)
      %dma_wait3A_19 = tpu.memref_slice %arg3[%multiple_of3A] : memref<131072xi32, #tpu.memory_space<hbm>> -> memref<4096xi32, #tpu.memory_space<hbm>>
      %dma_wait3A_20 = tpu.memref_slice %arg3[%multiple_of3A] : memref<131072xi32, #tpu.memory_space<hbm>> -> memref<4096xi32, #tpu.memory_space<hbm>>
      tpu.wait_dma2 semaphore(%run_scoped3A : memref<!tpu.dma_semaphore, #tpu.memory_space<semaphore_mem>>) src(%dma_wait3A_20 : memref<4096xi32, #tpu.memory_space<hbm>>) dst(%arg6 : memref<4096xi32, #tpu.memory_space<vmem>>)
      tpu.yield
    }) : () -> ()
    %iota3A = tpu.iota {dimensions = array<i32: 0>} : vector<16xi32>
    %mul3A_3 = arith.constant 64 : i32
    %mul3A_4 = vector.broadcast %mul3A_3 : i32 to vector<16xi32>
    %mul3A_5 = arith.muli %iota3A, %mul3A_4 : vector<16xi32>
    %scan3A = arith.constant 0 : i32
    %scan3A_6 = arith.constant 0 : i32
    %scan3A_7 = arith.constant 4 : i32
    %scan3A_8 = arith.addi %scan3A_6, %scan3A_7 : i32
    %scan3A_9 = arith.constant 1 : i32
    scf.for %scan3A_18 = %scan3A_6 to %scan3A_8 step %scan3A_9  : i32 {
      %mul3A_19 = arith.constant 2 : i32
      %mul3A_20 = arith.muli %scan3A_18, %mul3A_19 : i32
      %add3A_21 = arith.constant 1 : i32
      %add3A_22 = arith.addi %mul3A_20, %add3A_21 : i32
      %gt3A = arith.constant 0 : i32
      %gt3A_23 = arith.cmpi sgt, %scan3A_18, %gt3A : i32
      %convert_element_type3A = arith.extui %gt3A_23 : i1 to i32
      %cond3A = arith.constant 0 : i32
      %cond3A_24 = arith.cmpi ne, %convert_element_type3A, %cond3A : i32
      scf.if %cond3A_24 {
        %mul3A_50 = arith.constant 64 : i32
        %mul3A_51 = arith.muli %multiple_of3A, %mul3A_50 : i32
        %dma_wait3A_52 = tpu.memref_slice %arg4[%mul3A_51] : memref<8388608xf32, #tpu.memory_space<hbm>> -> memref<32768xf32, #tpu.memory_space<hbm>>
        %dma_wait3A_53 = tpu.memref_slice %arg4[%mul3A_51] : memref<8388608xf32, #tpu.memory_space<hbm>> -> memref<32768xf32, #tpu.memory_space<hbm>>
        tpu.wait_dma2 semaphore(%arg9 : memref<!tpu.dma_semaphore, #tpu.memory_space<semaphore_mem>>) src(%arg7 : memref<32768xf32, #tpu.memory_space<vmem>>) dst(%dma_wait3A_53 : memref<32768xf32, #tpu.memory_space<hbm>>)
      } else {
      }
      %parallel_loop3A = arith.constant 0 : i32
      %parallel_loop3A_25 = arith.constant 32 : i32
      %parallel_loop3A_26 = arith.constant 1 : i32
      scf.for %parallel_loop3A_50 = %parallel_loop3A to %parallel_loop3A_25 step %parallel_loop3A_26  : i32 {
        %parallel_loop3A_51 = arith.constant 512 : i32
        %parallel_loop3A_52 = arith.muli %mul3A_20, %parallel_loop3A_51 : i32
        %parallel_loop3A_53 = arith.constant 16 : i32
        %parallel_loop3A_54 = arith.muli %parallel_loop3A_50, %parallel_loop3A_53 : i32
        %parallel_loop3A_55 = arith.addi %parallel_loop3A_52, %parallel_loop3A_54 : i32
        %parallel_loop3A_56 = arith.index_cast %parallel_loop3A_55 : i32 to index
        %parallel_loop3A_57 = tpu.vector_load %arg6[%parallel_loop3A_56] {strides = array<i32>} : memref<4096xi32, #tpu.memory_space<vmem>>, vector<16xi32>,
        %parallel_loop3A_58 = arith.constant 64 : i32
        %parallel_loop3A_59 = vector.broadcast %parallel_loop3A_58 : i32 to vector<16xi32>
        %parallel_loop3A_60 = arith.muli %parallel_loop3A_57, %parallel_loop3A_59 : vector<16xi32>
        %parallel_loop3A_61 = arith.constant 1024 : i32
        %parallel_loop3A_62 = arith.muli %parallel_loop3A_50, %parallel_loop3A_61 : i32
        %parallel_loop3A_63 = vector.broadcast %parallel_loop3A_62 : i32 to vector<16xi32>
        %parallel_loop3A_64 = arith.addi %mul3A_5, %parallel_loop3A_63 : vector<16xi32>
        %parallel_loop3A_65 = arith.constant 0 : i32
        %parallel_loop3A_66 = vector.broadcast %parallel_loop3A_65 : i32 to vector<16xi32>
        %parallel_loop3A_67 = arith.addi %parallel_loop3A_60, %parallel_loop3A_66 : vector<16xi32>
        %parallel_loop3A_68 = tpu.vector_load_idx %arg5[%parallel_loop3A_67] : memref<32768xf32, #tpu.memory_space<vmem>>[vector<16xi32>], vector<16xf32>,
        %parallel_loop3A_69 = arith.constant 0 : i32
        %parallel_loop3A_70 = vector.broadcast %parallel_loop3A_69 : i32 to vector<16xi32>
        %parallel_loop3A_71 = arith.addi %parallel_loop3A_64, %parallel_loop3A_70 : vector<16xi32>
        tpu.vector_store_idx %arg7[%parallel_loop3A_71], %parallel_loop3A_68 : memref<32768xf32, #tpu.memory_space<vmem>>[vector<16xi32>], vector<16xf32>,
        %parallel_loop3A_72 = arith.constant 1 : i32
        %parallel_loop3A_73 = vector.broadcast %parallel_loop3A_72 : i32 to vector<16xi32>
        %parallel_loop3A_74 = arith.addi %parallel_loop3A_60, %parallel_loop3A_73 : vector<16xi32>
        %parallel_loop3A_75 = tpu.vector_load_idx %arg5[%parallel_loop3A_74] : memref<32768xf32, #tpu.memory_space<vmem>>[vector<16xi32>], vector<16xf32>,
        %parallel_loop3A_76 = arith.constant 1 : i32
        %parallel_loop3A_77 = vector.broadcast %parallel_loop3A_76 : i32 to vector<16xi32>
        %parallel_loop3A_78 = arith.addi %parallel_loop3A_64, %parallel_loop3A_77 : vector<16xi32>
        tpu.vector_store_idx %arg7[%parallel_loop3A_78], %parallel_loop3A_75 : memref<32768xf32, #tpu.memory_space<vmem>>[vector<16xi32>], vector<16xf32>,
        %parallel_loop3A_79 = arith.constant 2 : i32
        %parallel_loop3A_80 = vector.broadcast %parallel_loop3A_79 : i32 to vector<16xi32>
        %parallel_loop3A_81 = arith.addi %parallel_loop3A_60, %parallel_loop3A_80 : vector<16xi32>
        %parallel_loop3A_82 = tpu.vector_load_idx %arg5[%parallel_loop3A_81] : memref<32768xf32, #tpu.memory_space<vmem>>[vector<16xi32>], vector<16xf32>,
        %parallel_loop3A_83 = arith.constant 2 : i32
        %parallel_loop3A_84 = vector.broadcast %parallel_loop3A_83 : i32 to vector<16xi32>
        %parallel_loop3A_85 = arith.addi %parallel_loop3A_64, %parallel_loop3A_84 : vector<16xi32>
        tpu.vector_store_idx %arg7[%parallel_loop3A_85], %parallel_loop3A_82 : memref<32768xf32, #tpu.memory_space<vmem>>[vector<16xi32>], vector<16xf32>,
        %parallel_loop3A_86 = arith.constant 3 : i32
        %parallel_loop3A_87 = vector.broadcast %parallel_loop3A_86 : i32 to vector<16xi32>
        %parallel_loop3A_88 = arith.addi %parallel_loop3A_60, %parallel_loop3A_87 : vector<16xi32>
        %parallel_loop3A_89 = tpu.vector_load_idx %arg5[%parallel_loop3A_88] : memref<32768xf32, #tpu.memory_space<vmem>>[vector<16xi32>], vector<16xf32>,
        %parallel_loop3A_90 = arith.constant 3 : i32
        %parallel_loop3A_91 = vector.broadcast %parallel_loop3A_90 : i32 to vector<16xi32>
        %parallel_loop3A_92 = arith.addi %parallel_loop3A_64, %parallel_loop3A_91 : vector<16xi32>
        tpu.vector_store_idx %arg7[%parallel_loop3A_92], %parallel_loop3A_89 : memref<32768xf32, #tpu.memory_space<vmem>>[vector<16xi32>], vector<16xf32>,
        %parallel_loop3A_93 = arith.constant 4 : i32
        %parallel_loop3A_94 = vector.broadcast %parallel_loop3A_93 : i32 to vector<16xi32>
        %parallel_loop3A_95 = arith.addi %parallel_loop3A_60, %parallel_loop3A_94 : vector<16xi32>
        %parallel_loop3A_96 = tpu.vector_load_idx %arg5[%parallel_loop3A_95] : memref<32768xf32, #tpu.memory_space<vmem>>[vector<16xi32>], vector<16xf32>,
        %parallel_loop3A_97 = arith.constant 4 : i32
        %parallel_loop3A_98 = vector.broadcast %parallel_loop3A_97 : i32 to vector<16xi32>
        %parallel_loop3A_99 = arith.addi %parallel_loop3A_64, %parallel_loop3A_98 : vector<16xi32>
        tpu.vector_store_idx %arg7[%parallel_loop3A_99], %parallel_loop3A_96 : memref<32768xf32, #tpu.memory_space<vmem>>[vector<16xi32>], vector<16xf32>,
        %parallel_loop3A_100 = arith.constant 5 : i32
        %parallel_loop3A_101 = vector.broadcast %parallel_loop3A_100 : i32 to vector<16xi32>
        %parallel_loop3A_102 = arith.addi %parallel_loop3A_60, %parallel_loop3A_101 : vector<16xi32>
        %parallel_loop3A_103 = tpu.vector_load_idx %arg5[%parallel_loop3A_102] : memref<32768xf32, #tpu.memory_space<vmem>>[vector<16xi32>], vector<16xf32>,
        %parallel_loop3A_104 = arith.constant 5 : i32
        %parallel_loop3A_105 = vector.broadcast %parallel_loop3A_104 : i32 to vector<16xi32>
        %parallel_loop3A_106 = arith.addi %parallel_loop3A_64, %parallel_loop3A_105 : vector<16xi32>
        tpu.vector_store_idx %arg7[%parallel_loop3A_106], %parallel_loop3A_103 : memref<32768xf32, #tpu.memory_space<vmem>>[vector<16xi32>], vector<16xf32>,
        %parallel_loop3A_107 = arith.constant 6 : i32
        %parallel_loop3A_108 = vector.broadcast %parallel_loop3A_107 : i32 to vector<16xi32>
        %parallel_loop3A_109 = arith.addi %parallel_loop3A_60, %parallel_loop3A_108 : vector<16xi32>
        %parallel_loop3A_110 = tpu.vector_load_idx %arg5[%parallel_loop3A_109] : memref<32768xf32, #tpu.memory_space<vmem>>[vector<16xi32>], vector<16xf32>,
        %parallel_loop3A_111 = arith.constant 6 : i32
        %parallel_loop3A_112 = vector.broadcast %parallel_loop3A_111 : i32 to vector<16xi32>
        %parallel_loop3A_113 = arith.addi %parallel_loop3A_64, %parallel_loop3A_112 : vector<16xi32>
        tpu.vector_store_idx %arg7[%parallel_loop3A_113], %parallel_loop3A_110 : memref<32768xf32, #tpu.memory_space<vmem>>[vector<16xi32>], vector<16xf32>,
        %parallel_loop3A_114 = arith.constant 7 : i32
        %parallel_loop3A_115 = vector.broadcast %parallel_loop3A_114 : i32 to vector<16xi32>
        %parallel_loop3A_116 = arith.addi %parallel_loop3A_60, %parallel_loop3A_115 : vector<16xi32>
        %parallel_loop3A_117 = tpu.vector_load_idx %arg5[%parallel_loop3A_116] : memref<32768xf32, #tpu.memory_space<vmem>>[vector<16xi32>], vector<16xf32>,
        %parallel_loop3A_118 = arith.constant 7 : i32
        %parallel_loop3A_119 = vector.broadcast %parallel_loop3A_118 : i32 to vector<16xi32>
        %parallel_loop3A_120 = arith.addi %parallel_loop3A_64, %parallel_loop3A_119 : vector<16xi32>
        tpu.vector_store_idx %arg7[%parallel_loop3A_120], %parallel_loop3A_117 : memref<32768xf32, #tpu.memory_space<vmem>>[vector<16xi32>], vector<16xf32>,
        %parallel_loop3A_121 = arith.constant 8 : i32
        %parallel_loop3A_122 = vector.broadcast %parallel_loop3A_121 : i32 to vector<16xi32>
        %parallel_loop3A_123 = arith.addi %parallel_loop3A_60, %parallel_loop3A_122 : vector<16xi32>
        %parallel_loop3A_124 = tpu.vector_load_idx %arg5[%parallel_loop3A_123] : memref<32768xf32, #tpu.memory_space<vmem>>[vector<16xi32>], vector<16xf32>,
        %parallel_loop3A_125 = arith.constant 8 : i32
        %parallel_loop3A_126 = vector.broadcast %parallel_loop3A_125 : i32 to vector<16xi32>
        %parallel_loop3A_127 = arith.addi %parallel_loop3A_64, %parallel_loop3A_126 : vector<16xi32>
        tpu.vector_store_idx %arg7[%parallel_loop3A_127], %parallel_loop3A_124 : memref<32768xf32, #tpu.memory_space<vmem>>[vector<16xi32>], vector<16xf32>,
        %parallel_loop3A_128 = arith.constant 9 : i32
        %parallel_loop3A_129 = vector.broadcast %parallel_loop3A_128 : i32 to vector<16xi32>
        %parallel_loop3A_130 = arith.addi %parallel_loop3A_60, %parallel_loop3A_129 : vector<16xi32>
        %parallel_loop3A_131 = tpu.vector_load_idx %arg5[%parallel_loop3A_130] : memref<32768xf32, #tpu.memory_space<vmem>>[vector<16xi32>], vector<16xf32>,
        %parallel_loop3A_132 = arith.constant 9 : i32
        %parallel_loop3A_133 = vector.broadcast %parallel_loop3A_132 : i32 to vector<16xi32>
        %parallel_loop3A_134 = arith.addi %parallel_loop3A_64, %parallel_loop3A_133 : vector<16xi32>
        tpu.vector_store_idx %arg7[%parallel_loop3A_134], %parallel_loop3A_131 : memref<32768xf32, #tpu.memory_space<vmem>>[vector<16xi32>], vector<16xf32>,
        %parallel_loop3A_135 = arith.constant 10 : i32
        %parallel_loop3A_136 = vector.broadcast %parallel_loop3A_135 : i32 to vector<16xi32>
        %parallel_loop3A_137 = arith.addi %parallel_loop3A_60, %parallel_loop3A_136 : vector<16xi32>
        %parallel_loop3A_138 = tpu.vector_load_idx %arg5[%parallel_loop3A_137] : memref<32768xf32, #tpu.memory_space<vmem>>[vector<16xi32>], vector<16xf32>,
        %parallel_loop3A_139 = arith.constant 10 : i32
        %parallel_loop3A_140 = vector.broadcast %parallel_loop3A_139 : i32 to vector<16xi32>
        %parallel_loop3A_141 = arith.addi %parallel_loop3A_64, %parallel_loop3A_140 : vector<16xi32>
        tpu.vector_store_idx %arg7[%parallel_loop3A_141], %parallel_loop3A_138 : memref<32768xf32, #tpu.memory_space<vmem>>[vector<16xi32>], vector<16xf32>,
        %parallel_loop3A_142 = arith.constant 11 : i32
        %parallel_loop3A_143 = vector.broadcast %parallel_loop3A_142 : i32 to vector<16xi32>
        %parallel_loop3A_144 = arith.addi %parallel_loop3A_60, %parallel_loop3A_143 : vector<16xi32>
        %parallel_loop3A_145 = tpu.vector_load_idx %arg5[%parallel_loop3A_144] : memref<32768xf32, #tpu.memory_space<vmem>>[vector<16xi32>], vector<16xf32>,
        %parallel_loop3A_146 = arith.constant 11 : i32
        %parallel_loop3A_147 = vector.broadcast %parallel_loop3A_146 : i32 to vector<16xi32>
        %parallel_loop3A_148 = arith.addi %parallel_loop3A_64, %parallel_loop3A_147 : vector<16xi32>
        tpu.vector_store_idx %arg7[%parallel_loop3A_148], %parallel_loop3A_145 : memref<32768xf32, #tpu.memory_space<vmem>>[vector<16xi32>], vector<16xf32>,
        %parallel_loop3A_149 = arith.constant 12 : i32
        %parallel_loop3A_150 = vector.broadcast %parallel_loop3A_149 : i32 to vector<16xi32>
        %parallel_loop3A_151 = arith.addi %parallel_loop3A_60, %parallel_loop3A_150 : vector<16xi32>
        %parallel_loop3A_152 = tpu.vector_load_idx %arg5[%parallel_loop3A_151] : memref<32768xf32, #tpu.memory_space<vmem>>[vector<16xi32>], vector<16xf32>,
        %parallel_loop3A_153 = arith.constant 12 : i32
        %parallel_loop3A_154 = vector.broadcast %parallel_loop3A_153 : i32 to vector<16xi32>
        %parallel_loop3A_155 = arith.addi %parallel_loop3A_64, %parallel_loop3A_154 : vector<16xi32>
        tpu.vector_store_idx %arg7[%parallel_loop3A_155], %parallel_loop3A_152 : memref<32768xf32, #tpu.memory_space<vmem>>[vector<16xi32>], vector<16xf32>,
        %parallel_loop3A_156 = arith.constant 13 : i32
        %parallel_loop3A_157 = vector.broadcast %parallel_loop3A_156 : i32 to vector<16xi32>
        %parallel_loop3A_158 = arith.addi %parallel_loop3A_60, %parallel_loop3A_157 : vector<16xi32>
        %parallel_loop3A_159 = tpu.vector_load_idx %arg5[%parallel_loop3A_158] : memref<32768xf32, #tpu.memory_space<vmem>>[vector<16xi32>], vector<16xf32>,
        %parallel_loop3A_160 = arith.constant 13 : i32
        %parallel_loop3A_161 = vector.broadcast %parallel_loop3A_160 : i32 to vector<16xi32>
        %parallel_loop3A_162 = arith.addi %parallel_loop3A_64, %parallel_loop3A_161 : vector<16xi32>
        tpu.vector_store_idx %arg7[%parallel_loop3A_162], %parallel_loop3A_159 : memref<32768xf32, #tpu.memory_space<vmem>>[vector<16xi32>], vector<16xf32>,
        %parallel_loop3A_163 = arith.constant 14 : i32
        %parallel_loop3A_164 = vector.broadcast %parallel_loop3A_163 : i32 to vector<16xi32>
        %parallel_loop3A_165 = arith.addi %parallel_loop3A_60, %parallel_loop3A_164 : vector<16xi32>
        %parallel_loop3A_166 = tpu.vector_load_idx %arg5[%parallel_loop3A_165] : memref<32768xf32, #tpu.memory_space<vmem>>[vector<16xi32>], vector<16xf32>,
        %parallel_loop3A_167 = arith.constant 14 : i32
        %parallel_loop3A_168 = vector.broadcast %parallel_loop3A_167 : i32 to vector<16xi32>
        %parallel_loop3A_169 = arith.addi %parallel_loop3A_64, %parallel_loop3A_168 : vector<16xi32>
        tpu.vector_store_idx %arg7[%parallel_loop3A_169], %parallel_loop3A_166 : memref<32768xf32, #tpu.memory_space<vmem>>[vector<16xi32>], vector<16xf32>,
        %parallel_loop3A_170 = arith.constant 15 : i32
        %parallel_loop3A_171 = vector.broadcast %parallel_loop3A_170 : i32 to vector<16xi32>
        %parallel_loop3A_172 = arith.addi %parallel_loop3A_60, %parallel_loop3A_171 : vector<16xi32>
        %parallel_loop3A_173 = tpu.vector_load_idx %arg5[%parallel_loop3A_172] : memref<32768xf32, #tpu.memory_space<vmem>>[vector<16xi32>], vector<16xf32>,
        %parallel_loop3A_174 = arith.constant 15 : i32
        %parallel_loop3A_175 = vector.broadcast %parallel_loop3A_174 : i32 to vector<16xi32>
        %parallel_loop3A_176 = arith.addi %parallel_loop3A_64, %parallel_loop3A_175 : vector<16xi32>
        tpu.vector_store_idx %arg7[%parallel_loop3A_176], %parallel_loop3A_173 : memref<32768xf32, #tpu.memory_space<vmem>>[vector<16xi32>], vector<16xf32>,
        %parallel_loop3A_177 = arith.constant 16 : i32
        %parallel_loop3A_178 = vector.broadcast %parallel_loop3A_177 : i32 to vector<16xi32>
        %parallel_loop3A_179 = arith.addi %parallel_loop3A_60, %parallel_loop3A_178 : vector<16xi32>
        %parallel_loop3A_180 = tpu.vector_load_idx %arg5[%parallel_loop3A_179] : memref<32768xf32, #tpu.memory_space<vmem>>[vector<16xi32>], vector<16xf32>,
        %parallel_loop3A_181 = arith.constant 16 : i32
        %parallel_loop3A_182 = vector.broadcast %parallel_loop3A_181 : i32 to vector<16xi32>
        %parallel_loop3A_183 = arith.addi %parallel_loop3A_64, %parallel_loop3A_182 : vector<16xi32>
        tpu.vector_store_idx %arg7[%parallel_loop3A_183], %parallel_loop3A_180 : memref<32768xf32, #tpu.memory_space<vmem>>[vector<16xi32>], vector<16xf32>,
        %parallel_loop3A_184 = arith.constant 17 : i32
        %parallel_loop3A_185 = vector.broadcast %parallel_loop3A_184 : i32 to vector<16xi32>
        %parallel_loop3A_186 = arith.addi %parallel_loop3A_60, %parallel_loop3A_185 : vector<16xi32>
        %parallel_loop3A_187 = tpu.vector_load_idx %arg5[%parallel_loop3A_186] : memref<32768xf32, #tpu.memory_space<vmem>>[vector<16xi32>], vector<16xf32>,
        %parallel_loop3A_188 = arith.constant 17 : i32
        %parallel_loop3A_189 = vector.broadcast %parallel_loop3A_188 : i32 to vector<16xi32>
        %parallel_loop3A_190 = arith.addi %parallel_loop3A_64, %parallel_loop3A_189 : vector<16xi32>
        tpu.vector_store_idx %arg7[%parallel_loop3A_190], %parallel_loop3A_187 : memref<32768xf32, #tpu.memory_space<vmem>>[vector<16xi32>], vector<16xf32>,
        %parallel_loop3A_191 = arith.constant 18 : i32
        %parallel_loop3A_192 = vector.broadcast %parallel_loop3A_191 : i32 to vector<16xi32>
        %parallel_loop3A_193 = arith.addi %parallel_loop3A_60, %parallel_loop3A_192 : vector<16xi32>
        %parallel_loop3A_194 = tpu.vector_load_idx %arg5[%parallel_loop3A_193] : memref<32768xf32, #tpu.memory_space<vmem>>[vector<16xi32>], vector<16xf32>,
        %parallel_loop3A_195 = arith.constant 18 : i32
        %parallel_loop3A_196 = vector.broadcast %parallel_loop3A_195 : i32 to vector<16xi32>
        %parallel_loop3A_197 = arith.addi %parallel_loop3A_64, %parallel_loop3A_196 : vector<16xi32>
        tpu.vector_store_idx %arg7[%parallel_loop3A_197], %parallel_loop3A_194 : memref<32768xf32, #tpu.memory_space<vmem>>[vector<16xi32>], vector<16xf32>,
        %parallel_loop3A_198 = arith.constant 19 : i32
        %parallel_loop3A_199 = vector.broadcast %parallel_loop3A_198 : i32 to vector<16xi32>
        %parallel_loop3A_200 = arith.addi %parallel_loop3A_60, %parallel_loop3A_199 : vector<16xi32>
        %parallel_loop3A_201 = tpu.vector_load_idx %arg5[%parallel_loop3A_200] : memref<32768xf32, #tpu.memory_space<vmem>>[vector<16xi32>], vector<16xf32>,
        %parallel_loop3A_202 = arith.constant 19 : i32
        %parallel_loop3A_203 = vector.broadcast %parallel_loop3A_202 : i32 to vector<16xi32>
        %parallel_loop3A_204 = arith.addi %parallel_loop3A_64, %parallel_loop3A_203 : vector<16xi32>
        tpu.vector_store_idx %arg7[%parallel_loop3A_204], %parallel_loop3A_201 : memref<32768xf32, #tpu.memory_space<vmem>>[vector<16xi32>], vector<16xf32>,
        %parallel_loop3A_205 = arith.constant 20 : i32
        %parallel_loop3A_206 = vector.broadcast %parallel_loop3A_205 : i32 to vector<16xi32>
        %parallel_loop3A_207 = arith.addi %parallel_loop3A_60, %parallel_loop3A_206 : vector<16xi32>
        %parallel_loop3A_208 = tpu.vector_load_idx %arg5[%parallel_loop3A_207] : memref<32768xf32, #tpu.memory_space<vmem>>[vector<16xi32>], vector<16xf32>,
        %parallel_loop3A_209 = arith.constant 20 : i32
        %parallel_loop3A_210 = vector.broadcast %parallel_loop3A_209 : i32 to vector<16xi32>
        %parallel_loop3A_211 = arith.addi %parallel_loop3A_64, %parallel_loop3A_210 : vector<16xi32>
        tpu.vector_store_idx %arg7[%parallel_loop3A_211], %parallel_loop3A_208 : memref<32768xf32, #tpu.memory_space<vmem>>[vector<16xi32>], vector<16xf32>,
        %parallel_loop3A_212 = arith.constant 21 : i32
        %parallel_loop3A_213 = vector.broadcast %parallel_loop3A_212 : i32 to vector<16xi32>
        %parallel_loop3A_214 = arith.addi %parallel_loop3A_60, %parallel_loop3A_213 : vector<16xi32>
        %parallel_loop3A_215 = tpu.vector_load_idx %arg5[%parallel_loop3A_214] : memref<32768xf32, #tpu.memory_space<vmem>>[vector<16xi32>], vector<16xf32>,
        %parallel_loop3A_216 = arith.constant 21 : i32
        %parallel_loop3A_217 = vector.broadcast %parallel_loop3A_216 : i32 to vector<16xi32>
        %parallel_loop3A_218 = arith.addi %parallel_loop3A_64, %parallel_loop3A_217 : vector<16xi32>
        tpu.vector_store_idx %arg7[%parallel_loop3A_218], %parallel_loop3A_215 : memref<32768xf32, #tpu.memory_space<vmem>>[vector<16xi32>], vector<16xf32>,
        %parallel_loop3A_219 = arith.constant 22 : i32
        %parallel_loop3A_220 = vector.broadcast %parallel_loop3A_219 : i32 to vector<16xi32>
        %parallel_loop3A_221 = arith.addi %parallel_loop3A_60, %parallel_loop3A_220 : vector<16xi32>
        %parallel_loop3A_222 = tpu.vector_load_idx %arg5[%parallel_loop3A_221] : memref<32768xf32, #tpu.memory_space<vmem>>[vector<16xi32>], vector<16xf32>,
        %parallel_loop3A_223 = arith.constant 22 : i32
        %parallel_loop3A_224 = vector.broadcast %parallel_loop3A_223 : i32 to vector<16xi32>
        %parallel_loop3A_225 = arith.addi %parallel_loop3A_64, %parallel_loop3A_224 : vector<16xi32>
        tpu.vector_store_idx %arg7[%parallel_loop3A_225], %parallel_loop3A_222 : memref<32768xf32, #tpu.memory_space<vmem>>[vector<16xi32>], vector<16xf32>,
        %parallel_loop3A_226 = arith.constant 23 : i32
        %parallel_loop3A_227 = vector.broadcast %parallel_loop3A_226 : i32 to vector<16xi32>
        %parallel_loop3A_228 = arith.addi %parallel_loop3A_60, %parallel_loop3A_227 : vector<16xi32>
        %parallel_loop3A_229 = tpu.vector_load_idx %arg5[%parallel_loop3A_228] : memref<32768xf32, #tpu.memory_space<vmem>>[vector<16xi32>], vector<16xf32>,
        %parallel_loop3A_230 = arith.constant 23 : i32
        %parallel_loop3A_231 = vector.broadcast %parallel_loop3A_230 : i32 to vector<16xi32>
        %parallel_loop3A_232 = arith.addi %parallel_loop3A_64, %parallel_loop3A_231 : vector<16xi32>
        tpu.vector_store_idx %arg7[%parallel_loop3A_232], %parallel_loop3A_229 : memref<32768xf32, #tpu.memory_space<vmem>>[vector<16xi32>], vector<16xf32>,
        %parallel_loop3A_233 = arith.constant 24 : i32
        %parallel_loop3A_234 = vector.broadcast %parallel_loop3A_233 : i32 to vector<16xi32>
        %parallel_loop3A_235 = arith.addi %parallel_loop3A_60, %parallel_loop3A_234 : vector<16xi32>
        %parallel_loop3A_236 = tpu.vector_load_idx %arg5[%parallel_loop3A_235] : memref<32768xf32, #tpu.memory_space<vmem>>[vector<16xi32>], vector<16xf32>,
        %parallel_loop3A_237 = arith.constant 24 : i32
        %parallel_loop3A_238 = vector.broadcast %parallel_loop3A_237 : i32 to vector<16xi32>
        %parallel_loop3A_239 = arith.addi %parallel_loop3A_64, %parallel_loop3A_238 : vector<16xi32>
        tpu.vector_store_idx %arg7[%parallel_loop3A_239], %parallel_loop3A_236 : memref<32768xf32, #tpu.memory_space<vmem>>[vector<16xi32>], vector<16xf32>,
        %parallel_loop3A_240 = arith.constant 25 : i32
        %parallel_loop3A_241 = vector.broadcast %parallel_loop3A_240 : i32 to vector<16xi32>
        %parallel_loop3A_242 = arith.addi %parallel_loop3A_60, %parallel_loop3A_241 : vector<16xi32>
        %parallel_loop3A_243 = tpu.vector_load_idx %arg5[%parallel_loop3A_242] : memref<32768xf32, #tpu.memory_space<vmem>>[vector<16xi32>], vector<16xf32>,
        %parallel_loop3A_244 = arith.constant 25 : i32
        %parallel_loop3A_245 = vector.broadcast %parallel_loop3A_244 : i32 to vector<16xi32>
        %parallel_loop3A_246 = arith.addi %parallel_loop3A_64, %parallel_loop3A_245 : vector<16xi32>
        tpu.vector_store_idx %arg7[%parallel_loop3A_246], %parallel_loop3A_243 : memref<32768xf32, #tpu.memory_space<vmem>>[vector<16xi32>], vector<16xf32>,
        %parallel_loop3A_247 = arith.constant 26 : i32
        %parallel_loop3A_248 = vector.broadcast %parallel_loop3A_247 : i32 to vector<16xi32>
        %parallel_loop3A_249 = arith.addi %parallel_loop3A_60, %parallel_loop3A_248 : vector<16xi32>
        %parallel_loop3A_250 = tpu.vector_load_idx %arg5[%parallel_loop3A_249] : memref<32768xf32, #tpu.memory_space<vmem>>[vector<16xi32>], vector<16xf32>,
        %parallel_loop3A_251 = arith.constant 26 : i32
        %parallel_loop3A_252 = vector.broadcast %parallel_loop3A_251 : i32 to vector<16xi32>
        %parallel_loop3A_253 = arith.addi %parallel_loop3A_64, %parallel_loop3A_252 : vector<16xi32>
        tpu.vector_store_idx %arg7[%parallel_loop3A_253], %parallel_loop3A_250 : memref<32768xf32, #tpu.memory_space<vmem>>[vector<16xi32>], vector<16xf32>,
        %parallel_loop3A_254 = arith.constant 27 : i32
        %parallel_loop3A_255 = vector.broadcast %parallel_loop3A_254 : i32 to vector<16xi32>
        %parallel_loop3A_256 = arith.addi %parallel_loop3A_60, %parallel_loop3A_255 : vector<16xi32>
        %parallel_loop3A_257 = tpu.vector_load_idx %arg5[%parallel_loop3A_256] : memref<32768xf32, #tpu.memory_space<vmem>>[vector<16xi32>], vector<16xf32>,
        %parallel_loop3A_258 = arith.constant 27 : i32
        %parallel_loop3A_259 = vector.broadcast %parallel_loop3A_258 : i32 to vector<16xi32>
        %parallel_loop3A_260 = arith.addi %parallel_loop3A_64, %parallel_loop3A_259 : vector<16xi32>
        tpu.vector_store_idx %arg7[%parallel_loop3A_260], %parallel_loop3A_257 : memref<32768xf32, #tpu.memory_space<vmem>>[vector<16xi32>], vector<16xf32>,
        %parallel_loop3A_261 = arith.constant 28 : i32
        %parallel_loop3A_262 = vector.broadcast %parallel_loop3A_261 : i32 to vector<16xi32>
        %parallel_loop3A_263 = arith.addi %parallel_loop3A_60, %parallel_loop3A_262 : vector<16xi32>
        %parallel_loop3A_264 = tpu.vector_load_idx %arg5[%parallel_loop3A_263] : memref<32768xf32, #tpu.memory_space<vmem>>[vector<16xi32>], vector<16xf32>,
        %parallel_loop3A_265 = arith.constant 28 : i32
        %parallel_loop3A_266 = vector.broadcast %parallel_loop3A_265 : i32 to vector<16xi32>
        %parallel_loop3A_267 = arith.addi %parallel_loop3A_64, %parallel_loop3A_266 : vector<16xi32>
        tpu.vector_store_idx %arg7[%parallel_loop3A_267], %parallel_loop3A_264 : memref<32768xf32, #tpu.memory_space<vmem>>[vector<16xi32>], vector<16xf32>,
        %parallel_loop3A_268 = arith.constant 29 : i32
        %parallel_loop3A_269 = vector.broadcast %parallel_loop3A_268 : i32 to vector<16xi32>
        %parallel_loop3A_270 = arith.addi %parallel_loop3A_60, %parallel_loop3A_269 : vector<16xi32>
        %parallel_loop3A_271 = tpu.vector_load_idx %arg5[%parallel_loop3A_270] : memref<32768xf32, #tpu.memory_space<vmem>>[vector<16xi32>], vector<16xf32>,
        %parallel_loop3A_272 = arith.constant 29 : i32
        %parallel_loop3A_273 = vector.broadcast %parallel_loop3A_272 : i32 to vector<16xi32>
        %parallel_loop3A_274 = arith.addi %parallel_loop3A_64, %parallel_loop3A_273 : vector<16xi32>
        tpu.vector_store_idx %arg7[%parallel_loop3A_274], %parallel_loop3A_271 : memref<32768xf32, #tpu.memory_space<vmem>>[vector<16xi32>], vector<16xf32>,
        %parallel_loop3A_275 = arith.constant 30 : i32
        %parallel_loop3A_276 = vector.broadcast %parallel_loop3A_275 : i32 to vector<16xi32>
        %parallel_loop3A_277 = arith.addi %parallel_loop3A_60, %parallel_loop3A_276 : vector<16xi32>
        %parallel_loop3A_278 = tpu.vector_load_idx %arg5[%parallel_loop3A_277] : memref<32768xf32, #tpu.memory_space<vmem>>[vector<16xi32>], vector<16xf32>,
        %parallel_loop3A_279 = arith.constant 30 : i32
        %parallel_loop3A_280 = vector.broadcast %parallel_loop3A_279 : i32 to vector<16xi32>
        %parallel_loop3A_281 = arith.addi %parallel_loop3A_64, %parallel_loop3A_280 : vector<16xi32>
        tpu.vector_store_idx %arg7[%parallel_loop3A_281], %parallel_loop3A_278 : memref<32768xf32, #tpu.memory_space<vmem>>[vector<16xi32>], vector<16xf32>,
        %parallel_loop3A_282 = arith.constant 31 : i32
        %parallel_loop3A_283 = vector.broadcast %parallel_loop3A_282 : i32 to vector<16xi32>
        %parallel_loop3A_284 = arith.addi %parallel_loop3A_60, %parallel_loop3A_283 : vector<16xi32>
        %parallel_loop3A_285 = tpu.vector_load_idx %arg5[%parallel_loop3A_284] : memref<32768xf32, #tpu.memory_space<vmem>>[vector<16xi32>], vector<16xf32>,
        %parallel_loop3A_286 = arith.constant 31 : i32
        %parallel_loop3A_287 = vector.broadcast %parallel_loop3A_286 : i32 to vector<16xi32>
        %parallel_loop3A_288 = arith.addi %parallel_loop3A_64, %parallel_loop3A_287 : vector<16xi32>
        tpu.vector_store_idx %arg7[%parallel_loop3A_288], %parallel_loop3A_285 : memref<32768xf32, #tpu.memory_space<vmem>>[vector<16xi32>], vector<16xf32>,
        %parallel_loop3A_289 = arith.constant 32 : i32
        %parallel_loop3A_290 = vector.broadcast %parallel_loop3A_289 : i32 to vector<16xi32>
        %parallel_loop3A_291 = arith.addi %parallel_loop3A_60, %parallel_loop3A_290 : vector<16xi32>
        %parallel_loop3A_292 = tpu.vector_load_idx %arg5[%parallel_loop3A_291] : memref<32768xf32, #tpu.memory_space<vmem>>[vector<16xi32>], vector<16xf32>,
        %parallel_loop3A_293 = arith.constant 32 : i32
        %parallel_loop3A_294 = vector.broadcast %parallel_loop3A_293 : i32 to vector<16xi32>
        %parallel_loop3A_295 = arith.addi %parallel_loop3A_64, %parallel_loop3A_294 : vector<16xi32>
        tpu.vector_store_idx %arg7[%parallel_loop3A_295], %parallel_loop3A_292 : memref<32768xf32, #tpu.memory_space<vmem>>[vector<16xi32>], vector<16xf32>,
        %parallel_loop3A_296 = arith.constant 33 : i32
        %parallel_loop3A_297 = vector.broadcast %parallel_loop3A_296 : i32 to vector<16xi32>
        %parallel_loop3A_298 = arith.addi %parallel_loop3A_60, %parallel_loop3A_297 : vector<16xi32>
        %parallel_loop3A_299 = tpu.vector_load_idx %arg5[%parallel_loop3A_298] : memref<32768xf32, #tpu.memory_space<vmem>>[vector<16xi32>], vector<16xf32>,
        %parallel_loop3A_300 = arith.constant 33 : i32
        %parallel_loop3A_301 = vector.broadcast %parallel_loop3A_300 : i32 to vector<16xi32>
        %parallel_loop3A_302 = arith.addi %parallel_loop3A_64, %parallel_loop3A_301 : vector<16xi32>
        tpu.vector_store_idx %arg7[%parallel_loop3A_302], %parallel_loop3A_299 : memref<32768xf32, #tpu.memory_space<vmem>>[vector<16xi32>], vector<16xf32>,
        %parallel_loop3A_303 = arith.constant 34 : i32
        %parallel_loop3A_304 = vector.broadcast %parallel_loop3A_303 : i32 to vector<16xi32>
        %parallel_loop3A_305 = arith.addi %parallel_loop3A_60, %parallel_loop3A_304 : vector<16xi32>
        %parallel_loop3A_306 = tpu.vector_load_idx %arg5[%parallel_loop3A_305] : memref<32768xf32, #tpu.memory_space<vmem>>[vector<16xi32>], vector<16xf32>,
        %parallel_loop3A_307 = arith.constant 34 : i32
        %parallel_loop3A_308 = vector.broadcast %parallel_loop3A_307 : i32 to vector<16xi32>
        %parallel_loop3A_309 = arith.addi %parallel_loop3A_64, %parallel_loop3A_308 : vector<16xi32>
        tpu.vector_store_idx %arg7[%parallel_loop3A_309], %parallel_loop3A_306 : memref<32768xf32, #tpu.memory_space<vmem>>[vector<16xi32>], vector<16xf32>,
        %parallel_loop3A_310 = arith.constant 35 : i32
        %parallel_loop3A_311 = vector.broadcast %parallel_loop3A_310 : i32 to vector<16xi32>
        %parallel_loop3A_312 = arith.addi %parallel_loop3A_60, %parallel_loop3A_311 : vector<16xi32>
        %parallel_loop3A_313 = tpu.vector_load_idx %arg5[%parallel_loop3A_312] : memref<32768xf32, #tpu.memory_space<vmem>>[vector<16xi32>], vector<16xf32>,
        %parallel_loop3A_314 = arith.constant 35 : i32
        %parallel_loop3A_315 = vector.broadcast %parallel_loop3A_314 : i32 to vector<16xi32>
        %parallel_loop3A_316 = arith.addi %parallel_loop3A_64, %parallel_loop3A_315 : vector<16xi32>
        tpu.vector_store_idx %arg7[%parallel_loop3A_316], %parallel_loop3A_313 : memref<32768xf32, #tpu.memory_space<vmem>>[vector<16xi32>], vector<16xf32>,
        %parallel_loop3A_317 = arith.constant 36 : i32
        %parallel_loop3A_318 = vector.broadcast %parallel_loop3A_317 : i32 to vector<16xi32>
        %parallel_loop3A_319 = arith.addi %parallel_loop3A_60, %parallel_loop3A_318 : vector<16xi32>
        %parallel_loop3A_320 = tpu.vector_load_idx %arg5[%parallel_loop3A_319] : memref<32768xf32, #tpu.memory_space<vmem>>[vector<16xi32>], vector<16xf32>,
        %parallel_loop3A_321 = arith.constant 36 : i32
        %parallel_loop3A_322 = vector.broadcast %parallel_loop3A_321 : i32 to vector<16xi32>
        %parallel_loop3A_323 = arith.addi %parallel_loop3A_64, %parallel_loop3A_322 : vector<16xi32>
        tpu.vector_store_idx %arg7[%parallel_loop3A_323], %parallel_loop3A_320 : memref<32768xf32, #tpu.memory_space<vmem>>[vector<16xi32>], vector<16xf32>,
        %parallel_loop3A_324 = arith.constant 37 : i32
        %parallel_loop3A_325 = vector.broadcast %parallel_loop3A_324 : i32 to vector<16xi32>
        %parallel_loop3A_326 = arith.addi %parallel_loop3A_60, %parallel_loop3A_325 : vector<16xi32>
        %parallel_loop3A_327 = tpu.vector_load_idx %arg5[%parallel_loop3A_326] : memref<32768xf32, #tpu.memory_space<vmem>>[vector<16xi32>], vector<16xf32>,
        %parallel_loop3A_328 = arith.constant 37 : i32
        %parallel_loop3A_329 = vector.broadcast %parallel_loop3A_328 : i32 to vector<16xi32>
        %parallel_loop3A_330 = arith.addi %parallel_loop3A_64, %parallel_loop3A_329 : vector<16xi32>
        tpu.vector_store_idx %arg7[%parallel_loop3A_330], %parallel_loop3A_327 : memref<32768xf32, #tpu.memory_space<vmem>>[vector<16xi32>], vector<16xf32>,
        %parallel_loop3A_331 = arith.constant 38 : i32
        %parallel_loop3A_332 = vector.broadcast %parallel_loop3A_331 : i32 to vector<16xi32>
        %parallel_loop3A_333 = arith.addi %parallel_loop3A_60, %parallel_loop3A_332 : vector<16xi32>
        %parallel_loop3A_334 = tpu.vector_load_idx %arg5[%parallel_loop3A_333] : memref<32768xf32, #tpu.memory_space<vmem>>[vector<16xi32>], vector<16xf32>,
        %parallel_loop3A_335 = arith.constant 38 : i32
        %parallel_loop3A_336 = vector.broadcast %parallel_loop3A_335 : i32 to vector<16xi32>
        %parallel_loop3A_337 = arith.addi %parallel_loop3A_64, %parallel_loop3A_336 : vector<16xi32>
        tpu.vector_store_idx %arg7[%parallel_loop3A_337], %parallel_loop3A_334 : memref<32768xf32, #tpu.memory_space<vmem>>[vector<16xi32>], vector<16xf32>,
        %parallel_loop3A_338 = arith.constant 39 : i32
        %parallel_loop3A_339 = vector.broadcast %parallel_loop3A_338 : i32 to vector<16xi32>
        %parallel_loop3A_340 = arith.addi %parallel_loop3A_60, %parallel_loop3A_339 : vector<16xi32>
        %parallel_loop3A_341 = tpu.vector_load_idx %arg5[%parallel_loop3A_340] : memref<32768xf32, #tpu.memory_space<vmem>>[vector<16xi32>], vector<16xf32>,
        %parallel_loop3A_342 = arith.constant 39 : i32
        %parallel_loop3A_343 = vector.broadcast %parallel_loop3A_342 : i32 to vector<16xi32>
        %parallel_loop3A_344 = arith.addi %parallel_loop3A_64, %parallel_loop3A_343 : vector<16xi32>
        tpu.vector_store_idx %arg7[%parallel_loop3A_344], %parallel_loop3A_341 : memref<32768xf32, #tpu.memory_space<vmem>>[vector<16xi32>], vector<16xf32>,
        %parallel_loop3A_345 = arith.constant 40 : i32
        %parallel_loop3A_346 = vector.broadcast %parallel_loop3A_345 : i32 to vector<16xi32>
        %parallel_loop3A_347 = arith.addi %parallel_loop3A_60, %parallel_loop3A_346 : vector<16xi32>
        %parallel_loop3A_348 = tpu.vector_load_idx %arg5[%parallel_loop3A_347] : memref<32768xf32, #tpu.memory_space<vmem>>[vector<16xi32>], vector<16xf32>,
        %parallel_loop3A_349 = arith.constant 40 : i32
        %parallel_loop3A_350 = vector.broadcast %parallel_loop3A_349 : i32 to vector<16xi32>
        %parallel_loop3A_351 = arith.addi %parallel_loop3A_64, %parallel_loop3A_350 : vector<16xi32>
        tpu.vector_store_idx %arg7[%parallel_loop3A_351], %parallel_loop3A_348 : memref<32768xf32, #tpu.memory_space<vmem>>[vector<16xi32>], vector<16xf32>,
        %parallel_loop3A_352 = arith.constant 41 : i32
        %parallel_loop3A_353 = vector.broadcast %parallel_loop3A_352 : i32 to vector<16xi32>
        %parallel_loop3A_354 = arith.addi %parallel_loop3A_60, %parallel_loop3A_353 : vector<16xi32>
        %parallel_loop3A_355 = tpu.vector_load_idx %arg5[%parallel_loop3A_354] : memref<32768xf32, #tpu.memory_space<vmem>>[vector<16xi32>], vector<16xf32>,
        %parallel_loop3A_356 = arith.constant 41 : i32
        %parallel_loop3A_357 = vector.broadcast %parallel_loop3A_356 : i32 to vector<16xi32>
        %parallel_loop3A_358 = arith.addi %parallel_loop3A_64, %parallel_loop3A_357 : vector<16xi32>
        tpu.vector_store_idx %arg7[%parallel_loop3A_358], %parallel_loop3A_355 : memref<32768xf32, #tpu.memory_space<vmem>>[vector<16xi32>], vector<16xf32>,
        %parallel_loop3A_359 = arith.constant 42 : i32
        %parallel_loop3A_360 = vector.broadcast %parallel_loop3A_359 : i32 to vector<16xi32>
        %parallel_loop3A_361 = arith.addi %parallel_loop3A_60, %parallel_loop3A_360 : vector<16xi32>
        %parallel_loop3A_362 = tpu.vector_load_idx %arg5[%parallel_loop3A_361] : memref<32768xf32, #tpu.memory_space<vmem>>[vector<16xi32>], vector<16xf32>,
        %parallel_loop3A_363 = arith.constant 42 : i32
        %parallel_loop3A_364 = vector.broadcast %parallel_loop3A_363 : i32 to vector<16xi32>
        %parallel_loop3A_365 = arith.addi %parallel_loop3A_64, %parallel_loop3A_364 : vector<16xi32>
        tpu.vector_store_idx %arg7[%parallel_loop3A_365], %parallel_loop3A_362 : memref<32768xf32, #tpu.memory_space<vmem>>[vector<16xi32>], vector<16xf32>,
        %parallel_loop3A_366 = arith.constant 43 : i32
        %parallel_loop3A_367 = vector.broadcast %parallel_loop3A_366 : i32 to vector<16xi32>
        %parallel_loop3A_368 = arith.addi %parallel_loop3A_60, %parallel_loop3A_367 : vector<16xi32>
        %parallel_loop3A_369 = tpu.vector_load_idx %arg5[%parallel_loop3A_368] : memref<32768xf32, #tpu.memory_space<vmem>>[vector<16xi32>], vector<16xf32>,
        %parallel_loop3A_370 = arith.constant 43 : i32
        %parallel_loop3A_371 = vector.broadcast %parallel_loop3A_370 : i32 to vector<16xi32>
        %parallel_loop3A_372 = arith.addi %parallel_loop3A_64, %parallel_loop3A_371 : vector<16xi32>
        tpu.vector_store_idx %arg7[%parallel_loop3A_372], %parallel_loop3A_369 : memref<32768xf32, #tpu.memory_space<vmem>>[vector<16xi32>], vector<16xf32>,
        %parallel_loop3A_373 = arith.constant 44 : i32
        %parallel_loop3A_374 = vector.broadcast %parallel_loop3A_373 : i32 to vector<16xi32>
        %parallel_loop3A_375 = arith.addi %parallel_loop3A_60, %parallel_loop3A_374 : vector<16xi32>
        %parallel_loop3A_376 = tpu.vector_load_idx %arg5[%parallel_loop3A_375] : memref<32768xf32, #tpu.memory_space<vmem>>[vector<16xi32>], vector<16xf32>,
        %parallel_loop3A_377 = arith.constant 44 : i32
        %parallel_loop3A_378 = vector.broadcast %parallel_loop3A_377 : i32 to vector<16xi32>
        %parallel_loop3A_379 = arith.addi %parallel_loop3A_64, %parallel_loop3A_378 : vector<16xi32>
        tpu.vector_store_idx %arg7[%parallel_loop3A_379], %parallel_loop3A_376 : memref<32768xf32, #tpu.memory_space<vmem>>[vector<16xi32>], vector<16xf32>,
        %parallel_loop3A_380 = arith.constant 45 : i32
        %parallel_loop3A_381 = vector.broadcast %parallel_loop3A_380 : i32 to vector<16xi32>
        %parallel_loop3A_382 = arith.addi %parallel_loop3A_60, %parallel_loop3A_381 : vector<16xi32>
        %parallel_loop3A_383 = tpu.vector_load_idx %arg5[%parallel_loop3A_382] : memref<32768xf32, #tpu.memory_space<vmem>>[vector<16xi32>], vector<16xf32>,
        %parallel_loop3A_384 = arith.constant 45 : i32
        %parallel_loop3A_385 = vector.broadcast %parallel_loop3A_384 : i32 to vector<16xi32>
        %parallel_loop3A_386 = arith.addi %parallel_loop3A_64, %parallel_loop3A_385 : vector<16xi32>
        tpu.vector_store_idx %arg7[%parallel_loop3A_386], %parallel_loop3A_383 : memref<32768xf32, #tpu.memory_space<vmem>>[vector<16xi32>], vector<16xf32>,
        %parallel_loop3A_387 = arith.constant 46 : i32
        %parallel_loop3A_388 = vector.broadcast %parallel_loop3A_387 : i32 to vector<16xi32>
        %parallel_loop3A_389 = arith.addi %parallel_loop3A_60, %parallel_loop3A_388 : vector<16xi32>
        %parallel_loop3A_390 = tpu.vector_load_idx %arg5[%parallel_loop3A_389] : memref<32768xf32, #tpu.memory_space<vmem>>[vector<16xi32>], vector<16xf32>,
        %parallel_loop3A_391 = arith.constant 46 : i32
        %parallel_loop3A_392 = vector.broadcast %parallel_loop3A_391 : i32 to vector<16xi32>
        %parallel_loop3A_393 = arith.addi %parallel_loop3A_64, %parallel_loop3A_392 : vector<16xi32>
        tpu.vector_store_idx %arg7[%parallel_loop3A_393], %parallel_loop3A_390 : memref<32768xf32, #tpu.memory_space<vmem>>[vector<16xi32>], vector<16xf32>,
        %parallel_loop3A_394 = arith.constant 47 : i32
        %parallel_loop3A_395 = vector.broadcast %parallel_loop3A_394 : i32 to vector<16xi32>
        %parallel_loop3A_396 = arith.addi %parallel_loop3A_60, %parallel_loop3A_395 : vector<16xi32>
        %parallel_loop3A_397 = tpu.vector_load_idx %arg5[%parallel_loop3A_396] : memref<32768xf32, #tpu.memory_space<vmem>>[vector<16xi32>], vector<16xf32>,
        %parallel_loop3A_398 = arith.constant 47 : i32
        %parallel_loop3A_399 = vector.broadcast %parallel_loop3A_398 : i32 to vector<16xi32>
        %parallel_loop3A_400 = arith.addi %parallel_loop3A_64, %parallel_loop3A_399 : vector<16xi32>
        tpu.vector_store_idx %arg7[%parallel_loop3A_400], %parallel_loop3A_397 : memref<32768xf32, #tpu.memory_space<vmem>>[vector<16xi32>], vector<16xf32>,
        %parallel_loop3A_401 = arith.constant 48 : i32
        %parallel_loop3A_402 = vector.broadcast %parallel_loop3A_401 : i32 to vector<16xi32>
        %parallel_loop3A_403 = arith.addi %parallel_loop3A_60, %parallel_loop3A_402 : vector<16xi32>
        %parallel_loop3A_404 = tpu.vector_load_idx %arg5[%parallel_loop3A_403] : memref<32768xf32, #tpu.memory_space<vmem>>[vector<16xi32>], vector<16xf32>,
        %parallel_loop3A_405 = arith.constant 48 : i32
        %parallel_loop3A_406 = vector.broadcast %parallel_loop3A_405 : i32 to vector<16xi32>
        %parallel_loop3A_407 = arith.addi %parallel_loop3A_64, %parallel_loop3A_406 : vector<16xi32>
        tpu.vector_store_idx %arg7[%parallel_loop3A_407], %parallel_loop3A_404 : memref<32768xf32, #tpu.memory_space<vmem>>[vector<16xi32>], vector<16xf32>,
        %parallel_loop3A_408 = arith.constant 49 : i32
        %parallel_loop3A_409 = vector.broadcast %parallel_loop3A_408 : i32 to vector<16xi32>
        %parallel_loop3A_410 = arith.addi %parallel_loop3A_60, %parallel_loop3A_409 : vector<16xi32>
        %parallel_loop3A_411 = tpu.vector_load_idx %arg5[%parallel_loop3A_410] : memref<32768xf32, #tpu.memory_space<vmem>>[vector<16xi32>], vector<16xf32>,
        %parallel_loop3A_412 = arith.constant 49 : i32
        %parallel_loop3A_413 = vector.broadcast %parallel_loop3A_412 : i32 to vector<16xi32>
        %parallel_loop3A_414 = arith.addi %parallel_loop3A_64, %parallel_loop3A_413 : vector<16xi32>
        tpu.vector_store_idx %arg7[%parallel_loop3A_414], %parallel_loop3A_411 : memref<32768xf32, #tpu.memory_space<vmem>>[vector<16xi32>], vector<16xf32>,
        %parallel_loop3A_415 = arith.constant 50 : i32
        %parallel_loop3A_416 = vector.broadcast %parallel_loop3A_415 : i32 to vector<16xi32>
        %parallel_loop3A_417 = arith.addi %parallel_loop3A_60, %parallel_loop3A_416 : vector<16xi32>
        %parallel_loop3A_418 = tpu.vector_load_idx %arg5[%parallel_loop3A_417] : memref<32768xf32, #tpu.memory_space<vmem>>[vector<16xi32>], vector<16xf32>,
        %parallel_loop3A_419 = arith.constant 50 : i32
        %parallel_loop3A_420 = vector.broadcast %parallel_loop3A_419 : i32 to vector<16xi32>
        %parallel_loop3A_421 = arith.addi %parallel_loop3A_64, %parallel_loop3A_420 : vector<16xi32>
        tpu.vector_store_idx %arg7[%parallel_loop3A_421], %parallel_loop3A_418 : memref<32768xf32, #tpu.memory_space<vmem>>[vector<16xi32>], vector<16xf32>,
        %parallel_loop3A_422 = arith.constant 51 : i32
        %parallel_loop3A_423 = vector.broadcast %parallel_loop3A_422 : i32 to vector<16xi32>
        %parallel_loop3A_424 = arith.addi %parallel_loop3A_60, %parallel_loop3A_423 : vector<16xi32>
        %parallel_loop3A_425 = tpu.vector_load_idx %arg5[%parallel_loop3A_424] : memref<32768xf32, #tpu.memory_space<vmem>>[vector<16xi32>], vector<16xf32>,
        %parallel_loop3A_426 = arith.constant 51 : i32
        %parallel_loop3A_427 = vector.broadcast %parallel_loop3A_426 : i32 to vector<16xi32>
        %parallel_loop3A_428 = arith.addi %parallel_loop3A_64, %parallel_loop3A_427 : vector<16xi32>
        tpu.vector_store_idx %arg7[%parallel_loop3A_428], %parallel_loop3A_425 : memref<32768xf32, #tpu.memory_space<vmem>>[vector<16xi32>], vector<16xf32>,
        %parallel_loop3A_429 = arith.constant 52 : i32
        %parallel_loop3A_430 = vector.broadcast %parallel_loop3A_429 : i32 to vector<16xi32>
        %parallel_loop3A_431 = arith.addi %parallel_loop3A_60, %parallel_loop3A_430 : vector<16xi32>
        %parallel_loop3A_432 = tpu.vector_load_idx %arg5[%parallel_loop3A_431] : memref<32768xf32, #tpu.memory_space<vmem>>[vector<16xi32>], vector<16xf32>,
        %parallel_loop3A_433 = arith.constant 52 : i32
        %parallel_loop3A_434 = vector.broadcast %parallel_loop3A_433 : i32 to vector<16xi32>
        %parallel_loop3A_435 = arith.addi %parallel_loop3A_64, %parallel_loop3A_434 : vector<16xi32>
        tpu.vector_store_idx %arg7[%parallel_loop3A_435], %parallel_loop3A_432 : memref<32768xf32, #tpu.memory_space<vmem>>[vector<16xi32>], vector<16xf32>,
        %parallel_loop3A_436 = arith.constant 53 : i32
        %parallel_loop3A_437 = vector.broadcast %parallel_loop3A_436 : i32 to vector<16xi32>
        %parallel_loop3A_438 = arith.addi %parallel_loop3A_60, %parallel_loop3A_437 : vector<16xi32>
        %parallel_loop3A_439 = tpu.vector_load_idx %arg5[%parallel_loop3A_438] : memref<32768xf32, #tpu.memory_space<vmem>>[vector<16xi32>], vector<16xf32>,
        %parallel_loop3A_440 = arith.constant 53 : i32
        %parallel_loop3A_441 = vector.broadcast %parallel_loop3A_440 : i32 to vector<16xi32>
        %parallel_loop3A_442 = arith.addi %parallel_loop3A_64, %parallel_loop3A_441 : vector<16xi32>
        tpu.vector_store_idx %arg7[%parallel_loop3A_442], %parallel_loop3A_439 : memref<32768xf32, #tpu.memory_space<vmem>>[vector<16xi32>], vector<16xf32>,
        %parallel_loop3A_443 = arith.constant 54 : i32
        %parallel_loop3A_444 = vector.broadcast %parallel_loop3A_443 : i32 to vector<16xi32>
        %parallel_loop3A_445 = arith.addi %parallel_loop3A_60, %parallel_loop3A_444 : vector<16xi32>
        %parallel_loop3A_446 = tpu.vector_load_idx %arg5[%parallel_loop3A_445] : memref<32768xf32, #tpu.memory_space<vmem>>[vector<16xi32>], vector<16xf32>,
        %parallel_loop3A_447 = arith.constant 54 : i32
        %parallel_loop3A_448 = vector.broadcast %parallel_loop3A_447 : i32 to vector<16xi32>
        %parallel_loop3A_449 = arith.addi %parallel_loop3A_64, %parallel_loop3A_448 : vector<16xi32>
        tpu.vector_store_idx %arg7[%parallel_loop3A_449], %parallel_loop3A_446 : memref<32768xf32, #tpu.memory_space<vmem>>[vector<16xi32>], vector<16xf32>,
        %parallel_loop3A_450 = arith.constant 55 : i32
        %parallel_loop3A_451 = vector.broadcast %parallel_loop3A_450 : i32 to vector<16xi32>
        %parallel_loop3A_452 = arith.addi %parallel_loop3A_60, %parallel_loop3A_451 : vector<16xi32>
        %parallel_loop3A_453 = tpu.vector_load_idx %arg5[%parallel_loop3A_452] : memref<32768xf32, #tpu.memory_space<vmem>>[vector<16xi32>], vector<16xf32>,
        %parallel_loop3A_454 = arith.constant 55 : i32
        %parallel_loop3A_455 = vector.broadcast %parallel_loop3A_454 : i32 to vector<16xi32>
        %parallel_loop3A_456 = arith.addi %parallel_loop3A_64, %parallel_loop3A_455 : vector<16xi32>
        tpu.vector_store_idx %arg7[%parallel_loop3A_456], %parallel_loop3A_453 : memref<32768xf32, #tpu.memory_space<vmem>>[vector<16xi32>], vector<16xf32>,
        %parallel_loop3A_457 = arith.constant 56 : i32
        %parallel_loop3A_458 = vector.broadcast %parallel_loop3A_457 : i32 to vector<16xi32>
        %parallel_loop3A_459 = arith.addi %parallel_loop3A_60, %parallel_loop3A_458 : vector<16xi32>
        %parallel_loop3A_460 = tpu.vector_load_idx %arg5[%parallel_loop3A_459] : memref<32768xf32, #tpu.memory_space<vmem>>[vector<16xi32>], vector<16xf32>,
        %parallel_loop3A_461 = arith.constant 56 : i32
        %parallel_loop3A_462 = vector.broadcast %parallel_loop3A_461 : i32 to vector<16xi32>
        %parallel_loop3A_463 = arith.addi %parallel_loop3A_64, %parallel_loop3A_462 : vector<16xi32>
        tpu.vector_store_idx %arg7[%parallel_loop3A_463], %parallel_loop3A_460 : memref<32768xf32, #tpu.memory_space<vmem>>[vector<16xi32>], vector<16xf32>,
        %parallel_loop3A_464 = arith.constant 57 : i32
        %parallel_loop3A_465 = vector.broadcast %parallel_loop3A_464 : i32 to vector<16xi32>
        %parallel_loop3A_466 = arith.addi %parallel_loop3A_60, %parallel_loop3A_465 : vector<16xi32>
        %parallel_loop3A_467 = tpu.vector_load_idx %arg5[%parallel_loop3A_466] : memref<32768xf32, #tpu.memory_space<vmem>>[vector<16xi32>], vector<16xf32>,
        %parallel_loop3A_468 = arith.constant 57 : i32
        %parallel_loop3A_469 = vector.broadcast %parallel_loop3A_468 : i32 to vector<16xi32>
        %parallel_loop3A_470 = arith.addi %parallel_loop3A_64, %parallel_loop3A_469 : vector<16xi32>
        tpu.vector_store_idx %arg7[%parallel_loop3A_470], %parallel_loop3A_467 : memref<32768xf32, #tpu.memory_space<vmem>>[vector<16xi32>], vector<16xf32>,
        %parallel_loop3A_471 = arith.constant 58 : i32
        %parallel_loop3A_472 = vector.broadcast %parallel_loop3A_471 : i32 to vector<16xi32>
        %parallel_loop3A_473 = arith.addi %parallel_loop3A_60, %parallel_loop3A_472 : vector<16xi32>
        %parallel_loop3A_474 = tpu.vector_load_idx %arg5[%parallel_loop3A_473] : memref<32768xf32, #tpu.memory_space<vmem>>[vector<16xi32>], vector<16xf32>,
        %parallel_loop3A_475 = arith.constant 58 : i32
        %parallel_loop3A_476 = vector.broadcast %parallel_loop3A_475 : i32 to vector<16xi32>
        %parallel_loop3A_477 = arith.addi %parallel_loop3A_64, %parallel_loop3A_476 : vector<16xi32>
        tpu.vector_store_idx %arg7[%parallel_loop3A_477], %parallel_loop3A_474 : memref<32768xf32, #tpu.memory_space<vmem>>[vector<16xi32>], vector<16xf32>,
        %parallel_loop3A_478 = arith.constant 59 : i32
        %parallel_loop3A_479 = vector.broadcast %parallel_loop3A_478 : i32 to vector<16xi32>
        %parallel_loop3A_480 = arith.addi %parallel_loop3A_60, %parallel_loop3A_479 : vector<16xi32>
        %parallel_loop3A_481 = tpu.vector_load_idx %arg5[%parallel_loop3A_480] : memref<32768xf32, #tpu.memory_space<vmem>>[vector<16xi32>], vector<16xf32>,
        %parallel_loop3A_482 = arith.constant 59 : i32
        %parallel_loop3A_483 = vector.broadcast %parallel_loop3A_482 : i32 to vector<16xi32>
        %parallel_loop3A_484 = arith.addi %parallel_loop3A_64, %parallel_loop3A_483 : vector<16xi32>
        tpu.vector_store_idx %arg7[%parallel_loop3A_484], %parallel_loop3A_481 : memref<32768xf32, #tpu.memory_space<vmem>>[vector<16xi32>], vector<16xf32>,
        %parallel_loop3A_485 = arith.constant 60 : i32
        %parallel_loop3A_486 = vector.broadcast %parallel_loop3A_485 : i32 to vector<16xi32>
        %parallel_loop3A_487 = arith.addi %parallel_loop3A_60, %parallel_loop3A_486 : vector<16xi32>
        %parallel_loop3A_488 = tpu.vector_load_idx %arg5[%parallel_loop3A_487] : memref<32768xf32, #tpu.memory_space<vmem>>[vector<16xi32>], vector<16xf32>,
        %parallel_loop3A_489 = arith.constant 60 : i32
        %parallel_loop3A_490 = vector.broadcast %parallel_loop3A_489 : i32 to vector<16xi32>
        %parallel_loop3A_491 = arith.addi %parallel_loop3A_64, %parallel_loop3A_490 : vector<16xi32>
        tpu.vector_store_idx %arg7[%parallel_loop3A_491], %parallel_loop3A_488 : memref<32768xf32, #tpu.memory_space<vmem>>[vector<16xi32>], vector<16xf32>,
        %parallel_loop3A_492 = arith.constant 61 : i32
        %parallel_loop3A_493 = vector.broadcast %parallel_loop3A_492 : i32 to vector<16xi32>
        %parallel_loop3A_494 = arith.addi %parallel_loop3A_60, %parallel_loop3A_493 : vector<16xi32>
        %parallel_loop3A_495 = tpu.vector_load_idx %arg5[%parallel_loop3A_494] : memref<32768xf32, #tpu.memory_space<vmem>>[vector<16xi32>], vector<16xf32>,
        %parallel_loop3A_496 = arith.constant 61 : i32
        %parallel_loop3A_497 = vector.broadcast %parallel_loop3A_496 : i32 to vector<16xi32>
        %parallel_loop3A_498 = arith.addi %parallel_loop3A_64, %parallel_loop3A_497 : vector<16xi32>
        tpu.vector_store_idx %arg7[%parallel_loop3A_498], %parallel_loop3A_495 : memref<32768xf32, #tpu.memory_space<vmem>>[vector<16xi32>], vector<16xf32>,
        %parallel_loop3A_499 = arith.constant 62 : i32
        %parallel_loop3A_500 = vector.broadcast %parallel_loop3A_499 : i32 to vector<16xi32>
        %parallel_loop3A_501 = arith.addi %parallel_loop3A_60, %parallel_loop3A_500 : vector<16xi32>
        %parallel_loop3A_502 = tpu.vector_load_idx %arg5[%parallel_loop3A_501] : memref<32768xf32, #tpu.memory_space<vmem>>[vector<16xi32>], vector<16xf32>,
        %parallel_loop3A_503 = arith.constant 62 : i32
        %parallel_loop3A_504 = vector.broadcast %parallel_loop3A_503 : i32 to vector<16xi32>
        %parallel_loop3A_505 = arith.addi %parallel_loop3A_64, %parallel_loop3A_504 : vector<16xi32>
        tpu.vector_store_idx %arg7[%parallel_loop3A_505], %parallel_loop3A_502 : memref<32768xf32, #tpu.memory_space<vmem>>[vector<16xi32>], vector<16xf32>,
        %parallel_loop3A_506 = arith.constant 63 : i32
        %parallel_loop3A_507 = vector.broadcast %parallel_loop3A_506 : i32 to vector<16xi32>
        %parallel_loop3A_508 = arith.addi %parallel_loop3A_60, %parallel_loop3A_507 : vector<16xi32>
        %parallel_loop3A_509 = tpu.vector_load_idx %arg5[%parallel_loop3A_508] : memref<32768xf32, #tpu.memory_space<vmem>>[vector<16xi32>], vector<16xf32>,
        %parallel_loop3A_510 = arith.constant 63 : i32
        %parallel_loop3A_511 = vector.broadcast %parallel_loop3A_510 : i32 to vector<16xi32>
        %parallel_loop3A_512 = arith.addi %parallel_loop3A_64, %parallel_loop3A_511 : vector<16xi32>
        tpu.vector_store_idx %arg7[%parallel_loop3A_512], %parallel_loop3A_509 : memref<32768xf32, #tpu.memory_space<vmem>>[vector<16xi32>], vector<16xf32>,
      } {sc.loop_unroll_factor = 8 : i64, sc.parallel_access}
      %mul3A_27 = arith.constant 512 : i32
      %mul3A_28 = arith.muli %mul3A_20, %mul3A_27 : i32
      %add3A_29 = arith.addi %multiple_of3A, %mul3A_28 : i32
      %mul3A_30 = arith.constant 64 : i32
      %mul3A_31 = arith.muli %add3A_29, %mul3A_30 : i32
      %multiple_of3A_32 = tpu.assume_multiple %mul3A_31, 32768 : i32
      %dma_start3A = tpu.memref_slice %arg4[%multiple_of3A_32] : memref<8388608xf32, #tpu.memory_space<hbm>> -> memref<32768xf32, #tpu.memory_space<hbm>>
      %dma_start3A_33 = tpu.memref_slice %arg4[%multiple_of3A_32] : memref<8388608xf32, #tpu.memory_space<hbm>> -> memref<32768xf32, #tpu.memory_space<hbm>>
      tpu.enqueue_dma source(%arg7 : memref<32768xf32, #tpu.memory_space<vmem>>) target(%dma_start3A_33 : memref<32768xf32, #tpu.memory_space<hbm>>) target_semaphore(%arg9 : memref<!tpu.dma_semaphore, #tpu.memory_space<semaphore_mem>>)
      %gt3A_34 = arith.constant 0 : i32
      %gt3A_35 = arith.cmpi sgt, %scan3A_18, %gt3A_34 : i32
      %convert_element_type3A_36 = arith.extui %gt3A_35 : i1 to i32
      %cond3A_37 = arith.constant 0 : i32
      %cond3A_38 = arith.cmpi ne, %convert_element_type3A_36, %cond3A_37 : i32
      scf.if %cond3A_38 {
        %mul3A_50 = arith.constant 64 : i32
        %mul3A_51 = arith.muli %multiple_of3A, %mul3A_50 : i32
        %dma_wait3A_52 = tpu.memref_slice %arg4[%mul3A_51] : memref<8388608xf32, #tpu.memory_space<hbm>> -> memref<32768xf32, #tpu.memory_space<hbm>>
        %dma_wait3A_53 = tpu.memref_slice %arg4[%mul3A_51] : memref<8388608xf32, #tpu.memory_space<hbm>> -> memref<32768xf32, #tpu.memory_space<hbm>>
        tpu.wait_dma2 semaphore(%arg10 : memref<!tpu.dma_semaphore, #tpu.memory_space<semaphore_mem>>) src(%arg8 : memref<32768xf32, #tpu.memory_space<vmem>>) dst(%dma_wait3A_53 : memref<32768xf32, #tpu.memory_space<hbm>>)
      } else {
      }
      %parallel_loop3A_39 = arith.constant 0 : i32
      %parallel_loop3A_40 = arith.constant 32 : i32
      %parallel_loop3A_41 = arith.constant 1 : i32
      scf.for %parallel_loop3A_50 = %parallel_loop3A_39 to %parallel_loop3A_40 step %parallel_loop3A_41  : i32 {
        %parallel_loop3A_51 = arith.constant 512 : i32
        %parallel_loop3A_52 = arith.muli %add3A_22, %parallel_loop3A_51 : i32
        %parallel_loop3A_53 = arith.constant 16 : i32
        %parallel_loop3A_54 = arith.muli %parallel_loop3A_50, %parallel_loop3A_53 : i32
        %parallel_loop3A_55 = arith.addi %parallel_loop3A_52, %parallel_loop3A_54 : i32
        %parallel_loop3A_56 = arith.index_cast %parallel_loop3A_55 : i32 to index
        %parallel_loop3A_57 = tpu.vector_load %arg6[%parallel_loop3A_56] {strides = array<i32>} : memref<4096xi32, #tpu.memory_space<vmem>>, vector<16xi32>,
        %parallel_loop3A_58 = arith.constant 64 : i32
        %parallel_loop3A_59 = vector.broadcast %parallel_loop3A_58 : i32 to vector<16xi32>
        %parallel_loop3A_60 = arith.muli %parallel_loop3A_57, %parallel_loop3A_59 : vector<16xi32>
        %parallel_loop3A_61 = arith.constant 1024 : i32
        %parallel_loop3A_62 = arith.muli %parallel_loop3A_50, %parallel_loop3A_61 : i32
        %parallel_loop3A_63 = vector.broadcast %parallel_loop3A_62 : i32 to vector<16xi32>
        %parallel_loop3A_64 = arith.addi %mul3A_5, %parallel_loop3A_63 : vector<16xi32>
        %parallel_loop3A_65 = arith.constant 0 : i32
        %parallel_loop3A_66 = vector.broadcast %parallel_loop3A_65 : i32 to vector<16xi32>
        %parallel_loop3A_67 = arith.addi %parallel_loop3A_60, %parallel_loop3A_66 : vector<16xi32>
        %parallel_loop3A_68 = tpu.vector_load_idx %arg5[%parallel_loop3A_67] : memref<32768xf32, #tpu.memory_space<vmem>>[vector<16xi32>], vector<16xf32>,
        %parallel_loop3A_69 = arith.constant 0 : i32
        %parallel_loop3A_70 = vector.broadcast %parallel_loop3A_69 : i32 to vector<16xi32>
        %parallel_loop3A_71 = arith.addi %parallel_loop3A_64, %parallel_loop3A_70 : vector<16xi32>
        tpu.vector_store_idx %arg8[%parallel_loop3A_71], %parallel_loop3A_68 : memref<32768xf32, #tpu.memory_space<vmem>>[vector<16xi32>], vector<16xf32>,
        %parallel_loop3A_72 = arith.constant 1 : i32
        %parallel_loop3A_73 = vector.broadcast %parallel_loop3A_72 : i32 to vector<16xi32>
        %parallel_loop3A_74 = arith.addi %parallel_loop3A_60, %parallel_loop3A_73 : vector<16xi32>
        %parallel_loop3A_75 = tpu.vector_load_idx %arg5[%parallel_loop3A_74] : memref<32768xf32, #tpu.memory_space<vmem>>[vector<16xi32>], vector<16xf32>,
        %parallel_loop3A_76 = arith.constant 1 : i32
        %parallel_loop3A_77 = vector.broadcast %parallel_loop3A_76 : i32 to vector<16xi32>
        %parallel_loop3A_78 = arith.addi %parallel_loop3A_64, %parallel_loop3A_77 : vector<16xi32>
        tpu.vector_store_idx %arg8[%parallel_loop3A_78], %parallel_loop3A_75 : memref<32768xf32, #tpu.memory_space<vmem>>[vector<16xi32>], vector<16xf32>,
        %parallel_loop3A_79 = arith.constant 2 : i32
        %parallel_loop3A_80 = vector.broadcast %parallel_loop3A_79 : i32 to vector<16xi32>
        %parallel_loop3A_81 = arith.addi %parallel_loop3A_60, %parallel_loop3A_80 : vector<16xi32>
        %parallel_loop3A_82 = tpu.vector_load_idx %arg5[%parallel_loop3A_81] : memref<32768xf32, #tpu.memory_space<vmem>>[vector<16xi32>], vector<16xf32>,
        %parallel_loop3A_83 = arith.constant 2 : i32
        %parallel_loop3A_84 = vector.broadcast %parallel_loop3A_83 : i32 to vector<16xi32>
        %parallel_loop3A_85 = arith.addi %parallel_loop3A_64, %parallel_loop3A_84 : vector<16xi32>
        tpu.vector_store_idx %arg8[%parallel_loop3A_85], %parallel_loop3A_82 : memref<32768xf32, #tpu.memory_space<vmem>>[vector<16xi32>], vector<16xf32>,
        %parallel_loop3A_86 = arith.constant 3 : i32
        %parallel_loop3A_87 = vector.broadcast %parallel_loop3A_86 : i32 to vector<16xi32>
        %parallel_loop3A_88 = arith.addi %parallel_loop3A_60, %parallel_loop3A_87 : vector<16xi32>
        %parallel_loop3A_89 = tpu.vector_load_idx %arg5[%parallel_loop3A_88] : memref<32768xf32, #tpu.memory_space<vmem>>[vector<16xi32>], vector<16xf32>,
        %parallel_loop3A_90 = arith.constant 3 : i32
        %parallel_loop3A_91 = vector.broadcast %parallel_loop3A_90 : i32 to vector<16xi32>
        %parallel_loop3A_92 = arith.addi %parallel_loop3A_64, %parallel_loop3A_91 : vector<16xi32>
        tpu.vector_store_idx %arg8[%parallel_loop3A_92], %parallel_loop3A_89 : memref<32768xf32, #tpu.memory_space<vmem>>[vector<16xi32>], vector<16xf32>,
        %parallel_loop3A_93 = arith.constant 4 : i32
        %parallel_loop3A_94 = vector.broadcast %parallel_loop3A_93 : i32 to vector<16xi32>
        %parallel_loop3A_95 = arith.addi %parallel_loop3A_60, %parallel_loop3A_94 : vector<16xi32>
        %parallel_loop3A_96 = tpu.vector_load_idx %arg5[%parallel_loop3A_95] : memref<32768xf32, #tpu.memory_space<vmem>>[vector<16xi32>], vector<16xf32>,
        %parallel_loop3A_97 = arith.constant 4 : i32
        %parallel_loop3A_98 = vector.broadcast %parallel_loop3A_97 : i32 to vector<16xi32>
        %parallel_loop3A_99 = arith.addi %parallel_loop3A_64, %parallel_loop3A_98 : vector<16xi32>
        tpu.vector_store_idx %arg8[%parallel_loop3A_99], %parallel_loop3A_96 : memref<32768xf32, #tpu.memory_space<vmem>>[vector<16xi32>], vector<16xf32>,
        %parallel_loop3A_100 = arith.constant 5 : i32
        %parallel_loop3A_101 = vector.broadcast %parallel_loop3A_100 : i32 to vector<16xi32>
        %parallel_loop3A_102 = arith.addi %parallel_loop3A_60, %parallel_loop3A_101 : vector<16xi32>
        %parallel_loop3A_103 = tpu.vector_load_idx %arg5[%parallel_loop3A_102] : memref<32768xf32, #tpu.memory_space<vmem>>[vector<16xi32>], vector<16xf32>,
        %parallel_loop3A_104 = arith.constant 5 : i32
        %parallel_loop3A_105 = vector.broadcast %parallel_loop3A_104 : i32 to vector<16xi32>
        %parallel_loop3A_106 = arith.addi %parallel_loop3A_64, %parallel_loop3A_105 : vector<16xi32>
        tpu.vector_store_idx %arg8[%parallel_loop3A_106], %parallel_loop3A_103 : memref<32768xf32, #tpu.memory_space<vmem>>[vector<16xi32>], vector<16xf32>,
        %parallel_loop3A_107 = arith.constant 6 : i32
        %parallel_loop3A_108 = vector.broadcast %parallel_loop3A_107 : i32 to vector<16xi32>
        %parallel_loop3A_109 = arith.addi %parallel_loop3A_60, %parallel_loop3A_108 : vector<16xi32>
        %parallel_loop3A_110 = tpu.vector_load_idx %arg5[%parallel_loop3A_109] : memref<32768xf32, #tpu.memory_space<vmem>>[vector<16xi32>], vector<16xf32>,
        %parallel_loop3A_111 = arith.constant 6 : i32
        %parallel_loop3A_112 = vector.broadcast %parallel_loop3A_111 : i32 to vector<16xi32>
        %parallel_loop3A_113 = arith.addi %parallel_loop3A_64, %parallel_loop3A_112 : vector<16xi32>
        tpu.vector_store_idx %arg8[%parallel_loop3A_113], %parallel_loop3A_110 : memref<32768xf32, #tpu.memory_space<vmem>>[vector<16xi32>], vector<16xf32>,
        %parallel_loop3A_114 = arith.constant 7 : i32
        %parallel_loop3A_115 = vector.broadcast %parallel_loop3A_114 : i32 to vector<16xi32>
        %parallel_loop3A_116 = arith.addi %parallel_loop3A_60, %parallel_loop3A_115 : vector<16xi32>
        %parallel_loop3A_117 = tpu.vector_load_idx %arg5[%parallel_loop3A_116] : memref<32768xf32, #tpu.memory_space<vmem>>[vector<16xi32>], vector<16xf32>,
        %parallel_loop3A_118 = arith.constant 7 : i32
        %parallel_loop3A_119 = vector.broadcast %parallel_loop3A_118 : i32 to vector<16xi32>
        %parallel_loop3A_120 = arith.addi %parallel_loop3A_64, %parallel_loop3A_119 : vector<16xi32>
        tpu.vector_store_idx %arg8[%parallel_loop3A_120], %parallel_loop3A_117 : memref<32768xf32, #tpu.memory_space<vmem>>[vector<16xi32>], vector<16xf32>,
        %parallel_loop3A_121 = arith.constant 8 : i32
        %parallel_loop3A_122 = vector.broadcast %parallel_loop3A_121 : i32 to vector<16xi32>
        %parallel_loop3A_123 = arith.addi %parallel_loop3A_60, %parallel_loop3A_122 : vector<16xi32>
        %parallel_loop3A_124 = tpu.vector_load_idx %arg5[%parallel_loop3A_123] : memref<32768xf32, #tpu.memory_space<vmem>>[vector<16xi32>], vector<16xf32>,
        %parallel_loop3A_125 = arith.constant 8 : i32
        %parallel_loop3A_126 = vector.broadcast %parallel_loop3A_125 : i32 to vector<16xi32>
        %parallel_loop3A_127 = arith.addi %parallel_loop3A_64, %parallel_loop3A_126 : vector<16xi32>
        tpu.vector_store_idx %arg8[%parallel_loop3A_127], %parallel_loop3A_124 : memref<32768xf32, #tpu.memory_space<vmem>>[vector<16xi32>], vector<16xf32>,
        %parallel_loop3A_128 = arith.constant 9 : i32
        %parallel_loop3A_129 = vector.broadcast %parallel_loop3A_128 : i32 to vector<16xi32>
        %parallel_loop3A_130 = arith.addi %parallel_loop3A_60, %parallel_loop3A_129 : vector<16xi32>
        %parallel_loop3A_131 = tpu.vector_load_idx %arg5[%parallel_loop3A_130] : memref<32768xf32, #tpu.memory_space<vmem>>[vector<16xi32>], vector<16xf32>,
        %parallel_loop3A_132 = arith.constant 9 : i32
        %parallel_loop3A_133 = vector.broadcast %parallel_loop3A_132 : i32 to vector<16xi32>
        %parallel_loop3A_134 = arith.addi %parallel_loop3A_64, %parallel_loop3A_133 : vector<16xi32>
        tpu.vector_store_idx %arg8[%parallel_loop3A_134], %parallel_loop3A_131 : memref<32768xf32, #tpu.memory_space<vmem>>[vector<16xi32>], vector<16xf32>,
        %parallel_loop3A_135 = arith.constant 10 : i32
        %parallel_loop3A_136 = vector.broadcast %parallel_loop3A_135 : i32 to vector<16xi32>
        %parallel_loop3A_137 = arith.addi %parallel_loop3A_60, %parallel_loop3A_136 : vector<16xi32>
        %parallel_loop3A_138 = tpu.vector_load_idx %arg5[%parallel_loop3A_137] : memref<32768xf32, #tpu.memory_space<vmem>>[vector<16xi32>], vector<16xf32>,
        %parallel_loop3A_139 = arith.constant 10 : i32
        %parallel_loop3A_140 = vector.broadcast %parallel_loop3A_139 : i32 to vector<16xi32>
        %parallel_loop3A_141 = arith.addi %parallel_loop3A_64, %parallel_loop3A_140 : vector<16xi32>
        tpu.vector_store_idx %arg8[%parallel_loop3A_141], %parallel_loop3A_138 : memref<32768xf32, #tpu.memory_space<vmem>>[vector<16xi32>], vector<16xf32>,
        %parallel_loop3A_142 = arith.constant 11 : i32
        %parallel_loop3A_143 = vector.broadcast %parallel_loop3A_142 : i32 to vector<16xi32>
        %parallel_loop3A_144 = arith.addi %parallel_loop3A_60, %parallel_loop3A_143 : vector<16xi32>
        %parallel_loop3A_145 = tpu.vector_load_idx %arg5[%parallel_loop3A_144] : memref<32768xf32, #tpu.memory_space<vmem>>[vector<16xi32>], vector<16xf32>,
        %parallel_loop3A_146 = arith.constant 11 : i32
        %parallel_loop3A_147 = vector.broadcast %parallel_loop3A_146 : i32 to vector<16xi32>
        %parallel_loop3A_148 = arith.addi %parallel_loop3A_64, %parallel_loop3A_147 : vector<16xi32>
        tpu.vector_store_idx %arg8[%parallel_loop3A_148], %parallel_loop3A_145 : memref<32768xf32, #tpu.memory_space<vmem>>[vector<16xi32>], vector<16xf32>,
        %parallel_loop3A_149 = arith.constant 12 : i32
        %parallel_loop3A_150 = vector.broadcast %parallel_loop3A_149 : i32 to vector<16xi32>
        %parallel_loop3A_151 = arith.addi %parallel_loop3A_60, %parallel_loop3A_150 : vector<16xi32>
        %parallel_loop3A_152 = tpu.vector_load_idx %arg5[%parallel_loop3A_151] : memref<32768xf32, #tpu.memory_space<vmem>>[vector<16xi32>], vector<16xf32>,
        %parallel_loop3A_153 = arith.constant 12 : i32
        %parallel_loop3A_154 = vector.broadcast %parallel_loop3A_153 : i32 to vector<16xi32>
        %parallel_loop3A_155 = arith.addi %parallel_loop3A_64, %parallel_loop3A_154 : vector<16xi32>
        tpu.vector_store_idx %arg8[%parallel_loop3A_155], %parallel_loop3A_152 : memref<32768xf32, #tpu.memory_space<vmem>>[vector<16xi32>], vector<16xf32>,
        %parallel_loop3A_156 = arith.constant 13 : i32
        %parallel_loop3A_157 = vector.broadcast %parallel_loop3A_156 : i32 to vector<16xi32>
        %parallel_loop3A_158 = arith.addi %parallel_loop3A_60, %parallel_loop3A_157 : vector<16xi32>
        %parallel_loop3A_159 = tpu.vector_load_idx %arg5[%parallel_loop3A_158] : memref<32768xf32, #tpu.memory_space<vmem>>[vector<16xi32>], vector<16xf32>,
        %parallel_loop3A_160 = arith.constant 13 : i32
        %parallel_loop3A_161 = vector.broadcast %parallel_loop3A_160 : i32 to vector<16xi32>
        %parallel_loop3A_162 = arith.addi %parallel_loop3A_64, %parallel_loop3A_161 : vector<16xi32>
        tpu.vector_store_idx %arg8[%parallel_loop3A_162], %parallel_loop3A_159 : memref<32768xf32, #tpu.memory_space<vmem>>[vector<16xi32>], vector<16xf32>,
        %parallel_loop3A_163 = arith.constant 14 : i32
        %parallel_loop3A_164 = vector.broadcast %parallel_loop3A_163 : i32 to vector<16xi32>
        %parallel_loop3A_165 = arith.addi %parallel_loop3A_60, %parallel_loop3A_164 : vector<16xi32>
        %parallel_loop3A_166 = tpu.vector_load_idx %arg5[%parallel_loop3A_165] : memref<32768xf32, #tpu.memory_space<vmem>>[vector<16xi32>], vector<16xf32>,
        %parallel_loop3A_167 = arith.constant 14 : i32
        %parallel_loop3A_168 = vector.broadcast %parallel_loop3A_167 : i32 to vector<16xi32>
        %parallel_loop3A_169 = arith.addi %parallel_loop3A_64, %parallel_loop3A_168 : vector<16xi32>
        tpu.vector_store_idx %arg8[%parallel_loop3A_169], %parallel_loop3A_166 : memref<32768xf32, #tpu.memory_space<vmem>>[vector<16xi32>], vector<16xf32>,
        %parallel_loop3A_170 = arith.constant 15 : i32
        %parallel_loop3A_171 = vector.broadcast %parallel_loop3A_170 : i32 to vector<16xi32>
        %parallel_loop3A_172 = arith.addi %parallel_loop3A_60, %parallel_loop3A_171 : vector<16xi32>
        %parallel_loop3A_173 = tpu.vector_load_idx %arg5[%parallel_loop3A_172] : memref<32768xf32, #tpu.memory_space<vmem>>[vector<16xi32>], vector<16xf32>,
        %parallel_loop3A_174 = arith.constant 15 : i32
        %parallel_loop3A_175 = vector.broadcast %parallel_loop3A_174 : i32 to vector<16xi32>
        %parallel_loop3A_176 = arith.addi %parallel_loop3A_64, %parallel_loop3A_175 : vector<16xi32>
        tpu.vector_store_idx %arg8[%parallel_loop3A_176], %parallel_loop3A_173 : memref<32768xf32, #tpu.memory_space<vmem>>[vector<16xi32>], vector<16xf32>,
        %parallel_loop3A_177 = arith.constant 16 : i32
        %parallel_loop3A_178 = vector.broadcast %parallel_loop3A_177 : i32 to vector<16xi32>
        %parallel_loop3A_179 = arith.addi %parallel_loop3A_60, %parallel_loop3A_178 : vector<16xi32>
        %parallel_loop3A_180 = tpu.vector_load_idx %arg5[%parallel_loop3A_179] : memref<32768xf32, #tpu.memory_space<vmem>>[vector<16xi32>], vector<16xf32>,
        %parallel_loop3A_181 = arith.constant 16 : i32
        %parallel_loop3A_182 = vector.broadcast %parallel_loop3A_181 : i32 to vector<16xi32>
        %parallel_loop3A_183 = arith.addi %parallel_loop3A_64, %parallel_loop3A_182 : vector<16xi32>
        tpu.vector_store_idx %arg8[%parallel_loop3A_183], %parallel_loop3A_180 : memref<32768xf32, #tpu.memory_space<vmem>>[vector<16xi32>], vector<16xf32>,
        %parallel_loop3A_184 = arith.constant 17 : i32
        %parallel_loop3A_185 = vector.broadcast %parallel_loop3A_184 : i32 to vector<16xi32>
        %parallel_loop3A_186 = arith.addi %parallel_loop3A_60, %parallel_loop3A_185 : vector<16xi32>
        %parallel_loop3A_187 = tpu.vector_load_idx %arg5[%parallel_loop3A_186] : memref<32768xf32, #tpu.memory_space<vmem>>[vector<16xi32>], vector<16xf32>,
        %parallel_loop3A_188 = arith.constant 17 : i32
        %parallel_loop3A_189 = vector.broadcast %parallel_loop3A_188 : i32 to vector<16xi32>
        %parallel_loop3A_190 = arith.addi %parallel_loop3A_64, %parallel_loop3A_189 : vector<16xi32>
        tpu.vector_store_idx %arg8[%parallel_loop3A_190], %parallel_loop3A_187 : memref<32768xf32, #tpu.memory_space<vmem>>[vector<16xi32>], vector<16xf32>,
        %parallel_loop3A_191 = arith.constant 18 : i32
        %parallel_loop3A_192 = vector.broadcast %parallel_loop3A_191 : i32 to vector<16xi32>
        %parallel_loop3A_193 = arith.addi %parallel_loop3A_60, %parallel_loop3A_192 : vector<16xi32>
        %parallel_loop3A_194 = tpu.vector_load_idx %arg5[%parallel_loop3A_193] : memref<32768xf32, #tpu.memory_space<vmem>>[vector<16xi32>], vector<16xf32>,
        %parallel_loop3A_195 = arith.constant 18 : i32
        %parallel_loop3A_196 = vector.broadcast %parallel_loop3A_195 : i32 to vector<16xi32>
        %parallel_loop3A_197 = arith.addi %parallel_loop3A_64, %parallel_loop3A_196 : vector<16xi32>
        tpu.vector_store_idx %arg8[%parallel_loop3A_197], %parallel_loop3A_194 : memref<32768xf32, #tpu.memory_space<vmem>>[vector<16xi32>], vector<16xf32>,
        %parallel_loop3A_198 = arith.constant 19 : i32
        %parallel_loop3A_199 = vector.broadcast %parallel_loop3A_198 : i32 to vector<16xi32>
        %parallel_loop3A_200 = arith.addi %parallel_loop3A_60, %parallel_loop3A_199 : vector<16xi32>
        %parallel_loop3A_201 = tpu.vector_load_idx %arg5[%parallel_loop3A_200] : memref<32768xf32, #tpu.memory_space<vmem>>[vector<16xi32>], vector<16xf32>,
        %parallel_loop3A_202 = arith.constant 19 : i32
        %parallel_loop3A_203 = vector.broadcast %parallel_loop3A_202 : i32 to vector<16xi32>
        %parallel_loop3A_204 = arith.addi %parallel_loop3A_64, %parallel_loop3A_203 : vector<16xi32>
        tpu.vector_store_idx %arg8[%parallel_loop3A_204], %parallel_loop3A_201 : memref<32768xf32, #tpu.memory_space<vmem>>[vector<16xi32>], vector<16xf32>,
        %parallel_loop3A_205 = arith.constant 20 : i32
        %parallel_loop3A_206 = vector.broadcast %parallel_loop3A_205 : i32 to vector<16xi32>
        %parallel_loop3A_207 = arith.addi %parallel_loop3A_60, %parallel_loop3A_206 : vector<16xi32>
        %parallel_loop3A_208 = tpu.vector_load_idx %arg5[%parallel_loop3A_207] : memref<32768xf32, #tpu.memory_space<vmem>>[vector<16xi32>], vector<16xf32>,
        %parallel_loop3A_209 = arith.constant 20 : i32
        %parallel_loop3A_210 = vector.broadcast %parallel_loop3A_209 : i32 to vector<16xi32>
        %parallel_loop3A_211 = arith.addi %parallel_loop3A_64, %parallel_loop3A_210 : vector<16xi32>
        tpu.vector_store_idx %arg8[%parallel_loop3A_211], %parallel_loop3A_208 : memref<32768xf32, #tpu.memory_space<vmem>>[vector<16xi32>], vector<16xf32>,
        %parallel_loop3A_212 = arith.constant 21 : i32
        %parallel_loop3A_213 = vector.broadcast %parallel_loop3A_212 : i32 to vector<16xi32>
        %parallel_loop3A_214 = arith.addi %parallel_loop3A_60, %parallel_loop3A_213 : vector<16xi32>
        %parallel_loop3A_215 = tpu.vector_load_idx %arg5[%parallel_loop3A_214] : memref<32768xf32, #tpu.memory_space<vmem>>[vector<16xi32>], vector<16xf32>,
        %parallel_loop3A_216 = arith.constant 21 : i32
        %parallel_loop3A_217 = vector.broadcast %parallel_loop3A_216 : i32 to vector<16xi32>
        %parallel_loop3A_218 = arith.addi %parallel_loop3A_64, %parallel_loop3A_217 : vector<16xi32>
        tpu.vector_store_idx %arg8[%parallel_loop3A_218], %parallel_loop3A_215 : memref<32768xf32, #tpu.memory_space<vmem>>[vector<16xi32>], vector<16xf32>,
        %parallel_loop3A_219 = arith.constant 22 : i32
        %parallel_loop3A_220 = vector.broadcast %parallel_loop3A_219 : i32 to vector<16xi32>
        %parallel_loop3A_221 = arith.addi %parallel_loop3A_60, %parallel_loop3A_220 : vector<16xi32>
        %parallel_loop3A_222 = tpu.vector_load_idx %arg5[%parallel_loop3A_221] : memref<32768xf32, #tpu.memory_space<vmem>>[vector<16xi32>], vector<16xf32>,
        %parallel_loop3A_223 = arith.constant 22 : i32
        %parallel_loop3A_224 = vector.broadcast %parallel_loop3A_223 : i32 to vector<16xi32>
        %parallel_loop3A_225 = arith.addi %parallel_loop3A_64, %parallel_loop3A_224 : vector<16xi32>
        tpu.vector_store_idx %arg8[%parallel_loop3A_225], %parallel_loop3A_222 : memref<32768xf32, #tpu.memory_space<vmem>>[vector<16xi32>], vector<16xf32>,
        %parallel_loop3A_226 = arith.constant 23 : i32
        %parallel_loop3A_227 = vector.broadcast %parallel_loop3A_226 : i32 to vector<16xi32>
        %parallel_loop3A_228 = arith.addi %parallel_loop3A_60, %parallel_loop3A_227 : vector<16xi32>
        %parallel_loop3A_229 = tpu.vector_load_idx %arg5[%parallel_loop3A_228] : memref<32768xf32, #tpu.memory_space<vmem>>[vector<16xi32>], vector<16xf32>,
        %parallel_loop3A_230 = arith.constant 23 : i32
        %parallel_loop3A_231 = vector.broadcast %parallel_loop3A_230 : i32 to vector<16xi32>
        %parallel_loop3A_232 = arith.addi %parallel_loop3A_64, %parallel_loop3A_231 : vector<16xi32>
        tpu.vector_store_idx %arg8[%parallel_loop3A_232], %parallel_loop3A_229 : memref<32768xf32, #tpu.memory_space<vmem>>[vector<16xi32>], vector<16xf32>,
        %parallel_loop3A_233 = arith.constant 24 : i32
        %parallel_loop3A_234 = vector.broadcast %parallel_loop3A_233 : i32 to vector<16xi32>
        %parallel_loop3A_235 = arith.addi %parallel_loop3A_60, %parallel_loop3A_234 : vector<16xi32>
        %parallel_loop3A_236 = tpu.vector_load_idx %arg5[%parallel_loop3A_235] : memref<32768xf32, #tpu.memory_space<vmem>>[vector<16xi32>], vector<16xf32>,
        %parallel_loop3A_237 = arith.constant 24 : i32
        %parallel_loop3A_238 = vector.broadcast %parallel_loop3A_237 : i32 to vector<16xi32>
        %parallel_loop3A_239 = arith.addi %parallel_loop3A_64, %parallel_loop3A_238 : vector<16xi32>
        tpu.vector_store_idx %arg8[%parallel_loop3A_239], %parallel_loop3A_236 : memref<32768xf32, #tpu.memory_space<vmem>>[vector<16xi32>], vector<16xf32>,
        %parallel_loop3A_240 = arith.constant 25 : i32
        %parallel_loop3A_241 = vector.broadcast %parallel_loop3A_240 : i32 to vector<16xi32>
        %parallel_loop3A_242 = arith.addi %parallel_loop3A_60, %parallel_loop3A_241 : vector<16xi32>
        %parallel_loop3A_243 = tpu.vector_load_idx %arg5[%parallel_loop3A_242] : memref<32768xf32, #tpu.memory_space<vmem>>[vector<16xi32>], vector<16xf32>,
        %parallel_loop3A_244 = arith.constant 25 : i32
        %parallel_loop3A_245 = vector.broadcast %parallel_loop3A_244 : i32 to vector<16xi32>
        %parallel_loop3A_246 = arith.addi %parallel_loop3A_64, %parallel_loop3A_245 : vector<16xi32>
        tpu.vector_store_idx %arg8[%parallel_loop3A_246], %parallel_loop3A_243 : memref<32768xf32, #tpu.memory_space<vmem>>[vector<16xi32>], vector<16xf32>,
        %parallel_loop3A_247 = arith.constant 26 : i32
        %parallel_loop3A_248 = vector.broadcast %parallel_loop3A_247 : i32 to vector<16xi32>
        %parallel_loop3A_249 = arith.addi %parallel_loop3A_60, %parallel_loop3A_248 : vector<16xi32>
        %parallel_loop3A_250 = tpu.vector_load_idx %arg5[%parallel_loop3A_249] : memref<32768xf32, #tpu.memory_space<vmem>>[vector<16xi32>], vector<16xf32>,
        %parallel_loop3A_251 = arith.constant 26 : i32
        %parallel_loop3A_252 = vector.broadcast %parallel_loop3A_251 : i32 to vector<16xi32>
        %parallel_loop3A_253 = arith.addi %parallel_loop3A_64, %parallel_loop3A_252 : vector<16xi32>
        tpu.vector_store_idx %arg8[%parallel_loop3A_253], %parallel_loop3A_250 : memref<32768xf32, #tpu.memory_space<vmem>>[vector<16xi32>], vector<16xf32>,
        %parallel_loop3A_254 = arith.constant 27 : i32
        %parallel_loop3A_255 = vector.broadcast %parallel_loop3A_254 : i32 to vector<16xi32>
        %parallel_loop3A_256 = arith.addi %parallel_loop3A_60, %parallel_loop3A_255 : vector<16xi32>
        %parallel_loop3A_257 = tpu.vector_load_idx %arg5[%parallel_loop3A_256] : memref<32768xf32, #tpu.memory_space<vmem>>[vector<16xi32>], vector<16xf32>,
        %parallel_loop3A_258 = arith.constant 27 : i32
        %parallel_loop3A_259 = vector.broadcast %parallel_loop3A_258 : i32 to vector<16xi32>
        %parallel_loop3A_260 = arith.addi %parallel_loop3A_64, %parallel_loop3A_259 : vector<16xi32>
        tpu.vector_store_idx %arg8[%parallel_loop3A_260], %parallel_loop3A_257 : memref<32768xf32, #tpu.memory_space<vmem>>[vector<16xi32>], vector<16xf32>,
        %parallel_loop3A_261 = arith.constant 28 : i32
        %parallel_loop3A_262 = vector.broadcast %parallel_loop3A_261 : i32 to vector<16xi32>
        %parallel_loop3A_263 = arith.addi %parallel_loop3A_60, %parallel_loop3A_262 : vector<16xi32>
        %parallel_loop3A_264 = tpu.vector_load_idx %arg5[%parallel_loop3A_263] : memref<32768xf32, #tpu.memory_space<vmem>>[vector<16xi32>], vector<16xf32>,
        %parallel_loop3A_265 = arith.constant 28 : i32
        %parallel_loop3A_266 = vector.broadcast %parallel_loop3A_265 : i32 to vector<16xi32>
        %parallel_loop3A_267 = arith.addi %parallel_loop3A_64, %parallel_loop3A_266 : vector<16xi32>
        tpu.vector_store_idx %arg8[%parallel_loop3A_267], %parallel_loop3A_264 : memref<32768xf32, #tpu.memory_space<vmem>>[vector<16xi32>], vector<16xf32>,
        %parallel_loop3A_268 = arith.constant 29 : i32
        %parallel_loop3A_269 = vector.broadcast %parallel_loop3A_268 : i32 to vector<16xi32>
        %parallel_loop3A_270 = arith.addi %parallel_loop3A_60, %parallel_loop3A_269 : vector<16xi32>
        %parallel_loop3A_271 = tpu.vector_load_idx %arg5[%parallel_loop3A_270] : memref<32768xf32, #tpu.memory_space<vmem>>[vector<16xi32>], vector<16xf32>,
        %parallel_loop3A_272 = arith.constant 29 : i32
        %parallel_loop3A_273 = vector.broadcast %parallel_loop3A_272 : i32 to vector<16xi32>
        %parallel_loop3A_274 = arith.addi %parallel_loop3A_64, %parallel_loop3A_273 : vector<16xi32>
        tpu.vector_store_idx %arg8[%parallel_loop3A_274], %parallel_loop3A_271 : memref<32768xf32, #tpu.memory_space<vmem>>[vector<16xi32>], vector<16xf32>,
        %parallel_loop3A_275 = arith.constant 30 : i32
        %parallel_loop3A_276 = vector.broadcast %parallel_loop3A_275 : i32 to vector<16xi32>
        %parallel_loop3A_277 = arith.addi %parallel_loop3A_60, %parallel_loop3A_276 : vector<16xi32>
        %parallel_loop3A_278 = tpu.vector_load_idx %arg5[%parallel_loop3A_277] : memref<32768xf32, #tpu.memory_space<vmem>>[vector<16xi32>], vector<16xf32>,
        %parallel_loop3A_279 = arith.constant 30 : i32
        %parallel_loop3A_280 = vector.broadcast %parallel_loop3A_279 : i32 to vector<16xi32>
        %parallel_loop3A_281 = arith.addi %parallel_loop3A_64, %parallel_loop3A_280 : vector<16xi32>
        tpu.vector_store_idx %arg8[%parallel_loop3A_281], %parallel_loop3A_278 : memref<32768xf32, #tpu.memory_space<vmem>>[vector<16xi32>], vector<16xf32>,
        %parallel_loop3A_282 = arith.constant 31 : i32
        %parallel_loop3A_283 = vector.broadcast %parallel_loop3A_282 : i32 to vector<16xi32>
        %parallel_loop3A_284 = arith.addi %parallel_loop3A_60, %parallel_loop3A_283 : vector<16xi32>
        %parallel_loop3A_285 = tpu.vector_load_idx %arg5[%parallel_loop3A_284] : memref<32768xf32, #tpu.memory_space<vmem>>[vector<16xi32>], vector<16xf32>,
        %parallel_loop3A_286 = arith.constant 31 : i32
        %parallel_loop3A_287 = vector.broadcast %parallel_loop3A_286 : i32 to vector<16xi32>
        %parallel_loop3A_288 = arith.addi %parallel_loop3A_64, %parallel_loop3A_287 : vector<16xi32>
        tpu.vector_store_idx %arg8[%parallel_loop3A_288], %parallel_loop3A_285 : memref<32768xf32, #tpu.memory_space<vmem>>[vector<16xi32>], vector<16xf32>,
        %parallel_loop3A_289 = arith.constant 32 : i32
        %parallel_loop3A_290 = vector.broadcast %parallel_loop3A_289 : i32 to vector<16xi32>
        %parallel_loop3A_291 = arith.addi %parallel_loop3A_60, %parallel_loop3A_290 : vector<16xi32>
        %parallel_loop3A_292 = tpu.vector_load_idx %arg5[%parallel_loop3A_291] : memref<32768xf32, #tpu.memory_space<vmem>>[vector<16xi32>], vector<16xf32>,
        %parallel_loop3A_293 = arith.constant 32 : i32
        %parallel_loop3A_294 = vector.broadcast %parallel_loop3A_293 : i32 to vector<16xi32>
        %parallel_loop3A_295 = arith.addi %parallel_loop3A_64, %parallel_loop3A_294 : vector<16xi32>
        tpu.vector_store_idx %arg8[%parallel_loop3A_295], %parallel_loop3A_292 : memref<32768xf32, #tpu.memory_space<vmem>>[vector<16xi32>], vector<16xf32>,
        %parallel_loop3A_296 = arith.constant 33 : i32
        %parallel_loop3A_297 = vector.broadcast %parallel_loop3A_296 : i32 to vector<16xi32>
        %parallel_loop3A_298 = arith.addi %parallel_loop3A_60, %parallel_loop3A_297 : vector<16xi32>
        %parallel_loop3A_299 = tpu.vector_load_idx %arg5[%parallel_loop3A_298] : memref<32768xf32, #tpu.memory_space<vmem>>[vector<16xi32>], vector<16xf32>,
        %parallel_loop3A_300 = arith.constant 33 : i32
        %parallel_loop3A_301 = vector.broadcast %parallel_loop3A_300 : i32 to vector<16xi32>
        %parallel_loop3A_302 = arith.addi %parallel_loop3A_64, %parallel_loop3A_301 : vector<16xi32>
        tpu.vector_store_idx %arg8[%parallel_loop3A_302], %parallel_loop3A_299 : memref<32768xf32, #tpu.memory_space<vmem>>[vector<16xi32>], vector<16xf32>,
        %parallel_loop3A_303 = arith.constant 34 : i32
        %parallel_loop3A_304 = vector.broadcast %parallel_loop3A_303 : i32 to vector<16xi32>
        %parallel_loop3A_305 = arith.addi %parallel_loop3A_60, %parallel_loop3A_304 : vector<16xi32>
        %parallel_loop3A_306 = tpu.vector_load_idx %arg5[%parallel_loop3A_305] : memref<32768xf32, #tpu.memory_space<vmem>>[vector<16xi32>], vector<16xf32>,
        %parallel_loop3A_307 = arith.constant 34 : i32
        %parallel_loop3A_308 = vector.broadcast %parallel_loop3A_307 : i32 to vector<16xi32>
        %parallel_loop3A_309 = arith.addi %parallel_loop3A_64, %parallel_loop3A_308 : vector<16xi32>
        tpu.vector_store_idx %arg8[%parallel_loop3A_309], %parallel_loop3A_306 : memref<32768xf32, #tpu.memory_space<vmem>>[vector<16xi32>], vector<16xf32>,
        %parallel_loop3A_310 = arith.constant 35 : i32
        %parallel_loop3A_311 = vector.broadcast %parallel_loop3A_310 : i32 to vector<16xi32>
        %parallel_loop3A_312 = arith.addi %parallel_loop3A_60, %parallel_loop3A_311 : vector<16xi32>
        %parallel_loop3A_313 = tpu.vector_load_idx %arg5[%parallel_loop3A_312] : memref<32768xf32, #tpu.memory_space<vmem>>[vector<16xi32>], vector<16xf32>,
        %parallel_loop3A_314 = arith.constant 35 : i32
        %parallel_loop3A_315 = vector.broadcast %parallel_loop3A_314 : i32 to vector<16xi32>
        %parallel_loop3A_316 = arith.addi %parallel_loop3A_64, %parallel_loop3A_315 : vector<16xi32>
        tpu.vector_store_idx %arg8[%parallel_loop3A_316], %parallel_loop3A_313 : memref<32768xf32, #tpu.memory_space<vmem>>[vector<16xi32>], vector<16xf32>,
        %parallel_loop3A_317 = arith.constant 36 : i32
        %parallel_loop3A_318 = vector.broadcast %parallel_loop3A_317 : i32 to vector<16xi32>
        %parallel_loop3A_319 = arith.addi %parallel_loop3A_60, %parallel_loop3A_318 : vector<16xi32>
        %parallel_loop3A_320 = tpu.vector_load_idx %arg5[%parallel_loop3A_319] : memref<32768xf32, #tpu.memory_space<vmem>>[vector<16xi32>], vector<16xf32>,
        %parallel_loop3A_321 = arith.constant 36 : i32
        %parallel_loop3A_322 = vector.broadcast %parallel_loop3A_321 : i32 to vector<16xi32>
        %parallel_loop3A_323 = arith.addi %parallel_loop3A_64, %parallel_loop3A_322 : vector<16xi32>
        tpu.vector_store_idx %arg8[%parallel_loop3A_323], %parallel_loop3A_320 : memref<32768xf32, #tpu.memory_space<vmem>>[vector<16xi32>], vector<16xf32>,
        %parallel_loop3A_324 = arith.constant 37 : i32
        %parallel_loop3A_325 = vector.broadcast %parallel_loop3A_324 : i32 to vector<16xi32>
        %parallel_loop3A_326 = arith.addi %parallel_loop3A_60, %parallel_loop3A_325 : vector<16xi32>
        %parallel_loop3A_327 = tpu.vector_load_idx %arg5[%parallel_loop3A_326] : memref<32768xf32, #tpu.memory_space<vmem>>[vector<16xi32>], vector<16xf32>,
        %parallel_loop3A_328 = arith.constant 37 : i32
        %parallel_loop3A_329 = vector.broadcast %parallel_loop3A_328 : i32 to vector<16xi32>
        %parallel_loop3A_330 = arith.addi %parallel_loop3A_64, %parallel_loop3A_329 : vector<16xi32>
        tpu.vector_store_idx %arg8[%parallel_loop3A_330], %parallel_loop3A_327 : memref<32768xf32, #tpu.memory_space<vmem>>[vector<16xi32>], vector<16xf32>,
        %parallel_loop3A_331 = arith.constant 38 : i32
        %parallel_loop3A_332 = vector.broadcast %parallel_loop3A_331 : i32 to vector<16xi32>
        %parallel_loop3A_333 = arith.addi %parallel_loop3A_60, %parallel_loop3A_332 : vector<16xi32>
        %parallel_loop3A_334 = tpu.vector_load_idx %arg5[%parallel_loop3A_333] : memref<32768xf32, #tpu.memory_space<vmem>>[vector<16xi32>], vector<16xf32>,
        %parallel_loop3A_335 = arith.constant 38 : i32
        %parallel_loop3A_336 = vector.broadcast %parallel_loop3A_335 : i32 to vector<16xi32>
        %parallel_loop3A_337 = arith.addi %parallel_loop3A_64, %parallel_loop3A_336 : vector<16xi32>
        tpu.vector_store_idx %arg8[%parallel_loop3A_337], %parallel_loop3A_334 : memref<32768xf32, #tpu.memory_space<vmem>>[vector<16xi32>], vector<16xf32>,
        %parallel_loop3A_338 = arith.constant 39 : i32
        %parallel_loop3A_339 = vector.broadcast %parallel_loop3A_338 : i32 to vector<16xi32>
        %parallel_loop3A_340 = arith.addi %parallel_loop3A_60, %parallel_loop3A_339 : vector<16xi32>
        %parallel_loop3A_341 = tpu.vector_load_idx %arg5[%parallel_loop3A_340] : memref<32768xf32, #tpu.memory_space<vmem>>[vector<16xi32>], vector<16xf32>,
        %parallel_loop3A_342 = arith.constant 39 : i32
        %parallel_loop3A_343 = vector.broadcast %parallel_loop3A_342 : i32 to vector<16xi32>
        %parallel_loop3A_344 = arith.addi %parallel_loop3A_64, %parallel_loop3A_343 : vector<16xi32>
        tpu.vector_store_idx %arg8[%parallel_loop3A_344], %parallel_loop3A_341 : memref<32768xf32, #tpu.memory_space<vmem>>[vector<16xi32>], vector<16xf32>,
        %parallel_loop3A_345 = arith.constant 40 : i32
        %parallel_loop3A_346 = vector.broadcast %parallel_loop3A_345 : i32 to vector<16xi32>
        %parallel_loop3A_347 = arith.addi %parallel_loop3A_60, %parallel_loop3A_346 : vector<16xi32>
        %parallel_loop3A_348 = tpu.vector_load_idx %arg5[%parallel_loop3A_347] : memref<32768xf32, #tpu.memory_space<vmem>>[vector<16xi32>], vector<16xf32>,
        %parallel_loop3A_349 = arith.constant 40 : i32
        %parallel_loop3A_350 = vector.broadcast %parallel_loop3A_349 : i32 to vector<16xi32>
        %parallel_loop3A_351 = arith.addi %parallel_loop3A_64, %parallel_loop3A_350 : vector<16xi32>
        tpu.vector_store_idx %arg8[%parallel_loop3A_351], %parallel_loop3A_348 : memref<32768xf32, #tpu.memory_space<vmem>>[vector<16xi32>], vector<16xf32>,
        %parallel_loop3A_352 = arith.constant 41 : i32
        %parallel_loop3A_353 = vector.broadcast %parallel_loop3A_352 : i32 to vector<16xi32>
        %parallel_loop3A_354 = arith.addi %parallel_loop3A_60, %parallel_loop3A_353 : vector<16xi32>
        %parallel_loop3A_355 = tpu.vector_load_idx %arg5[%parallel_loop3A_354] : memref<32768xf32, #tpu.memory_space<vmem>>[vector<16xi32>], vector<16xf32>,
        %parallel_loop3A_356 = arith.constant 41 : i32
        %parallel_loop3A_357 = vector.broadcast %parallel_loop3A_356 : i32 to vector<16xi32>
        %parallel_loop3A_358 = arith.addi %parallel_loop3A_64, %parallel_loop3A_357 : vector<16xi32>
        tpu.vector_store_idx %arg8[%parallel_loop3A_358], %parallel_loop3A_355 : memref<32768xf32, #tpu.memory_space<vmem>>[vector<16xi32>], vector<16xf32>,
        %parallel_loop3A_359 = arith.constant 42 : i32
        %parallel_loop3A_360 = vector.broadcast %parallel_loop3A_359 : i32 to vector<16xi32>
        %parallel_loop3A_361 = arith.addi %parallel_loop3A_60, %parallel_loop3A_360 : vector<16xi32>
        %parallel_loop3A_362 = tpu.vector_load_idx %arg5[%parallel_loop3A_361] : memref<32768xf32, #tpu.memory_space<vmem>>[vector<16xi32>], vector<16xf32>,
        %parallel_loop3A_363 = arith.constant 42 : i32
        %parallel_loop3A_364 = vector.broadcast %parallel_loop3A_363 : i32 to vector<16xi32>
        %parallel_loop3A_365 = arith.addi %parallel_loop3A_64, %parallel_loop3A_364 : vector<16xi32>
        tpu.vector_store_idx %arg8[%parallel_loop3A_365], %parallel_loop3A_362 : memref<32768xf32, #tpu.memory_space<vmem>>[vector<16xi32>], vector<16xf32>,
        %parallel_loop3A_366 = arith.constant 43 : i32
        %parallel_loop3A_367 = vector.broadcast %parallel_loop3A_366 : i32 to vector<16xi32>
        %parallel_loop3A_368 = arith.addi %parallel_loop3A_60, %parallel_loop3A_367 : vector<16xi32>
        %parallel_loop3A_369 = tpu.vector_load_idx %arg5[%parallel_loop3A_368] : memref<32768xf32, #tpu.memory_space<vmem>>[vector<16xi32>], vector<16xf32>,
        %parallel_loop3A_370 = arith.constant 43 : i32
        %parallel_loop3A_371 = vector.broadcast %parallel_loop3A_370 : i32 to vector<16xi32>
        %parallel_loop3A_372 = arith.addi %parallel_loop3A_64, %parallel_loop3A_371 : vector<16xi32>
        tpu.vector_store_idx %arg8[%parallel_loop3A_372], %parallel_loop3A_369 : memref<32768xf32, #tpu.memory_space<vmem>>[vector<16xi32>], vector<16xf32>,
        %parallel_loop3A_373 = arith.constant 44 : i32
        %parallel_loop3A_374 = vector.broadcast %parallel_loop3A_373 : i32 to vector<16xi32>
        %parallel_loop3A_375 = arith.addi %parallel_loop3A_60, %parallel_loop3A_374 : vector<16xi32>
        %parallel_loop3A_376 = tpu.vector_load_idx %arg5[%parallel_loop3A_375] : memref<32768xf32, #tpu.memory_space<vmem>>[vector<16xi32>], vector<16xf32>,
        %parallel_loop3A_377 = arith.constant 44 : i32
        %parallel_loop3A_378 = vector.broadcast %parallel_loop3A_377 : i32 to vector<16xi32>
        %parallel_loop3A_379 = arith.addi %parallel_loop3A_64, %parallel_loop3A_378 : vector<16xi32>
        tpu.vector_store_idx %arg8[%parallel_loop3A_379], %parallel_loop3A_376 : memref<32768xf32, #tpu.memory_space<vmem>>[vector<16xi32>], vector<16xf32>,
        %parallel_loop3A_380 = arith.constant 45 : i32
        %parallel_loop3A_381 = vector.broadcast %parallel_loop3A_380 : i32 to vector<16xi32>
        %parallel_loop3A_382 = arith.addi %parallel_loop3A_60, %parallel_loop3A_381 : vector<16xi32>
        %parallel_loop3A_383 = tpu.vector_load_idx %arg5[%parallel_loop3A_382] : memref<32768xf32, #tpu.memory_space<vmem>>[vector<16xi32>], vector<16xf32>,
        %parallel_loop3A_384 = arith.constant 45 : i32
        %parallel_loop3A_385 = vector.broadcast %parallel_loop3A_384 : i32 to vector<16xi32>
        %parallel_loop3A_386 = arith.addi %parallel_loop3A_64, %parallel_loop3A_385 : vector<16xi32>
        tpu.vector_store_idx %arg8[%parallel_loop3A_386], %parallel_loop3A_383 : memref<32768xf32, #tpu.memory_space<vmem>>[vector<16xi32>], vector<16xf32>,
        %parallel_loop3A_387 = arith.constant 46 : i32
        %parallel_loop3A_388 = vector.broadcast %parallel_loop3A_387 : i32 to vector<16xi32>
        %parallel_loop3A_389 = arith.addi %parallel_loop3A_60, %parallel_loop3A_388 : vector<16xi32>
        %parallel_loop3A_390 = tpu.vector_load_idx %arg5[%parallel_loop3A_389] : memref<32768xf32, #tpu.memory_space<vmem>>[vector<16xi32>], vector<16xf32>,
        %parallel_loop3A_391 = arith.constant 46 : i32
        %parallel_loop3A_392 = vector.broadcast %parallel_loop3A_391 : i32 to vector<16xi32>
        %parallel_loop3A_393 = arith.addi %parallel_loop3A_64, %parallel_loop3A_392 : vector<16xi32>
        tpu.vector_store_idx %arg8[%parallel_loop3A_393], %parallel_loop3A_390 : memref<32768xf32, #tpu.memory_space<vmem>>[vector<16xi32>], vector<16xf32>,
        %parallel_loop3A_394 = arith.constant 47 : i32
        %parallel_loop3A_395 = vector.broadcast %parallel_loop3A_394 : i32 to vector<16xi32>
        %parallel_loop3A_396 = arith.addi %parallel_loop3A_60, %parallel_loop3A_395 : vector<16xi32>
        %parallel_loop3A_397 = tpu.vector_load_idx %arg5[%parallel_loop3A_396] : memref<32768xf32, #tpu.memory_space<vmem>>[vector<16xi32>], vector<16xf32>,
        %parallel_loop3A_398 = arith.constant 47 : i32
        %parallel_loop3A_399 = vector.broadcast %parallel_loop3A_398 : i32 to vector<16xi32>
        %parallel_loop3A_400 = arith.addi %parallel_loop3A_64, %parallel_loop3A_399 : vector<16xi32>
        tpu.vector_store_idx %arg8[%parallel_loop3A_400], %parallel_loop3A_397 : memref<32768xf32, #tpu.memory_space<vmem>>[vector<16xi32>], vector<16xf32>,
        %parallel_loop3A_401 = arith.constant 48 : i32
        %parallel_loop3A_402 = vector.broadcast %parallel_loop3A_401 : i32 to vector<16xi32>
        %parallel_loop3A_403 = arith.addi %parallel_loop3A_60, %parallel_loop3A_402 : vector<16xi32>
        %parallel_loop3A_404 = tpu.vector_load_idx %arg5[%parallel_loop3A_403] : memref<32768xf32, #tpu.memory_space<vmem>>[vector<16xi32>], vector<16xf32>,
        %parallel_loop3A_405 = arith.constant 48 : i32
        %parallel_loop3A_406 = vector.broadcast %parallel_loop3A_405 : i32 to vector<16xi32>
        %parallel_loop3A_407 = arith.addi %parallel_loop3A_64, %parallel_loop3A_406 : vector<16xi32>
        tpu.vector_store_idx %arg8[%parallel_loop3A_407], %parallel_loop3A_404 : memref<32768xf32, #tpu.memory_space<vmem>>[vector<16xi32>], vector<16xf32>,
        %parallel_loop3A_408 = arith.constant 49 : i32
        %parallel_loop3A_409 = vector.broadcast %parallel_loop3A_408 : i32 to vector<16xi32>
        %parallel_loop3A_410 = arith.addi %parallel_loop3A_60, %parallel_loop3A_409 : vector<16xi32>
        %parallel_loop3A_411 = tpu.vector_load_idx %arg5[%parallel_loop3A_410] : memref<32768xf32, #tpu.memory_space<vmem>>[vector<16xi32>], vector<16xf32>,
        %parallel_loop3A_412 = arith.constant 49 : i32
        %parallel_loop3A_413 = vector.broadcast %parallel_loop3A_412 : i32 to vector<16xi32>
        %parallel_loop3A_414 = arith.addi %parallel_loop3A_64, %parallel_loop3A_413 : vector<16xi32>
        tpu.vector_store_idx %arg8[%parallel_loop3A_414], %parallel_loop3A_411 : memref<32768xf32, #tpu.memory_space<vmem>>[vector<16xi32>], vector<16xf32>,
        %parallel_loop3A_415 = arith.constant 50 : i32
        %parallel_loop3A_416 = vector.broadcast %parallel_loop3A_415 : i32 to vector<16xi32>
        %parallel_loop3A_417 = arith.addi %parallel_loop3A_60, %parallel_loop3A_416 : vector<16xi32>
        %parallel_loop3A_418 = tpu.vector_load_idx %arg5[%parallel_loop3A_417] : memref<32768xf32, #tpu.memory_space<vmem>>[vector<16xi32>], vector<16xf32>,
        %parallel_loop3A_419 = arith.constant 50 : i32
        %parallel_loop3A_420 = vector.broadcast %parallel_loop3A_419 : i32 to vector<16xi32>
        %parallel_loop3A_421 = arith.addi %parallel_loop3A_64, %parallel_loop3A_420 : vector<16xi32>
        tpu.vector_store_idx %arg8[%parallel_loop3A_421], %parallel_loop3A_418 : memref<32768xf32, #tpu.memory_space<vmem>>[vector<16xi32>], vector<16xf32>,
        %parallel_loop3A_422 = arith.constant 51 : i32
        %parallel_loop3A_423 = vector.broadcast %parallel_loop3A_422 : i32 to vector<16xi32>
        %parallel_loop3A_424 = arith.addi %parallel_loop3A_60, %parallel_loop3A_423 : vector<16xi32>
        %parallel_loop3A_425 = tpu.vector_load_idx %arg5[%parallel_loop3A_424] : memref<32768xf32, #tpu.memory_space<vmem>>[vector<16xi32>], vector<16xf32>,
        %parallel_loop3A_426 = arith.constant 51 : i32
        %parallel_loop3A_427 = vector.broadcast %parallel_loop3A_426 : i32 to vector<16xi32>
        %parallel_loop3A_428 = arith.addi %parallel_loop3A_64, %parallel_loop3A_427 : vector<16xi32>
        tpu.vector_store_idx %arg8[%parallel_loop3A_428], %parallel_loop3A_425 : memref<32768xf32, #tpu.memory_space<vmem>>[vector<16xi32>], vector<16xf32>,
        %parallel_loop3A_429 = arith.constant 52 : i32
        %parallel_loop3A_430 = vector.broadcast %parallel_loop3A_429 : i32 to vector<16xi32>
        %parallel_loop3A_431 = arith.addi %parallel_loop3A_60, %parallel_loop3A_430 : vector<16xi32>
        %parallel_loop3A_432 = tpu.vector_load_idx %arg5[%parallel_loop3A_431] : memref<32768xf32, #tpu.memory_space<vmem>>[vector<16xi32>], vector<16xf32>,
        %parallel_loop3A_433 = arith.constant 52 : i32
        %parallel_loop3A_434 = vector.broadcast %parallel_loop3A_433 : i32 to vector<16xi32>
        %parallel_loop3A_435 = arith.addi %parallel_loop3A_64, %parallel_loop3A_434 : vector<16xi32>
        tpu.vector_store_idx %arg8[%parallel_loop3A_435], %parallel_loop3A_432 : memref<32768xf32, #tpu.memory_space<vmem>>[vector<16xi32>], vector<16xf32>,
        %parallel_loop3A_436 = arith.constant 53 : i32
        %parallel_loop3A_437 = vector.broadcast %parallel_loop3A_436 : i32 to vector<16xi32>
        %parallel_loop3A_438 = arith.addi %parallel_loop3A_60, %parallel_loop3A_437 : vector<16xi32>
        %parallel_loop3A_439 = tpu.vector_load_idx %arg5[%parallel_loop3A_438] : memref<32768xf32, #tpu.memory_space<vmem>>[vector<16xi32>], vector<16xf32>,
        %parallel_loop3A_440 = arith.constant 53 : i32
        %parallel_loop3A_441 = vector.broadcast %parallel_loop3A_440 : i32 to vector<16xi32>
        %parallel_loop3A_442 = arith.addi %parallel_loop3A_64, %parallel_loop3A_441 : vector<16xi32>
        tpu.vector_store_idx %arg8[%parallel_loop3A_442], %parallel_loop3A_439 : memref<32768xf32, #tpu.memory_space<vmem>>[vector<16xi32>], vector<16xf32>,
        %parallel_loop3A_443 = arith.constant 54 : i32
        %parallel_loop3A_444 = vector.broadcast %parallel_loop3A_443 : i32 to vector<16xi32>
        %parallel_loop3A_445 = arith.addi %parallel_loop3A_60, %parallel_loop3A_444 : vector<16xi32>
        %parallel_loop3A_446 = tpu.vector_load_idx %arg5[%parallel_loop3A_445] : memref<32768xf32, #tpu.memory_space<vmem>>[vector<16xi32>], vector<16xf32>,
        %parallel_loop3A_447 = arith.constant 54 : i32
        %parallel_loop3A_448 = vector.broadcast %parallel_loop3A_447 : i32 to vector<16xi32>
        %parallel_loop3A_449 = arith.addi %parallel_loop3A_64, %parallel_loop3A_448 : vector<16xi32>
        tpu.vector_store_idx %arg8[%parallel_loop3A_449], %parallel_loop3A_446 : memref<32768xf32, #tpu.memory_space<vmem>>[vector<16xi32>], vector<16xf32>,
        %parallel_loop3A_450 = arith.constant 55 : i32
        %parallel_loop3A_451 = vector.broadcast %parallel_loop3A_450 : i32 to vector<16xi32>
        %parallel_loop3A_452 = arith.addi %parallel_loop3A_60, %parallel_loop3A_451 : vector<16xi32>
        %parallel_loop3A_453 = tpu.vector_load_idx %arg5[%parallel_loop3A_452] : memref<32768xf32, #tpu.memory_space<vmem>>[vector<16xi32>], vector<16xf32>,
        %parallel_loop3A_454 = arith.constant 55 : i32
        %parallel_loop3A_455 = vector.broadcast %parallel_loop3A_454 : i32 to vector<16xi32>
        %parallel_loop3A_456 = arith.addi %parallel_loop3A_64, %parallel_loop3A_455 : vector<16xi32>
        tpu.vector_store_idx %arg8[%parallel_loop3A_456], %parallel_loop3A_453 : memref<32768xf32, #tpu.memory_space<vmem>>[vector<16xi32>], vector<16xf32>,
        %parallel_loop3A_457 = arith.constant 56 : i32
        %parallel_loop3A_458 = vector.broadcast %parallel_loop3A_457 : i32 to vector<16xi32>
        %parallel_loop3A_459 = arith.addi %parallel_loop3A_60, %parallel_loop3A_458 : vector<16xi32>
        %parallel_loop3A_460 = tpu.vector_load_idx %arg5[%parallel_loop3A_459] : memref<32768xf32, #tpu.memory_space<vmem>>[vector<16xi32>], vector<16xf32>,
        %parallel_loop3A_461 = arith.constant 56 : i32
        %parallel_loop3A_462 = vector.broadcast %parallel_loop3A_461 : i32 to vector<16xi32>
        %parallel_loop3A_463 = arith.addi %parallel_loop3A_64, %parallel_loop3A_462 : vector<16xi32>
        tpu.vector_store_idx %arg8[%parallel_loop3A_463], %parallel_loop3A_460 : memref<32768xf32, #tpu.memory_space<vmem>>[vector<16xi32>], vector<16xf32>,
        %parallel_loop3A_464 = arith.constant 57 : i32
        %parallel_loop3A_465 = vector.broadcast %parallel_loop3A_464 : i32 to vector<16xi32>
        %parallel_loop3A_466 = arith.addi %parallel_loop3A_60, %parallel_loop3A_465 : vector<16xi32>
        %parallel_loop3A_467 = tpu.vector_load_idx %arg5[%parallel_loop3A_466] : memref<32768xf32, #tpu.memory_space<vmem>>[vector<16xi32>], vector<16xf32>,
        %parallel_loop3A_468 = arith.constant 57 : i32
        %parallel_loop3A_469 = vector.broadcast %parallel_loop3A_468 : i32 to vector<16xi32>
        %parallel_loop3A_470 = arith.addi %parallel_loop3A_64, %parallel_loop3A_469 : vector<16xi32>
        tpu.vector_store_idx %arg8[%parallel_loop3A_470], %parallel_loop3A_467 : memref<32768xf32, #tpu.memory_space<vmem>>[vector<16xi32>], vector<16xf32>,
        %parallel_loop3A_471 = arith.constant 58 : i32
        %parallel_loop3A_472 = vector.broadcast %parallel_loop3A_471 : i32 to vector<16xi32>
        %parallel_loop3A_473 = arith.addi %parallel_loop3A_60, %parallel_loop3A_472 : vector<16xi32>
        %parallel_loop3A_474 = tpu.vector_load_idx %arg5[%parallel_loop3A_473] : memref<32768xf32, #tpu.memory_space<vmem>>[vector<16xi32>], vector<16xf32>,
        %parallel_loop3A_475 = arith.constant 58 : i32
        %parallel_loop3A_476 = vector.broadcast %parallel_loop3A_475 : i32 to vector<16xi32>
        %parallel_loop3A_477 = arith.addi %parallel_loop3A_64, %parallel_loop3A_476 : vector<16xi32>
        tpu.vector_store_idx %arg8[%parallel_loop3A_477], %parallel_loop3A_474 : memref<32768xf32, #tpu.memory_space<vmem>>[vector<16xi32>], vector<16xf32>,
        %parallel_loop3A_478 = arith.constant 59 : i32
        %parallel_loop3A_479 = vector.broadcast %parallel_loop3A_478 : i32 to vector<16xi32>
        %parallel_loop3A_480 = arith.addi %parallel_loop3A_60, %parallel_loop3A_479 : vector<16xi32>
        %parallel_loop3A_481 = tpu.vector_load_idx %arg5[%parallel_loop3A_480] : memref<32768xf32, #tpu.memory_space<vmem>>[vector<16xi32>], vector<16xf32>,
        %parallel_loop3A_482 = arith.constant 59 : i32
        %parallel_loop3A_483 = vector.broadcast %parallel_loop3A_482 : i32 to vector<16xi32>
        %parallel_loop3A_484 = arith.addi %parallel_loop3A_64, %parallel_loop3A_483 : vector<16xi32>
        tpu.vector_store_idx %arg8[%parallel_loop3A_484], %parallel_loop3A_481 : memref<32768xf32, #tpu.memory_space<vmem>>[vector<16xi32>], vector<16xf32>,
        %parallel_loop3A_485 = arith.constant 60 : i32
        %parallel_loop3A_486 = vector.broadcast %parallel_loop3A_485 : i32 to vector<16xi32>
        %parallel_loop3A_487 = arith.addi %parallel_loop3A_60, %parallel_loop3A_486 : vector<16xi32>
        %parallel_loop3A_488 = tpu.vector_load_idx %arg5[%parallel_loop3A_487] : memref<32768xf32, #tpu.memory_space<vmem>>[vector<16xi32>], vector<16xf32>,
        %parallel_loop3A_489 = arith.constant 60 : i32
        %parallel_loop3A_490 = vector.broadcast %parallel_loop3A_489 : i32 to vector<16xi32>
        %parallel_loop3A_491 = arith.addi %parallel_loop3A_64, %parallel_loop3A_490 : vector<16xi32>
        tpu.vector_store_idx %arg8[%parallel_loop3A_491], %parallel_loop3A_488 : memref<32768xf32, #tpu.memory_space<vmem>>[vector<16xi32>], vector<16xf32>,
        %parallel_loop3A_492 = arith.constant 61 : i32
        %parallel_loop3A_493 = vector.broadcast %parallel_loop3A_492 : i32 to vector<16xi32>
        %parallel_loop3A_494 = arith.addi %parallel_loop3A_60, %parallel_loop3A_493 : vector<16xi32>
        %parallel_loop3A_495 = tpu.vector_load_idx %arg5[%parallel_loop3A_494] : memref<32768xf32, #tpu.memory_space<vmem>>[vector<16xi32>], vector<16xf32>,
        %parallel_loop3A_496 = arith.constant 61 : i32
        %parallel_loop3A_497 = vector.broadcast %parallel_loop3A_496 : i32 to vector<16xi32>
        %parallel_loop3A_498 = arith.addi %parallel_loop3A_64, %parallel_loop3A_497 : vector<16xi32>
        tpu.vector_store_idx %arg8[%parallel_loop3A_498], %parallel_loop3A_495 : memref<32768xf32, #tpu.memory_space<vmem>>[vector<16xi32>], vector<16xf32>,
        %parallel_loop3A_499 = arith.constant 62 : i32
        %parallel_loop3A_500 = vector.broadcast %parallel_loop3A_499 : i32 to vector<16xi32>
        %parallel_loop3A_501 = arith.addi %parallel_loop3A_60, %parallel_loop3A_500 : vector<16xi32>
        %parallel_loop3A_502 = tpu.vector_load_idx %arg5[%parallel_loop3A_501] : memref<32768xf32, #tpu.memory_space<vmem>>[vector<16xi32>], vector<16xf32>,
        %parallel_loop3A_503 = arith.constant 62 : i32
        %parallel_loop3A_504 = vector.broadcast %parallel_loop3A_503 : i32 to vector<16xi32>
        %parallel_loop3A_505 = arith.addi %parallel_loop3A_64, %parallel_loop3A_504 : vector<16xi32>
        tpu.vector_store_idx %arg8[%parallel_loop3A_505], %parallel_loop3A_502 : memref<32768xf32, #tpu.memory_space<vmem>>[vector<16xi32>], vector<16xf32>,
        %parallel_loop3A_506 = arith.constant 63 : i32
        %parallel_loop3A_507 = vector.broadcast %parallel_loop3A_506 : i32 to vector<16xi32>
        %parallel_loop3A_508 = arith.addi %parallel_loop3A_60, %parallel_loop3A_507 : vector<16xi32>
        %parallel_loop3A_509 = tpu.vector_load_idx %arg5[%parallel_loop3A_508] : memref<32768xf32, #tpu.memory_space<vmem>>[vector<16xi32>], vector<16xf32>,
        %parallel_loop3A_510 = arith.constant 63 : i32
        %parallel_loop3A_511 = vector.broadcast %parallel_loop3A_510 : i32 to vector<16xi32>
        %parallel_loop3A_512 = arith.addi %parallel_loop3A_64, %parallel_loop3A_511 : vector<16xi32>
        tpu.vector_store_idx %arg8[%parallel_loop3A_512], %parallel_loop3A_509 : memref<32768xf32, #tpu.memory_space<vmem>>[vector<16xi32>], vector<16xf32>,
      } {sc.loop_unroll_factor = 8 : i64, sc.parallel_access}
      %mul3A_42 = arith.constant 512 : i32
      %mul3A_43 = arith.muli %add3A_22, %mul3A_42 : i32
      %add3A_44 = arith.addi %multiple_of3A, %mul3A_43 : i32
      %mul3A_45 = arith.constant 64 : i32
      %mul3A_46 = arith.muli %add3A_44, %mul3A_45 : i32
      %multiple_of3A_47 = tpu.assume_multiple %mul3A_46, 32768 : i32
      %dma_start3A_48 = tpu.memref_slice %arg4[%multiple_of3A_47] : memref<8388608xf32, #tpu.memory_space<hbm>> -> memref<32768xf32, #tpu.memory_space<hbm>>
      %dma_start3A_49 = tpu.memref_slice %arg4[%multiple_of3A_47] : memref<8388608xf32, #tpu.memory_space<hbm>> -> memref<32768xf32, #tpu.memory_space<hbm>>
      tpu.enqueue_dma source(%arg8 : memref<32768xf32, #tpu.memory_space<vmem>>) target(%dma_start3A_49 : memref<32768xf32, #tpu.memory_space<hbm>>) target_semaphore(%arg10 : memref<!tpu.dma_semaphore, #tpu.memory_space<semaphore_mem>>)
    }
    %scan3A_10 = arith.constant 4 : i32
    %mul3A_11 = arith.constant 64 : i32
    %mul3A_12 = arith.muli %multiple_of3A, %mul3A_11 : i32
    %dma_wait3A = tpu.memref_slice %arg4[%mul3A_12] : memref<8388608xf32, #tpu.memory_space<hbm>> -> memref<32768xf32, #tpu.memory_space<hbm>>
    %dma_wait3A_13 = tpu.memref_slice %arg4[%mul3A_12] : memref<8388608xf32, #tpu.memory_space<hbm>> -> memref<32768xf32, #tpu.memory_space<hbm>>
    tpu.wait_dma2 semaphore(%arg9 : memref<!tpu.dma_semaphore, #tpu.memory_space<semaphore_mem>>) src(%arg7 : memref<32768xf32, #tpu.memory_space<vmem>>) dst(%dma_wait3A_13 : memref<32768xf32, #tpu.memory_space<hbm>>)
    %mul3A_14 = arith.constant 64 : i32
    %mul3A_15 = arith.muli %multiple_of3A, %mul3A_14 : i32
    %dma_wait3A_16 = tpu.memref_slice %arg4[%mul3A_15] : memref<8388608xf32, #tpu.memory_space<hbm>> -> memref<32768xf32, #tpu.memory_space<hbm>>
    %dma_wait3A_17 = tpu.memref_slice %arg4[%mul3A_15] : memref<8388608xf32, #tpu.memory_space<hbm>> -> memref<32768xf32, #tpu.memory_space<hbm>>
    tpu.wait_dma2 semaphore(%arg10 : memref<!tpu.dma_semaphore, #tpu.memory_space<semaphore_mem>>) src(%arg8 : memref<32768xf32, #tpu.memory_space<vmem>>) dst(%dma_wait3A_17 : memref<32768xf32, #tpu.memory_space<hbm>>)
    return
  }
}

module attributes {stable_mosaic.version = 14 : i64} {
  func.func @_tc_body(%arg0: i32, %arg1: memref<1024x1xf32, #tpu.memory_space<vmem>>, %arg2: memref<1024x64xf32, #tpu.memory_space<vmem>>, %arg3: memref<64x512xf32, #tpu.memory_space<vmem>>, %arg4: memref<1024x1xf32, #tpu.memory_space<vmem>>, %arg5: memref<1x512xf32, #tpu.memory_space<vmem>>, %arg6: memref<1024x1xi32, #tpu.memory_space<vmem>>, %arg7: memref<1x1xf32, #tpu.memory_space<vmem>>, %arg8: memref<1x1xf32, #tpu.memory_space<vmem>>) attributes {dimension_semantics = [#tpu.dimension_semantics<arbitrary>], iteration_bounds = array<i64: 128>, scalar_prefetch = 0 : i64, scratch_operands = 1 : i64, tpu.core_type = #tpu.core_type<tc>, window_params = [{transform_indices = @transform_0, window_bounds = array<i64: 1024, 1>}, {transform_indices = @transform_1, window_bounds = array<i64: 1024, 64>}, {pipeline_mode = #tpu.pipeline_mode<synchronous>, transform_indices = @transform_2, window_bounds = array<i64: 64, 512>}, {transform_indices = @transform_3, window_bounds = array<i64: 1024, 1>}, {pipeline_mode = #tpu.pipeline_mode<synchronous>, transform_indices = @transform_4, window_bounds = array<i64: 1, 512>}, {transform_indices = @transform_5, window_bounds = array<i64: 1024, 1>}, {pipeline_mode = #tpu.pipeline_mode<synchronous>, transform_indices = @transform_6, window_bounds = array<i64: 1, 1>}]} {
    %get3A = arith.constant 0 : index
    %get3A_0 = arith.constant 0 : index
    %get3A_1 = vector.load %arg2[%get3A, %get3A_0] : memref<1024x64xf32, #tpu.memory_space<vmem>>, vector<1024x64xf32>
    %get3A_2 = arith.constant 0 : index
    %get3A_3 = arith.constant 0 : index
    %get3A_4 = vector.load %arg3[%get3A_2, %get3A_3] : memref<64x512xf32, #tpu.memory_space<vmem>>, vector<64x512xf32>
    %dot_general3A = arith.constant dense<0.000000e+00> : vector<1024x512xf32>
    %dot_general3A_5 = tpu.matmul %get3A_1, %get3A_4, %dot_general3A {dimension_numbers = #tpu.dot_dimension_numbers<[1], [0], [0], [1], [0, 0, 1, 1], [], []>, transpose_lhs_hint = false} : vector<1024x64xf32>, vector<64x512xf32>, vector<1024x512xf32> -> vector<1024x512xf32>
    %get3A_6 = arith.constant 0 : index
    %get3A_7 = arith.constant 0 : index
    %get3A_8 = vector.load %arg4[%get3A_6, %get3A_7] : memref<1024x1xf32, #tpu.memory_space<vmem>>, vector<1024x1xf32>
    %get3A_9 = arith.constant 0 : index
    %get3A_10 = arith.constant 0 : index
    %get3A_11 = vector.load %arg5[%get3A_9, %get3A_10] : memref<1x512xf32, #tpu.memory_space<vmem>>, vector<1x512xf32>
    %add3A = vector.broadcast %get3A_8 : vector<1024x1xf32> to vector<1024x512xf32>
    %add3A_12 = vector.broadcast %get3A_11 : vector<1x512xf32> to vector<1024x512xf32>
    %add3A_13 = arith.addf %add3A, %add3A_12 : vector<1024x512xf32>
    %add3A_14 = arith.addf %add3A_13, %dot_general3A_5 : vector<1024x512xf32>
    %get3A_15 = arith.constant 0 : index
    %get3A_16 = arith.constant 0 : index
    %get3A_17 = vector.load %arg1[%get3A_15, %get3A_16] : memref<1024x1xf32, #tpu.memory_space<vmem>>, vector<1024x1xf32>
    %eq3A = arith.constant 5.000000e+00 : f32
    %eq3A_18 = vector.broadcast %eq3A : f32 to vector<1024x1xf32>
    %eq3A_19 = arith.cmpf oeq, %get3A_17, %eq3A_18 : vector<1024x1xf32>
    %eq3A_20 = arith.constant 6.000000e+00 : f32
    %eq3A_21 = vector.broadcast %eq3A_20 : f32 to vector<1024x1xf32>
    %eq3A_22 = arith.cmpf oeq, %get3A_17, %eq3A_21 : vector<1024x1xf32>
    %eq3A_23 = arith.constant 7.000000e+00 : f32
    %eq3A_24 = vector.broadcast %eq3A_23 : f32 to vector<1024x1xf32>
    %eq3A_25 = arith.cmpf oeq, %get3A_17, %eq3A_24 : vector<1024x1xf32>
    %jit3A = arith.constant 434 : i32
    %jit3A_26 = arith.constant 489 : i32
    %broadcast_in_dim3A = vector.broadcast %jit3A : i32 to vector<1024x1xi32>
    %broadcast_in_dim3A_27 = vector.broadcast %jit3A_26 : i32 to vector<1024x1xi32>
    %select_n3A = arith.select %eq3A_25, %broadcast_in_dim3A, %broadcast_in_dim3A_27 : vector<1024x1xi1>, vector<1024x1xi32>
    %jit3A_28 = arith.constant 378 : i32
    %broadcast_in_dim3A_29 = vector.broadcast %jit3A_28 : i32 to vector<1024x1xi32>
    %select_n3A_30 = arith.select %eq3A_22, %broadcast_in_dim3A_29, %select_n3A : vector<1024x1xi1>, vector<1024x1xi32>
    %jit3A_31 = arith.constant 0 : i32
    %broadcast_in_dim3A_32 = vector.broadcast %jit3A_31 : i32 to vector<1024x1xi32>
    %select_n3A_33 = arith.select %eq3A_19, %broadcast_in_dim3A_32, %select_n3A_30 : vector<1024x1xi1>, vector<1024x1xi32>
    %eq3A_34 = arith.constant 5.000000e+00 : f32
    %eq3A_35 = vector.broadcast %eq3A_34 : f32 to vector<1024x1xf32>
    %eq3A_36 = arith.cmpf oeq, %get3A_17, %eq3A_35 : vector<1024x1xf32>
    %eq3A_37 = arith.constant 6.000000e+00 : f32
    %eq3A_38 = vector.broadcast %eq3A_37 : f32 to vector<1024x1xf32>
    %eq3A_39 = arith.cmpf oeq, %get3A_17, %eq3A_38 : vector<1024x1xf32>
    %eq3A_40 = arith.constant 7.000000e+00 : f32
    %eq3A_41 = vector.broadcast %eq3A_40 : f32 to vector<1024x1xf32>
    %eq3A_42 = arith.cmpf oeq, %get3A_17, %eq3A_41 : vector<1024x1xf32>
    %jit3A_43 = arith.constant 488 : i32
    %jit3A_44 = arith.constant 511 : i32
    %broadcast_in_dim3A_45 = vector.broadcast %jit3A_43 : i32 to vector<1024x1xi32>
    %broadcast_in_dim3A_46 = vector.broadcast %jit3A_44 : i32 to vector<1024x1xi32>
    %select_n3A_47 = arith.select %eq3A_42, %broadcast_in_dim3A_45, %broadcast_in_dim3A_46 : vector<1024x1xi1>, vector<1024x1xi32>
    %jit3A_48 = arith.constant 433 : i32
    %broadcast_in_dim3A_49 = vector.broadcast %jit3A_48 : i32 to vector<1024x1xi32>
    %select_n3A_50 = arith.select %eq3A_39, %broadcast_in_dim3A_49, %select_n3A_47 : vector<1024x1xi1>, vector<1024x1xi32>
    %jit3A_51 = arith.constant 377 : i32
    %broadcast_in_dim3A_52 = vector.broadcast %jit3A_51 : i32 to vector<1024x1xi32>
    %select_n3A_53 = arith.select %eq3A_36, %broadcast_in_dim3A_52, %select_n3A_50 : vector<1024x1xi1>, vector<1024x1xi32>
    %sub3A = arith.subi %select_n3A_53, %select_n3A_33 : vector<1024x1xi32>
    %iota3A = tpu.iota {dimensions = array<i32: 1>} : vector<1024x512xi32>
    %sub3A_54 = vector.broadcast %select_n3A_33 : vector<1024x1xi32> to vector<1024x512xi32>
    %sub3A_55 = arith.subi %iota3A, %sub3A_54 : vector<1024x512xi32>
    %lt3A = vector.broadcast %sub3A : vector<1024x1xi32> to vector<1024x512xi32>
    %lt3A_56 = arith.cmpi ult, %sub3A_55, %lt3A : vector<1024x512xi32>
    %jit3A_57 = arith.constant 0x7F800000 : f32
    %broadcast_in_dim3A_58 = vector.broadcast %jit3A_57 : f32 to vector<1024x512xf32>
    %select_n3A_59 = arith.select %lt3A_56, %add3A_14, %broadcast_in_dim3A_58 : vector<1024x512xi1>, vector<1024x512xf32>
    %reduce_min3A = arith.constant dense<0x7F800000> : vector<1024xf32>
    %reduce_min3A_60 = vector.multi_reduction <minimumf>, %select_n3A_59, %reduce_min3A [1] : vector<1024x512xf32> to vector<1024xf32>
    %broadcast_in_dim3A_61 = vector.shape_cast %reduce_min3A_60 : vector<1024xf32> to vector<1024x1xf32>
    %eq3A_62 = vector.broadcast %broadcast_in_dim3A_61 : vector<1024x1xf32> to vector<1024x512xf32>
    %eq3A_63 = arith.cmpf oeq, %select_n3A_59, %eq3A_62 : vector<1024x512xf32>
    %jit3A_64 = arith.constant 512 : i32
    %broadcast_in_dim3A_65 = vector.broadcast %jit3A_64 : i32 to vector<1024x512xi32>
    %select_n3A_66 = arith.select %eq3A_63, %iota3A, %broadcast_in_dim3A_65 : vector<1024x512xi1>, vector<1024x512xi32>
    %reduce_min3A_67 = arith.constant dense<2147483647> : vector<1024xi32>
    %reduce_min3A_68 = vector.multi_reduction <minsi>, %select_n3A_66, %reduce_min3A_67 [1] : vector<1024x512xi32> to vector<1024xi32>
    %broadcast_in_dim3A_69 = vector.shape_cast %reduce_min3A_68 : vector<1024xi32> to vector<1024x1xi32>
    %swap3A = arith.constant 0 : index
    %swap3A_70 = arith.constant 0 : index
    %swap3A_71 = vector.load %arg6[%swap3A, %swap3A_70] : memref<1024x1xi32, #tpu.memory_space<vmem>>, vector<1024x1xi32>
    tpu.vector_store %arg6[%swap3A, %swap3A_70], %broadcast_in_dim3A_69 {strides = array<i32>} : memref<1024x1xi32, #tpu.memory_space<vmem>>, vector<1024x1xi32>,
    %reduce_sum3A = vector.shape_cast %broadcast_in_dim3A_61 : vector<1024x1xf32> to vector<1x1024x1xf32>
    %reduce_sum3A_72 = arith.constant dense<0.000000e+00> : vector<1xf32>
    %reduce_sum3A_73 = vector.multi_reduction <add>, %reduce_sum3A, %reduce_sum3A_72 [1, 2] : vector<1x1024x1xf32> to vector<1xf32>
    %reduce_sum3A_74 = vector.shape_cast %reduce_sum3A_73 : vector<1xf32> to vector<1x1x1xf32>
    %reduce_sum3A_75 = vector.extract %reduce_sum3A_74[0, 0, 0] : f32 from vector<1x1x1xf32>
    %reshape3A = vector.broadcast %reduce_sum3A_75 : f32 to vector<1x1xf32>
    %eq3A_76 = arith.constant 0 : i32
    %eq3A_77 = arith.cmpi eq, %arg0, %eq3A_76 : i32
    %convert_element_type3A = arith.extui %eq3A_77 : i1 to i32
    %cond3A = arith.constant 0 : i32
    %cond3A_78 = arith.cmpi ne, %convert_element_type3A, %cond3A : i32
    scf.if %cond3A_78 {
      %broadcast_in_dim3A_91 = arith.constant 0.000000e+00 : f32
      %broadcast_in_dim3A_92 = vector.broadcast %broadcast_in_dim3A_91 : f32 to vector<1x1xf32>
      %swap3A_93 = arith.constant 0 : index
      %swap3A_94 = arith.constant 0 : index
      %swap3A_95 = vector.load %arg8[%swap3A_93, %swap3A_94] : memref<1x1xf32, #tpu.memory_space<vmem>>, vector<1x1xf32>
      tpu.vector_store %arg8[%swap3A_93, %swap3A_94], %broadcast_in_dim3A_92 {strides = array<i32>} : memref<1x1xf32, #tpu.memory_space<vmem>>, vector<1x1xf32>,
    } else {
    }
    %get3A_79 = arith.constant 0 : index
    %get3A_80 = arith.constant 0 : index
    %get3A_81 = vector.load %arg8[%get3A_79, %get3A_80] : memref<1x1xf32, #tpu.memory_space<vmem>>, vector<1x1xf32>
    %add3A_82 = arith.addf %get3A_81, %reshape3A : vector<1x1xf32>
    %swap3A_83 = arith.constant 0 : index
    %swap3A_84 = arith.constant 0 : index
    %swap3A_85 = vector.load %arg8[%swap3A_83, %swap3A_84] : memref<1x1xf32, #tpu.memory_space<vmem>>, vector<1x1xf32>
    tpu.vector_store %arg8[%swap3A_83, %swap3A_84], %add3A_82 {strides = array<i32>} : memref<1x1xf32, #tpu.memory_space<vmem>>, vector<1x1xf32>,
    %eq3A_86 = arith.constant 127 : i32
    %eq3A_87 = arith.cmpi eq, %arg0, %eq3A_86 : i32
    %convert_element_type3A_88 = arith.extui %eq3A_87 : i1 to i32
    %cond3A_89 = arith.constant 0 : i32
    %cond3A_90 = arith.cmpi ne, %convert_element_type3A_88, %cond3A_89 : i32
    scf.if %cond3A_90 {
      %get3A_91 = arith.constant 0 : index
      %get3A_92 = arith.constant 0 : index
      %get3A_93 = vector.load %arg8[%get3A_91, %get3A_92] : memref<1x1xf32, #tpu.memory_space<vmem>>, vector<1x1xf32>
      %swap3A_94 = arith.constant 0 : index
      %swap3A_95 = arith.constant 0 : index
      %swap3A_96 = vector.load %arg7[%swap3A_94, %swap3A_95] : memref<1x1xf32, #tpu.memory_space<vmem>>, vector<1x1xf32>
      tpu.vector_store %arg7[%swap3A_94, %swap3A_95], %get3A_93 {strides = array<i32>} : memref<1x1xf32, #tpu.memory_space<vmem>>, vector<1x1xf32>,
    } else {
    }
    return
  }
  func.func @transform_0(%arg0: i32) -> (i32, i32) {
    %c0_i32 = arith.constant 0 : i32
    %c0_i32_0 = arith.constant 0 : i32
    return %arg0, %c0_i32 : i32, i32
  }
  func.func @transform_1(%arg0: i32) -> (i32, i32) {
    %c0_i32 = arith.constant 0 : i32
    %c0_i32_0 = arith.constant 0 : i32
    return %arg0, %c0_i32 : i32, i32
  }
  func.func @transform_2(%arg0: i32) -> (i32, i32) {
    %c0_i32 = arith.constant 0 : i32
    %c0_i32_0 = arith.constant 0 : i32
    %c0_i32_1 = arith.constant 0 : i32
    return %c0_i32, %c0_i32_0 : i32, i32
  }
  func.func @transform_3(%arg0: i32) -> (i32, i32) {
    %c0_i32 = arith.constant 0 : i32
    %c0_i32_0 = arith.constant 0 : i32
    return %arg0, %c0_i32 : i32, i32
  }
  func.func @transform_4(%arg0: i32) -> (i32, i32) {
    %c0_i32 = arith.constant 0 : i32
    %c0_i32_0 = arith.constant 0 : i32
    %c0_i32_1 = arith.constant 0 : i32
    return %c0_i32, %c0_i32_0 : i32, i32
  }
  func.func @transform_5(%arg0: i32) -> (i32, i32) {
    %c0_i32 = arith.constant 0 : i32
    %c0_i32_0 = arith.constant 0 : i32
    return %arg0, %c0_i32 : i32, i32
  }
  func.func @transform_6(%arg0: i32) -> (i32, i32) {
    %c0_i32 = arith.constant 0 : i32
    %c0_i32_0 = arith.constant 0 : i32
    %c0_i32_1 = arith.constant 0 : i32
    return %c0_i32, %c0_i32_0 : i32, i32
  }
}

</mosaic_0001>

<sc_bundles>
// kernel: kernel.4.cloned.1.call-start
scs
__scs_entry_jumppad:
0x0: {  	(pc) =	sbr.rel $0x88, $3  }
0x1: {  	(tag) =	ssettag $0x0;
	lr =	simm.s32 $0x1  }
0x2: {  	[smem:$0x3F9E] =	sst lr;
	_ =	strace $0xD0000000  }
0x3: {  	_ = 	snop  }
0x4: {  	_ = 	snop  }
0x5: {  	_ = 	snop  }
0x6: {  	_ = 	snop  }
0x7: {  	_ = 	snop  }
__scs_overlays_trampoline_lowered:
0x8: {  	[smem:$0x3FAD] =	sst s0  }
0x9: {  	[smem:$0x3FAE] =	sst s1  }
0xa: {  	[smem:$0x3FAF] =	sst s2  }
0xb: {  	[smem:$0x3FB0] =	sst s3  }
0xc: {  	[smem:$0x3FB1] =	sst s4  }
0xd: {  	[smem:$0x3FB2] =	sst s5  }
0xe: {  	[smem:$0x3FB3] =	sst s6  }
0xf: {  	[smem:$0x3FB4] =	sst s7  }
0x10: {  	[smem:$0x3FB5] =	sst s8  }
0x11: {  	[smem:$0x3FB6] =	sst s9;
	s0 =	simm.s32 @!p0 $0x0  }
0x12: {  	s1 =	sld [smem:$0x3F9C];
	s0 =	simm.s32 @p0 $0x1  }
0x13: {  	[smem:$0x3FB7] =	sst s0;
	s0 =	simm.s32 @!p1 $0x0  }
0x14: {  	s2 =	sld [smem:$0x3F9B];
	s0 =	simm.s32 @p1 $0x1  }
0x15: {  	[smem:$0x3FB8] =	sst s0;
	s0 =	simm.s32 @!p2 $0x0  }
0x16: {  	s3 =	sld [smem:$0x3FDB];
	s0 =	simm.s32 @p2 $0x1  }
0x17: {  	s4 =	simm.s32 $0x1BF5;
	[smem:$0x3FBA] =	sst s0  }
0x18: {  	s0 =	sld [smem:$0x3F9D];
	_ =	swait.ge [sflag:s4], $0x0  }
0x19: {  	s7 =	sld [smem:$0x3F9E]  }
0x1a: {  	s8 =	sadd.s32 $0xFFFFE003, lr  }
0x1b: {  	s9 =	sadd.s32 $0xFFFFFEF7, lr;
	s5 =	simm.s32 $0xFFFFFFFF;
	p2 =	slt.u32 s8, $0xFFFFF086  }
0x1c: {  	p1 =	slt.u32 s9, $0xF7A;
	s5 =	simm.s32 @!p2 $0x0  }
0x1d: {  	s5 =	simm.s32 @p1 $0x1;
	p0 =	seq.s32 s7, s2  }
0x1e: {  	s7 =	smul.u32 @!p0 $0xF7A, s2;
	p2 =	seq.s32 @!p0 s5, $0x0  }
0x1f: {  	s9 =	smul.u32 $0xF7A, s1;
	s8 =	simm.s32 @!p0 $0x1BF5;
	p2 =	por !p2, p0  }
0x20: {  	[sflag:s8] =	ssyncset.s32 @!p0 $0xFFFFF086;
	s6 =	sadd.s32 @!p0 s3, s7;
	s7 =	simm.s32 @!p0 $0x108  }
0x21: {  	s3 =	sadd.s32 s3, s9;
	s6 =	sadd.s32 @!p0 $0x88, s6;
	s7 =	simm.s32 @p2 $0x1082  }
0x22: {  	[simem:s7], [sflag:s8] =	dma.local @!p0 [hbm:s6], $0xF7A  }
0x23: {  	s9 =	sor.u32 $0xD0000000, s2;
	s6 =	simm.s32 $0x108;
	_ =	swait.ge @!p0 [sflag:s8], $0x0  }
0x24: {  	s3 =	sadd.s32 $0x88, s3;
	s6 =	simm.s32 @!p1 $0x1082;
	[sflag:s4] =	ssyncset.s32 $0xFFFFF086  }
0x25: {  	[simem:s6], [sflag:s4] =	dma.local [hbm:s3], $0xF7A  }
0x26: {  	[smem:$0x3F9E] =	sst s1;
	(tag) =	ssettag s2;
	_ =	strace s9  }
0x27: {  	s1 =	sld [smem:$0x3FAE]  }
0x28: {  	s2 =	sld [smem:$0x3FAF]  }
0x29: {  	s4 =	sld [smem:$0x3FB1]  }
0x2a: {  	p0 =	seq.s32 s5, $0x0;
	s5 =	sld [smem:$0x3FB2]  }
0x2b: {  	s6 =	sld [smem:$0x3FB3]  }
0x2c: {  	s7 =	sld [smem:$0x3FB4]  }
0x2d: {  	s3 =	simm.s32 $0x108;
	s8 =	sld [smem:$0x3FB5]  }
0x2e: {  	s3 =	simm.s32 @!p0 $0x1082;
	s9 =	sld [smem:$0x3FB6]  }
0x2f: {  	lr =	sadd.s32 s0, s3;
	s0 =	sld [smem:$0x3FAD]  }
0x30: {  	s3 =	sld [smem:$0x3FB0]  }
0x31: {  	[smem:$0x3FB9] =	sst s10  }
0x32: {  	s10 =	sld [smem:$0x3FB7];
	_ =	sdelay $0x3  }
0x33: {  	p0 =	seq.s32 s10, $0x1;
	s10 =	sld [smem:$0x3FB9];
	_ =	sdelay $0x3  }
0x34: {  	[smem:$0x3FB9] =	sst s10  }
0x35: {  	s10 =	sld [smem:$0x3FB8];
	_ =	sdelay $0x3  }
0x36: {  	p1 =	seq.s32 s10, $0x1;
	s10 =	sld [smem:$0x3FB9];
	_ =	sdelay $0x3  }
0x37: {  	[smem:$0x3FB9] =	sst s10  }
0x38: {  	s10 =	sld [smem:$0x3FBA]  }
0x39: {  	_ = 	snop;
	(pc) =	sbr.ind lr, $3  }
0x3a: {  	_ = 	snop  }
0x3b: {  	_ = 	snop  }
0x3c: {  	p2 =	seq.s32 s10, $0x1;
	s10 =	sld [smem:$0x3FB9]  }
0x3d: {  	_ =	shalt  }
0x3e: {  	_ =	shalt  }
0x3f: {  	_ =	shalt  }
0x40: {  	_ =	shalt  }
0x41: {  	_ =	shalt  }
0x42: {  	_ =	shalt  }
0x43: {  	_ =	shalt  }
0x44: {  	_ =	shalt  }
0x45: {  	_ =	shalt  }
0x46: {  	_ =	shalt  }
0x47: {  	_ =	shalt  }
0x48: {  	_ =	shalt  }
0x49: {  	_ =	shalt  }
0x4a: {  	_ =	shalt  }
0x4b: {  	_ =	shalt  }
0x4c: {  	_ =	shalt  }
0x4d: {  	_ =	shalt  }
0x4e: {  	_ =	shalt  }
0x4f: {  	_ =	shalt  }
0x50: {  	_ =	shalt  }
0x51: {  	_ =	shalt  }
0x52: {  	_ =	shalt  }
0x53: {  	_ =	shalt  }
0x54: {  	_ =	shalt  }
0x55: {  	_ =	shalt  }
0x56: {  	_ =	shalt  }
0x57: {  	_ =	shalt  }
0x58: {  	_ =	shalt  }
0x59: {  	_ =	shalt  }
0x5a: {  	_ =	shalt  }
0x5b: {  	_ =	shalt  }
0x5c: {  	_ =	shalt  }
0x5d: {  	_ =	shalt  }
0x5e: {  	_ =	shalt  }
0x5f: {  	_ =	shalt  }
0x60: {  	_ =	shalt  }
0x61: {  	_ =	shalt  }
0x62: {  	_ =	shalt  }
0x63: {  	_ =	shalt  }
0x64: {  	_ =	shalt  }
0x65: {  	_ =	shalt  }
0x66: {  	_ =	shalt  }
0x67: {  	_ =	shalt  }
0x68: {  	_ =	shalt  }
0x69: {  	_ =	shalt  }
0x6a: {  	_ =	shalt  }
0x6b: {  	_ =	shalt  }
0x6c: {  	_ =	shalt  }
0x6d: {  	_ =	shalt  }
0x6e: {  	_ =	shalt  }
0x6f: {  	_ =	shalt  }
0x70: {  	_ =	shalt  }
0x71: {  	_ =	shalt  }
0x72: {  	_ =	shalt  }
0x73: {  	_ =	shalt  }
0x74: {  	_ =	shalt  }
0x75: {  	_ =	shalt  }
0x76: {  	_ =	shalt  }
0x77: {  	_ =	shalt  }
0x78: {  	_ =	shalt  }
0x79: {  	_ =	shalt  }
0x7a: {  	_ =	shalt  }
0x7b: {  	_ =	shalt  }
0x7c: {  	_ =	shalt  }
0x7d: {  	_ =	shalt  }
0x7e: {  	_ =	shalt  }
0x7f: {  	_ =	shalt  }
0x80: {  	_ =	shalt  }
0x81: {  	_ =	shalt  }
0x82: {  	_ =	shalt  }
0x83: {  	_ =	shalt  }
0x84: {  	_ =	shalt  }
0x85: {  	_ =	shalt  }
0x86: {  	_ =	shalt  }
0x87: {  	_ =	shalt  }
.Lfunc_end0:
.L_simem_size_0:
called_computation.1_lowered:
.L_overlay_start_0:
0x88: {  	s2 =	sld [smem:$0x3FD9]  }
0x89: {  	s3 =	sld [smem:$0x3FFE];
	_ =	sdelay $0x1  }
0x8a: {  	s1 =	srdreg.scid  }
0x8b: {  	s0 =	sand.u32 $0x1, s1  }
0x8c: {  	s14 =	sshll.u32 s0, $0xA;
	s2 =	sadd.s32 s3, s2  }
0x8d: {  	s2 =	sadd.s32 s2, s14  }
0x8e: {  	[smem:$0x3FC5] =	sst s2  }
0x8f: {  	_ = 	snop  }
0x90: {  	s2 =	sld [smem:$0x3FD0];
	_ =	sdelay $0x2  }
0x91: {  	s15 =	simm.s32 $0xA;
	s4 =	simm.s32 $0x10  }
0x92: {  	[smem:s4], [sflag:s15] =	dma.local [hbm:s2], $0x1  }
0x93: {  	_ =	swait.eq [sflag:s15], $0x1  }
0x94: {  	[sflag:s15] =	ssyncset.done $0x0  }
0x95: {  	[sflag:s15] =	ssyncadd.s32 $0xFFFFFFFF  }
0x96: {  	s16 =	sld [smem:$0x10];
	(tm) =	ssettm $0x1  }
0x97: {  	s17 =	sld [smem:$0x3FFB];
	_ =	sdelay $0x3  }
0x98: {  	_ =	strace s17  }
0x99: {  	s3 =	sld [smem:$0x3FFC];
	_ =	sdelay $0x3  }
0x9a: {  	_ =	strace s3  }
0x9b: {  	s3 =	sld [smem:$0x3FFD];
	_ =	sdelay $0x3  }
0x9c: {  	_ =	strace s3  }
0x9d: {  	_ =	strace $0x8FFFFFFF  }
0x9e: {  	s18 =	sld [smem:$0x3FDB];
	_ =	sdelay $0x1  }
0x9f: {  	s19 =	simm.s32 $_scs_section_size  }
0xa0: {  	s5 =	simm.s32 $_size__tile_overlayer_lowered;
	s6 =	simm.s32 $_tile_overlayer_lowered  }
0xa1: {  	s22 =	simm.s32 $0x1BFF;
	s21 =	sshll.u32 s6, $0x1;
	s3 =	sadd.s32 s19, s18  }
0xa2: {  	s7 =	simm.s32 $0x0;
	s20 =	sshll.u32 s5, $0x1;
	s5 =	sadd.s32 s21, s3  }
0xa3: {  	[timem:s7], [sflag:s22] =	dma.local [hbm:s5], s20  }
0xa4: {  	_ =	swait.ge [sflag:s22], s20  }
0xa5: {  	s4 =	ssub.s32 $0x0, s20;
	[sflag:s22] =	ssyncset.done $0x0  }
0xa6: {  	[sflag:s22] =	ssyncadd.s32 s4;
	_ =	sdelay $0x1  }
0xa7: {  	s23 =	simm.s32 $0x1B8B  }
0xa8: {  	_ =	swait.ge [sflag:s23], $0x1  }
0xa9: {  	[sflag:s23] =	ssyncset.done $0x0  }
0xaa: {  	s25 =	simm.s32 $0x1B8E;
	s24 =	sld [smem:$0x3FFE];
	[sflag:s23] =	ssyncadd.s32 $0xFFFFFFFF  }
0xab: {  	s26 =	simm.s32 $execute0_lowered;
	[smem:$0x3FD2] =	sst s25  }
0xac: {  	s5 =	sshll.u32 s26, $0x1;
	_ =	strace $0x80000046;
	[dreg:$0x1] =	wrdreg $0xFFFFFFFF  }
0xad: {  	s28 =	simm.s32 $_size_execute0_lowered;
	s3 =	sadd.s32 s3, s5;
	[dreg:$0x0] =	wrdreg $0x0  }
0xae: {  	s5 =	sshll.u32 s28, $0x1;
	[dreg:$0x2] =	wrdreg s3  }
0xaf: {  	[dreg:$0x3] =	wrdreg s5  }
0xb0: {  	[dreg:$0x4] =	wrdreg $0xC0  }
0xb1: {  	_ =	task [dreg:s7], $0x5FFFF  }
0xb2: {  	[dreg:$0x1] =	wrdreg $0xFFFFFFFF  }
0xb3: {  	[dreg:$0x0] =	wrdreg $0x60  }
0xb4: {  	[dreg:$0x2] =	wrdreg s24  }
0xb5: {  	[dreg:$0x3] =	wrdreg s16  }
0xb6: {  	[dreg:$0x4] =	wrdreg $0x9  }
0xb7: {  	_ =	task.clear_ibuf [dreg:s7], $0x5FFFF;
	_ =	strace $0x90000046  }
0xb8: {  	s29 =	simm.s32 $0x9;
	_ =	strace $0x80000048  }
0xb9: {  	_ =	swait.ge [sflag:s29], $0x1  }
0xba: {  	[sflag:s29] =	ssyncadd.s32 $0xFFFFFFFF  }
0xbb: {  	_ =	strace $0x90000048  }
0xbc: {  	_ =	sfence  }
0xbd: {  	s30 =	sld [smem:$0x0];
	_ =	sdelay $0x2  }
0xbe: {  	s31 =	sshll.u32 s1, $0xD;
	s1 =	sshrl.u32 s1, $0x2  }
0xbf: {  	s3 =	sand.u32 $0x4000, s31;
	s1 =	sadd.s32 s1, s30  }
0xc0: {  	s0 =	sor.u32 s3, s0;
	s1 =	sshll.u32 s1, $0x11  }
0xc1: {  	s0 =	sor.u32 s1, s0  }
0xc2: {  	s0 =	sadd.s32 $0x8F2B, s0  }
0xc3: {  	[sflag:s0] =	ssyncadd.remote.s32 $0x1  }
0xc4: {  	_ =	sfence.sel $0xFFFF  }
0xc5: {  	[dreg:$0x0] =	wrdreg $0xFFFFFFFF;
	(pc) =	sbr.abs _section_cstart, $3  }
0xc6: {  	[dreg:$0x1] =	wrdreg $0xFFFFFFFF  }
0xc7: {  	_ =	task.clear_ibuf [dreg:s7], $0x2FFFF;
	_ =	strace $0x9FFFFFFF  }
0xc8: {  	(tm) =	ssettm $0x7FFFFFFF  }
0xc9: {  	_ =	shalt  }
tec
execute0_lowered:
.L_overlay_start_1:
0x0: {  	(tag) =	ssettag $0x1  }
0x1: {  	v0 =	vlaneseq.u32  }
0x2: {  	v16 =	vmul.u32 $0x40, v0;
	_ =	sdelay $0x1  }
0x3: {  	v0 =	vor.u32 $0xF, v16  }
0x4: {  	v59 =	vor.u32 $0x10, v16;
	[tilespmem:$0x1FC90] =	vst v0  }
0x5: {  	v60 =	vor.u32 $0x11, v16;
	[tilespmem:$0x1FCA0] =	vst v59  }
0x6: {  	v61 =	vor.u32 $0x12, v16;
	[tilespmem:$0x1FCB0] =	vst v60  }
0x7: {  	v62 =	vor.u32 $0x13, v16;
	[tilespmem:$0x1FCC0] =	vst v61  }
0x8: {  	v63 =	vor.u32 $0x14, v16;
	[tilespmem:$0x1FCD0] =	vst v62  }
0x9: {  	v21 =	vor.u32 $0x15, v16;
	[tilespmem:$0x1FCE0] =	vst v63  }
0xa: {  	v22 =	vor.u32 $0x16, v16;
	[tilespmem:$0x1FCF0] =	vst v21  }
0xb: {  	v23 =	vor.u32 $0x17, v16;
	[tilespmem:$0x1FD00] =	vst v22  }
0xc: {  	v24 =	vor.u32 $0x18, v16;
	[tilespmem:$0x1FD10] =	vst v23  }
0xd: {  	v25 =	vor.u32 $0x19, v16;
	[tilespmem:$0x1FD20] =	vst v24  }
0xe: {  	v26 =	vor.u32 $0x1A, v16;
	[tilespmem:$0x1FD30] =	vst v25  }
0xf: {  	v27 =	vor.u32 $0x1B, v16;
	[tilespmem:$0x1FD40] =	vst v26  }
0x10: {  	v28 =	vor.u32 $0x1C, v16;
	[tilespmem:$0x1FD50] =	vst v27  }
0x11: {  	v29 =	vor.u32 $0x1D, v16;
	[tilespmem:$0x1FD60] =	vst v28  }
0x12: {  	v30 =	vor.u32 $0x1E, v16;
	[tilespmem:$0x1FD70] =	vst v29  }
0x13: {  	v31 =	vor.u32 $0x1F, v16;
	[tilespmem:$0x1FD80] =	vst v30  }
0x14: {  	v32 =	vor.u32 $0x20, v16;
	[tilespmem:$0x1FD90] =	vst v31  }
0x15: {  	v33 =	vor.u32 $0x21, v16;
	[tilespmem:$0x1FDA0] =	vst v32  }
0x16: {  	v34 =	vor.u32 $0x22, v16;
	[tilespmem:$0x1FDB0] =	vst v33  }
0x17: {  	v35 =	vor.u32 $0x23, v16;
	[tilespmem:$0x1FDC0] =	vst v34  }
0x18: {  	v36 =	vor.u32 $0x24, v16;
	[tilespmem:$0x1FDD0] =	vst v35  }
0x19: {  	v37 =	vor.u32 $0x25, v16;
	[tilespmem:$0x1FDE0] =	vst v36  }
0x1a: {  	v38 =	vor.u32 $0x26, v16;
	[tilespmem:$0x1FDF0] =	vst v37  }
0x1b: {  	v39 =	vor.u32 $0x27, v16;
	[tilespmem:$0x1FE00] =	vst v38  }
0x1c: {  	v40 =	vor.u32 $0x28, v16;
	[tilespmem:$0x1FE10] =	vst v39  }
0x1d: {  	v41 =	vor.u32 $0x29, v16;
	[tilespmem:$0x1FE20] =	vst v40  }
0x1e: {  	v42 =	vor.u32 $0x2A, v16;
	[tilespmem:$0x1FE30] =	vst v41  }
0x1f: {  	v43 =	vor.u32 $0x2B, v16;
	[tilespmem:$0x1FE40] =	vst v42  }
0x20: {  	s4 =	rddreg [dreg:$0x0];
	s2 =	srdreg.scid;
	v44 =	vor.u32 $0x2C, v16;
	[tilespmem:$0x1FE50] =	vst v43  }
0x21: {  	s5 =	rddreg [dreg:$0x1];
	s3 =	sand.u32 $0x1, s2;
	s2 =	simm.s32 $0x0;
	v45 =	vor.u32 $0x2D, v16;
	[tilespmem:$0x1FE60] =	vst v44  }
0x22: {  	[smem:$0x7FF] =	sst s2;
	v46 =	vor.u32 $0x2E, v16;
	[tilespmem:$0x1FE70] =	vst v45  }
0x23: {  	s0 =	rddreg [dreg:$0x2];
	v47 =	vor.u32 $0x2F, v16;
	_ =	strace $0x80000047;
	[tilespmem:$0x1FE80] =	vst v46  }
0x24: {  	v48 =	vor.u32 $0x30, v16;
	[tilespmem:$0x1FE90] =	vst v47  }
0x25: {  	v49 =	vor.u32 $0x31, v16;
	[tilespmem:$0x1FEA0] =	vst v48  }
0x26: {  	v50 =	vor.u32 $0x32, v16;
	[tilespmem:$0x1FEB0] =	vst v49  }
0x27: {  	v51 =	vor.u32 $0x33, v16;
	[tilespmem:$0x1FEC0] =	vst v50  }
0x28: {  	v52 =	vor.u32 $0x34, v16;
	[tilespmem:$0x1FED0] =	vst v51  }
0x29: {  	v53 =	vor.u32 $0x35, v16;
	[tilespmem:$0x1FEE0] =	vst v52  }
0x2a: {  	v54 =	vor.u32 $0x36, v16;
	[tilespmem:$0x1FEF0] =	vst v53  }
0x2b: {  	v55 =	vor.u32 $0x37, v16;
	[tilespmem:$0x1FF00] =	vst v54  }
0x2c: {  	v56 =	vor.u32 $0x38, v16;
	[tilespmem:$0x1FF10] =	vst v55  }
0x2d: {  	v57 =	vor.u32 $0x39, v16;
	[tilespmem:$0x1FF20] =	vst v56  }
0x2e: {  	v58 =	vor.u32 $0x3A, v16;
	[tilespmem:$0x1FF30] =	vst v57  }
0x2f: {  	v59 =	vor.u32 $0x3B, v16;
	[tilespmem:$0x1FF40] =	vst v58  }
0x30: {  	v60 =	vor.u32 $0x3C, v16;
	[tilespmem:$0x1FF50] =	vst v59  }
0x31: {  	v61 =	vor.u32 $0x3D, v16;
	[tilespmem:$0x1FF60] =	vst v60  }
0x32: {  	v62 =	vor.u32 $0x3E, v16;
	[tilespmem:$0x1FF70] =	vst v61  }
0x33: {  	v63 =	vor.u32 $0x3F, v16;
	[tilespmem:$0x1FF80] =	vst v62  }
0x34: {  	s1 =	stileid.u32;
	s9 =	simm.s32 $0x9000;
	s10 =	simm.s32 $0x11000;
	[tilespmem:$0x1FF90] =	vst v63  }
0x35: {  	s11 =	simm.s32 $0x1;
	s6 =	sshll.u32 s1, $0xD;
	s7 =	sshll.u32 s3, $0xC;
	v17 =	vor.u32 $0x1, v16;
	[tilespmem:$0x1FFA0] =	vst v16  }
0x36: {  	s12 =	simm.s32 $0x2;
	s13 =	simm.s32 $0x0;
	v18 =	vor.u32 $0x2, v16;
	s6 =	sor.u32 s7, s6;
	[tilespmem:$0x1FFB0] =	vst v17  }
0x37: {  	s8 =	ssub.s32 $0x2, s3;
	s3 =	sadd.s32 $0x600200, s4;
	v4 =	vor.u32 $0x3, v16;
	v5 =	vor.u32 $0x4, v16;
	v13 =	vor.u32 $0xC, v16;
	s7 =	sshrl.u32 s6, $0x3;
	[tilespmem:$0x1FFC0] =	vst v18  }
0x38: {  	v6 =	vor.u32 $0x5, v16;
	v7 =	vor.u32 $0x6, v16;
	v14 =	vor.u32 $0xD, v16;
	s31 =	sshrl.u32 s8, $0x1;
	s6 =	sshll.u32 s6, $0x3;
	s4 =	sadd.s32 s7, s4;
	[tilespmem:$0x1FFD0] =	vst v13  }
0x39: {  	v8 =	vor.u32 $0x7, v16;
	v9 =	vor.u32 $0x8, v16;
	v15 =	vor.u32 $0xE, v16;
	s7 =	ssub.s32 s8, s31;
	s5 =	sadd.s32 s5, s6;
	s8 =	simm.s32 $0x8000;
	[tilespmem:$0x1FFE0] =	vst v14  }
0x3a: {  	v10 =	vor.u32 $0x9, v16;
	v11 =	vor.u32 $0xA, v16;
	v12 =	vor.u32 $0xB, v16;
	[tilespmem:$0x1FFF0] =	vst v15;
	s4 =	sadd.s32 $0x200, s4;
	s6 =	smax.u32 s7, $0x1;
	s7 =	simm.s32 $0x3  }
.LBB2_1:
0x3b: {  	[tilespmem:s2], [sflag:$0x3] =	stream.linear.gather [hbm4b:s3+s2], $0x8000, $0x38;
	[tilespmem:$0x19000] =	vst v63  }
0x3c: {  	_ =	swait.ge [sflag:s7], $0x8000  }
0x3d: {  	[sflag:s7] =	ssyncset.done $0x0  }
0x3e: {  	[sflag:s7] =	ssyncadd.s32 $0xFFFF8000  }
0x3f: {  	[tilespmem:s8], [sflag:$0x3] =	stream.linear.gather [hbm4b:s4+s2], $0x1000, $0x38;
	[tilespmem:$0x19000] =	vst v63  }
0x40: {  	_ =	swait.ge [sflag:s7], $0x1000  }
0x41: {  	s14 =	simm.s32 $0x8040;
	[sflag:s7] =	ssyncset.done $0x0  }
0x42: {  	s15 =	simm.s32 $0x8270;
	s16 =	simm.s32 $0x0;
	[sflag:s7] =	ssyncadd.s32 $0xFFFFF000  }
.LBB2_2:
0x43: {  	p0 =	seq.s32 s16, $0x0  }
0x44: {  	s18 =	simm.s32 @!p0 $0x1  }
0x45: {  	_ =	swait.ge @!p0 [sflag:s18], $0x8000  }
0x46: {  	v54 =	vld [tilespmem:$0x1FE30]  }
0x47: {  	v55 =	vld [tilespmem:$0x1FE40]  }
0x48: {  	v56 =	vld [tilespmem:$0x1FE50]  }
0x49: {  	v57 =	vld [tilespmem:$0x1FE60]  }
0x4a: {  	v58 =	vld [tilespmem:$0x1FE70]  }
0x4b: {  	v59 =	vld [tilespmem:$0x1FE80]  }
0x4c: {  	v60 =	vld [tilespmem:$0x1FE90]  }
0x4d: {  	v61 =	vld [tilespmem:$0x1FEA0]  }
0x4e: {  	v62 =	vld [tilespmem:$0x1FEB0]  }
0x4f: {  	v63 =	vld [tilespmem:$0x1FEC0]  }
0x50: {  	v28 =	vld [tilespmem:$0x1FED0]  }
0x51: {  	v29 =	vld [tilespmem:$0x1FEE0]  }
0x52: {  	v30 =	vld [tilespmem:$0x1FEF0]  }
0x53: {  	v31 =	vld [tilespmem:$0x1FF00]  }
0x54: {  	v32 =	vld [tilespmem:$0x1FF10]  }
0x55: {  	v33 =	vld [tilespmem:$0x1FF20]  }
0x56: {  	v34 =	vld [tilespmem:$0x1FF30]  }
0x57: {  	v35 =	vld [tilespmem:$0x1FF40]  }
0x58: {  	v36 =	vld [tilespmem:$0x1FF50]  }
0x59: {  	v37 =	vld [tilespmem:$0x1FF60]  }
0x5a: {  	v38 =	vld [tilespmem:$0x1FF70]  }
0x5b: {  	s17 =	sshllo.u32 s16, $0x1;
	s19 =	simm.s32 $0x1C00;
	[sflag:s18] =	ssyncset.done @!p0 $0x0;
	v39 =	vld [tilespmem:$0x1FF80]  }
0x5c: {  	s20 =	smov.u32 s14;
	v40 =	vld [tilespmem:$0x1FF90];
	[sflag:s18] =	ssyncadd.s32 @!p0 $0xFFFF8000;
	s18 =	simm.s32 $0xFFFFFFF8  }
.LBB2_3:
0x5d: {  	v0 =	vld [tilespmem:s20+$0xFFFFFFC0];
	_ =	sdelay $0x4  }
0x5e: {  	v1 =	vshll.u32 v0, $0x6;
	_ =	sdelay $0x3  }
0x5f: {  	s22 =	sadd.s32 $0xFFFFE400, s19  }
0x60: {  	v48 =	vor.u32 s22, v16;
	v2 =	vld.idx.msk [tilespmem:v1+s2+$0x0], $0xffff  }
0x61: {  	v3 =	vor.u32 $0x1, v1;
	_ =	sdelay $0x3  }
0x62: {  	[tilespmem:v48+s9+$0x0] =	vst.idx.msk $0xffff, v2  }
0x63: {  	v49 =	vor.u32 s22, v17;
	v0 =	vld.idx.msk [tilespmem:v3+s2+$0x0], $0xffff  }
0x64: {  	v3 =	vor.u32 $0x2, v1;
	_ =	sdelay $0x3  }
0x65: {  	[tilespmem:v49+s9+$0x0] =	vst.idx.msk $0xffff, v0  }
0x66: {  	v50 =	vor.u32 s22, v18;
	v0 =	vld.idx.msk [tilespmem:v3+s2+$0x0], $0xffff  }
0x67: {  	v3 =	vor.u32 $0x3, v1;
	_ =	sdelay $0x3  }
0x68: {  	[tilespmem:v50+s9+$0x0] =	vst.idx.msk $0xffff, v0  }
0x69: {  	v51 =	vor.u32 s22, v4;
	v0 =	vld.idx.msk [tilespmem:v3+s2+$0x0], $0xffff  }
0x6a: {  	v3 =	vor.u32 $0x4, v1;
	_ =	sdelay $0x3  }
0x6b: {  	[tilespmem:v51+s9+$0x0] =	vst.idx.msk $0xffff, v0  }
0x6c: {  	v52 =	vor.u32 s22, v5;
	v0 =	vld.idx.msk [tilespmem:v3+s2+$0x0], $0xffff  }
0x6d: {  	v3 =	vor.u32 $0x5, v1;
	_ =	sdelay $0x3  }
0x6e: {  	[tilespmem:v52+s9+$0x0] =	vst.idx.msk $0xffff, v0  }
0x6f: {  	v53 =	vor.u32 s22, v6;
	v0 =	vld.idx.msk [tilespmem:v3+s2+$0x0], $0xffff  }
0x70: {  	v3 =	vor.u32 $0x6, v1;
	_ =	sdelay $0x3  }
0x71: {  	[tilespmem:v53+s9+$0x0] =	vst.idx.msk $0xffff, v0  }
0x72: {  	v41 =	vor.u32 s22, v7;
	v0 =	vld.idx.msk [tilespmem:v3+s2+$0x0], $0xffff  }
0x73: {  	v3 =	vor.u32 $0x7, v1;
	_ =	sdelay $0x3  }
0x74: {  	[tilespmem:v41+s9+$0x0] =	vst.idx.msk $0xffff, v0  }
0x75: {  	v42 =	vor.u32 s22, v8;
	v0 =	vld.idx.msk [tilespmem:v3+s2+$0x0], $0xffff  }
0x76: {  	v3 =	vor.u32 $0x8, v1;
	_ =	sdelay $0x3  }
0x77: {  	[tilespmem:v42+s9+$0x0] =	vst.idx.msk $0xffff, v0  }
0x78: {  	v43 =	vor.u32 s22, v9;
	v0 =	vld.idx.msk [tilespmem:v3+s2+$0x0], $0xffff  }
0x79: {  	v3 =	vor.u32 $0x9, v1;
	_ =	sdelay $0x3  }
0x7a: {  	[tilespmem:v43+s9+$0x0] =	vst.idx.msk $0xffff, v0  }
0x7b: {  	v44 =	vor.u32 s22, v10;
	v0 =	vld.idx.msk [tilespmem:v3+s2+$0x0], $0xffff  }
0x7c: {  	v3 =	vor.u32 $0xA, v1;
	_ =	sdelay $0x3  }
0x7d: {  	[tilespmem:v44+s9+$0x0] =	vst.idx.msk $0xffff, v0  }
0x7e: {  	v45 =	vor.u32 s22, v11;
	v0 =	vld.idx.msk [tilespmem:v3+s2+$0x0], $0xffff  }
0x7f: {  	v3 =	vor.u32 $0xB, v1;
	_ =	sdelay $0x3  }
0x80: {  	[tilespmem:v45+s9+$0x0] =	vst.idx.msk $0xffff, v0  }
0x81: {  	v46 =	vor.u32 s22, v12;
	v0 =	vld.idx.msk [tilespmem:v3+s2+$0x0], $0xffff  }
0x82: {  	v3 =	vor.u32 $0xC, v1;
	_ =	sdelay $0x3  }
0x83: {  	[tilespmem:v46+s9+$0x0] =	vst.idx.msk $0xffff, v0  }
0x84: {  	v47 =	vor.u32 s22, v13;
	v0 =	vld.idx.msk [tilespmem:v3+s2+$0x0], $0xffff  }
0x85: {  	v3 =	vor.u32 $0xD, v1;
	_ =	sdelay $0x3  }
0x86: {  	[tilespmem:v47+s9+$0x0] =	vst.idx.msk $0xffff, v0  }
0x87: {  	v48 =	vor.u32 s22, v14;
	v0 =	vld.idx.msk [tilespmem:v3+s2+$0x0], $0xffff  }
0x88: {  	v3 =	vor.u32 $0xE, v1;
	_ =	sdelay $0x1  }
0x89: {  	v20 =	vmov v5;
	v5 =	vld [tilespmem:s20+$0xFFFFFFF0]  }
0x8a: {  	v51 =	vld [tilespmem:s20+$0xFFFFFFD0]  }
0x8b: {  	[tilespmem:v48+s9+$0x0] =	vst.idx.msk $0xffff, v0  }
0x8c: {  	v49 =	vor.u32 s22, v15;
	v0 =	vld.idx.msk [tilespmem:v3+s2+$0x0], $0xffff  }
0x8d: {  	v52 =	vld [tilespmem:s20+$0xFFFFFFE0];
	v3 =	vor.u32 $0xF, v1  }
0x8e: {  	v2 =	vshll.u32 v5, $0x6  }
0x8f: {  	v19 =	vmov v4;
	v4 =	vshll.u32 v51, $0x6  }
0x90: {  	v41 =	vld [tilespmem:$0x1FC90]  }
0x91: {  	[tilespmem:v49+s9+$0x0] =	vst.idx.msk $0xffff, v0  }
0x92: {  	s25 =	sadd.s32 $0xFFFFF000, s19;
	v0 =	vld.idx.msk [tilespmem:v3+s2+$0x0], $0xffff;
	v3 =	vshll.u32 v52, $0x6  }
0x93: {  	s24 =	sadd.s32 $0xFFFFE800, s19;
	v25 =	vmov v10;
	v26 =	vmov v11;
	v10 =	vor.u32 s25, v16;
	v11 =	vld.idx.msk [tilespmem:v2+s2+$0x0], $0xffff  }
0x94: {  	v5 =	vld.idx.msk [tilespmem:v4+s2+$0x0], $0xffff;
	v53 =	vor.u32 s24, v16  }
0x95: {  	v21 =	vmov v6;
	v6 =	vor.u32 $0x1, v4;
	v50 =	vor.u32 s22, v41  }
0x96: {  	s23 =	sadd.s32 $0xFFFFEC00, s19;
	v27 =	vmov v12;
	v12 =	vor.u32 $0x1, v2  }
0x97: {  	v22 =	vmov v7;
	v23 =	vmov v8;
	v7 =	vor.u32 s23, v16;
	v8 =	vld.idx.msk [tilespmem:v3+s2+$0x0], $0xffff  }
0x98: {  	v24 =	vmov v9;
	[tilespmem:v10+s9+$0x0] =	vst.idx.msk $0xffff, v11;
	v9 =	vor.u32 $0x1, v3  }
0x99: {  	[tilespmem:v53+s9+$0x0] =	vst.idx.msk $0xffff, v5  }
0x9a: {  	v5 =	vor.u32 s24, v17;
	[tilespmem:v50+s9+$0x0] =	vst.idx.msk $0xffff, v0;
	v0 =	vld.idx.msk [tilespmem:v6+s2+$0x0], $0xffff  }
0x9b: {  	v11 =	vor.u32 s25, v17;
	v10 =	vld.idx.msk [tilespmem:v12+s2+$0x0], $0xffff;
	v6 =	vor.u32 $0x2, v4  }
0x9c: {  	v12 =	vor.u32 $0x2, v2;
	[tilespmem:v7+s9+$0x0] =	vst.idx.msk $0xffff, v8  }
0x9d: {  	v8 =	vor.u32 s23, v17;
	v7 =	vld.idx.msk [tilespmem:v9+s2+$0x0], $0xffff  }
0x9e: {  	v9 =	vor.u32 $0x2, v3  }
0x9f: {  	[tilespmem:v5+s9+$0x0] =	vst.idx.msk $0xffff, v0  }
0xa0: {  	[tilespmem:v11+s9+$0x0] =	vst.idx.msk $0xffff, v10;
	v5 =	vor.u32 s24, v18;
	v0 =	vld.idx.msk [tilespmem:v6+s2+$0x0], $0xffff  }
0xa1: {  	v11 =	vor.u32 s25, v18;
	v10 =	vld.idx.msk [tilespmem:v12+s2+$0x0], $0xffff;
	v6 =	vor.u32 $0x3, v4  }
0xa2: {  	v12 =	vor.u32 $0x3, v2;
	[tilespmem:v8+s9+$0x0] =	vst.idx.msk $0xffff, v7  }
0xa3: {  	v8 =	vor.u32 s23, v18;
	v7 =	vld.idx.msk [tilespmem:v9+s2+$0x0], $0xffff  }
0xa4: {  	v9 =	vor.u32 $0x3, v3  }
0xa5: {  	[tilespmem:v5+s9+$0x0] =	vst.idx.msk $0xffff, v0  }
0xa6: {  	[tilespmem:v11+s9+$0x0] =	vst.idx.msk $0xffff, v10;
	v5 =	vor.u32 s24, v19;
	v0 =	vld.idx.msk [tilespmem:v6+s2+$0x0], $0xffff  }
0xa7: {  	v11 =	vor.u32 s25, v19;
	v10 =	vld.idx.msk [tilespmem:v12+s2+$0x0], $0xffff;
	v6 =	vor.u32 $0x4, v4  }
0xa8: {  	v12 =	vor.u32 $0x4, v2;
	[tilespmem:v8+s9+$0x0] =	vst.idx.msk $0xffff, v7  }
0xa9: {  	v8 =	vor.u32 s23, v19;
	v7 =	vld.idx.msk [tilespmem:v9+s2+$0x0], $0xffff  }
0xaa: {  	v9 =	vor.u32 $0x4, v3  }
0xab: {  	[tilespmem:v5+s9+$0x0] =	vst.idx.msk $0xffff, v0  }
0xac: {  	[tilespmem:v11+s9+$0x0] =	vst.idx.msk $0xffff, v10;
	v5 =	vor.u32 s24, v20;
	v0 =	vld.idx.msk [tilespmem:v6+s2+$0x0], $0xffff  }
0xad: {  	v11 =	vor.u32 s25, v20;
	v10 =	vld.idx.msk [tilespmem:v12+s2+$0x0], $0xffff;
	v6 =	vor.u32 $0x5, v4  }
0xae: {  	v12 =	vor.u32 $0x5, v2;
	[tilespmem:v8+s9+$0x0] =	vst.idx.msk $0xffff, v7  }
0xaf: {  	v8 =	vor.u32 s23, v20;
	v7 =	vld.idx.msk [tilespmem:v9+s2+$0x0], $0xffff  }
0xb0: {  	v9 =	vor.u32 $0x5, v3  }
0xb1: {  	[tilespmem:v5+s9+$0x0] =	vst.idx.msk $0xffff, v0  }
0xb2: {  	[tilespmem:v11+s9+$0x0] =	vst.idx.msk $0xffff, v10;
	v5 =	vor.u32 s24, v21;
	v0 =	vld.idx.msk [tilespmem:v6+s2+$0x0], $0xffff  }
0xb3: {  	v11 =	vor.u32 s25, v21;
	v10 =	vld.idx.msk [tilespmem:v12+s2+$0x0], $0xffff;
	v6 =	vor.u32 $0x6, v4  }
0xb4: {  	v12 =	vor.u32 $0x6, v2;
	[tilespmem:v8+s9+$0x0] =	vst.idx.msk $0xffff, v7  }
0xb5: {  	v8 =	vor.u32 s23, v21;
	v7 =	vld.idx.msk [tilespmem:v9+s2+$0x0], $0xffff  }
0xb6: {  	v9 =	vor.u32 $0x6, v3  }
0xb7: {  	[tilespmem:v5+s9+$0x0] =	vst.idx.msk $0xffff, v0  }
0xb8: {  	[tilespmem:v11+s9+$0x0] =	vst.idx.msk $0xffff, v10;
	v5 =	vor.u32 s24, v22;
	v0 =	vld.idx.msk [tilespmem:v6+s2+$0x0], $0xffff  }
0xb9: {  	v11 =	vor.u32 s25, v22;
	v10 =	vld.idx.msk [tilespmem:v12+s2+$0x0], $0xffff;
	v6 =	vor.u32 $0x7, v4  }
0xba: {  	v12 =	vor.u32 $0x7, v2;
	[tilespmem:v8+s9+$0x0] =	vst.idx.msk $0xffff, v7  }
0xbb: {  	v8 =	vor.u32 s23, v22;
	v7 =	vld.idx.msk [tilespmem:v9+s2+$0x0], $0xffff  }
0xbc: {  	v9 =	vor.u32 $0x7, v3  }
0xbd: {  	[tilespmem:v5+s9+$0x0] =	vst.idx.msk $0xffff, v0  }
0xbe: {  	[tilespmem:v11+s9+$0x0] =	vst.idx.msk $0xffff, v10;
	v5 =	vor.u32 s24, v23;
	v0 =	vld.idx.msk [tilespmem:v6+s2+$0x0], $0xffff  }
0xbf: {  	v11 =	vor.u32 s25, v23;
	v10 =	vld.idx.msk [tilespmem:v12+s2+$0x0], $0xffff;
	v6 =	vor.u32 $0x8, v4  }
0xc0: {  	v12 =	vor.u32 $0x8, v2;
	[tilespmem:v8+s9+$0x0] =	vst.idx.msk $0xffff, v7  }
0xc1: {  	v8 =	vor.u32 s23, v23;
	v7 =	vld.idx.msk [tilespmem:v9+s2+$0x0], $0xffff  }
0xc2: {  	v9 =	vor.u32 $0x8, v3  }
0xc3: {  	[tilespmem:v5+s9+$0x0] =	vst.idx.msk $0xffff, v0  }
0xc4: {  	[tilespmem:v11+s9+$0x0] =	vst.idx.msk $0xffff, v10;
	v5 =	vor.u32 s24, v24;
	v0 =	vld.idx.msk [tilespmem:v6+s2+$0x0], $0xffff  }
0xc5: {  	v11 =	vor.u32 s25, v24;
	v10 =	vld.idx.msk [tilespmem:v12+s2+$0x0], $0xffff;
	v6 =	vor.u32 $0x9, v4  }
0xc6: {  	v12 =	vor.u32 $0x9, v2;
	[tilespmem:v8+s9+$0x0] =	vst.idx.msk $0xffff, v7  }
0xc7: {  	v8 =	vor.u32 s23, v24;
	v7 =	vld.idx.msk [tilespmem:v9+s2+$0x0], $0xffff  }
0xc8: {  	v9 =	vor.u32 $0x9, v3  }
0xc9: {  	[tilespmem:v5+s9+$0x0] =	vst.idx.msk $0xffff, v0  }
0xca: {  	[tilespmem:v11+s9+$0x0] =	vst.idx.msk $0xffff, v10;
	v5 =	vor.u32 s24, v25;
	v0 =	vld.idx.msk [tilespmem:v6+s2+$0x0], $0xffff  }
0xcb: {  	v11 =	vor.u32 s25, v25;
	v10 =	vld.idx.msk [tilespmem:v12+s2+$0x0], $0xffff;
	v6 =	vor.u32 $0xA, v4  }
0xcc: {  	v12 =	vor.u32 $0xA, v2;
	[tilespmem:v8+s9+$0x0] =	vst.idx.msk $0xffff, v7  }
0xcd: {  	v8 =	vor.u32 s23, v25;
	v7 =	vld.idx.msk [tilespmem:v9+s2+$0x0], $0xffff  }
0xce: {  	v9 =	vor.u32 $0xA, v3  }
0xcf: {  	[tilespmem:v5+s9+$0x0] =	vst.idx.msk $0xffff, v0  }
0xd0: {  	[tilespmem:v11+s9+$0x0] =	vst.idx.msk $0xffff, v10;
	v5 =	vor.u32 s24, v26;
	v0 =	vld.idx.msk [tilespmem:v6+s2+$0x0], $0xffff  }
0xd1: {  	v11 =	vor.u32 s25, v26;
	v10 =	vld.idx.msk [tilespmem:v12+s2+$0x0], $0xffff;
	v6 =	vor.u32 $0xB, v4  }
0xd2: {  	v12 =	vor.u32 $0xB, v2;
	[tilespmem:v8+s9+$0x0] =	vst.idx.msk $0xffff, v7  }
0xd3: {  	v8 =	vor.u32 s23, v26;
	v7 =	vld.idx.msk [tilespmem:v9+s2+$0x0], $0xffff  }
0xd4: {  	v9 =	vor.u32 $0xB, v3  }
0xd5: {  	[tilespmem:v5+s9+$0x0] =	vst.idx.msk $0xffff, v0  }
0xd6: {  	[tilespmem:v11+s9+$0x0] =	vst.idx.msk $0xffff, v10;
	v5 =	vor.u32 s24, v27;
	v0 =	vld.idx.msk [tilespmem:v6+s2+$0x0], $0xffff  }
0xd7: {  	v11 =	vor.u32 s25, v27;
	v10 =	vld.idx.msk [tilespmem:v12+s2+$0x0], $0xffff;
	v6 =	vor.u32 $0xC, v4  }
0xd8: {  	v12 =	vor.u32 $0xC, v2;
	[tilespmem:v8+s9+$0x0] =	vst.idx.msk $0xffff, v7  }
0xd9: {  	v8 =	vor.u32 s23, v27;
	v7 =	vld.idx.msk [tilespmem:v9+s2+$0x0], $0xffff  }
0xda: {  	v9 =	vor.u32 $0xC, v3  }
0xdb: {  	[tilespmem:v5+s9+$0x0] =	vst.idx.msk $0xffff, v0  }
0xdc: {  	[tilespmem:v11+s9+$0x0] =	vst.idx.msk $0xffff, v10;
	v5 =	vor.u32 s24, v13;
	v0 =	vld.idx.msk [tilespmem:v6+s2+$0x0], $0xffff  }
0xdd: {  	v11 =	vor.u32 s25, v13;
	v10 =	vld.idx.msk [tilespmem:v12+s2+$0x0], $0xffff;
	v6 =	vor.u32 $0xD, v4  }
0xde: {  	v12 =	vor.u32 $0xD, v2;
	[tilespmem:v8+s9+$0x0] =	vst.idx.msk $0xffff, v7  }
0xdf: {  	v8 =	vor.u32 s23, v13;
	v7 =	vld.idx.msk [tilespmem:v9+s2+$0x0], $0xffff  }
0xe0: {  	v9 =	vor.u32 $0xD, v3  }
0xe1: {  	[tilespmem:v5+s9+$0x0] =	vst.idx.msk $0xffff, v0  }
0xe2: {  	[tilespmem:v11+s9+$0x0] =	vst.idx.msk $0xffff, v10;
	v5 =	vor.u32 s24, v14;
	v0 =	vld.idx.msk [tilespmem:v6+s2+$0x0], $0xffff  }
0xe3: {  	v11 =	vor.u32 s25, v14;
	v10 =	vld.idx.msk [tilespmem:v12+s2+$0x0], $0xffff;
	v6 =	vor.u32 $0xE, v4  }
0xe4: {  	v12 =	vor.u32 $0xE, v2;
	[tilespmem:v8+s9+$0x0] =	vst.idx.msk $0xffff, v7  }
0xe5: {  	v8 =	vor.u32 s23, v14;
	v7 =	vld.idx.msk [tilespmem:v9+s2+$0x0], $0xffff  }
0xe6: {  	v9 =	vor.u32 $0xE, v3  }
0xe7: {  	[tilespmem:v5+s9+$0x0] =	vst.idx.msk $0xffff, v0  }
0xe8: {  	[tilespmem:v11+s9+$0x0] =	vst.idx.msk $0xffff, v10;
	v5 =	vor.u32 s24, v15;
	v0 =	vld.idx.msk [tilespmem:v6+s2+$0x0], $0xffff  }
0xe9: {  	v11 =	vor.u32 s25, v15;
	v10 =	vld.idx.msk [tilespmem:v12+s2+$0x0], $0xffff;
	v6 =	vor.u32 $0xF, v4  }
0xea: {  	v12 =	vor.u32 $0xF, v2;
	[tilespmem:v8+s9+$0x0] =	vst.idx.msk $0xffff, v7  }
0xeb: {  	v13 =	vor.u32 $0x10, v1;
	v8 =	vor.u32 s23, v15;
	v7 =	vld.idx.msk [tilespmem:v9+s2+$0x0], $0xffff  }
0xec: {  	v9 =	vor.u32 $0xF, v3  }
0xed: {  	[tilespmem:v5+s9+$0x0] =	vst.idx.msk $0xffff, v0  }
0xee: {  	[tilespmem:v11+s9+$0x0] =	vst.idx.msk $0xffff, v10;
	v5 =	vor.u32 s24, v41;
	v0 =	vld.idx.msk [tilespmem:v6+s2+$0x0], $0xffff  }
0xef: {  	v10 =	vld.idx.msk [tilespmem:v12+s2+$0x0], $0xffff  }
0xf0: {  	v13 =	vld.idx.msk [tilespmem:v13+s2+$0x0], $0xffff;
	[tilespmem:v8+s9+$0x0] =	vst.idx.msk $0xffff, v7  }
0xf1: {  	v11 =	vor.u32 s25, v41;
	v7 =	vld.idx.msk [tilespmem:v9+s2+$0x0], $0xffff  }
0xf2: {  	v8 =	vor.u32 s23, v41;
	v14 =	vld [tilespmem:$0x1FCA0]  }
0xf3: {  	v6 =	vor.u32 $0x10, v4;
	[tilespmem:v5+s9+$0x0] =	vst.idx.msk $0xffff, v0;
	v5 =	vld [tilespmem:$0x1FCA0];
	_ =	sdelay $0x2  }
0xf4: {  	v12 =	vor.u32 $0x10, v2;
	[tilespmem:v11+s9+$0x0] =	vst.idx.msk $0xffff, v10;
	v11 =	vld [tilespmem:$0x1FCA0]  }
0xf5: {  	v9 =	vor.u32 $0x10, v3;
	[tilespmem:v8+s9+$0x0] =	vst.idx.msk $0xffff, v7;
	v8 =	vld [tilespmem:$0x1FCA0]  }
0xf6: {  	v0 =	vld.idx.msk [tilespmem:v6+s2+$0x0], $0xffff;
	v5 =	vor.u32 s24, v5  }
0xf7: {  	v42 =	vld [tilespmem:$0x1FCB0];
	v6 =	vor.u32 $0x11, v4  }
0xf8: {  	v14 =	vor.u32 s22, v14  }
0xf9: {  	v15 =	vor.u32 $0x11, v1;
	v10 =	vld.idx.msk [tilespmem:v12+s2+$0x0], $0xffff;
	v11 =	vor.u32 s25, v11  }
0xfa: {  	v12 =	vor.u32 $0x11, v2;
	v7 =	vld.idx.msk [tilespmem:v9+s2+$0x0], $0xffff;
	v8 =	vor.u32 s23, v8  }
0xfb: {  	v9 =	vor.u32 $0x11, v3;
	[tilespmem:v5+s9+$0x0] =	vst.idx.msk $0xffff, v0  }
0xfc: {  	v5 =	vor.u32 s24, v42;
	v0 =	vld.idx.msk [tilespmem:v6+s2+$0x0], $0xffff  }
0xfd: {  	[tilespmem:v14+s9+$0x0] =	vst.idx.msk $0xffff, v13  }
0xfe: {  	v14 =	vor.u32 s22, v42;
	[tilespmem:v11+s9+$0x0] =	vst.idx.msk $0xffff, v10;
	v13 =	vld.idx.msk [tilespmem:v15+s2+$0x0], $0xffff  }
0xff: {  	v11 =	vor.u32 s25, v42;
	v10 =	vld.idx.msk [tilespmem:v12+s2+$0x0], $0xffff;
	[tilespmem:v8+s9+$0x0] =	vst.idx.msk $0xffff, v7  }
0x100: {  	v8 =	vor.u32 s23, v42;
	v7 =	vld.idx.msk [tilespmem:v9+s2+$0x0], $0xffff  }
0x101: {  	v6 =	vor.u32 $0x12, v4;
	[tilespmem:v5+s9+$0x0] =	vst.idx.msk $0xffff, v0;
	v5 =	vld [tilespmem:$0x1FCC0];
	_ =	sdelay $0x1  }
0x102: {  	v15 =	vor.u32 $0x12, v1;
	[tilespmem:v14+s9+$0x0] =	vst.idx.msk $0xffff, v13;
	v14 =	vld [tilespmem:$0x1FCC0]  }
0x103: {  	v12 =	vor.u32 $0x12, v2;
	[tilespmem:v11+s9+$0x0] =	vst.idx.msk $0xffff, v10;
	v11 =	vld [tilespmem:$0x1FCC0]  }
0x104: {  	v9 =	vor.u32 $0x12, v3;
	[tilespmem:v8+s9+$0x0] =	vst.idx.msk $0xffff, v7;
	v8 =	vld [tilespmem:$0x1FCC0]  }
0x105: {  	v0 =	vld.idx.msk [tilespmem:v6+s2+$0x0], $0xffff;
	v5 =	vor.u32 s24, v5  }
0x106: {  	v43 =	vld [tilespmem:$0x1FCD0];
	v6 =	vor.u32 $0x13, v4  }
0x107: {  	v13 =	vld.idx.msk [tilespmem:v15+s2+$0x0], $0xffff;
	v14 =	vor.u32 s22, v14  }
0x108: {  	v15 =	vor.u32 $0x13, v1;
	v10 =	vld.idx.msk [tilespmem:v12+s2+$0x0], $0xffff;
	v11 =	vor.u32 s25, v11  }
0x109: {  	v12 =	vor.u32 $0x13, v2;
	v7 =	vld.idx.msk [tilespmem:v9+s2+$0x0], $0xffff;
	v8 =	vor.u32 s23, v8  }
0x10a: {  	v9 =	vor.u32 $0x13, v3;
	[tilespmem:v5+s9+$0x0] =	vst.idx.msk $0xffff, v0  }
0x10b: {  	v5 =	vor.u32 s24, v43;
	v0 =	vld.idx.msk [tilespmem:v6+s2+$0x0], $0xffff  }
0x10c: {  	[tilespmem:v14+s9+$0x0] =	vst.idx.msk $0xffff, v13  }
0x10d: {  	v14 =	vor.u32 s22, v43;
	[tilespmem:v11+s9+$0x0] =	vst.idx.msk $0xffff, v10;
	v13 =	vld.idx.msk [tilespmem:v15+s2+$0x0], $0xffff  }
0x10e: {  	v11 =	vor.u32 s25, v43;
	v10 =	vld.idx.msk [tilespmem:v12+s2+$0x0], $0xffff;
	[tilespmem:v8+s9+$0x0] =	vst.idx.msk $0xffff, v7  }
0x10f: {  	v8 =	vor.u32 s23, v43;
	v7 =	vld.idx.msk [tilespmem:v9+s2+$0x0], $0xffff  }
0x110: {  	v6 =	vor.u32 $0x14, v4;
	[tilespmem:v5+s9+$0x0] =	vst.idx.msk $0xffff, v0;
	v5 =	vld [tilespmem:$0x1FCE0];
	_ =	sdelay $0x1  }
0x111: {  	v15 =	vor.u32 $0x14, v1;
	[tilespmem:v14+s9+$0x0] =	vst.idx.msk $0xffff, v13;
	v14 =	vld [tilespmem:$0x1FCE0]  }
0x112: {  	v12 =	vor.u32 $0x14, v2;
	[tilespmem:v11+s9+$0x0] =	vst.idx.msk $0xffff, v10;
	v11 =	vld [tilespmem:$0x1FCE0]  }
0x113: {  	v9 =	vor.u32 $0x14, v3;
	[tilespmem:v8+s9+$0x0] =	vst.idx.msk $0xffff, v7;
	v8 =	vld [tilespmem:$0x1FCE0]  }
0x114: {  	v0 =	vld.idx.msk [tilespmem:v6+s2+$0x0], $0xffff;
	v5 =	vor.u32 s24, v5  }
0x115: {  	v44 =	vld [tilespmem:$0x1FCF0];
	v6 =	vor.u32 $0x15, v4  }
0x116: {  	v13 =	vld.idx.msk [tilespmem:v15+s2+$0x0], $0xffff;
	v14 =	vor.u32 s22, v14  }
0x117: {  	v15 =	vor.u32 $0x15, v1;
	v10 =	vld.idx.msk [tilespmem:v12+s2+$0x0], $0xffff;
	v11 =	vor.u32 s25, v11  }
0x118: {  	v12 =	vor.u32 $0x15, v2;
	v7 =	vld.idx.msk [tilespmem:v9+s2+$0x0], $0xffff;
	v8 =	vor.u32 s23, v8  }
0x119: {  	v9 =	vor.u32 $0x15, v3;
	[tilespmem:v5+s9+$0x0] =	vst.idx.msk $0xffff, v0  }
0x11a: {  	v5 =	vor.u32 s24, v44;
	v0 =	vld.idx.msk [tilespmem:v6+s2+$0x0], $0xffff  }
0x11b: {  	[tilespmem:v14+s9+$0x0] =	vst.idx.msk $0xffff, v13  }
0x11c: {  	v14 =	vor.u32 s22, v44;
	[tilespmem:v11+s9+$0x0] =	vst.idx.msk $0xffff, v10;
	v13 =	vld.idx.msk [tilespmem:v15+s2+$0x0], $0xffff  }
0x11d: {  	v11 =	vor.u32 s25, v44;
	v10 =	vld.idx.msk [tilespmem:v12+s2+$0x0], $0xffff;
	[tilespmem:v8+s9+$0x0] =	vst.idx.msk $0xffff, v7  }
0x11e: {  	v8 =	vor.u32 s23, v44;
	v7 =	vld.idx.msk [tilespmem:v9+s2+$0x0], $0xffff  }
0x11f: {  	v6 =	vor.u32 $0x16, v4;
	[tilespmem:v5+s9+$0x0] =	vst.idx.msk $0xffff, v0;
	v5 =	vld [tilespmem:$0x1FD00];
	_ =	sdelay $0x1  }
0x120: {  	v15 =	vor.u32 $0x16, v1;
	[tilespmem:v14+s9+$0x0] =	vst.idx.msk $0xffff, v13;
	v14 =	vld [tilespmem:$0x1FD00]  }
0x121: {  	v12 =	vor.u32 $0x16, v2;
	[tilespmem:v11+s9+$0x0] =	vst.idx.msk $0xffff, v10;
	v11 =	vld [tilespmem:$0x1FD00]  }
0x122: {  	v9 =	vor.u32 $0x16, v3;
	[tilespmem:v8+s9+$0x0] =	vst.idx.msk $0xffff, v7;
	v8 =	vld [tilespmem:$0x1FD00]  }
0x123: {  	v0 =	vld.idx.msk [tilespmem:v6+s2+$0x0], $0xffff;
	v5 =	vor.u32 s24, v5  }
0x124: {  	v45 =	vld [tilespmem:$0x1FD10];
	v6 =	vor.u32 $0x17, v4  }
0x125: {  	v13 =	vld.idx.msk [tilespmem:v15+s2+$0x0], $0xffff;
	v14 =	vor.u32 s22, v14  }
0x126: {  	v15 =	vor.u32 $0x17, v1;
	v10 =	vld.idx.msk [tilespmem:v12+s2+$0x0], $0xffff;
	v11 =	vor.u32 s25, v11  }
0x127: {  	v12 =	vor.u32 $0x17, v2;
	v7 =	vld.idx.msk [tilespmem:v9+s2+$0x0], $0xffff;
	v8 =	vor.u32 s23, v8  }
0x128: {  	v9 =	vor.u32 $0x17, v3;
	[tilespmem:v5+s9+$0x0] =	vst.idx.msk $0xffff, v0  }
0x129: {  	v5 =	vor.u32 s24, v45;
	v0 =	vld.idx.msk [tilespmem:v6+s2+$0x0], $0xffff  }
0x12a: {  	[tilespmem:v14+s9+$0x0] =	vst.idx.msk $0xffff, v13  }
0x12b: {  	v14 =	vor.u32 s22, v45;
	[tilespmem:v11+s9+$0x0] =	vst.idx.msk $0xffff, v10;
	v13 =	vld.idx.msk [tilespmem:v15+s2+$0x0], $0xffff  }
0x12c: {  	v11 =	vor.u32 s25, v45;
	v10 =	vld.idx.msk [tilespmem:v12+s2+$0x0], $0xffff;
	[tilespmem:v8+s9+$0x0] =	vst.idx.msk $0xffff, v7  }
0x12d: {  	v8 =	vor.u32 s23, v45;
	v7 =	vld.idx.msk [tilespmem:v9+s2+$0x0], $0xffff  }
0x12e: {  	v6 =	vor.u32 $0x18, v4;
	[tilespmem:v5+s9+$0x0] =	vst.idx.msk $0xffff, v0;
	v5 =	vld [tilespmem:$0x1FD20];
	_ =	sdelay $0x1  }
0x12f: {  	v15 =	vor.u32 $0x18, v1;
	[tilespmem:v14+s9+$0x0] =	vst.idx.msk $0xffff, v13;
	v14 =	vld [tilespmem:$0x1FD20]  }
0x130: {  	v12 =	vor.u32 $0x18, v2;
	[tilespmem:v11+s9+$0x0] =	vst.idx.msk $0xffff, v10;
	v11 =	vld [tilespmem:$0x1FD20]  }
0x131: {  	v9 =	vor.u32 $0x18, v3;
	[tilespmem:v8+s9+$0x0] =	vst.idx.msk $0xffff, v7;
	v8 =	vld [tilespmem:$0x1FD20]  }
0x132: {  	v0 =	vld.idx.msk [tilespmem:v6+s2+$0x0], $0xffff;
	v5 =	vor.u32 s24, v5  }
0x133: {  	v46 =	vld [tilespmem:$0x1FD30];
	v6 =	vor.u32 $0x19, v4  }
0x134: {  	v13 =	vld.idx.msk [tilespmem:v15+s2+$0x0], $0xffff;
	v14 =	vor.u32 s22, v14  }
0x135: {  	v15 =	vor.u32 $0x19, v1;
	v10 =	vld.idx.msk [tilespmem:v12+s2+$0x0], $0xffff;
	v11 =	vor.u32 s25, v11  }
0x136: {  	v12 =	vor.u32 $0x19, v2;
	v7 =	vld.idx.msk [tilespmem:v9+s2+$0x0], $0xffff;
	v8 =	vor.u32 s23, v8  }
0x137: {  	v9 =	vor.u32 $0x19, v3;
	[tilespmem:v5+s9+$0x0] =	vst.idx.msk $0xffff, v0  }
0x138: {  	v5 =	vor.u32 s24, v46;
	v0 =	vld.idx.msk [tilespmem:v6+s2+$0x0], $0xffff  }
0x139: {  	[tilespmem:v14+s9+$0x0] =	vst.idx.msk $0xffff, v13  }
0x13a: {  	v14 =	vor.u32 s22, v46;
	[tilespmem:v11+s9+$0x0] =	vst.idx.msk $0xffff, v10;
	v13 =	vld.idx.msk [tilespmem:v15+s2+$0x0], $0xffff  }
0x13b: {  	v11 =	vor.u32 s25, v46;
	v10 =	vld.idx.msk [tilespmem:v12+s2+$0x0], $0xffff;
	[tilespmem:v8+s9+$0x0] =	vst.idx.msk $0xffff, v7  }
0x13c: {  	v8 =	vor.u32 s23, v46;
	v7 =	vld.idx.msk [tilespmem:v9+s2+$0x0], $0xffff  }
0x13d: {  	v6 =	vor.u32 $0x1A, v4;
	[tilespmem:v5+s9+$0x0] =	vst.idx.msk $0xffff, v0;
	v5 =	vld [tilespmem:$0x1FD40];
	_ =	sdelay $0x1  }
0x13e: {  	v15 =	vor.u32 $0x1A, v1;
	[tilespmem:v14+s9+$0x0] =	vst.idx.msk $0xffff, v13;
	v14 =	vld [tilespmem:$0x1FD40]  }
0x13f: {  	v12 =	vor.u32 $0x1A, v2;
	[tilespmem:v11+s9+$0x0] =	vst.idx.msk $0xffff, v10;
	v11 =	vld [tilespmem:$0x1FD40]  }
0x140: {  	v9 =	vor.u32 $0x1A, v3;
	[tilespmem:v8+s9+$0x0] =	vst.idx.msk $0xffff, v7;
	v8 =	vld [tilespmem:$0x1FD40]  }
0x141: {  	v0 =	vld.idx.msk [tilespmem:v6+s2+$0x0], $0xffff;
	v5 =	vor.u32 s24, v5  }
0x142: {  	v47 =	vld [tilespmem:$0x1FD50];
	v6 =	vor.u32 $0x1B, v4  }
0x143: {  	v13 =	vld.idx.msk [tilespmem:v15+s2+$0x0], $0xffff;
	v14 =	vor.u32 s22, v14  }
0x144: {  	v15 =	vor.u32 $0x1B, v1;
	v10 =	vld.idx.msk [tilespmem:v12+s2+$0x0], $0xffff;
	v11 =	vor.u32 s25, v11  }
0x145: {  	v12 =	vor.u32 $0x1B, v2;
	v7 =	vld.idx.msk [tilespmem:v9+s2+$0x0], $0xffff;
	v8 =	vor.u32 s23, v8  }
0x146: {  	v9 =	vor.u32 $0x1B, v3;
	[tilespmem:v5+s9+$0x0] =	vst.idx.msk $0xffff, v0  }
0x147: {  	v5 =	vor.u32 s24, v47;
	v0 =	vld.idx.msk [tilespmem:v6+s2+$0x0], $0xffff  }
0x148: {  	[tilespmem:v14+s9+$0x0] =	vst.idx.msk $0xffff, v13  }
0x149: {  	v14 =	vor.u32 s22, v47;
	[tilespmem:v11+s9+$0x0] =	vst.idx.msk $0xffff, v10;
	v13 =	vld.idx.msk [tilespmem:v15+s2+$0x0], $0xffff  }
0x14a: {  	v11 =	vor.u32 s25, v47;
	v10 =	vld.idx.msk [tilespmem:v12+s2+$0x0], $0xffff;
	[tilespmem:v8+s9+$0x0] =	vst.idx.msk $0xffff, v7  }
0x14b: {  	v8 =	vor.u32 s23, v47;
	v7 =	vld.idx.msk [tilespmem:v9+s2+$0x0], $0xffff  }
0x14c: {  	v6 =	vor.u32 $0x1C, v4;
	[tilespmem:v5+s9+$0x0] =	vst.idx.msk $0xffff, v0;
	v5 =	vld [tilespmem:$0x1FD60];
	_ =	sdelay $0x1  }
0x14d: {  	v15 =	vor.u32 $0x1C, v1;
	[tilespmem:v14+s9+$0x0] =	vst.idx.msk $0xffff, v13;
	v14 =	vld [tilespmem:$0x1FD60]  }
0x14e: {  	v12 =	vor.u32 $0x1C, v2;
	[tilespmem:v11+s9+$0x0] =	vst.idx.msk $0xffff, v10;
	v11 =	vld [tilespmem:$0x1FD60]  }
0x14f: {  	v9 =	vor.u32 $0x1C, v3;
	[tilespmem:v8+s9+$0x0] =	vst.idx.msk $0xffff, v7;
	v8 =	vld [tilespmem:$0x1FD60]  }
0x150: {  	v0 =	vld.idx.msk [tilespmem:v6+s2+$0x0], $0xffff;
	v5 =	vor.u32 s24, v5  }
0x151: {  	v48 =	vld [tilespmem:$0x1FD70];
	v6 =	vor.u32 $0x1D, v4  }
0x152: {  	v13 =	vld.idx.msk [tilespmem:v15+s2+$0x0], $0xffff;
	v14 =	vor.u32 s22, v14  }
0x153: {  	v15 =	vor.u32 $0x1D, v1;
	v10 =	vld.idx.msk [tilespmem:v12+s2+$0x0], $0xffff;
	v11 =	vor.u32 s25, v11  }
0x154: {  	v12 =	vor.u32 $0x1D, v2;
	v7 =	vld.idx.msk [tilespmem:v9+s2+$0x0], $0xffff;
	v8 =	vor.u32 s23, v8  }
0x155: {  	v9 =	vor.u32 $0x1D, v3;
	[tilespmem:v5+s9+$0x0] =	vst.idx.msk $0xffff, v0  }
0x156: {  	v5 =	vor.u32 s24, v48;
	v0 =	vld.idx.msk [tilespmem:v6+s2+$0x0], $0xffff  }
0x157: {  	[tilespmem:v14+s9+$0x0] =	vst.idx.msk $0xffff, v13  }
0x158: {  	v14 =	vor.u32 s22, v48;
	[tilespmem:v11+s9+$0x0] =	vst.idx.msk $0xffff, v10;
	v13 =	vld.idx.msk [tilespmem:v15+s2+$0x0], $0xffff  }
0x159: {  	v11 =	vor.u32 s25, v48;
	v10 =	vld.idx.msk [tilespmem:v12+s2+$0x0], $0xffff;
	[tilespmem:v8+s9+$0x0] =	vst.idx.msk $0xffff, v7  }
0x15a: {  	v8 =	vor.u32 s23, v48;
	v7 =	vld.idx.msk [tilespmem:v9+s2+$0x0], $0xffff  }
0x15b: {  	v6 =	vor.u32 $0x1E, v4;
	[tilespmem:v5+s9+$0x0] =	vst.idx.msk $0xffff, v0;
	v5 =	vld [tilespmem:$0x1FD80];
	_ =	sdelay $0x1  }
0x15c: {  	v15 =	vor.u32 $0x1E, v1;
	[tilespmem:v14+s9+$0x0] =	vst.idx.msk $0xffff, v13;
	v14 =	vld [tilespmem:$0x1FD80]  }
0x15d: {  	v12 =	vor.u32 $0x1E, v2;
	[tilespmem:v11+s9+$0x0] =	vst.idx.msk $0xffff, v10;
	v11 =	vld [tilespmem:$0x1FD80]  }
0x15e: {  	v9 =	vor.u32 $0x1E, v3;
	[tilespmem:v8+s9+$0x0] =	vst.idx.msk $0xffff, v7;
	v8 =	vld [tilespmem:$0x1FD80]  }
0x15f: {  	v0 =	vld.idx.msk [tilespmem:v6+s2+$0x0], $0xffff;
	v5 =	vor.u32 s24, v5  }
0x160: {  	v49 =	vld [tilespmem:$0x1FD90];
	v6 =	vor.u32 $0x1F, v4  }
0x161: {  	v13 =	vld.idx.msk [tilespmem:v15+s2+$0x0], $0xffff;
	v14 =	vor.u32 s22, v14  }
0x162: {  	v15 =	vor.u32 $0x1F, v1;
	v10 =	vld.idx.msk [tilespmem:v12+s2+$0x0], $0xffff;
	v11 =	vor.u32 s25, v11  }
0x163: {  	v12 =	vor.u32 $0x1F, v2;
	v7 =	vld.idx.msk [tilespmem:v9+s2+$0x0], $0xffff;
	v8 =	vor.u32 s23, v8  }
0x164: {  	v9 =	vor.u32 $0x1F, v3;
	[tilespmem:v5+s9+$0x0] =	vst.idx.msk $0xffff, v0  }
0x165: {  	v5 =	vor.u32 s24, v49;
	v0 =	vld.idx.msk [tilespmem:v6+s2+$0x0], $0xffff  }
0x166: {  	[tilespmem:v14+s9+$0x0] =	vst.idx.msk $0xffff, v13  }
0x167: {  	v14 =	vor.u32 s22, v49;
	[tilespmem:v11+s9+$0x0] =	vst.idx.msk $0xffff, v10;
	v13 =	vld.idx.msk [tilespmem:v15+s2+$0x0], $0xffff  }
0x168: {  	v11 =	vor.u32 s25, v49;
	v10 =	vld.idx.msk [tilespmem:v12+s2+$0x0], $0xffff;
	[tilespmem:v8+s9+$0x0] =	vst.idx.msk $0xffff, v7  }
0x169: {  	v8 =	vor.u32 s23, v49;
	v7 =	vld.idx.msk [tilespmem:v9+s2+$0x0], $0xffff  }
0x16a: {  	v6 =	vor.u32 $0x20, v4;
	[tilespmem:v5+s9+$0x0] =	vst.idx.msk $0xffff, v0;
	v5 =	vld [tilespmem:$0x1FDA0];
	_ =	sdelay $0x1  }
0x16b: {  	v15 =	vor.u32 $0x20, v1;
	[tilespmem:v14+s9+$0x0] =	vst.idx.msk $0xffff, v13;
	v14 =	vld [tilespmem:$0x1FDA0]  }
0x16c: {  	v12 =	vor.u32 $0x20, v2;
	[tilespmem:v11+s9+$0x0] =	vst.idx.msk $0xffff, v10;
	v11 =	vld [tilespmem:$0x1FDA0]  }
0x16d: {  	v9 =	vor.u32 $0x20, v3;
	[tilespmem:v8+s9+$0x0] =	vst.idx.msk $0xffff, v7;
	v8 =	vld [tilespmem:$0x1FDA0]  }
0x16e: {  	v0 =	vld.idx.msk [tilespmem:v6+s2+$0x0], $0xffff;
	v5 =	vor.u32 s24, v5  }
0x16f: {  	v50 =	vld [tilespmem:$0x1FDB0];
	v6 =	vor.u32 $0x21, v4  }
0x170: {  	v13 =	vld.idx.msk [tilespmem:v15+s2+$0x0], $0xffff;
	v14 =	vor.u32 s22, v14  }
0x171: {  	v15 =	vor.u32 $0x21, v1;
	v10 =	vld.idx.msk [tilespmem:v12+s2+$0x0], $0xffff;
	v11 =	vor.u32 s25, v11  }
0x172: {  	v12 =	vor.u32 $0x21, v2;
	v7 =	vld.idx.msk [tilespmem:v9+s2+$0x0], $0xffff;
	v8 =	vor.u32 s23, v8  }
0x173: {  	v9 =	vor.u32 $0x21, v3;
	[tilespmem:v5+s9+$0x0] =	vst.idx.msk $0xffff, v0  }
0x174: {  	v5 =	vor.u32 s24, v50;
	v0 =	vld.idx.msk [tilespmem:v6+s2+$0x0], $0xffff  }
0x175: {  	[tilespmem:v14+s9+$0x0] =	vst.idx.msk $0xffff, v13  }
0x176: {  	v14 =	vor.u32 s22, v50;
	[tilespmem:v11+s9+$0x0] =	vst.idx.msk $0xffff, v10;
	v13 =	vld.idx.msk [tilespmem:v15+s2+$0x0], $0xffff  }
0x177: {  	v11 =	vor.u32 s25, v50;
	v10 =	vld.idx.msk [tilespmem:v12+s2+$0x0], $0xffff;
	[tilespmem:v8+s9+$0x0] =	vst.idx.msk $0xffff, v7  }
0x178: {  	v8 =	vor.u32 s23, v50;
	v7 =	vld.idx.msk [tilespmem:v9+s2+$0x0], $0xffff  }
0x179: {  	v6 =	vor.u32 $0x22, v4;
	[tilespmem:v5+s9+$0x0] =	vst.idx.msk $0xffff, v0;
	v5 =	vld [tilespmem:$0x1FDC0];
	_ =	sdelay $0x1  }
0x17a: {  	v15 =	vor.u32 $0x22, v1;
	[tilespmem:v14+s9+$0x0] =	vst.idx.msk $0xffff, v13;
	v14 =	vld [tilespmem:$0x1FDC0]  }
0x17b: {  	v12 =	vor.u32 $0x22, v2;
	[tilespmem:v11+s9+$0x0] =	vst.idx.msk $0xffff, v10;
	v11 =	vld [tilespmem:$0x1FDC0]  }
0x17c: {  	v9 =	vor.u32 $0x22, v3;
	[tilespmem:v8+s9+$0x0] =	vst.idx.msk $0xffff, v7;
	v8 =	vld [tilespmem:$0x1FDC0]  }
0x17d: {  	v0 =	vld.idx.msk [tilespmem:v6+s2+$0x0], $0xffff;
	v5 =	vor.u32 s24, v5  }
0x17e: {  	v51 =	vld [tilespmem:$0x1FDD0];
	v6 =	vor.u32 $0x23, v4  }
0x17f: {  	v13 =	vld.idx.msk [tilespmem:v15+s2+$0x0], $0xffff;
	v14 =	vor.u32 s22, v14  }
0x180: {  	v15 =	vor.u32 $0x23, v1;
	v10 =	vld.idx.msk [tilespmem:v12+s2+$0x0], $0xffff;
	v11 =	vor.u32 s25, v11  }
0x181: {  	v12 =	vor.u32 $0x23, v2;
	v7 =	vld.idx.msk [tilespmem:v9+s2+$0x0], $0xffff;
	v8 =	vor.u32 s23, v8  }
0x182: {  	v9 =	vor.u32 $0x23, v3;
	[tilespmem:v5+s9+$0x0] =	vst.idx.msk $0xffff, v0  }
0x183: {  	v5 =	vor.u32 s24, v51;
	v0 =	vld.idx.msk [tilespmem:v6+s2+$0x0], $0xffff  }
0x184: {  	[tilespmem:v14+s9+$0x0] =	vst.idx.msk $0xffff, v13  }
0x185: {  	v14 =	vor.u32 s22, v51;
	[tilespmem:v11+s9+$0x0] =	vst.idx.msk $0xffff, v10;
	v13 =	vld.idx.msk [tilespmem:v15+s2+$0x0], $0xffff  }
0x186: {  	v11 =	vor.u32 s25, v51;
	v10 =	vld.idx.msk [tilespmem:v12+s2+$0x0], $0xffff;
	[tilespmem:v8+s9+$0x0] =	vst.idx.msk $0xffff, v7  }
0x187: {  	v8 =	vor.u32 s23, v51;
	v7 =	vld.idx.msk [tilespmem:v9+s2+$0x0], $0xffff  }
0x188: {  	v6 =	vor.u32 $0x24, v4;
	[tilespmem:v5+s9+$0x0] =	vst.idx.msk $0xffff, v0;
	v5 =	vld [tilespmem:$0x1FDE0];
	_ =	sdelay $0x1  }
0x189: {  	v15 =	vor.u32 $0x24, v1;
	[tilespmem:v14+s9+$0x0] =	vst.idx.msk $0xffff, v13;
	v14 =	vld [tilespmem:$0x1FDE0]  }
0x18a: {  	v12 =	vor.u32 $0x24, v2;
	[tilespmem:v11+s9+$0x0] =	vst.idx.msk $0xffff, v10;
	v11 =	vld [tilespmem:$0x1FDE0]  }
0x18b: {  	v9 =	vor.u32 $0x24, v3;
	[tilespmem:v8+s9+$0x0] =	vst.idx.msk $0xffff, v7;
	v8 =	vld [tilespmem:$0x1FDE0]  }
0x18c: {  	v0 =	vld.idx.msk [tilespmem:v6+s2+$0x0], $0xffff;
	v5 =	vor.u32 s24, v5  }
0x18d: {  	v52 =	vld [tilespmem:$0x1FDF0];
	v6 =	vor.u32 $0x25, v4  }
0x18e: {  	v13 =	vld.idx.msk [tilespmem:v15+s2+$0x0], $0xffff;
	v14 =	vor.u32 s22, v14  }
0x18f: {  	v15 =	vor.u32 $0x25, v1;
	v10 =	vld.idx.msk [tilespmem:v12+s2+$0x0], $0xffff;
	v11 =	vor.u32 s25, v11  }
0x190: {  	v12 =	vor.u32 $0x25, v2;
	v7 =	vld.idx.msk [tilespmem:v9+s2+$0x0], $0xffff;
	v8 =	vor.u32 s23, v8  }
0x191: {  	v9 =	vor.u32 $0x25, v3;
	[tilespmem:v5+s9+$0x0] =	vst.idx.msk $0xffff, v0  }
0x192: {  	v5 =	vor.u32 s24, v52;
	v0 =	vld.idx.msk [tilespmem:v6+s2+$0x0], $0xffff  }
0x193: {  	[tilespmem:v14+s9+$0x0] =	vst.idx.msk $0xffff, v13  }
0x194: {  	v14 =	vor.u32 s22, v52;
	[tilespmem:v11+s9+$0x0] =	vst.idx.msk $0xffff, v10;
	v13 =	vld.idx.msk [tilespmem:v15+s2+$0x0], $0xffff  }
0x195: {  	v11 =	vor.u32 s25, v52;
	v10 =	vld.idx.msk [tilespmem:v12+s2+$0x0], $0xffff;
	[tilespmem:v8+s9+$0x0] =	vst.idx.msk $0xffff, v7  }
0x196: {  	v6 =	vor.u32 $0x26, v4;
	v7 =	vld.idx.msk [tilespmem:v9+s2+$0x0], $0xffff  }
0x197: {  	v8 =	vor.u32 s23, v52;
	[tilespmem:v5+s9+$0x0] =	vst.idx.msk $0xffff, v0;
	v5 =	vld [tilespmem:$0x1FE00];
	_ =	sdelay $0x1  }
0x198: {  	v15 =	vor.u32 $0x26, v1;
	[tilespmem:v14+s9+$0x0] =	vst.idx.msk $0xffff, v13;
	v14 =	vld [tilespmem:$0x1FE00]  }
0x199: {  	[tilespmem:v11+s9+$0x0] =	vst.idx.msk $0xffff, v10;
	v11 =	vld [tilespmem:$0x1FE00]  }
0x19a: {  	v12 =	vor.u32 $0x26, v2;
	v0 =	vld.idx.msk [tilespmem:v6+s2+$0x0], $0xffff  }
0x19b: {  	v9 =	vor.u32 $0x26, v3;
	v5 =	vor.u32 s24, v5;
	[tilespmem:v8+s9+$0x0] =	vst.idx.msk $0xffff, v7;
	v8 =	vld [tilespmem:$0x1FE00]  }
0x19c: {  	v53 =	vld [tilespmem:$0x1FE10];
	v6 =	vor.u32 $0x27, v4  }
0x19d: {  	v13 =	vld.idx.msk [tilespmem:v15+s2+$0x0], $0xffff;
	v14 =	vor.u32 s22, v14  }
0x19e: {  	v15 =	vor.u32 $0x27, v1  }
0x19f: {  	v10 =	vld.idx.msk [tilespmem:v12+s2+$0x0], $0xffff;
	v11 =	vor.u32 s25, v11  }
0x1a0: {  	v12 =	vor.u32 $0x27, v2;
	v7 =	vld.idx.msk [tilespmem:v9+s2+$0x0], $0xffff;
	v8 =	vor.u32 s23, v8;
	[tilespmem:v5+s9+$0x0] =	vst.idx.msk $0xffff, v0  }
0x1a1: {  	v5 =	vor.u32 s24, v53;
	v0 =	vld.idx.msk [tilespmem:v6+s2+$0x0], $0xffff  }
0x1a2: {  	v9 =	vor.u32 $0x27, v3;
	[tilespmem:v14+s9+$0x0] =	vst.idx.msk $0xffff, v13  }
0x1a3: {  	v14 =	vor.u32 s22, v53;
	v13 =	vld.idx.msk [tilespmem:v15+s2+$0x0], $0xffff  }
0x1a4: {  	[tilespmem:v11+s9+$0x0] =	vst.idx.msk $0xffff, v10  }
0x1a5: {  	v11 =	vor.u32 s25, v53;
	v10 =	vld.idx.msk [tilespmem:v12+s2+$0x0], $0xffff;
	[tilespmem:v8+s9+$0x0] =	vst.idx.msk $0xffff, v7  }
0x1a6: {  	v6 =	vor.u32 $0x28, v4;
	[tilespmem:v5+s9+$0x0] =	vst.idx.msk $0xffff, v0;
	v5 =	vld [tilespmem:$0x1FE20]  }
0x1a7: {  	v15 =	vor.u32 $0x28, v1;
	v7 =	vld.idx.msk [tilespmem:v9+s2+$0x0], $0xffff  }
0x1a8: {  	v8 =	vor.u32 s23, v53;
	[tilespmem:v14+s9+$0x0] =	vst.idx.msk $0xffff, v13;
	v14 =	vld [tilespmem:$0x1FE20];
	_ =	sdelay $0x1  }
0x1a9: {  	[tilespmem:v11+s9+$0x0] =	vst.idx.msk $0xffff, v10;
	v11 =	vld [tilespmem:$0x1FE20]  }
0x1aa: {  	v12 =	vor.u32 $0x28, v2;
	v0 =	vld.idx.msk [tilespmem:v6+s2+$0x0], $0xffff;
	v5 =	vor.u32 s24, v5  }
0x1ab: {  	v13 =	vld.idx.msk [tilespmem:v15+s2+$0x0], $0xffff;
	v6 =	vor.u32 $0x29, v4  }
0x1ac: {  	v9 =	vor.u32 $0x28, v3;
	v14 =	vor.u32 s22, v14;
	[tilespmem:v8+s9+$0x0] =	vst.idx.msk $0xffff, v7;
	v8 =	vld [tilespmem:$0x1FE20]  }
0x1ad: {  	v15 =	vor.u32 $0x29, v1;
	_ =	sdelay $0x1  }
0x1ae: {  	v10 =	vld.idx.msk [tilespmem:v12+s2+$0x0], $0xffff;
	v11 =	vor.u32 s25, v11;
	[tilespmem:v5+s9+$0x0] =	vst.idx.msk $0xffff, v0  }
0x1af: {  	v12 =	vor.u32 $0x29, v2;
	v5 =	vor.u32 s24, v54;
	v0 =	vld.idx.msk [tilespmem:v6+s2+$0x0], $0xffff  }
0x1b0: {  	v7 =	vld.idx.msk [tilespmem:v9+s2+$0x0], $0xffff;
	v8 =	vor.u32 s23, v8;
	[tilespmem:v14+s9+$0x0] =	vst.idx.msk $0xffff, v13;
	v6 =	vor.u32 $0x2A, v4  }
0x1b1: {  	v9 =	vor.u32 $0x29, v3;
	v14 =	vor.u32 s22, v54;
	v13 =	vld.idx.msk [tilespmem:v15+s2+$0x0], $0xffff  }
0x1b2: {  	v15 =	vor.u32 $0x2A, v1  }
0x1b3: {  	[tilespmem:v11+s9+$0x0] =	vst.idx.msk $0xffff, v10  }
0x1b4: {  	v11 =	vor.u32 s25, v54;
	v10 =	vld.idx.msk [tilespmem:v12+s2+$0x0], $0xffff;
	[tilespmem:v5+s9+$0x0] =	vst.idx.msk $0xffff, v0  }
0x1b5: {  	v12 =	vor.u32 $0x2A, v2;
	[tilespmem:v8+s9+$0x0] =	vst.idx.msk $0xffff, v7;
	v5 =	vor.u32 s24, v55;
	v0 =	vld.idx.msk [tilespmem:v6+s2+$0x0], $0xffff  }
0x1b6: {  	v8 =	vor.u32 s23, v54;
	v7 =	vld.idx.msk [tilespmem:v9+s2+$0x0], $0xffff;
	[tilespmem:v14+s9+$0x0] =	vst.idx.msk $0xffff, v13;
	v6 =	vor.u32 $0x2B, v4  }
0x1b7: {  	v9 =	vor.u32 $0x2A, v3;
	v14 =	vor.u32 s22, v55;
	v13 =	vld.idx.msk [tilespmem:v15+s2+$0x0], $0xffff  }
0x1b8: {  	v15 =	vor.u32 $0x2B, v1  }
0x1b9: {  	[tilespmem:v11+s9+$0x0] =	vst.idx.msk $0xffff, v10  }
0x1ba: {  	v11 =	vor.u32 s25, v55;
	v10 =	vld.idx.msk [tilespmem:v12+s2+$0x0], $0xffff;
	[tilespmem:v5+s9+$0x0] =	vst.idx.msk $0xffff, v0  }
0x1bb: {  	v12 =	vor.u32 $0x2B, v2;
	[tilespmem:v8+s9+$0x0] =	vst.idx.msk $0xffff, v7;
	v5 =	vor.u32 s24, v56;
	v0 =	vld.idx.msk [tilespmem:v6+s2+$0x0], $0xffff  }
0x1bc: {  	v8 =	vor.u32 s23, v55;
	v7 =	vld.idx.msk [tilespmem:v9+s2+$0x0], $0xffff;
	[tilespmem:v14+s9+$0x0] =	vst.idx.msk $0xffff, v13;
	v6 =	vor.u32 $0x2C, v4  }
0x1bd: {  	v9 =	vor.u32 $0x2B, v3;
	v14 =	vor.u32 s22, v56;
	v13 =	vld.idx.msk [tilespmem:v15+s2+$0x0], $0xffff  }
0x1be: {  	v15 =	vor.u32 $0x2C, v1  }
0x1bf: {  	[tilespmem:v11+s9+$0x0] =	vst.idx.msk $0xffff, v10  }
0x1c0: {  	v11 =	vor.u32 s25, v56;
	v10 =	vld.idx.msk [tilespmem:v12+s2+$0x0], $0xffff;
	[tilespmem:v5+s9+$0x0] =	vst.idx.msk $0xffff, v0  }
0x1c1: {  	v12 =	vor.u32 $0x2C, v2;
	[tilespmem:v8+s9+$0x0] =	vst.idx.msk $0xffff, v7;
	v5 =	vor.u32 s24, v57;
	v0 =	vld.idx.msk [tilespmem:v6+s2+$0x0], $0xffff  }
0x1c2: {  	v8 =	vor.u32 s23, v56;
	v7 =	vld.idx.msk [tilespmem:v9+s2+$0x0], $0xffff;
	[tilespmem:v14+s9+$0x0] =	vst.idx.msk $0xffff, v13;
	v6 =	vor.u32 $0x2D, v4  }
0x1c3: {  	v9 =	vor.u32 $0x2C, v3;
	v14 =	vor.u32 s22, v57;
	v13 =	vld.idx.msk [tilespmem:v15+s2+$0x0], $0xffff  }
0x1c4: {  	v15 =	vor.u32 $0x2D, v1  }
0x1c5: {  	[tilespmem:v11+s9+$0x0] =	vst.idx.msk $0xffff, v10  }
0x1c6: {  	v11 =	vor.u32 s25, v57;
	v10 =	vld.idx.msk [tilespmem:v12+s2+$0x0], $0xffff;
	[tilespmem:v5+s9+$0x0] =	vst.idx.msk $0xffff, v0  }
0x1c7: {  	v12 =	vor.u32 $0x2D, v2;
	[tilespmem:v8+s9+$0x0] =	vst.idx.msk $0xffff, v7;
	v5 =	vor.u32 s24, v58;
	v0 =	vld.idx.msk [tilespmem:v6+s2+$0x0], $0xffff  }
0x1c8: {  	v8 =	vor.u32 s23, v57;
	v7 =	vld.idx.msk [tilespmem:v9+s2+$0x0], $0xffff;
	[tilespmem:v14+s9+$0x0] =	vst.idx.msk $0xffff, v13;
	v6 =	vor.u32 $0x2E, v4  }
0x1c9: {  	v9 =	vor.u32 $0x2D, v3;
	v14 =	vor.u32 s22, v58;
	v13 =	vld.idx.msk [tilespmem:v15+s2+$0x0], $0xffff  }
0x1ca: {  	v15 =	vor.u32 $0x2E, v1  }
0x1cb: {  	[tilespmem:v11+s9+$0x0] =	vst.idx.msk $0xffff, v10  }
0x1cc: {  	v11 =	vor.u32 s25, v58;
	v10 =	vld.idx.msk [tilespmem:v12+s2+$0x0], $0xffff;
	[tilespmem:v5+s9+$0x0] =	vst.idx.msk $0xffff, v0  }
0x1cd: {  	v12 =	vor.u32 $0x2E, v2;
	[tilespmem:v8+s9+$0x0] =	vst.idx.msk $0xffff, v7;
	v5 =	vor.u32 s24, v59;
	v0 =	vld.idx.msk [tilespmem:v6+s2+$0x0], $0xffff  }
0x1ce: {  	v8 =	vor.u32 s23, v58;
	v7 =	vld.idx.msk [tilespmem:v9+s2+$0x0], $0xffff;
	[tilespmem:v14+s9+$0x0] =	vst.idx.msk $0xffff, v13;
	v6 =	vor.u32 $0x2F, v4  }
0x1cf: {  	v9 =	vor.u32 $0x2E, v3;
	v14 =	vor.u32 s22, v59;
	v13 =	vld.idx.msk [tilespmem:v15+s2+$0x0], $0xffff  }
0x1d0: {  	v15 =	vor.u32 $0x2F, v1  }
0x1d1: {  	[tilespmem:v11+s9+$0x0] =	vst.idx.msk $0xffff, v10  }
0x1d2: {  	v11 =	vor.u32 s25, v59;
	v10 =	vld.idx.msk [tilespmem:v12+s2+$0x0], $0xffff;
	[tilespmem:v5+s9+$0x0] =	vst.idx.msk $0xffff, v0  }
0x1d3: {  	v12 =	vor.u32 $0x2F, v2;
	[tilespmem:v8+s9+$0x0] =	vst.idx.msk $0xffff, v7;
	v5 =	vor.u32 s24, v60;
	v0 =	vld.idx.msk [tilespmem:v6+s2+$0x0], $0xffff  }
0x1d4: {  	v8 =	vor.u32 s23, v59;
	v7 =	vld.idx.msk [tilespmem:v9+s2+$0x0], $0xffff;
	[tilespmem:v14+s9+$0x0] =	vst.idx.msk $0xffff, v13;
	v6 =	vor.u32 $0x30, v4  }
0x1d5: {  	v9 =	vor.u32 $0x2F, v3;
	v14 =	vor.u32 s22, v60;
	v13 =	vld.idx.msk [tilespmem:v15+s2+$0x0], $0xffff  }
0x1d6: {  	v15 =	vor.u32 $0x30, v1  }
0x1d7: {  	[tilespmem:v11+s9+$0x0] =	vst.idx.msk $0xffff, v10  }
0x1d8: {  	v11 =	vor.u32 s25, v60;
	v10 =	vld.idx.msk [tilespmem:v12+s2+$0x0], $0xffff;
	[tilespmem:v5+s9+$0x0] =	vst.idx.msk $0xffff, v0  }
0x1d9: {  	v12 =	vor.u32 $0x30, v2;
	[tilespmem:v8+s9+$0x0] =	vst.idx.msk $0xffff, v7;
	v5 =	vor.u32 s24, v61;
	v0 =	vld.idx.msk [tilespmem:v6+s2+$0x0], $0xffff  }
0x1da: {  	v8 =	vor.u32 s23, v60;
	v7 =	vld.idx.msk [tilespmem:v9+s2+$0x0], $0xffff;
	[tilespmem:v14+s9+$0x0] =	vst.idx.msk $0xffff, v13;
	v6 =	vor.u32 $0x31, v4  }
0x1db: {  	v9 =	vor.u32 $0x30, v3;
	v14 =	vor.u32 s22, v61;
	v13 =	vld.idx.msk [tilespmem:v15+s2+$0x0], $0xffff  }
0x1dc: {  	v15 =	vor.u32 $0x31, v1  }
0x1dd: {  	[tilespmem:v11+s9+$0x0] =	vst.idx.msk $0xffff, v10  }
0x1de: {  	v11 =	vor.u32 s25, v61;
	v10 =	vld.idx.msk [tilespmem:v12+s2+$0x0], $0xffff;
	[tilespmem:v5+s9+$0x0] =	vst.idx.msk $0xffff, v0  }
0x1df: {  	v12 =	vor.u32 $0x31, v2;
	[tilespmem:v8+s9+$0x0] =	vst.idx.msk $0xffff, v7;
	v5 =	vor.u32 s24, v62;
	v0 =	vld.idx.msk [tilespmem:v6+s2+$0x0], $0xffff  }
0x1e0: {  	v8 =	vor.u32 s23, v61;
	v7 =	vld.idx.msk [tilespmem:v9+s2+$0x0], $0xffff;
	[tilespmem:v14+s9+$0x0] =	vst.idx.msk $0xffff, v13;
	v6 =	vor.u32 $0x32, v4  }
0x1e1: {  	v9 =	vor.u32 $0x31, v3;
	v14 =	vor.u32 s22, v62;
	v13 =	vld.idx.msk [tilespmem:v15+s2+$0x0], $0xffff  }
0x1e2: {  	v15 =	vor.u32 $0x32, v1  }
0x1e3: {  	[tilespmem:v11+s9+$0x0] =	vst.idx.msk $0xffff, v10  }
0x1e4: {  	v11 =	vor.u32 s25, v62;
	v10 =	vld.idx.msk [tilespmem:v12+s2+$0x0], $0xffff;
	[tilespmem:v5+s9+$0x0] =	vst.idx.msk $0xffff, v0  }
0x1e5: {  	v12 =	vor.u32 $0x32, v2;
	[tilespmem:v8+s9+$0x0] =	vst.idx.msk $0xffff, v7;
	v5 =	vor.u32 s24, v63;
	v0 =	vld.idx.msk [tilespmem:v6+s2+$0x0], $0xffff  }
0x1e6: {  	v8 =	vor.u32 s23, v62;
	v7 =	vld.idx.msk [tilespmem:v9+s2+$0x0], $0xffff;
	[tilespmem:v14+s9+$0x0] =	vst.idx.msk $0xffff, v13;
	v6 =	vor.u32 $0x33, v4  }
0x1e7: {  	v9 =	vor.u32 $0x32, v3;
	v14 =	vor.u32 s22, v63;
	v13 =	vld.idx.msk [tilespmem:v15+s2+$0x0], $0xffff  }
0x1e8: {  	v15 =	vor.u32 $0x33, v1  }
0x1e9: {  	[tilespmem:v11+s9+$0x0] =	vst.idx.msk $0xffff, v10  }
0x1ea: {  	v11 =	vor.u32 s25, v63;
	v10 =	vld.idx.msk [tilespmem:v12+s2+$0x0], $0xffff;
	[tilespmem:v5+s9+$0x0] =	vst.idx.msk $0xffff, v0  }
0x1eb: {  	v12 =	vor.u32 $0x33, v2;
	[tilespmem:v8+s9+$0x0] =	vst.idx.msk $0xffff, v7;
	v5 =	vor.u32 s24, v28;
	v0 =	vld.idx.msk [tilespmem:v6+s2+$0x0], $0xffff  }
0x1ec: {  	v8 =	vor.u32 s23, v63;
	v7 =	vld.idx.msk [tilespmem:v9+s2+$0x0], $0xffff;
	[tilespmem:v14+s9+$0x0] =	vst.idx.msk $0xffff, v13;
	v6 =	vor.u32 $0x34, v4  }
0x1ed: {  	v9 =	vor.u32 $0x33, v3;
	v14 =	vor.u32 s22, v28;
	v13 =	vld.idx.msk [tilespmem:v15+s2+$0x0], $0xffff  }
0x1ee: {  	v15 =	vor.u32 $0x34, v1  }
0x1ef: {  	[tilespmem:v11+s9+$0x0] =	vst.idx.msk $0xffff, v10  }
0x1f0: {  	v11 =	vor.u32 s25, v28;
	v10 =	vld.idx.msk [tilespmem:v12+s2+$0x0], $0xffff;
	[tilespmem:v5+s9+$0x0] =	vst.idx.msk $0xffff, v0  }
0x1f1: {  	v12 =	vor.u32 $0x34, v2;
	[tilespmem:v8+s9+$0x0] =	vst.idx.msk $0xffff, v7;
	v5 =	vor.u32 s24, v29;
	v0 =	vld.idx.msk [tilespmem:v6+s2+$0x0], $0xffff  }
0x1f2: {  	v8 =	vor.u32 s23, v28;
	v7 =	vld.idx.msk [tilespmem:v9+s2+$0x0], $0xffff;
	[tilespmem:v14+s9+$0x0] =	vst.idx.msk $0xffff, v13;
	v6 =	vor.u32 $0x35, v4  }
0x1f3: {  	v9 =	vor.u32 $0x34, v3;
	v14 =	vor.u32 s22, v29;
	v13 =	vld.idx.msk [tilespmem:v15+s2+$0x0], $0xffff  }
0x1f4: {  	v15 =	vor.u32 $0x35, v1  }
0x1f5: {  	[tilespmem:v11+s9+$0x0] =	vst.idx.msk $0xffff, v10  }
0x1f6: {  	v11 =	vor.u32 s25, v29;
	v10 =	vld.idx.msk [tilespmem:v12+s2+$0x0], $0xffff;
	[tilespmem:v5+s9+$0x0] =	vst.idx.msk $0xffff, v0  }
0x1f7: {  	v12 =	vor.u32 $0x35, v2;
	[tilespmem:v8+s9+$0x0] =	vst.idx.msk $0xffff, v7;
	v5 =	vor.u32 s24, v30;
	v0 =	vld.idx.msk [tilespmem:v6+s2+$0x0], $0xffff  }
0x1f8: {  	v8 =	vor.u32 s23, v29;
	v7 =	vld.idx.msk [tilespmem:v9+s2+$0x0], $0xffff;
	[tilespmem:v14+s9+$0x0] =	vst.idx.msk $0xffff, v13;
	v6 =	vor.u32 $0x36, v4  }
0x1f9: {  	v9 =	vor.u32 $0x35, v3;
	v14 =	vor.u32 s22, v30;
	v13 =	vld.idx.msk [tilespmem:v15+s2+$0x0], $0xffff  }
0x1fa: {  	v15 =	vor.u32 $0x36, v1  }
0x1fb: {  	[tilespmem:v11+s9+$0x0] =	vst.idx.msk $0xffff, v10  }
0x1fc: {  	v11 =	vor.u32 s25, v30;
	v10 =	vld.idx.msk [tilespmem:v12+s2+$0x0], $0xffff;
	[tilespmem:v5+s9+$0x0] =	vst.idx.msk $0xffff, v0  }
0x1fd: {  	[tilespmem:v8+s9+$0x0] =	vst.idx.msk $0xffff, v7;
	v5 =	vor.u32 s24, v31;
	v0 =	vld.idx.msk [tilespmem:v6+s2+$0x0], $0xffff  }
0x1fe: {  	v12 =	vor.u32 $0x36, v2;
	v8 =	vor.u32 s23, v30;
	v7 =	vld.idx.msk [tilespmem:v9+s2+$0x0], $0xffff;
	[tilespmem:v14+s9+$0x0] =	vst.idx.msk $0xffff, v13  }
0x1ff: {  	v9 =	vor.u32 $0x36, v3;
	v14 =	vor.u32 s22, v31;
	v13 =	vld.idx.msk [tilespmem:v15+s2+$0x0], $0xffff  }
0x200: {  	v15 =	vor.u32 $0x37, v1  }
0x201: {  	[tilespmem:v11+s9+$0x0] =	vst.idx.msk $0xffff, v10  }
0x202: {  	[tilespmem:v5+s9+$0x0] =	vst.idx.msk $0xffff, v0;
	v0 =	vld [tilespmem:s20+$0x0]  }
0x203: {  	v11 =	vor.u32 s25, v31;
	v6 =	vor.u32 $0x37, v4;
	v10 =	vld.idx.msk [tilespmem:v12+s2+$0x0], $0xffff;
	[tilespmem:v8+s9+$0x0] =	vst.idx.msk $0xffff, v7  }
0x204: {  	v12 =	vor.u32 $0x37, v2;
	v8 =	vor.u32 s23, v31;
	v7 =	vld.idx.msk [tilespmem:v9+s2+$0x0], $0xffff;
	[tilespmem:v14+s9+$0x0] =	vst.idx.msk $0xffff, v13  }
0x205: {  	v9 =	vor.u32 $0x37, v3;
	v14 =	vor.u32 s22, v32;
	v13 =	vld.idx.msk [tilespmem:v15+s2+$0x0], $0xffff  }
0x206: {  	v5 =	vor.u32 $0x38, v1  }
0x207: {  	v17 =	vld [tilespmem:$0x1FFA0];
	v0 =	vshll.u32 v0, $0x6  }
0x208: {  	[tilespmem:v11+s9+$0x0] =	vst.idx.msk $0xffff, v10;
	v6 =	vld.idx.msk [tilespmem:v6+s2+$0x0], $0xffff;
	v15 =	vor.u32 s24, v32  }
0x209: {  	v11 =	vld.idx.msk [tilespmem:v12+s2+$0x0], $0xffff;
	v12 =	vor.u32 s25, v32;
	[tilespmem:v8+s9+$0x0] =	vst.idx.msk $0xffff, v7  }
0x20a: {  	v7 =	vor.u32 $0x38, v4;
	v8 =	vld.idx.msk [tilespmem:v9+s2+$0x0], $0xffff;
	v9 =	vor.u32 s23, v32;
	[tilespmem:v14+s9+$0x0] =	vst.idx.msk $0xffff, v13  }
0x20b: {  	s21 =	sadd.s32 $0xFFFFF400, s19;
	v10 =	vor.u32 $0x38, v3;
	v13 =	vor.u32 s22, v33;
	v5 =	vld.idx.msk [tilespmem:v5+s2+$0x0], $0xffff  }
0x20c: {  	v17 =	vor.u32 s21, v17;
	v18 =	vld.idx.msk [tilespmem:v0+s2+$0x0], $0xffff  }
0x20d: {  	v16 =	vor.u32 $0x38, v2;
	[tilespmem:v15+s9+$0x0] =	vst.idx.msk $0xffff, v6  }
0x20e: {  	[tilespmem:v12+s9+$0x0] =	vst.idx.msk $0xffff, v11  }
0x20f: {  	v6 =	vor.u32 $0x39, v1;
	v14 =	vor.u32 s24, v33;
	v7 =	vld.idx.msk [tilespmem:v7+s2+$0x0], $0xffff;
	[tilespmem:v9+s9+$0x0] =	vst.idx.msk $0xffff, v8  }
0x210: {  	v8 =	vor.u32 $0x39, v4;
	v9 =	vld.idx.msk [tilespmem:v10+s2+$0x0], $0xffff;
	[tilespmem:v13+s9+$0x0] =	vst.idx.msk $0xffff, v5  }
0x211: {  	v10 =	vor.u32 s23, v33;
	v5 =	vor.u32 $0x1, v0;
	[tilespmem:v17+s9+$0x0] =	vst.idx.msk $0xffff, v18;
	v18 =	vld [tilespmem:$0x1FFB0]  }
0x212: {  	v11 =	vor.u32 $0x39, v3;
	v15 =	vor.u32 s25, v33;
	v12 =	vld.idx.msk [tilespmem:v16+s2+$0x0], $0xffff  }
0x213: {  	v16 =	vor.u32 $0x39, v2  }
0x214: {  	v13 =	vor.u32 s22, v34;
	v6 =	vld.idx.msk [tilespmem:v6+s2+$0x0], $0xffff;
	[tilespmem:v14+s9+$0x0] =	vst.idx.msk $0xffff, v7  }
0x215: {  	v7 =	vor.u32 $0x3A, v1;
	v14 =	vor.u32 s24, v34;
	v8 =	vld.idx.msk [tilespmem:v8+s2+$0x0], $0xffff  }
0x216: {  	[tilespmem:v10+s9+$0x0] =	vst.idx.msk $0xffff, v9;
	v5 =	vld.idx.msk [tilespmem:v5+s2+$0x0], $0xffff;
	v18 =	vor.u32 s21, v18  }
0x217: {  	[tilespmem:v15+s9+$0x0] =	vst.idx.msk $0xffff, v12;
	v9 =	vor.u32 $0x3A, v4;
	v10 =	vld.idx.msk [tilespmem:v11+s2+$0x0], $0xffff;
	v11 =	vor.u32 s23, v34  }
0x218: {  	v12 =	vor.u32 $0x3A, v3;
	v15 =	vld.idx.msk [tilespmem:v16+s2+$0x0], $0xffff;
	v16 =	vor.u32 s25, v34  }
0x219: {  	v17 =	vor.u32 $0x3A, v2;
	[tilespmem:v13+s9+$0x0] =	vst.idx.msk $0xffff, v6  }
0x21a: {  	v7 =	vld.idx.msk [tilespmem:v7+s2+$0x0], $0xffff;
	[tilespmem:v14+s9+$0x0] =	vst.idx.msk $0xffff, v8  }
0x21b: {  	v6 =	vor.u32 $0x2, v0;
	v13 =	vor.u32 s22, v35;
	[tilespmem:v18+s9+$0x0] =	vst.idx.msk $0xffff, v5;
	v18 =	vld [tilespmem:$0x1FFC0]  }
0x21c: {  	v8 =	vor.u32 $0x3B, v1;
	v14 =	vor.u32 s24, v35;
	v9 =	vld.idx.msk [tilespmem:v9+s2+$0x0], $0xffff;
	[tilespmem:v11+s9+$0x0] =	vst.idx.msk $0xffff, v10  }
0x21d: {  	[tilespmem:v16+s9+$0x0] =	vst.idx.msk $0xffff, v15;
	v10 =	vor.u32 $0x3B, v4;
	v11 =	vld.idx.msk [tilespmem:v12+s2+$0x0], $0xffff;
	v12 =	vor.u32 s23, v35  }
0x21e: {  	v15 =	vor.u32 $0x3B, v3;
	v16 =	vld.idx.msk [tilespmem:v17+s2+$0x0], $0xffff;
	v17 =	vor.u32 s25, v35  }
0x21f: {  	v5 =	vor.u32 $0x3B, v2  }
0x220: {  	[tilespmem:v13+s9+$0x0] =	vst.idx.msk $0xffff, v7;
	v6 =	vld.idx.msk [tilespmem:v6+s2+$0x0], $0xffff;
	v18 =	vor.u32 s21, v18  }
0x221: {  	v7 =	vor.u32 $0x3, v0;
	v13 =	vor.u32 s22, v36;
	v8 =	vld.idx.msk [tilespmem:v8+s2+$0x0], $0xffff;
	[tilespmem:v14+s9+$0x0] =	vst.idx.msk $0xffff, v9  }
0x222: {  	v9 =	vor.u32 $0x3C, v1;
	v14 =	vor.u32 s24, v36;
	v10 =	vld.idx.msk [tilespmem:v10+s2+$0x0], $0xffff;
	[tilespmem:v12+s9+$0x0] =	vst.idx.msk $0xffff, v11  }
0x223: {  	[tilespmem:v17+s9+$0x0] =	vst.idx.msk $0xffff, v16;
	v11 =	vor.u32 $0x3C, v4;
	v12 =	vld.idx.msk [tilespmem:v15+s2+$0x0], $0xffff;
	v15 =	vor.u32 s23, v36  }
0x224: {  	v16 =	vor.u32 $0x3C, v3;
	v17 =	vor.u32 s25, v36;
	v5 =	vld.idx.msk [tilespmem:v5+s2+$0x0], $0xffff  }
0x225: {  	[tilespmem:v18+s9+$0x0] =	vst.idx.msk $0xffff, v6;
	v6 =	vor.u32 $0x3C, v2  }
0x226: {  	[tilespmem:v13+s9+$0x0] =	vst.idx.msk $0xffff, v8;
	v18 =	vor.u32 s21, v19;
	v7 =	vld.idx.msk [tilespmem:v7+s2+$0x0], $0xffff  }
0x227: {  	v8 =	vor.u32 $0x4, v0;
	v13 =	vor.u32 s22, v37;
	v9 =	vld.idx.msk [tilespmem:v9+s2+$0x0], $0xffff;
	[tilespmem:v14+s9+$0x0] =	vst.idx.msk $0xffff, v10  }
0x228: {  	v10 =	vor.u32 $0x3D, v1;
	v14 =	vor.u32 s24, v37;
	v11 =	vld.idx.msk [tilespmem:v11+s2+$0x0], $0xffff;
	[tilespmem:v15+s9+$0x0] =	vst.idx.msk $0xffff, v12  }
0x229: {  	v12 =	vor.u32 $0x3D, v4;
	[tilespmem:v17+s9+$0x0] =	vst.idx.msk $0xffff, v5;
	v15 =	vld.idx.msk [tilespmem:v16+s2+$0x0], $0xffff;
	v16 =	vor.u32 s23, v37  }
0x22a: {  	v5 =	vor.u32 $0x3D, v3;
	v17 =	vor.u32 s25, v37;
	v6 =	vld.idx.msk [tilespmem:v6+s2+$0x0], $0xffff  }
0x22b: {  	[tilespmem:v18+s9+$0x0] =	vst.idx.msk $0xffff, v7;
	v7 =	vor.u32 $0x3D, v2  }
0x22c: {  	[tilespmem:v13+s9+$0x0] =	vst.idx.msk $0xffff, v9;
	v18 =	vor.u32 s21, v20;
	v8 =	vld.idx.msk [tilespmem:v8+s2+$0x0], $0xffff  }
0x22d: {  	v13 =	vor.u32 s22, v38;
	v10 =	vld.idx.msk [tilespmem:v10+s2+$0x0], $0xffff;
	[tilespmem:v14+s9+$0x0] =	vst.idx.msk $0xffff, v11  }
0x22e: {  	v14 =	vor.u32 s24, v38;
	v12 =	vld.idx.msk [tilespmem:v12+s2+$0x0], $0xffff;
	[tilespmem:v16+s9+$0x0] =	vst.idx.msk $0xffff, v15  }
0x22f: {  	v11 =	vor.u32 $0x3E, v1;
	v16 =	vor.u32 s23, v38;
	v5 =	vld.idx.msk [tilespmem:v5+s2+$0x0], $0xffff;
	[tilespmem:v17+s9+$0x0] =	vst.idx.msk $0xffff, v6  }
0x230: {  	v15 =	vor.u32 $0x3E, v4;
	v17 =	vor.u32 s25, v38;
	v7 =	vld.idx.msk [tilespmem:v7+s2+$0x0], $0xffff  }
0x231: {  	[tilespmem:v18+s9+$0x0] =	vst.idx.msk $0xffff, v8;
	v8 =	vor.u32 $0x3E, v2  }
0x232: {  	[tilespmem:v13+s9+$0x0] =	vst.idx.msk $0xffff, v10;
	v6 =	vor.u32 $0x3E, v3  }
0x233: {  	v9 =	vor.u32 $0x5, v0;
	[tilespmem:v14+s9+$0x0] =	vst.idx.msk $0xffff, v12  }
0x234: {  	v11 =	vld.idx.msk [tilespmem:v11+s2+$0x0], $0xffff;
	v12 =	vor.u32 s22, v39;
	[tilespmem:v16+s9+$0x0] =	vst.idx.msk $0xffff, v5  }
0x235: {  	v1 =	vor.u32 $0x3F, v1;
	v13 =	vor.u32 s24, v39;
	v5 =	vld.idx.msk [tilespmem:v15+s2+$0x0], $0xffff;
	[tilespmem:v17+s9+$0x0] =	vst.idx.msk $0xffff, v7  }
0x236: {  	v14 =	vor.u32 s25, v39;
	v8 =	vld.idx.msk [tilespmem:v8+s2+$0x0], $0xffff  }
0x237: {  	v2 =	vor.u32 $0x3F, v2;
	v6 =	vld.idx.msk [tilespmem:v6+s2+$0x0], $0xffff;
	v7 =	vor.u32 s23, v39  }
0x238: {  	v4 =	vor.u32 $0x3F, v4;
	v18 =	vor.u32 s21, v21;
	v9 =	vld.idx.msk [tilespmem:v9+s2+$0x0], $0xffff  }
0x239: {  	v10 =	vor.u32 $0x6, v0;
	[tilespmem:v12+s9+$0x0] =	vst.idx.msk $0xffff, v11  }
0x23a: {  	v12 =	vor.u32 s22, v40;
	v1 =	vld.idx.msk [tilespmem:v1+s2+$0x0], $0xffff;
	[tilespmem:v13+s9+$0x0] =	vst.idx.msk $0xffff, v5  }
0x23b: {  	v3 =	vor.u32 $0x3F, v3;
	[tilespmem:v14+s9+$0x0] =	vst.idx.msk $0xffff, v8  }
0x23c: {  	[tilespmem:v7+s9+$0x0] =	vst.idx.msk $0xffff, v6;
	v7 =	vor.u32 s25, v40;
	v2 =	vld.idx.msk [tilespmem:v2+s2+$0x0], $0xffff  }
0x23d: {  	v5 =	vor.u32 s24, v40;
	[tilespmem:v18+s9+$0x0] =	vst.idx.msk $0xffff, v9;
	v4 =	vld.idx.msk [tilespmem:v4+s2+$0x0], $0xffff  }
0x23e: {  	v9 =	vld.idx.msk [tilespmem:v10+s2+$0x0], $0xffff  }
0x23f: {  	v10 =	vor.u32 s21, v22;
	[tilespmem:v12+s9+$0x0] =	vst.idx.msk $0xffff, v1;
	v1 =	vld [tilespmem:s20+$0x10]  }
0x240: {  	v6 =	vor.u32 s23, v40;
	v3 =	vld.idx.msk [tilespmem:v3+s2+$0x0], $0xffff  }
0x241: {  	v11 =	vor.u32 $0x7, v0;
	[tilespmem:v7+s9+$0x0] =	vst.idx.msk $0xffff, v2;
	v2 =	vld [tilespmem:s20+$0x20]  }
0x242: {  	[tilespmem:v5+s9+$0x0] =	vst.idx.msk $0xffff, v4;
	v4 =	vld [tilespmem:s20+$0x30];
	_ =	sdelay $0x1  }
0x243: {  	[tilespmem:v10+s9+$0x0] =	vst.idx.msk $0xffff, v9  }
0x244: {  	v16 =	vld [tilespmem:$0x1FFA0];
	[tilespmem:v6+s9+$0x0] =	vst.idx.msk $0xffff, v3;
	v3 =	vshll.u32 v1, $0x6  }
0x245: {  	v9 =	vor.u32 s21, v23;
	v8 =	vld.idx.msk [tilespmem:v11+s2+$0x0], $0xffff;
	v2 =	vshll.u32 v2, $0x6  }
0x246: {  	v1 =	vshll.u32 v4, $0x6;
	_ =	sdelay $0x1  }
0x247: {  	s30 =	sadd.s32 $0xFFFFF800, s19;
	v17 =	vld [tilespmem:$0x1FFB0]  }
0x248: {  	s31 =	sadd.s32 $0xFFFFFC00, s19;
	v4 =	vor.u32 s30, v16;
	v5 =	vld.idx.msk [tilespmem:v3+s2+$0x0], $0xffff  }
0x249: {  	v6 =	vor.u32 $0x1, v3;
	v7 =	vor.u32 s31, v16;
	[tilespmem:v9+s9+$0x0] =	vst.idx.msk $0xffff, v8;
	v8 =	vld.idx.msk [tilespmem:v2+s2+$0x0], $0xffff  }
0x24a: {  	v10 =	vor.u32 s19, v16;
	v11 =	vld.idx.msk [tilespmem:v1+s2+$0x0], $0xffff;
	v9 =	vor.u32 $0x1, v2  }
0x24b: {  	v12 =	vor.u32 $0x1, v1;
	_ =	sdelay $0x1  }
0x24c: {  	v18 =	vld [tilespmem:$0x1FFC0];
	[tilespmem:v4+s9+$0x0] =	vst.idx.msk $0xffff, v5  }
0x24d: {  	v5 =	vor.u32 s30, v17;
	v4 =	vld.idx.msk [tilespmem:v6+s2+$0x0], $0xffff;
	[tilespmem:v7+s9+$0x0] =	vst.idx.msk $0xffff, v8  }
0x24e: {  	v6 =	vor.u32 $0x2, v3;
	[tilespmem:v10+s9+$0x0] =	vst.idx.msk $0xffff, v11;
	v8 =	vor.u32 s31, v17;
	v7 =	vld.idx.msk [tilespmem:v9+s2+$0x0], $0xffff  }
0x24f: {  	v11 =	vor.u32 s19, v17;
	v10 =	vld.idx.msk [tilespmem:v12+s2+$0x0], $0xffff;
	v9 =	vor.u32 $0x2, v2  }
0x250: {  	v12 =	vor.u32 $0x2, v1;
	_ =	sdelay $0x1  }
0x251: {  	[tilespmem:v5+s9+$0x0] =	vst.idx.msk $0xffff, v4  }
0x252: {  	v5 =	vor.u32 s30, v18;
	v4 =	vld.idx.msk [tilespmem:v6+s2+$0x0], $0xffff;
	[tilespmem:v8+s9+$0x0] =	vst.idx.msk $0xffff, v7  }
0x253: {  	v6 =	vor.u32 $0x3, v3;
	[tilespmem:v11+s9+$0x0] =	vst.idx.msk $0xffff, v10;
	v8 =	vor.u32 s31, v18;
	v7 =	vld.idx.msk [tilespmem:v9+s2+$0x0], $0xffff  }
0x254: {  	v11 =	vor.u32 s19, v18;
	v10 =	vld.idx.msk [tilespmem:v12+s2+$0x0], $0xffff;
	v9 =	vor.u32 $0x3, v2  }
0x255: {  	v12 =	vor.u32 $0x3, v1;
	_ =	sdelay $0x1  }
0x256: {  	[tilespmem:v5+s9+$0x0] =	vst.idx.msk $0xffff, v4  }
0x257: {  	v5 =	vor.u32 s30, v19;
	v4 =	vld.idx.msk [tilespmem:v6+s2+$0x0], $0xffff;
	[tilespmem:v8+s9+$0x0] =	vst.idx.msk $0xffff, v7  }
0x258: {  	v6 =	vor.u32 $0x4, v3;
	[tilespmem:v11+s9+$0x0] =	vst.idx.msk $0xffff, v10;
	v8 =	vor.u32 s31, v19;
	v7 =	vld.idx.msk [tilespmem:v9+s2+$0x0], $0xffff  }
0x259: {  	v11 =	vor.u32 s19, v19;
	v10 =	vld.idx.msk [tilespmem:v12+s2+$0x0], $0xffff;
	v9 =	vor.u32 $0x4, v2  }
0x25a: {  	v12 =	vor.u32 $0x4, v1;
	_ =	sdelay $0x1  }
0x25b: {  	[tilespmem:v5+s9+$0x0] =	vst.idx.msk $0xffff, v4  }
0x25c: {  	v5 =	vor.u32 s30, v20;
	v4 =	vld.idx.msk [tilespmem:v6+s2+$0x0], $0xffff;
	[tilespmem:v8+s9+$0x0] =	vst.idx.msk $0xffff, v7  }
0x25d: {  	v6 =	vor.u32 $0x5, v3;
	v8 =	vor.u32 s31, v20;
	v7 =	vld.idx.msk [tilespmem:v9+s2+$0x0], $0xffff;
	[tilespmem:v11+s9+$0x0] =	vst.idx.msk $0xffff, v10  }
0x25e: {  	v9 =	vor.u32 $0x5, v2;
	v11 =	vor.u32 s19, v20;
	v10 =	vld.idx.msk [tilespmem:v12+s2+$0x0], $0xffff  }
0x25f: {  	v12 =	vor.u32 $0x5, v1;
	_ =	sdelay $0x1  }
0x260: {  	[tilespmem:v5+s9+$0x0] =	vst.idx.msk $0xffff, v4  }
0x261: {  	v5 =	vor.u32 s30, v21;
	v4 =	vld.idx.msk [tilespmem:v6+s2+$0x0], $0xffff;
	[tilespmem:v8+s9+$0x0] =	vst.idx.msk $0xffff, v7  }
0x262: {  	v6 =	vor.u32 $0x6, v3;
	v8 =	vor.u32 s31, v21;
	v7 =	vld.idx.msk [tilespmem:v9+s2+$0x0], $0xffff;
	[tilespmem:v11+s9+$0x0] =	vst.idx.msk $0xffff, v10  }
0x263: {  	v9 =	vor.u32 $0x6, v2;
	v11 =	vor.u32 s19, v21;
	v10 =	vld.idx.msk [tilespmem:v12+s2+$0x0], $0xffff  }
0x264: {  	v12 =	vor.u32 $0x6, v1;
	_ =	sdelay $0x1  }
0x265: {  	[tilespmem:v5+s9+$0x0] =	vst.idx.msk $0xffff, v4  }
0x266: {  	v5 =	vor.u32 s30, v22;
	v4 =	vld.idx.msk [tilespmem:v6+s2+$0x0], $0xffff;
	[tilespmem:v8+s9+$0x0] =	vst.idx.msk $0xffff, v7  }
0x267: {  	v6 =	vor.u32 $0x7, v3;
	v8 =	vor.u32 s31, v22;
	v7 =	vld.idx.msk [tilespmem:v9+s2+$0x0], $0xffff;
	[tilespmem:v11+s9+$0x0] =	vst.idx.msk $0xffff, v10  }
0x268: {  	v9 =	vor.u32 $0x7, v2;
	v11 =	vor.u32 s19, v22;
	v10 =	vld.idx.msk [tilespmem:v12+s2+$0x0], $0xffff  }
0x269: {  	v12 =	vor.u32 $0x7, v1;
	_ =	sdelay $0x1  }
0x26a: {  	[tilespmem:v5+s9+$0x0] =	vst.idx.msk $0xffff, v4  }
0x26b: {  	v4 =	vor.u32 $0x8, v0;
	v5 =	vld.idx.msk [tilespmem:v6+s2+$0x0], $0xffff;
	v6 =	vor.u32 s30, v23;
	[tilespmem:v8+s9+$0x0] =	vst.idx.msk $0xffff, v7  }
0x26c: {  	v7 =	vor.u32 $0x8, v3;
	v8 =	vld.idx.msk [tilespmem:v9+s2+$0x0], $0xffff;
	v9 =	vor.u32 s31, v23;
	[tilespmem:v11+s9+$0x0] =	vst.idx.msk $0xffff, v10  }
0x26d: {  	v10 =	vor.u32 $0x8, v2;
	v11 =	vld.idx.msk [tilespmem:v12+s2+$0x0], $0xffff;
	v12 =	vor.u32 s19, v23  }
0x26e: {  	v13 =	vor.u32 $0x8, v1;
	_ =	sdelay $0x1  }
0x26f: {  	v14 =	vor.u32 s21, v24;
	v4 =	vld.idx.msk [tilespmem:v4+s2+$0x0], $0xffff;
	[tilespmem:v6+s9+$0x0] =	vst.idx.msk $0xffff, v5  }
0x270: {  	v5 =	vor.u32 $0x9, v0;
	v6 =	vld.idx.msk [tilespmem:v7+s2+$0x0], $0xffff;
	v7 =	vor.u32 s30, v24;
	[tilespmem:v9+s9+$0x0] =	vst.idx.msk $0xffff, v8  }
0x271: {  	v8 =	vor.u32 $0x9, v3;
	v9 =	vld.idx.msk [tilespmem:v10+s2+$0x0], $0xffff;
	v10 =	vor.u32 s31, v24;
	[tilespmem:v12+s9+$0x0] =	vst.idx.msk $0xffff, v11  }
0x272: {  	v11 =	vor.u32 $0x9, v2;
	v12 =	vld.idx.msk [tilespmem:v13+s2+$0x0], $0xffff;
	v13 =	vor.u32 s19, v24  }
0x273: {  	v15 =	vor.u32 $0x9, v1  }
0x274: {  	[tilespmem:v14+s9+$0x0] =	vst.idx.msk $0xffff, v4  }
0x275: {  	v4 =	vld.idx.msk [tilespmem:v5+s2+$0x0], $0xffff;
	v5 =	vor.u32 s21, v25;
	[tilespmem:v7+s9+$0x0] =	vst.idx.msk $0xffff, v6  }
0x276: {  	v6 =	vor.u32 $0xA, v0;
	v7 =	vld.idx.msk [tilespmem:v8+s2+$0x0], $0xffff;
	v8 =	vor.u32 s30, v25;
	[tilespmem:v10+s9+$0x0] =	vst.idx.msk $0xffff, v9  }
0x277: {  	v9 =	vor.u32 $0xA, v3;
	v10 =	vld.idx.msk [tilespmem:v11+s2+$0x0], $0xffff;
	v11 =	vor.u32 s31, v25;
	[tilespmem:v13+s9+$0x0] =	vst.idx.msk $0xffff, v12  }
0x278: {  	v14 =	vor.u32 s19, v25;
	v12 =	vor.u32 $0xA, v2;
	v13 =	vld.idx.msk [tilespmem:v15+s2+$0x0], $0xffff  }
0x279: {  	v15 =	vor.u32 $0xA, v1  }
0x27a: {  	[tilespmem:v5+s9+$0x0] =	vst.idx.msk $0xffff, v4  }
0x27b: {  	v5 =	vor.u32 s21, v26;
	v4 =	vld.idx.msk [tilespmem:v6+s2+$0x0], $0xffff;
	[tilespmem:v8+s9+$0x0] =	vst.idx.msk $0xffff, v7  }
0x27c: {  	v6 =	vor.u32 $0xB, v0;
	v8 =	vor.u32 s30, v26;
	v7 =	vld.idx.msk [tilespmem:v9+s2+$0x0], $0xffff;
	[tilespmem:v11+s9+$0x0] =	vst.idx.msk $0xffff, v10  }
0x27d: {  	v9 =	vor.u32 $0xB, v3;
	v11 =	vor.u32 s31, v26;
	v10 =	vld.idx.msk [tilespmem:v12+s2+$0x0], $0xffff;
	[tilespmem:v14+s9+$0x0] =	vst.idx.msk $0xffff, v13  }
0x27e: {  	v12 =	vor.u32 $0xB, v2;
	v14 =	vor.u32 s19, v26;
	v13 =	vld.idx.msk [tilespmem:v15+s2+$0x0], $0xffff  }
0x27f: {  	v15 =	vor.u32 $0xB, v1  }
0x280: {  	[tilespmem:v5+s9+$0x0] =	vst.idx.msk $0xffff, v4  }
0x281: {  	v5 =	vor.u32 s21, v27;
	v4 =	vld.idx.msk [tilespmem:v6+s2+$0x0], $0xffff;
	[tilespmem:v8+s9+$0x0] =	vst.idx.msk $0xffff, v7  }
0x282: {  	v8 =	vor.u32 s30, v27;
	v7 =	vld.idx.msk [tilespmem:v9+s2+$0x0], $0xffff;
	[tilespmem:v11+s9+$0x0] =	vst.idx.msk $0xffff, v10  }
0x283: {  	v11 =	vor.u32 s31, v27;
	v10 =	vld.idx.msk [tilespmem:v12+s2+$0x0], $0xffff;
	[tilespmem:v14+s9+$0x0] =	vst.idx.msk $0xffff, v13  }
0x284: {  	v14 =	vor.u32 s19, v27;
	v13 =	vld.idx.msk [tilespmem:v15+s2+$0x0], $0xffff;
	_ =	sdelay $0x1  }
0x285: {  	v6 =	vor.u32 $0xC, v0;
	[tilespmem:v5+s9+$0x0] =	vst.idx.msk $0xffff, v4;
	v5 =	vld [tilespmem:$0x1FFD0]  }
0x286: {  	v9 =	vor.u32 $0xC, v3;
	[tilespmem:v8+s9+$0x0] =	vst.idx.msk $0xffff, v7;
	v8 =	vld [tilespmem:$0x1FFD0]  }
0x287: {  	v12 =	vor.u32 $0xC, v2;
	[tilespmem:v11+s9+$0x0] =	vst.idx.msk $0xffff, v10;
	v11 =	vld [tilespmem:$0x1FFD0]  }
0x288: {  	v15 =	vor.u32 $0xC, v1;
	[tilespmem:v14+s9+$0x0] =	vst.idx.msk $0xffff, v13;
	v14 =	vld [tilespmem:$0x1FFD0];
	_ =	sdelay $0x1  }
0x289: {  	v4 =	vld.idx.msk [tilespmem:v6+s2+$0x0], $0xffff;
	v5 =	vor.u32 s21, v5  }
0x28a: {  	v7 =	vld.idx.msk [tilespmem:v9+s2+$0x0], $0xffff;
	v8 =	vor.u32 s30, v8  }
0x28b: {  	v10 =	vld.idx.msk [tilespmem:v12+s2+$0x0], $0xffff;
	v11 =	vor.u32 s31, v11  }
0x28c: {  	v13 =	vld.idx.msk [tilespmem:v15+s2+$0x0], $0xffff;
	v14 =	vor.u32 s19, v14;
	_ =	sdelay $0x1  }
0x28d: {  	v6 =	vor.u32 $0xD, v0;
	[tilespmem:v5+s9+$0x0] =	vst.idx.msk $0xffff, v4;
	v5 =	vld [tilespmem:$0x1FFE0]  }
0x28e: {  	v9 =	vor.u32 $0xD, v3;
	[tilespmem:v8+s9+$0x0] =	vst.idx.msk $0xffff, v7;
	v8 =	vld [tilespmem:$0x1FFE0]  }
0x28f: {  	v12 =	vor.u32 $0xD, v2;
	[tilespmem:v11+s9+$0x0] =	vst.idx.msk $0xffff, v10;
	v11 =	vld [tilespmem:$0x1FFE0]  }
0x290: {  	v15 =	vor.u32 $0xD, v1;
	[tilespmem:v14+s9+$0x0] =	vst.idx.msk $0xffff, v13;
	v14 =	vld [tilespmem:$0x1FFE0];
	_ =	sdelay $0x1  }
0x291: {  	v4 =	vld.idx.msk [tilespmem:v6+s2+$0x0], $0xffff;
	v5 =	vor.u32 s21, v5  }
0x292: {  	v7 =	vld.idx.msk [tilespmem:v9+s2+$0x0], $0xffff;
	v8 =	vor.u32 s30, v8  }
0x293: {  	v10 =	vld.idx.msk [tilespmem:v12+s2+$0x0], $0xffff;
	v11 =	vor.u32 s31, v11  }
0x294: {  	v13 =	vld.idx.msk [tilespmem:v15+s2+$0x0], $0xffff;
	v14 =	vor.u32 s19, v14;
	_ =	sdelay $0x1  }
0x295: {  	v6 =	vor.u32 $0xE, v0;
	[tilespmem:v5+s9+$0x0] =	vst.idx.msk $0xffff, v4;
	v5 =	vld [tilespmem:$0x1FFF0]  }
0x296: {  	v9 =	vor.u32 $0xE, v3;
	[tilespmem:v8+s9+$0x0] =	vst.idx.msk $0xffff, v7;
	v8 =	vld [tilespmem:$0x1FFF0]  }
0x297: {  	v12 =	vor.u32 $0xE, v2;
	[tilespmem:v11+s9+$0x0] =	vst.idx.msk $0xffff, v10;
	v11 =	vld [tilespmem:$0x1FFF0]  }
0x298: {  	v15 =	vor.u32 $0xE, v1;
	[tilespmem:v14+s9+$0x0] =	vst.idx.msk $0xffff, v13;
	v14 =	vld [tilespmem:$0x1FFF0];
	_ =	sdelay $0x1  }
0x299: {  	v4 =	vld.idx.msk [tilespmem:v6+s2+$0x0], $0xffff;
	v5 =	vor.u32 s21, v5  }
0x29a: {  	v6 =	vor.u32 $0xF, v0;
	v7 =	vld.idx.msk [tilespmem:v9+s2+$0x0], $0xffff;
	v8 =	vor.u32 s30, v8  }
0x29b: {  	v9 =	vor.u32 $0xF, v3;
	v10 =	vld.idx.msk [tilespmem:v12+s2+$0x0], $0xffff;
	v11 =	vor.u32 s31, v11  }
0x29c: {  	v13 =	vld.idx.msk [tilespmem:v15+s2+$0x0], $0xffff;
	v14 =	vor.u32 s19, v14  }
0x29d: {  	v12 =	vor.u32 $0xF, v2  }
0x29e: {  	v15 =	vor.u32 $0xF, v1;
	[tilespmem:v5+s9+$0x0] =	vst.idx.msk $0xffff, v4  }
0x29f: {  	v4 =	vld.idx.msk [tilespmem:v6+s2+$0x0], $0xffff;
	[tilespmem:v8+s9+$0x0] =	vst.idx.msk $0xffff, v7  }
0x2a0: {  	v5 =	vor.u32 s21, v41;
	v6 =	vor.u32 $0x10, v0;
	v7 =	vld.idx.msk [tilespmem:v9+s2+$0x0], $0xffff;
	[tilespmem:v11+s9+$0x0] =	vst.idx.msk $0xffff, v10  }
0x2a1: {  	v8 =	vor.u32 s30, v41;
	v11 =	vor.u32 s31, v41;
	[tilespmem:v14+s9+$0x0] =	vst.idx.msk $0xffff, v13;
	v14 =	vor.u32 s19, v41;
	v41 =	vld [tilespmem:$0x1FCA0]  }
0x2a2: {  	v9 =	vor.u32 $0x10, v3;
	v10 =	vld.idx.msk [tilespmem:v12+s2+$0x0], $0xffff  }
0x2a3: {  	v12 =	vor.u32 $0x10, v2;
	v13 =	vld.idx.msk [tilespmem:v15+s2+$0x0], $0xffff  }
0x2a4: {  	v15 =	vor.u32 $0x10, v1  }
0x2a5: {  	[tilespmem:v5+s9+$0x0] =	vst.idx.msk $0xffff, v4  }
0x2a6: {  	v4 =	vld.idx.msk [tilespmem:v6+s2+$0x0], $0xffff;
	[tilespmem:v8+s9+$0x0] =	vst.idx.msk $0xffff, v7;
	v5 =	vor.u32 s21, v41  }
0x2a7: {  	v6 =	vor.u32 $0x11, v0;
	v7 =	vld.idx.msk [tilespmem:v9+s2+$0x0], $0xffff;
	v8 =	vor.u32 s30, v41;
	[tilespmem:v11+s9+$0x0] =	vst.idx.msk $0xffff, v10  }
0x2a8: {  	v9 =	vor.u32 $0x11, v3;
	v11 =	vor.u32 s31, v41;
	v10 =	vld.idx.msk [tilespmem:v12+s2+$0x0], $0xffff;
	[tilespmem:v14+s9+$0x0] =	vst.idx.msk $0xffff, v13  }
0x2a9: {  	v14 =	vor.u32 s19, v41;
	v13 =	vld.idx.msk [tilespmem:v15+s2+$0x0], $0xffff  }
0x2aa: {  	v12 =	vor.u32 $0x11, v2  }
0x2ab: {  	v15 =	vor.u32 $0x11, v1;
	[tilespmem:v5+s9+$0x0] =	vst.idx.msk $0xffff, v4  }
0x2ac: {  	[tilespmem:v8+s9+$0x0] =	vst.idx.msk $0xffff, v7;
	v4 =	vld.idx.msk [tilespmem:v6+s2+$0x0], $0xffff  }
0x2ad: {  	v5 =	vor.u32 s21, v42;
	v8 =	vor.u32 s30, v42;
	v7 =	vld.idx.msk [tilespmem:v9+s2+$0x0], $0xffff;
	[tilespmem:v11+s9+$0x0] =	vst.idx.msk $0xffff, v10  }
0x2ae: {  	v6 =	vor.u32 $0x12, v0;
	v11 =	vor.u32 s31, v42;
	[tilespmem:v14+s9+$0x0] =	vst.idx.msk $0xffff, v13;
	v14 =	vor.u32 s19, v42;
	v42 =	vld [tilespmem:$0x1FCC0]  }
0x2af: {  	v9 =	vor.u32 $0x12, v3;
	v10 =	vld.idx.msk [tilespmem:v12+s2+$0x0], $0xffff  }
0x2b0: {  	v12 =	vor.u32 $0x12, v2;
	v13 =	vld.idx.msk [tilespmem:v15+s2+$0x0], $0xffff  }
0x2b1: {  	v15 =	vor.u32 $0x12, v1  }
0x2b2: {  	[tilespmem:v5+s9+$0x0] =	vst.idx.msk $0xffff, v4  }
0x2b3: {  	[tilespmem:v8+s9+$0x0] =	vst.idx.msk $0xffff, v7;
	v4 =	vld.idx.msk [tilespmem:v6+s2+$0x0], $0xffff;
	v5 =	vor.u32 s21, v42  }
0x2b4: {  	v6 =	vor.u32 $0x13, v0;
	v7 =	vld.idx.msk [tilespmem:v9+s2+$0x0], $0xffff;
	v8 =	vor.u32 s30, v42;
	[tilespmem:v11+s9+$0x0] =	vst.idx.msk $0xffff, v10  }
0x2b5: {  	v9 =	vor.u32 $0x13, v3;
	v11 =	vor.u32 s31, v42;
	v10 =	vld.idx.msk [tilespmem:v12+s2+$0x0], $0xffff;
	[tilespmem:v14+s9+$0x0] =	vst.idx.msk $0xffff, v13  }
0x2b6: {  	v14 =	vor.u32 s19, v42;
	v13 =	vld.idx.msk [tilespmem:v15+s2+$0x0], $0xffff  }
0x2b7: {  	v12 =	vor.u32 $0x13, v2  }
0x2b8: {  	v15 =	vor.u32 $0x13, v1;
	[tilespmem:v5+s9+$0x0] =	vst.idx.msk $0xffff, v4  }
0x2b9: {  	[tilespmem:v8+s9+$0x0] =	vst.idx.msk $0xffff, v7;
	v4 =	vld.idx.msk [tilespmem:v6+s2+$0x0], $0xffff  }
0x2ba: {  	v5 =	vor.u32 s21, v43;
	v8 =	vor.u32 s30, v43;
	v7 =	vld.idx.msk [tilespmem:v9+s2+$0x0], $0xffff;
	[tilespmem:v11+s9+$0x0] =	vst.idx.msk $0xffff, v10  }
0x2bb: {  	v6 =	vor.u32 $0x14, v0;
	v11 =	vor.u32 s31, v43;
	[tilespmem:v14+s9+$0x0] =	vst.idx.msk $0xffff, v13;
	v14 =	vor.u32 s19, v43;
	v43 =	vld [tilespmem:$0x1FCE0]  }
0x2bc: {  	v9 =	vor.u32 $0x14, v3;
	v10 =	vld.idx.msk [tilespmem:v12+s2+$0x0], $0xffff  }
0x2bd: {  	v12 =	vor.u32 $0x14, v2;
	v13 =	vld.idx.msk [tilespmem:v15+s2+$0x0], $0xffff  }
0x2be: {  	v15 =	vor.u32 $0x14, v1  }
0x2bf: {  	[tilespmem:v5+s9+$0x0] =	vst.idx.msk $0xffff, v4  }
0x2c0: {  	[tilespmem:v8+s9+$0x0] =	vst.idx.msk $0xffff, v7;
	v4 =	vld.idx.msk [tilespmem:v6+s2+$0x0], $0xffff;
	v5 =	vor.u32 s21, v43  }
0x2c1: {  	v6 =	vor.u32 $0x15, v0;
	v7 =	vld.idx.msk [tilespmem:v9+s2+$0x0], $0xffff;
	v8 =	vor.u32 s30, v43;
	[tilespmem:v11+s9+$0x0] =	vst.idx.msk $0xffff, v10  }
0x2c2: {  	v9 =	vor.u32 $0x15, v3;
	v11 =	vor.u32 s31, v43;
	v10 =	vld.idx.msk [tilespmem:v12+s2+$0x0], $0xffff;
	[tilespmem:v14+s9+$0x0] =	vst.idx.msk $0xffff, v13  }
0x2c3: {  	v12 =	vor.u32 $0x15, v2;
	v14 =	vor.u32 s19, v43;
	v13 =	vld.idx.msk [tilespmem:v15+s2+$0x0], $0xffff  }
0x2c4: {  	v15 =	vor.u32 $0x15, v1  }
0x2c5: {  	v41 =	vld [tilespmem:$0x1FD00];
	[tilespmem:v5+s9+$0x0] =	vst.idx.msk $0xffff, v4  }
0x2c6: {  	v5 =	vor.u32 s21, v44;
	[tilespmem:v8+s9+$0x0] =	vst.idx.msk $0xffff, v7;
	v4 =	vld.idx.msk [tilespmem:v6+s2+$0x0], $0xffff  }
0x2c7: {  	v8 =	vor.u32 s30, v44;
	v6 =	vor.u32 $0x16, v0;
	v7 =	vld.idx.msk [tilespmem:v9+s2+$0x0], $0xffff;
	[tilespmem:v11+s9+$0x0] =	vst.idx.msk $0xffff, v10  }
0x2c8: {  	v9 =	vor.u32 $0x16, v3;
	v11 =	vor.u32 s31, v44;
	v10 =	vld.idx.msk [tilespmem:v12+s2+$0x0], $0xffff;
	[tilespmem:v14+s9+$0x0] =	vst.idx.msk $0xffff, v13  }
0x2c9: {  	v12 =	vor.u32 $0x16, v2;
	v14 =	vor.u32 s19, v44;
	v13 =	vld.idx.msk [tilespmem:v15+s2+$0x0], $0xffff  }
0x2ca: {  	v15 =	vor.u32 $0x16, v1  }
0x2cb: {  	[tilespmem:v5+s9+$0x0] =	vst.idx.msk $0xffff, v4  }
0x2cc: {  	v5 =	vor.u32 s21, v41;
	[tilespmem:v8+s9+$0x0] =	vst.idx.msk $0xffff, v7;
	v4 =	vld.idx.msk [tilespmem:v6+s2+$0x0], $0xffff  }
0x2cd: {  	v8 =	vor.u32 s30, v41;
	v6 =	vor.u32 $0x17, v0;
	v7 =	vld.idx.msk [tilespmem:v9+s2+$0x0], $0xffff;
	[tilespmem:v11+s9+$0x0] =	vst.idx.msk $0xffff, v10  }
0x2ce: {  	v9 =	vor.u32 $0x17, v3;
	v11 =	vor.u32 s31, v41;
	v10 =	vld.idx.msk [tilespmem:v12+s2+$0x0], $0xffff;
	[tilespmem:v14+s9+$0x0] =	vst.idx.msk $0xffff, v13  }
0x2cf: {  	v12 =	vor.u32 $0x17, v2;
	v14 =	vor.u32 s19, v41;
	v13 =	vld.idx.msk [tilespmem:v15+s2+$0x0], $0xffff  }
0x2d0: {  	v15 =	vor.u32 $0x17, v1  }
0x2d1: {  	v41 =	vld [tilespmem:$0x1FD20];
	[tilespmem:v5+s9+$0x0] =	vst.idx.msk $0xffff, v4  }
0x2d2: {  	v5 =	vor.u32 s21, v45;
	[tilespmem:v8+s9+$0x0] =	vst.idx.msk $0xffff, v7;
	v4 =	vld.idx.msk [tilespmem:v6+s2+$0x0], $0xffff  }
0x2d3: {  	v8 =	vor.u32 s30, v45;
	v6 =	vor.u32 $0x18, v0;
	v7 =	vld.idx.msk [tilespmem:v9+s2+$0x0], $0xffff;
	[tilespmem:v11+s9+$0x0] =	vst.idx.msk $0xffff, v10  }
0x2d4: {  	v9 =	vor.u32 $0x18, v3;
	v11 =	vor.u32 s31, v45;
	v10 =	vld.idx.msk [tilespmem:v12+s2+$0x0], $0xffff;
	[tilespmem:v14+s9+$0x0] =	vst.idx.msk $0xffff, v13  }
0x2d5: {  	v12 =	vor.u32 $0x18, v2;
	v14 =	vor.u32 s19, v45;
	v13 =	vld.idx.msk [tilespmem:v15+s2+$0x0], $0xffff  }
0x2d6: {  	v15 =	vor.u32 $0x18, v1  }
0x2d7: {  	[tilespmem:v5+s9+$0x0] =	vst.idx.msk $0xffff, v4  }
0x2d8: {  	v5 =	vor.u32 s21, v41;
	[tilespmem:v8+s9+$0x0] =	vst.idx.msk $0xffff, v7;
	v4 =	vld.idx.msk [tilespmem:v6+s2+$0x0], $0xffff  }
0x2d9: {  	v8 =	vor.u32 s30, v41;
	v6 =	vor.u32 $0x19, v0;
	v7 =	vld.idx.msk [tilespmem:v9+s2+$0x0], $0xffff;
	[tilespmem:v11+s9+$0x0] =	vst.idx.msk $0xffff, v10  }
0x2da: {  	v9 =	vor.u32 $0x19, v3;
	v11 =	vor.u32 s31, v41;
	v10 =	vld.idx.msk [tilespmem:v12+s2+$0x0], $0xffff;
	[tilespmem:v14+s9+$0x0] =	vst.idx.msk $0xffff, v13  }
0x2db: {  	v12 =	vor.u32 $0x19, v2;
	v14 =	vor.u32 s19, v41;
	v13 =	vld.idx.msk [tilespmem:v15+s2+$0x0], $0xffff  }
0x2dc: {  	v15 =	vor.u32 $0x19, v1  }
0x2dd: {  	v42 =	vld [tilespmem:$0x1FD40];
	[tilespmem:v5+s9+$0x0] =	vst.idx.msk $0xffff, v4  }
0x2de: {  	v5 =	vor.u32 s21, v46;
	[tilespmem:v8+s9+$0x0] =	vst.idx.msk $0xffff, v7;
	v4 =	vld.idx.msk [tilespmem:v6+s2+$0x0], $0xffff  }
0x2df: {  	v8 =	vor.u32 s30, v46;
	v6 =	vor.u32 $0x1A, v0;
	v7 =	vld.idx.msk [tilespmem:v9+s2+$0x0], $0xffff;
	[tilespmem:v11+s9+$0x0] =	vst.idx.msk $0xffff, v10  }
0x2e0: {  	v9 =	vor.u32 $0x1A, v3;
	v11 =	vor.u32 s31, v46;
	v10 =	vld.idx.msk [tilespmem:v12+s2+$0x0], $0xffff;
	[tilespmem:v14+s9+$0x0] =	vst.idx.msk $0xffff, v13  }
0x2e1: {  	v12 =	vor.u32 $0x1A, v2;
	v14 =	vor.u32 s19, v46;
	v13 =	vld.idx.msk [tilespmem:v15+s2+$0x0], $0xffff  }
0x2e2: {  	v15 =	vor.u32 $0x1A, v1  }
0x2e3: {  	[tilespmem:v5+s9+$0x0] =	vst.idx.msk $0xffff, v4  }
0x2e4: {  	v5 =	vor.u32 s21, v42;
	[tilespmem:v8+s9+$0x0] =	vst.idx.msk $0xffff, v7;
	v4 =	vld.idx.msk [tilespmem:v6+s2+$0x0], $0xffff  }
0x2e5: {  	v8 =	vor.u32 s30, v42;
	v6 =	vor.u32 $0x1B, v0;
	v7 =	vld.idx.msk [tilespmem:v9+s2+$0x0], $0xffff;
	[tilespmem:v11+s9+$0x0] =	vst.idx.msk $0xffff, v10  }
0x2e6: {  	v9 =	vor.u32 $0x1B, v3;
	v11 =	vor.u32 s31, v42;
	v10 =	vld.idx.msk [tilespmem:v12+s2+$0x0], $0xffff;
	[tilespmem:v14+s9+$0x0] =	vst.idx.msk $0xffff, v13  }
0x2e7: {  	v12 =	vor.u32 $0x1B, v2;
	v14 =	vor.u32 s19, v42;
	v13 =	vld.idx.msk [tilespmem:v15+s2+$0x0], $0xffff  }
0x2e8: {  	v15 =	vor.u32 $0x1B, v1  }
0x2e9: {  	v43 =	vld [tilespmem:$0x1FD60];
	[tilespmem:v5+s9+$0x0] =	vst.idx.msk $0xffff, v4  }
0x2ea: {  	v5 =	vor.u32 s21, v47;
	[tilespmem:v8+s9+$0x0] =	vst.idx.msk $0xffff, v7;
	v4 =	vld.idx.msk [tilespmem:v6+s2+$0x0], $0xffff  }
0x2eb: {  	v8 =	vor.u32 s30, v47;
	v6 =	vor.u32 $0x1C, v0;
	v7 =	vld.idx.msk [tilespmem:v9+s2+$0x0], $0xffff;
	[tilespmem:v11+s9+$0x0] =	vst.idx.msk $0xffff, v10  }
0x2ec: {  	v9 =	vor.u32 $0x1C, v3;
	v11 =	vor.u32 s31, v47;
	v10 =	vld.idx.msk [tilespmem:v12+s2+$0x0], $0xffff;
	[tilespmem:v14+s9+$0x0] =	vst.idx.msk $0xffff, v13  }
0x2ed: {  	v12 =	vor.u32 $0x1C, v2;
	v14 =	vor.u32 s19, v47;
	v13 =	vld.idx.msk [tilespmem:v15+s2+$0x0], $0xffff  }
0x2ee: {  	v15 =	vor.u32 $0x1C, v1  }
0x2ef: {  	[tilespmem:v5+s9+$0x0] =	vst.idx.msk $0xffff, v4  }
0x2f0: {  	v5 =	vor.u32 s21, v43;
	[tilespmem:v8+s9+$0x0] =	vst.idx.msk $0xffff, v7;
	v4 =	vld.idx.msk [tilespmem:v6+s2+$0x0], $0xffff  }
0x2f1: {  	v8 =	vor.u32 s30, v43;
	v6 =	vor.u32 $0x1D, v0;
	v7 =	vld.idx.msk [tilespmem:v9+s2+$0x0], $0xffff;
	[tilespmem:v11+s9+$0x0] =	vst.idx.msk $0xffff, v10  }
0x2f2: {  	v9 =	vor.u32 $0x1D, v3;
	v11 =	vor.u32 s31, v43;
	v10 =	vld.idx.msk [tilespmem:v12+s2+$0x0], $0xffff;
	[tilespmem:v14+s9+$0x0] =	vst.idx.msk $0xffff, v13  }
0x2f3: {  	v12 =	vor.u32 $0x1D, v2;
	v14 =	vor.u32 s19, v43;
	v13 =	vld.idx.msk [tilespmem:v15+s2+$0x0], $0xffff  }
0x2f4: {  	v15 =	vor.u32 $0x1D, v1  }
0x2f5: {  	v44 =	vld [tilespmem:$0x1FD80];
	[tilespmem:v5+s9+$0x0] =	vst.idx.msk $0xffff, v4  }
0x2f6: {  	v5 =	vor.u32 s21, v48;
	[tilespmem:v8+s9+$0x0] =	vst.idx.msk $0xffff, v7;
	v4 =	vld.idx.msk [tilespmem:v6+s2+$0x0], $0xffff  }
0x2f7: {  	v8 =	vor.u32 s30, v48;
	v6 =	vor.u32 $0x1E, v0;
	v7 =	vld.idx.msk [tilespmem:v9+s2+$0x0], $0xffff;
	[tilespmem:v11+s9+$0x0] =	vst.idx.msk $0xffff, v10  }
0x2f8: {  	v9 =	vor.u32 $0x1E, v3;
	v11 =	vor.u32 s31, v48;
	v10 =	vld.idx.msk [tilespmem:v12+s2+$0x0], $0xffff;
	[tilespmem:v14+s9+$0x0] =	vst.idx.msk $0xffff, v13  }
0x2f9: {  	v12 =	vor.u32 $0x1E, v2;
	v14 =	vor.u32 s19, v48;
	v13 =	vld.idx.msk [tilespmem:v15+s2+$0x0], $0xffff  }
0x2fa: {  	v15 =	vor.u32 $0x1E, v1  }
0x2fb: {  	[tilespmem:v5+s9+$0x0] =	vst.idx.msk $0xffff, v4  }
0x2fc: {  	v5 =	vor.u32 s21, v44;
	[tilespmem:v8+s9+$0x0] =	vst.idx.msk $0xffff, v7;
	v4 =	vld.idx.msk [tilespmem:v6+s2+$0x0], $0xffff  }
0x2fd: {  	v8 =	vor.u32 s30, v44;
	v6 =	vor.u32 $0x1F, v0;
	v7 =	vld.idx.msk [tilespmem:v9+s2+$0x0], $0xffff;
	[tilespmem:v11+s9+$0x0] =	vst.idx.msk $0xffff, v10  }
0x2fe: {  	v9 =	vor.u32 $0x1F, v3;
	v11 =	vor.u32 s31, v44;
	v10 =	vld.idx.msk [tilespmem:v12+s2+$0x0], $0xffff;
	[tilespmem:v14+s9+$0x0] =	vst.idx.msk $0xffff, v13  }
0x2ff: {  	v12 =	vor.u32 $0x1F, v2;
	v14 =	vor.u32 s19, v44;
	v13 =	vld.idx.msk [tilespmem:v15+s2+$0x0], $0xffff  }
0x300: {  	v15 =	vor.u32 $0x1F, v1  }
0x301: {  	v45 =	vld [tilespmem:$0x1FDA0];
	[tilespmem:v5+s9+$0x0] =	vst.idx.msk $0xffff, v4  }
0x302: {  	v5 =	vor.u32 s21, v49;
	[tilespmem:v8+s9+$0x0] =	vst.idx.msk $0xffff, v7;
	v4 =	vld.idx.msk [tilespmem:v6+s2+$0x0], $0xffff  }
0x303: {  	v8 =	vor.u32 s30, v49;
	v6 =	vor.u32 $0x20, v0;
	v7 =	vld.idx.msk [tilespmem:v9+s2+$0x0], $0xffff;
	[tilespmem:v11+s9+$0x0] =	vst.idx.msk $0xffff, v10  }
0x304: {  	v9 =	vor.u32 $0x20, v3;
	v11 =	vor.u32 s31, v49;
	v10 =	vld.idx.msk [tilespmem:v12+s2+$0x0], $0xffff;
	[tilespmem:v14+s9+$0x0] =	vst.idx.msk $0xffff, v13  }
0x305: {  	v12 =	vor.u32 $0x20, v2;
	v14 =	vor.u32 s19, v49;
	v13 =	vld.idx.msk [tilespmem:v15+s2+$0x0], $0xffff  }
0x306: {  	v15 =	vor.u32 $0x20, v1  }
0x307: {  	[tilespmem:v5+s9+$0x0] =	vst.idx.msk $0xffff, v4  }
0x308: {  	v5 =	vor.u32 s21, v45;
	[tilespmem:v8+s9+$0x0] =	vst.idx.msk $0xffff, v7;
	v4 =	vld.idx.msk [tilespmem:v6+s2+$0x0], $0xffff  }
0x309: {  	v8 =	vor.u32 s30, v45;
	v6 =	vor.u32 $0x21, v0;
	v7 =	vld.idx.msk [tilespmem:v9+s2+$0x0], $0xffff;
	[tilespmem:v11+s9+$0x0] =	vst.idx.msk $0xffff, v10  }
0x30a: {  	v9 =	vor.u32 $0x21, v3;
	v11 =	vor.u32 s31, v45;
	v10 =	vld.idx.msk [tilespmem:v12+s2+$0x0], $0xffff;
	[tilespmem:v14+s9+$0x0] =	vst.idx.msk $0xffff, v13  }
0x30b: {  	v12 =	vor.u32 $0x21, v2;
	v14 =	vor.u32 s19, v45;
	v13 =	vld.idx.msk [tilespmem:v15+s2+$0x0], $0xffff  }
0x30c: {  	v15 =	vor.u32 $0x21, v1  }
0x30d: {  	v46 =	vld [tilespmem:$0x1FDC0];
	[tilespmem:v5+s9+$0x0] =	vst.idx.msk $0xffff, v4  }
0x30e: {  	v5 =	vor.u32 s21, v50;
	[tilespmem:v8+s9+$0x0] =	vst.idx.msk $0xffff, v7;
	v4 =	vld.idx.msk [tilespmem:v6+s2+$0x0], $0xffff  }
0x30f: {  	v8 =	vor.u32 s30, v50;
	v6 =	vor.u32 $0x22, v0;
	v7 =	vld.idx.msk [tilespmem:v9+s2+$0x0], $0xffff;
	[tilespmem:v11+s9+$0x0] =	vst.idx.msk $0xffff, v10  }
0x310: {  	v9 =	vor.u32 $0x22, v3;
	v11 =	vor.u32 s31, v50;
	v10 =	vld.idx.msk [tilespmem:v12+s2+$0x0], $0xffff;
	[tilespmem:v14+s9+$0x0] =	vst.idx.msk $0xffff, v13  }
0x311: {  	v12 =	vor.u32 $0x22, v2;
	v14 =	vor.u32 s19, v50;
	v13 =	vld.idx.msk [tilespmem:v15+s2+$0x0], $0xffff  }
0x312: {  	v15 =	vor.u32 $0x22, v1  }
0x313: {  	[tilespmem:v5+s9+$0x0] =	vst.idx.msk $0xffff, v4  }
0x314: {  	v5 =	vor.u32 s21, v46;
	[tilespmem:v8+s9+$0x0] =	vst.idx.msk $0xffff, v7;
	v4 =	vld.idx.msk [tilespmem:v6+s2+$0x0], $0xffff  }
0x315: {  	v8 =	vor.u32 s30, v46;
	v6 =	vor.u32 $0x23, v0;
	v7 =	vld.idx.msk [tilespmem:v9+s2+$0x0], $0xffff;
	[tilespmem:v11+s9+$0x0] =	vst.idx.msk $0xffff, v10  }
0x316: {  	v9 =	vor.u32 $0x23, v3;
	v11 =	vor.u32 s31, v46;
	v10 =	vld.idx.msk [tilespmem:v12+s2+$0x0], $0xffff;
	[tilespmem:v14+s9+$0x0] =	vst.idx.msk $0xffff, v13  }
0x317: {  	v12 =	vor.u32 $0x23, v2;
	v14 =	vor.u32 s19, v46;
	v13 =	vld.idx.msk [tilespmem:v15+s2+$0x0], $0xffff  }
0x318: {  	v15 =	vor.u32 $0x23, v1  }
0x319: {  	v47 =	vld [tilespmem:$0x1FDE0];
	[tilespmem:v5+s9+$0x0] =	vst.idx.msk $0xffff, v4  }
0x31a: {  	v5 =	vor.u32 s21, v51;
	[tilespmem:v8+s9+$0x0] =	vst.idx.msk $0xffff, v7;
	v4 =	vld.idx.msk [tilespmem:v6+s2+$0x0], $0xffff  }
0x31b: {  	v8 =	vor.u32 s30, v51;
	v6 =	vor.u32 $0x24, v0;
	v7 =	vld.idx.msk [tilespmem:v9+s2+$0x0], $0xffff;
	[tilespmem:v11+s9+$0x0] =	vst.idx.msk $0xffff, v10  }
0x31c: {  	v9 =	vor.u32 $0x24, v3;
	v11 =	vor.u32 s31, v51;
	v10 =	vld.idx.msk [tilespmem:v12+s2+$0x0], $0xffff;
	[tilespmem:v14+s9+$0x0] =	vst.idx.msk $0xffff, v13  }
0x31d: {  	v12 =	vor.u32 $0x24, v2;
	v14 =	vor.u32 s19, v51;
	v13 =	vld.idx.msk [tilespmem:v15+s2+$0x0], $0xffff  }
0x31e: {  	v15 =	vor.u32 $0x24, v1  }
0x31f: {  	[tilespmem:v5+s9+$0x0] =	vst.idx.msk $0xffff, v4  }
0x320: {  	v5 =	vor.u32 s21, v47;
	[tilespmem:v8+s9+$0x0] =	vst.idx.msk $0xffff, v7;
	v4 =	vld.idx.msk [tilespmem:v6+s2+$0x0], $0xffff  }
0x321: {  	v8 =	vor.u32 s30, v47;
	v6 =	vor.u32 $0x25, v0;
	v7 =	vld.idx.msk [tilespmem:v9+s2+$0x0], $0xffff;
	[tilespmem:v11+s9+$0x0] =	vst.idx.msk $0xffff, v10  }
0x322: {  	v9 =	vor.u32 $0x25, v3;
	v11 =	vor.u32 s31, v47;
	v10 =	vld.idx.msk [tilespmem:v12+s2+$0x0], $0xffff;
	[tilespmem:v14+s9+$0x0] =	vst.idx.msk $0xffff, v13  }
0x323: {  	v12 =	vor.u32 $0x25, v2;
	v14 =	vor.u32 s19, v47;
	v13 =	vld.idx.msk [tilespmem:v15+s2+$0x0], $0xffff  }
0x324: {  	v15 =	vor.u32 $0x25, v1  }
0x325: {  	v49 =	vld [tilespmem:$0x1FE00];
	[tilespmem:v5+s9+$0x0] =	vst.idx.msk $0xffff, v4  }
0x326: {  	v5 =	vor.u32 s21, v52;
	[tilespmem:v8+s9+$0x0] =	vst.idx.msk $0xffff, v7;
	v4 =	vld.idx.msk [tilespmem:v6+s2+$0x0], $0xffff  }
0x327: {  	v8 =	vor.u32 s30, v52;
	v6 =	vor.u32 $0x26, v0;
	v7 =	vld.idx.msk [tilespmem:v9+s2+$0x0], $0xffff;
	[tilespmem:v11+s9+$0x0] =	vst.idx.msk $0xffff, v10  }
0x328: {  	v9 =	vor.u32 $0x26, v3;
	v11 =	vor.u32 s31, v52;
	v10 =	vld.idx.msk [tilespmem:v12+s2+$0x0], $0xffff;
	[tilespmem:v14+s9+$0x0] =	vst.idx.msk $0xffff, v13  }
0x329: {  	v12 =	vor.u32 $0x26, v2;
	v14 =	vor.u32 s19, v52;
	v13 =	vld.idx.msk [tilespmem:v15+s2+$0x0], $0xffff  }
0x32a: {  	v15 =	vor.u32 $0x26, v1  }
0x32b: {  	[tilespmem:v5+s9+$0x0] =	vst.idx.msk $0xffff, v4  }
0x32c: {  	v5 =	vor.u32 s21, v49;
	[tilespmem:v8+s9+$0x0] =	vst.idx.msk $0xffff, v7;
	v4 =	vld.idx.msk [tilespmem:v6+s2+$0x0], $0xffff  }
0x32d: {  	v8 =	vor.u32 s30, v49;
	v6 =	vor.u32 $0x27, v0;
	v7 =	vld.idx.msk [tilespmem:v9+s2+$0x0], $0xffff;
	[tilespmem:v11+s9+$0x0] =	vst.idx.msk $0xffff, v10  }
0x32e: {  	v9 =	vor.u32 $0x27, v3;
	v11 =	vor.u32 s31, v49;
	v10 =	vld.idx.msk [tilespmem:v12+s2+$0x0], $0xffff;
	[tilespmem:v14+s9+$0x0] =	vst.idx.msk $0xffff, v13  }
0x32f: {  	v12 =	vor.u32 $0x27, v2;
	v14 =	vor.u32 s19, v49;
	v13 =	vld.idx.msk [tilespmem:v15+s2+$0x0], $0xffff  }
0x330: {  	v15 =	vor.u32 $0x27, v1  }
0x331: {  	v50 =	vld [tilespmem:$0x1FE20];
	[tilespmem:v5+s9+$0x0] =	vst.idx.msk $0xffff, v4  }
0x332: {  	v5 =	vor.u32 s21, v53;
	[tilespmem:v8+s9+$0x0] =	vst.idx.msk $0xffff, v7;
	v4 =	vld.idx.msk [tilespmem:v6+s2+$0x0], $0xffff  }
0x333: {  	v8 =	vor.u32 s30, v53;
	v6 =	vor.u32 $0x28, v0;
	v7 =	vld.idx.msk [tilespmem:v9+s2+$0x0], $0xffff;
	[tilespmem:v11+s9+$0x0] =	vst.idx.msk $0xffff, v10  }
0x334: {  	v9 =	vor.u32 $0x28, v3;
	v11 =	vor.u32 s31, v53;
	v10 =	vld.idx.msk [tilespmem:v12+s2+$0x0], $0xffff;
	[tilespmem:v14+s9+$0x0] =	vst.idx.msk $0xffff, v13  }
0x335: {  	v12 =	vor.u32 $0x28, v2;
	v14 =	vor.u32 s19, v53;
	v13 =	vld.idx.msk [tilespmem:v15+s2+$0x0], $0xffff  }
0x336: {  	v15 =	vor.u32 $0x28, v1  }
0x337: {  	[tilespmem:v5+s9+$0x0] =	vst.idx.msk $0xffff, v4  }
0x338: {  	v5 =	vor.u32 s21, v50;
	[tilespmem:v8+s9+$0x0] =	vst.idx.msk $0xffff, v7;
	v4 =	vld.idx.msk [tilespmem:v6+s2+$0x0], $0xffff  }
0x339: {  	v8 =	vor.u32 s30, v50;
	v6 =	vor.u32 $0x29, v0;
	v7 =	vld.idx.msk [tilespmem:v9+s2+$0x0], $0xffff;
	[tilespmem:v11+s9+$0x0] =	vst.idx.msk $0xffff, v10  }
0x33a: {  	v9 =	vor.u32 $0x29, v3;
	v11 =	vor.u32 s31, v50;
	v10 =	vld.idx.msk [tilespmem:v12+s2+$0x0], $0xffff;
	[tilespmem:v14+s9+$0x0] =	vst.idx.msk $0xffff, v13  }
0x33b: {  	v12 =	vor.u32 $0x29, v2;
	v14 =	vor.u32 s19, v50;
	v13 =	vld.idx.msk [tilespmem:v15+s2+$0x0], $0xffff  }
0x33c: {  	v15 =	vor.u32 $0x29, v1  }
0x33d: {  	[tilespmem:v5+s9+$0x0] =	vst.idx.msk $0xffff, v4  }
0x33e: {  	v5 =	vor.u32 s21, v54;
	[tilespmem:v8+s9+$0x0] =	vst.idx.msk $0xffff, v7;
	v4 =	vld.idx.msk [tilespmem:v6+s2+$0x0], $0xffff  }
0x33f: {  	v8 =	vor.u32 s30, v54;
	v6 =	vor.u32 $0x2A, v0;
	v7 =	vld.idx.msk [tilespmem:v9+s2+$0x0], $0xffff;
	[tilespmem:v11+s9+$0x0] =	vst.idx.msk $0xffff, v10  }
0x340: {  	v9 =	vor.u32 $0x2A, v3;
	v11 =	vor.u32 s31, v54;
	v10 =	vld.idx.msk [tilespmem:v12+s2+$0x0], $0xffff;
	[tilespmem:v14+s9+$0x0] =	vst.idx.msk $0xffff, v13  }
0x341: {  	v12 =	vor.u32 $0x2A, v2;
	v14 =	vor.u32 s19, v54;
	v13 =	vld.idx.msk [tilespmem:v15+s2+$0x0], $0xffff  }
0x342: {  	v15 =	vor.u32 $0x2A, v1  }
0x343: {  	[tilespmem:v5+s9+$0x0] =	vst.idx.msk $0xffff, v4  }
0x344: {  	v5 =	vor.u32 s21, v55;
	[tilespmem:v8+s9+$0x0] =	vst.idx.msk $0xffff, v7;
	v4 =	vld.idx.msk [tilespmem:v6+s2+$0x0], $0xffff  }
0x345: {  	v8 =	vor.u32 s30, v55;
	v6 =	vor.u32 $0x2B, v0;
	v7 =	vld.idx.msk [tilespmem:v9+s2+$0x0], $0xffff;
	[tilespmem:v11+s9+$0x0] =	vst.idx.msk $0xffff, v10  }
0x346: {  	v9 =	vor.u32 $0x2B, v3;
	v11 =	vor.u32 s31, v55;
	v10 =	vld.idx.msk [tilespmem:v12+s2+$0x0], $0xffff;
	[tilespmem:v14+s9+$0x0] =	vst.idx.msk $0xffff, v13  }
0x347: {  	v12 =	vor.u32 $0x2B, v2;
	v14 =	vor.u32 s19, v55;
	v13 =	vld.idx.msk [tilespmem:v15+s2+$0x0], $0xffff  }
0x348: {  	v15 =	vor.u32 $0x2B, v1  }
0x349: {  	[tilespmem:v5+s9+$0x0] =	vst.idx.msk $0xffff, v4  }
0x34a: {  	v5 =	vor.u32 s21, v56;
	[tilespmem:v8+s9+$0x0] =	vst.idx.msk $0xffff, v7;
	v4 =	vld.idx.msk [tilespmem:v6+s2+$0x0], $0xffff  }
0x34b: {  	v8 =	vor.u32 s30, v56;
	v6 =	vor.u32 $0x2C, v0;
	v7 =	vld.idx.msk [tilespmem:v9+s2+$0x0], $0xffff;
	[tilespmem:v11+s9+$0x0] =	vst.idx.msk $0xffff, v10  }
0x34c: {  	v9 =	vor.u32 $0x2C, v3;
	v11 =	vor.u32 s31, v56;
	v10 =	vld.idx.msk [tilespmem:v12+s2+$0x0], $0xffff;
	[tilespmem:v14+s9+$0x0] =	vst.idx.msk $0xffff, v13  }
0x34d: {  	v12 =	vor.u32 $0x2C, v2;
	v14 =	vor.u32 s19, v56;
	v13 =	vld.idx.msk [tilespmem:v15+s2+$0x0], $0xffff  }
0x34e: {  	v15 =	vor.u32 $0x2C, v1  }
0x34f: {  	[tilespmem:v5+s9+$0x0] =	vst.idx.msk $0xffff, v4  }
0x350: {  	v5 =	vor.u32 s21, v57;
	[tilespmem:v8+s9+$0x0] =	vst.idx.msk $0xffff, v7;
	v4 =	vld.idx.msk [tilespmem:v6+s2+$0x0], $0xffff  }
0x351: {  	v8 =	vor.u32 s30, v57;
	v6 =	vor.u32 $0x2D, v0;
	v7 =	vld.idx.msk [tilespmem:v9+s2+$0x0], $0xffff;
	[tilespmem:v11+s9+$0x0] =	vst.idx.msk $0xffff, v10  }
0x352: {  	v9 =	vor.u32 $0x2D, v3;
	v11 =	vor.u32 s31, v57;
	v10 =	vld.idx.msk [tilespmem:v12+s2+$0x0], $0xffff;
	[tilespmem:v14+s9+$0x0] =	vst.idx.msk $0xffff, v13  }
0x353: {  	v12 =	vor.u32 $0x2D, v2;
	v14 =	vor.u32 s19, v57;
	v13 =	vld.idx.msk [tilespmem:v15+s2+$0x0], $0xffff  }
0x354: {  	v15 =	vor.u32 $0x2D, v1  }
0x355: {  	[tilespmem:v5+s9+$0x0] =	vst.idx.msk $0xffff, v4  }
0x356: {  	v5 =	vor.u32 s21, v58;
	[tilespmem:v8+s9+$0x0] =	vst.idx.msk $0xffff, v7;
	v4 =	vld.idx.msk [tilespmem:v6+s2+$0x0], $0xffff  }
0x357: {  	v8 =	vor.u32 s30, v58;
	v6 =	vor.u32 $0x2E, v0;
	v7 =	vld.idx.msk [tilespmem:v9+s2+$0x0], $0xffff;
	[tilespmem:v11+s9+$0x0] =	vst.idx.msk $0xffff, v10  }
0x358: {  	v9 =	vor.u32 $0x2E, v3;
	v11 =	vor.u32 s31, v58;
	v10 =	vld.idx.msk [tilespmem:v12+s2+$0x0], $0xffff;
	[tilespmem:v14+s9+$0x0] =	vst.idx.msk $0xffff, v13  }
0x359: {  	v12 =	vor.u32 $0x2E, v2;
	v14 =	vor.u32 s19, v58;
	v13 =	vld.idx.msk [tilespmem:v15+s2+$0x0], $0xffff  }
0x35a: {  	v15 =	vor.u32 $0x2E, v1  }
0x35b: {  	[tilespmem:v5+s9+$0x0] =	vst.idx.msk $0xffff, v4  }
0x35c: {  	v5 =	vor.u32 s21, v59;
	[tilespmem:v8+s9+$0x0] =	vst.idx.msk $0xffff, v7;
	v4 =	vld.idx.msk [tilespmem:v6+s2+$0x0], $0xffff  }
0x35d: {  	v8 =	vor.u32 s30, v59;
	v6 =	vor.u32 $0x2F, v0;
	v7 =	vld.idx.msk [tilespmem:v9+s2+$0x0], $0xffff;
	[tilespmem:v11+s9+$0x0] =	vst.idx.msk $0xffff, v10  }
0x35e: {  	v9 =	vor.u32 $0x2F, v3;
	v11 =	vor.u32 s31, v59;
	v10 =	vld.idx.msk [tilespmem:v12+s2+$0x0], $0xffff;
	[tilespmem:v14+s9+$0x0] =	vst.idx.msk $0xffff, v13  }
0x35f: {  	v12 =	vor.u32 $0x2F, v2;
	v14 =	vor.u32 s19, v59;
	v13 =	vld.idx.msk [tilespmem:v15+s2+$0x0], $0xffff  }
0x360: {  	v15 =	vor.u32 $0x2F, v1  }
0x361: {  	[tilespmem:v5+s9+$0x0] =	vst.idx.msk $0xffff, v4  }
0x362: {  	v5 =	vor.u32 s21, v60;
	[tilespmem:v8+s9+$0x0] =	vst.idx.msk $0xffff, v7;
	v4 =	vld.idx.msk [tilespmem:v6+s2+$0x0], $0xffff  }
0x363: {  	v8 =	vor.u32 s30, v60;
	v6 =	vor.u32 $0x30, v0;
	v7 =	vld.idx.msk [tilespmem:v9+s2+$0x0], $0xffff;
	[tilespmem:v11+s9+$0x0] =	vst.idx.msk $0xffff, v10  }
0x364: {  	v9 =	vor.u32 $0x30, v3;
	v11 =	vor.u32 s31, v60;
	v10 =	vld.idx.msk [tilespmem:v12+s2+$0x0], $0xffff;
	[tilespmem:v14+s9+$0x0] =	vst.idx.msk $0xffff, v13  }
0x365: {  	v12 =	vor.u32 $0x30, v2;
	v14 =	vor.u32 s19, v60;
	v13 =	vld.idx.msk [tilespmem:v15+s2+$0x0], $0xffff  }
0x366: {  	v15 =	vor.u32 $0x30, v1  }
0x367: {  	[tilespmem:v5+s9+$0x0] =	vst.idx.msk $0xffff, v4  }
0x368: {  	v5 =	vor.u32 s21, v61;
	[tilespmem:v8+s9+$0x0] =	vst.idx.msk $0xffff, v7;
	v4 =	vld.idx.msk [tilespmem:v6+s2+$0x0], $0xffff  }
0x369: {  	v8 =	vor.u32 s30, v61;
	v6 =	vor.u32 $0x31, v0;
	v7 =	vld.idx.msk [tilespmem:v9+s2+$0x0], $0xffff;
	[tilespmem:v11+s9+$0x0] =	vst.idx.msk $0xffff, v10  }
0x36a: {  	v9 =	vor.u32 $0x31, v3;
	v11 =	vor.u32 s31, v61;
	v10 =	vld.idx.msk [tilespmem:v12+s2+$0x0], $0xffff;
	[tilespmem:v14+s9+$0x0] =	vst.idx.msk $0xffff, v13  }
0x36b: {  	v12 =	vor.u32 $0x31, v2;
	v14 =	vor.u32 s19, v61;
	v13 =	vld.idx.msk [tilespmem:v15+s2+$0x0], $0xffff  }
0x36c: {  	v15 =	vor.u32 $0x31, v1  }
0x36d: {  	[tilespmem:v5+s9+$0x0] =	vst.idx.msk $0xffff, v4  }
0x36e: {  	v5 =	vor.u32 s21, v62;
	[tilespmem:v8+s9+$0x0] =	vst.idx.msk $0xffff, v7;
	v4 =	vld.idx.msk [tilespmem:v6+s2+$0x0], $0xffff  }
0x36f: {  	v8 =	vor.u32 s30, v62;
	v6 =	vor.u32 $0x32, v0;
	v7 =	vld.idx.msk [tilespmem:v9+s2+$0x0], $0xffff;
	[tilespmem:v11+s9+$0x0] =	vst.idx.msk $0xffff, v10  }
0x370: {  	v9 =	vor.u32 $0x32, v3;
	v11 =	vor.u32 s31, v62;
	v10 =	vld.idx.msk [tilespmem:v12+s2+$0x0], $0xffff;
	[tilespmem:v14+s9+$0x0] =	vst.idx.msk $0xffff, v13  }
0x371: {  	v12 =	vor.u32 $0x32, v2;
	v14 =	vor.u32 s19, v62;
	v13 =	vld.idx.msk [tilespmem:v15+s2+$0x0], $0xffff  }
0x372: {  	v15 =	vor.u32 $0x32, v1  }
0x373: {  	[tilespmem:v5+s9+$0x0] =	vst.idx.msk $0xffff, v4  }
0x374: {  	v5 =	vor.u32 s21, v63;
	[tilespmem:v8+s9+$0x0] =	vst.idx.msk $0xffff, v7;
	v4 =	vld.idx.msk [tilespmem:v6+s2+$0x0], $0xffff  }
0x375: {  	v8 =	vor.u32 s30, v63;
	v6 =	vor.u32 $0x33, v0;
	v7 =	vld.idx.msk [tilespmem:v9+s2+$0x0], $0xffff;
	[tilespmem:v11+s9+$0x0] =	vst.idx.msk $0xffff, v10  }
0x376: {  	v9 =	vor.u32 $0x33, v3;
	v11 =	vor.u32 s31, v63;
	v10 =	vld.idx.msk [tilespmem:v12+s2+$0x0], $0xffff;
	[tilespmem:v14+s9+$0x0] =	vst.idx.msk $0xffff, v13  }
0x377: {  	v12 =	vor.u32 $0x33, v2;
	v14 =	vor.u32 s19, v63;
	v13 =	vld.idx.msk [tilespmem:v15+s2+$0x0], $0xffff  }
0x378: {  	v15 =	vor.u32 $0x33, v1  }
0x379: {  	[tilespmem:v5+s9+$0x0] =	vst.idx.msk $0xffff, v4  }
0x37a: {  	v5 =	vor.u32 s21, v28;
	[tilespmem:v8+s9+$0x0] =	vst.idx.msk $0xffff, v7;
	v4 =	vld.idx.msk [tilespmem:v6+s2+$0x0], $0xffff  }
0x37b: {  	v8 =	vor.u32 s30, v28;
	v6 =	vor.u32 $0x34, v0;
	v7 =	vld.idx.msk [tilespmem:v9+s2+$0x0], $0xffff;
	[tilespmem:v11+s9+$0x0] =	vst.idx.msk $0xffff, v10  }
0x37c: {  	v9 =	vor.u32 $0x34, v3;
	v11 =	vor.u32 s31, v28;
	v10 =	vld.idx.msk [tilespmem:v12+s2+$0x0], $0xffff;
	[tilespmem:v14+s9+$0x0] =	vst.idx.msk $0xffff, v13  }
0x37d: {  	v12 =	vor.u32 $0x34, v2;
	v14 =	vor.u32 s19, v28;
	v13 =	vld.idx.msk [tilespmem:v15+s2+$0x0], $0xffff  }
0x37e: {  	v15 =	vor.u32 $0x34, v1  }
0x37f: {  	[tilespmem:v5+s9+$0x0] =	vst.idx.msk $0xffff, v4  }
0x380: {  	v5 =	vor.u32 s21, v29;
	[tilespmem:v8+s9+$0x0] =	vst.idx.msk $0xffff, v7;
	v4 =	vld.idx.msk [tilespmem:v6+s2+$0x0], $0xffff  }
0x381: {  	v8 =	vor.u32 s30, v29;
	v6 =	vor.u32 $0x35, v0;
	v7 =	vld.idx.msk [tilespmem:v9+s2+$0x0], $0xffff;
	[tilespmem:v11+s9+$0x0] =	vst.idx.msk $0xffff, v10  }
0x382: {  	v9 =	vor.u32 $0x35, v3;
	v11 =	vor.u32 s31, v29;
	v10 =	vld.idx.msk [tilespmem:v12+s2+$0x0], $0xffff;
	[tilespmem:v14+s9+$0x0] =	vst.idx.msk $0xffff, v13  }
0x383: {  	v12 =	vor.u32 $0x35, v2;
	v14 =	vor.u32 s19, v29;
	v13 =	vld.idx.msk [tilespmem:v15+s2+$0x0], $0xffff  }
0x384: {  	v15 =	vor.u32 $0x35, v1  }
0x385: {  	[tilespmem:v5+s9+$0x0] =	vst.idx.msk $0xffff, v4  }
0x386: {  	v5 =	vor.u32 s21, v30;
	[tilespmem:v8+s9+$0x0] =	vst.idx.msk $0xffff, v7;
	v4 =	vld.idx.msk [tilespmem:v6+s2+$0x0], $0xffff  }
0x387: {  	v8 =	vor.u32 s30, v30;
	v6 =	vor.u32 $0x36, v0;
	v7 =	vld.idx.msk [tilespmem:v9+s2+$0x0], $0xffff;
	[tilespmem:v11+s9+$0x0] =	vst.idx.msk $0xffff, v10  }
0x388: {  	v9 =	vor.u32 $0x36, v3;
	v11 =	vor.u32 s31, v30;
	v10 =	vld.idx.msk [tilespmem:v12+s2+$0x0], $0xffff;
	[tilespmem:v14+s9+$0x0] =	vst.idx.msk $0xffff, v13  }
0x389: {  	v12 =	vor.u32 $0x36, v2;
	v14 =	vor.u32 s19, v30;
	v13 =	vld.idx.msk [tilespmem:v15+s2+$0x0], $0xffff  }
0x38a: {  	v15 =	vor.u32 $0x36, v1  }
0x38b: {  	[tilespmem:v5+s9+$0x0] =	vst.idx.msk $0xffff, v4  }
0x38c: {  	v5 =	vor.u32 s21, v31;
	[tilespmem:v8+s9+$0x0] =	vst.idx.msk $0xffff, v7;
	v4 =	vld.idx.msk [tilespmem:v6+s2+$0x0], $0xffff  }
0x38d: {  	v8 =	vor.u32 s30, v31;
	v6 =	vor.u32 $0x37, v0;
	v7 =	vld.idx.msk [tilespmem:v9+s2+$0x0], $0xffff;
	[tilespmem:v11+s9+$0x0] =	vst.idx.msk $0xffff, v10  }
0x38e: {  	v9 =	vor.u32 $0x37, v3;
	v11 =	vor.u32 s31, v31;
	v10 =	vld.idx.msk [tilespmem:v12+s2+$0x0], $0xffff;
	[tilespmem:v14+s9+$0x0] =	vst.idx.msk $0xffff, v13  }
0x38f: {  	v12 =	vor.u32 $0x37, v2;
	v14 =	vor.u32 s19, v31;
	v13 =	vld.idx.msk [tilespmem:v15+s2+$0x0], $0xffff  }
0x390: {  	v15 =	vor.u32 $0x37, v1  }
0x391: {  	[tilespmem:v5+s9+$0x0] =	vst.idx.msk $0xffff, v4  }
0x392: {  	v5 =	vor.u32 s21, v32;
	[tilespmem:v8+s9+$0x0] =	vst.idx.msk $0xffff, v7;
	v4 =	vld.idx.msk [tilespmem:v6+s2+$0x0], $0xffff  }
0x393: {  	v8 =	vor.u32 s30, v32;
	v6 =	vor.u32 $0x38, v0;
	v7 =	vld.idx.msk [tilespmem:v9+s2+$0x0], $0xffff;
	[tilespmem:v11+s9+$0x0] =	vst.idx.msk $0xffff, v10  }
0x394: {  	v9 =	vor.u32 $0x38, v3;
	v11 =	vor.u32 s31, v32;
	v10 =	vld.idx.msk [tilespmem:v12+s2+$0x0], $0xffff;
	[tilespmem:v14+s9+$0x0] =	vst.idx.msk $0xffff, v13  }
0x395: {  	v12 =	vor.u32 $0x38, v2;
	v14 =	vor.u32 s19, v32;
	v13 =	vld.idx.msk [tilespmem:v15+s2+$0x0], $0xffff  }
0x396: {  	v15 =	vor.u32 $0x38, v1  }
0x397: {  	[tilespmem:v5+s9+$0x0] =	vst.idx.msk $0xffff, v4  }
0x398: {  	v5 =	vor.u32 s21, v33;
	[tilespmem:v8+s9+$0x0] =	vst.idx.msk $0xffff, v7;
	v4 =	vld.idx.msk [tilespmem:v6+s2+$0x0], $0xffff  }
0x399: {  	v8 =	vor.u32 s30, v33;
	v6 =	vor.u32 $0x39, v0;
	v7 =	vld.idx.msk [tilespmem:v9+s2+$0x0], $0xffff;
	[tilespmem:v11+s9+$0x0] =	vst.idx.msk $0xffff, v10  }
0x39a: {  	v9 =	vor.u32 $0x39, v3;
	v11 =	vor.u32 s31, v33;
	v10 =	vld.idx.msk [tilespmem:v12+s2+$0x0], $0xffff;
	[tilespmem:v14+s9+$0x0] =	vst.idx.msk $0xffff, v13  }
0x39b: {  	v12 =	vor.u32 $0x39, v2;
	v14 =	vor.u32 s19, v33;
	v13 =	vld.idx.msk [tilespmem:v15+s2+$0x0], $0xffff  }
0x39c: {  	v15 =	vor.u32 $0x39, v1  }
0x39d: {  	[tilespmem:v5+s9+$0x0] =	vst.idx.msk $0xffff, v4  }
0x39e: {  	v5 =	vor.u32 s21, v34;
	[tilespmem:v8+s9+$0x0] =	vst.idx.msk $0xffff, v7;
	v4 =	vld.idx.msk [tilespmem:v6+s2+$0x0], $0xffff  }
0x39f: {  	v8 =	vor.u32 s30, v34;
	v6 =	vor.u32 $0x3A, v0;
	v7 =	vld.idx.msk [tilespmem:v9+s2+$0x0], $0xffff;
	[tilespmem:v11+s9+$0x0] =	vst.idx.msk $0xffff, v10  }
0x3a0: {  	v9 =	vor.u32 $0x3A, v3;
	v11 =	vor.u32 s31, v34;
	v10 =	vld.idx.msk [tilespmem:v12+s2+$0x0], $0xffff;
	[tilespmem:v14+s9+$0x0] =	vst.idx.msk $0xffff, v13  }
0x3a1: {  	v12 =	vor.u32 $0x3A, v2;
	v14 =	vor.u32 s19, v34;
	v13 =	vld.idx.msk [tilespmem:v15+s2+$0x0], $0xffff  }
0x3a2: {  	v15 =	vor.u32 $0x3A, v1  }
0x3a3: {  	[tilespmem:v5+s9+$0x0] =	vst.idx.msk $0xffff, v4  }
0x3a4: {  	v5 =	vor.u32 s21, v35;
	[tilespmem:v8+s9+$0x0] =	vst.idx.msk $0xffff, v7;
	v4 =	vld.idx.msk [tilespmem:v6+s2+$0x0], $0xffff  }
0x3a5: {  	v8 =	vor.u32 s30, v35;
	v6 =	vor.u32 $0x3B, v0;
	v7 =	vld.idx.msk [tilespmem:v9+s2+$0x0], $0xffff;
	[tilespmem:v11+s9+$0x0] =	vst.idx.msk $0xffff, v10  }
0x3a6: {  	v9 =	vor.u32 $0x3B, v3;
	v11 =	vor.u32 s31, v35;
	v10 =	vld.idx.msk [tilespmem:v12+s2+$0x0], $0xffff;
	[tilespmem:v14+s9+$0x0] =	vst.idx.msk $0xffff, v13  }
0x3a7: {  	v12 =	vor.u32 $0x3B, v2;
	v14 =	vor.u32 s19, v35;
	v13 =	vld.idx.msk [tilespmem:v15+s2+$0x0], $0xffff  }
0x3a8: {  	v15 =	vor.u32 $0x3B, v1  }
0x3a9: {  	[tilespmem:v5+s9+$0x0] =	vst.idx.msk $0xffff, v4  }
0x3aa: {  	v5 =	vor.u32 s21, v36;
	[tilespmem:v8+s9+$0x0] =	vst.idx.msk $0xffff, v7;
	v4 =	vld.idx.msk [tilespmem:v6+s2+$0x0], $0xffff  }
0x3ab: {  	v8 =	vor.u32 s30, v36;
	v6 =	vor.u32 $0x3C, v0;
	v7 =	vld.idx.msk [tilespmem:v9+s2+$0x0], $0xffff;
	[tilespmem:v11+s9+$0x0] =	vst.idx.msk $0xffff, v10  }
0x3ac: {  	v9 =	vor.u32 $0x3C, v3;
	v11 =	vor.u32 s31, v36;
	v10 =	vld.idx.msk [tilespmem:v12+s2+$0x0], $0xffff;
	[tilespmem:v14+s9+$0x0] =	vst.idx.msk $0xffff, v13  }
0x3ad: {  	v12 =	vor.u32 $0x3C, v2;
	v14 =	vor.u32 s19, v36;
	v13 =	vld.idx.msk [tilespmem:v15+s2+$0x0], $0xffff  }
0x3ae: {  	v15 =	vor.u32 $0x3C, v1  }
0x3af: {  	[tilespmem:v5+s9+$0x0] =	vst.idx.msk $0xffff, v4  }
0x3b0: {  	v5 =	vor.u32 s21, v37;
	[tilespmem:v8+s9+$0x0] =	vst.idx.msk $0xffff, v7;
	v4 =	vld.idx.msk [tilespmem:v6+s2+$0x0], $0xffff  }
0x3b1: {  	v8 =	vor.u32 s30, v37;
	v6 =	vor.u32 $0x3D, v0;
	v7 =	vld.idx.msk [tilespmem:v9+s2+$0x0], $0xffff;
	[tilespmem:v11+s9+$0x0] =	vst.idx.msk $0xffff, v10  }
0x3b2: {  	v9 =	vor.u32 $0x3D, v3;
	v11 =	vor.u32 s31, v37;
	v10 =	vld.idx.msk [tilespmem:v12+s2+$0x0], $0xffff;
	[tilespmem:v14+s9+$0x0] =	vst.idx.msk $0xffff, v13  }
0x3b3: {  	v12 =	vor.u32 $0x3D, v2;
	v14 =	vor.u32 s19, v37;
	v13 =	vld.idx.msk [tilespmem:v15+s2+$0x0], $0xffff  }
0x3b4: {  	v15 =	vor.u32 $0x3D, v1  }
0x3b5: {  	[tilespmem:v5+s9+$0x0] =	vst.idx.msk $0xffff, v4  }
0x3b6: {  	v5 =	vor.u32 s21, v38;
	[tilespmem:v8+s9+$0x0] =	vst.idx.msk $0xffff, v7;
	v4 =	vld.idx.msk [tilespmem:v6+s2+$0x0], $0xffff  }
0x3b7: {  	v8 =	vor.u32 s30, v38;
	v6 =	vor.u32 $0x3E, v0;
	v7 =	vld.idx.msk [tilespmem:v9+s2+$0x0], $0xffff;
	[tilespmem:v11+s9+$0x0] =	vst.idx.msk $0xffff, v10  }
0x3b8: {  	v9 =	vor.u32 $0x3E, v3;
	v11 =	vor.u32 s31, v38;
	v10 =	vld.idx.msk [tilespmem:v12+s2+$0x0], $0xffff;
	[tilespmem:v14+s9+$0x0] =	vst.idx.msk $0xffff, v13  }
0x3b9: {  	v12 =	vor.u32 $0x3E, v2;
	v14 =	vor.u32 s19, v38;
	v13 =	vld.idx.msk [tilespmem:v15+s2+$0x0], $0xffff  }
0x3ba: {  	v15 =	vor.u32 $0x3E, v1  }
0x3bb: {  	[tilespmem:v5+s9+$0x0] =	vst.idx.msk $0xffff, v4  }
0x3bc: {  	[tilespmem:v8+s9+$0x0] =	vst.idx.msk $0xffff, v7;
	v5 =	vor.u32 s21, v39;
	v4 =	vld.idx.msk [tilespmem:v6+s2+$0x0], $0xffff  }
0x3bd: {  	v0 =	vor.u32 $0x3F, v0;
	v7 =	vor.u32 s30, v39;
	[tilespmem:v11+s9+$0x0] =	vst.idx.msk $0xffff, v10;
	v6 =	vld.idx.msk [tilespmem:v9+s2+$0x0], $0xffff  }
0x3be: {  	v3 =	vor.u32 $0x3F, v3;
	v9 =	vor.u32 s31, v39;
	v8 =	vld.idx.msk [tilespmem:v12+s2+$0x0], $0xffff;
	[tilespmem:v14+s9+$0x0] =	vst.idx.msk $0xffff, v13  }
0x3bf: {  	v2 =	vor.u32 $0x3F, v2;
	v11 =	vor.u32 s19, v39;
	v10 =	vld.idx.msk [tilespmem:v15+s2+$0x0], $0xffff  }
0x3c0: {  	v1 =	vor.u32 $0x3F, v1  }
0x3c1: {  	[tilespmem:v5+s9+$0x0] =	vst.idx.msk $0xffff, v4  }
0x3c2: {  	[tilespmem:v7+s9+$0x0] =	vst.idx.msk $0xffff, v6;
	v4 =	vor.u32 s21, v40;
	v0 =	vld.idx.msk [tilespmem:v0+s2+$0x0], $0xffff  }
0x3c3: {  	v5 =	vor.u32 s30, v40;
	[tilespmem:v9+s9+$0x0] =	vst.idx.msk $0xffff, v8;
	v3 =	vld.idx.msk [tilespmem:v3+s2+$0x0], $0xffff  }
0x3c4: {  	s18 =	sadd.s32 $0x8, s18;
	v6 =	vor.u32 s31, v40;
	v2 =	vld.idx.msk [tilespmem:v2+s2+$0x0], $0xffff;
	[tilespmem:v11+s9+$0x0] =	vst.idx.msk $0xffff, v10  }
0x3c5: {  	p1 =	slt.u32 s18, $0x18;
	v7 =	vor.u32 s19, v40;
	v1 =	vld.idx.msk [tilespmem:v1+s2+$0x0], $0xffff  }
.Ltmp0:
0x3c6: {  	_ = 	snop;
	(pc) =	sbr.rel @p1 .LBB2_3-.Ltmp0, $4  }
0x3c7: {  	[tilespmem:v4+s9+$0x0] =	vst.idx.msk $0xffff, v0  }
0x3c8: {  	v14 =	vld [tilespmem:$0x1FFE0];
	[tilespmem:v5+s9+$0x0] =	vst.idx.msk $0xffff, v3  }
0x3c9: {  	v12 =	vmovc v27;
	v13 =	vld [tilespmem:$0x1FFD0];
	v9 =	vmov v24;
	v8 =	vmov v23;
	v11 =	vmov v26;
	[tilespmem:v6+s9+$0x0] =	vst.idx.msk $0xffff, v2  }
0x3ca: {  	s20 =	sadd.s32 $0x80, s20;
	v15 =	vld [tilespmem:$0x1FFF0];
	s19 =	sadd.s32 $0x2000, s19;
	v10 =	vmovc v25;
	v4 =	vmovc v19;
	v5 =	vmov v20;
	v6 =	vmov v21;
	[tilespmem:v7+s9+$0x0] =	vst.idx.msk $0xffff, v1;
	v7 =	vmov v22  }
0x3cb: {  	s18 =	sshll.u32 s16, $0xD  }
0x3cc: {  	s18 =	sadd.s32 s18, s5  }
0x3cd: {  	[hbm4b:s18+s2] =	stream.linear.scatter [tilespmem:s9], [sflag:$0x1], $0x8000, $0x38;
	[tilespmem:$0x19000] =	vst v63  }
0x3ce: {  	s18 =	simm.s32 @!p0 $0x2  }
0x3cf: {  	_ =	swait.ge @!p0 [sflag:s18], $0x8000  }
0x3d0: {  	s19 =	simm.s32 $0x1C00;
	[sflag:s18] =	ssyncset.done @!p0 $0x0  }
0x3d1: {  	s20 =	smov.u32 s15;
	[sflag:s18] =	ssyncadd.s32 @!p0 $0xFFFF8000;
	s18 =	simm.s32 $0xFFFFFFF8  }
.LBB2_5:
0x3d2: {  	v0 =	vld [tilespmem:s20+$0xFFFFFF90];
	_ =	sdelay $0x4  }
0x3d3: {  	v1 =	vshll.u32 v0, $0x6;
	_ =	sdelay $0x3  }
0x3d4: {  	s22 =	sadd.s32 $0xFFFFE400, s19  }
0x3d5: {  	v50 =	vor.u32 s22, v16;
	v2 =	vld.idx.msk [tilespmem:v1+s2+$0x0], $0xffff  }
0x3d6: {  	v3 =	vor.u32 $0x1, v1;
	_ =	sdelay $0x3  }
0x3d7: {  	[tilespmem:v50+s10+$0x0] =	vst.idx.msk $0xffff, v2  }
0x3d8: {  	v51 =	vor.u32 s22, v17;
	v0 =	vld.idx.msk [tilespmem:v3+s2+$0x0], $0xffff  }
0x3d9: {  	v3 =	vor.u32 $0x2, v1;
	_ =	sdelay $0x3  }
0x3da: {  	[tilespmem:v51+s10+$0x0] =	vst.idx.msk $0xffff, v0  }
0x3db: {  	v52 =	vor.u32 s22, v18;
	v0 =	vld.idx.msk [tilespmem:v3+s2+$0x0], $0xffff  }
0x3dc: {  	v3 =	vor.u32 $0x3, v1;
	_ =	sdelay $0x3  }
0x3dd: {  	[tilespmem:v52+s10+$0x0] =	vst.idx.msk $0xffff, v0  }
0x3de: {  	v53 =	vor.u32 s22, v4;
	v0 =	vld.idx.msk [tilespmem:v3+s2+$0x0], $0xffff  }
0x3df: {  	v3 =	vor.u32 $0x4, v1;
	_ =	sdelay $0x3  }
0x3e0: {  	[tilespmem:v53+s10+$0x0] =	vst.idx.msk $0xffff, v0  }
0x3e1: {  	v41 =	vor.u32 s22, v5;
	v0 =	vld.idx.msk [tilespmem:v3+s2+$0x0], $0xffff  }
0x3e2: {  	v3 =	vor.u32 $0x5, v1;
	_ =	sdelay $0x3  }
0x3e3: {  	[tilespmem:v41+s10+$0x0] =	vst.idx.msk $0xffff, v0  }
0x3e4: {  	v42 =	vor.u32 s22, v6;
	v0 =	vld.idx.msk [tilespmem:v3+s2+$0x0], $0xffff  }
0x3e5: {  	v3 =	vor.u32 $0x6, v1;
	_ =	sdelay $0x3  }
0x3e6: {  	[tilespmem:v42+s10+$0x0] =	vst.idx.msk $0xffff, v0  }
0x3e7: {  	v43 =	vor.u32 s22, v7;
	v0 =	vld.idx.msk [tilespmem:v3+s2+$0x0], $0xffff  }
0x3e8: {  	v3 =	vor.u32 $0x7, v1;
	_ =	sdelay $0x3  }
0x3e9: {  	[tilespmem:v43+s10+$0x0] =	vst.idx.msk $0xffff, v0  }
0x3ea: {  	v44 =	vor.u32 s22, v8;
	v0 =	vld.idx.msk [tilespmem:v3+s2+$0x0], $0xffff  }
0x3eb: {  	v3 =	vor.u32 $0x8, v1;
	_ =	sdelay $0x3  }
0x3ec: {  	[tilespmem:v44+s10+$0x0] =	vst.idx.msk $0xffff, v0  }
0x3ed: {  	v45 =	vor.u32 s22, v9;
	v0 =	vld.idx.msk [tilespmem:v3+s2+$0x0], $0xffff  }
0x3ee: {  	v3 =	vor.u32 $0x9, v1;
	_ =	sdelay $0x3  }
0x3ef: {  	[tilespmem:v45+s10+$0x0] =	vst.idx.msk $0xffff, v0  }
0x3f0: {  	v46 =	vor.u32 s22, v10;
	v0 =	vld.idx.msk [tilespmem:v3+s2+$0x0], $0xffff  }
0x3f1: {  	v3 =	vor.u32 $0xA, v1;
	_ =	sdelay $0x3  }
0x3f2: {  	[tilespmem:v46+s10+$0x0] =	vst.idx.msk $0xffff, v0  }
0x3f3: {  	v47 =	vor.u32 s22, v11;
	v0 =	vld.idx.msk [tilespmem:v3+s2+$0x0], $0xffff  }
0x3f4: {  	v3 =	vor.u32 $0xB, v1;
	_ =	sdelay $0x3  }
0x3f5: {  	[tilespmem:v47+s10+$0x0] =	vst.idx.msk $0xffff, v0  }
0x3f6: {  	v48 =	vor.u32 s22, v12;
	v0 =	vld.idx.msk [tilespmem:v3+s2+$0x0], $0xffff  }
0x3f7: {  	v3 =	vor.u32 $0xC, v1;
	_ =	sdelay $0x3  }
0x3f8: {  	[tilespmem:v48+s10+$0x0] =	vst.idx.msk $0xffff, v0  }
0x3f9: {  	v49 =	vor.u32 s22, v13;
	v0 =	vld.idx.msk [tilespmem:v3+s2+$0x0], $0xffff  }
0x3fa: {  	v3 =	vor.u32 $0xD, v1;
	_ =	sdelay $0x3  }
0x3fb: {  	[tilespmem:v49+s10+$0x0] =	vst.idx.msk $0xffff, v0  }
0x3fc: {  	v50 =	vor.u32 s22, v14;
	v0 =	vld.idx.msk [tilespmem:v3+s2+$0x0], $0xffff  }
0x3fd: {  	v3 =	vor.u32 $0xE, v1;
	_ =	sdelay $0x1  }
0x3fe: {  	v5 =	vld [tilespmem:s20+$0xFFFFFFC0]  }
0x3ff: {  	v53 =	vld [tilespmem:s20+$0xFFFFFFA0]  }
0x400: {  	[tilespmem:v50+s10+$0x0] =	vst.idx.msk $0xffff, v0  }
0x401: {  	v51 =	vor.u32 s22, v15;
	v0 =	vld.idx.msk [tilespmem:v3+s2+$0x0], $0xffff  }
0x402: {  	v42 =	vld [tilespmem:s20+$0xFFFFFFB0];
	v3 =	vor.u32 $0xF, v1  }
0x403: {  	v2 =	vshll.u32 v5, $0x6  }
0x404: {  	v4 =	vshll.u32 v53, $0x6  }
0x405: {  	v41 =	vld [tilespmem:$0x1FC90]  }
0x406: {  	[tilespmem:v51+s10+$0x0] =	vst.idx.msk $0xffff, v0  }
0x407: {  	s25 =	sadd.s32 $0xFFFFF000, s19;
	v0 =	vld.idx.msk [tilespmem:v3+s2+$0x0], $0xffff;
	v3 =	vshll.u32 v42, $0x6  }
0x408: {  	s24 =	sadd.s32 $0xFFFFE800, s19;
	v10 =	vor.u32 s25, v16;
	v11 =	vld.idx.msk [tilespmem:v2+s2+$0x0], $0xffff  }
0x409: {  	v5 =	vld.idx.msk [tilespmem:v4+s2+$0x0], $0xffff;
	v43 =	vor.u32 s24, v16  }
0x40a: {  	v6 =	vor.u32 $0x1, v4;
	v52 =	vor.u32 s22, v41  }
0x40b: {  	s23 =	sadd.s32 $0xFFFFEC00, s19;
	v12 =	vor.u32 $0x1, v2  }
0x40c: {  	v7 =	vor.u32 s23, v16;
	v8 =	vld.idx.msk [tilespmem:v3+s2+$0x0], $0xffff  }
0x40d: {  	[tilespmem:v10+s10+$0x0] =	vst.idx.msk $0xffff, v11;
	v9 =	vor.u32 $0x1, v3  }
0x40e: {  	[tilespmem:v43+s10+$0x0] =	vst.idx.msk $0xffff, v5  }
0x40f: {  	v5 =	vor.u32 s24, v17;
	[tilespmem:v52+s10+$0x0] =	vst.idx.msk $0xffff, v0;
	v0 =	vld.idx.msk [tilespmem:v6+s2+$0x0], $0xffff  }
0x410: {  	v11 =	vor.u32 s25, v17;
	v10 =	vld.idx.msk [tilespmem:v12+s2+$0x0], $0xffff;
	v6 =	vor.u32 $0x2, v4  }
0x411: {  	v12 =	vor.u32 $0x2, v2;
	[tilespmem:v7+s10+$0x0] =	vst.idx.msk $0xffff, v8  }
0x412: {  	v8 =	vor.u32 s23, v17;
	v7 =	vld.idx.msk [tilespmem:v9+s2+$0x0], $0xffff  }
0x413: {  	v9 =	vor.u32 $0x2, v3  }
0x414: {  	[tilespmem:v5+s10+$0x0] =	vst.idx.msk $0xffff, v0  }
0x415: {  	[tilespmem:v11+s10+$0x0] =	vst.idx.msk $0xffff, v10;
	v5 =	vor.u32 s24, v18;
	v0 =	vld.idx.msk [tilespmem:v6+s2+$0x0], $0xffff  }
0x416: {  	v11 =	vor.u32 s25, v18;
	v10 =	vld.idx.msk [tilespmem:v12+s2+$0x0], $0xffff;
	v6 =	vor.u32 $0x3, v4  }
0x417: {  	v12 =	vor.u32 $0x3, v2;
	[tilespmem:v8+s10+$0x0] =	vst.idx.msk $0xffff, v7  }
0x418: {  	v8 =	vor.u32 s23, v18;
	v7 =	vld.idx.msk [tilespmem:v9+s2+$0x0], $0xffff  }
0x419: {  	v9 =	vor.u32 $0x3, v3  }
0x41a: {  	[tilespmem:v5+s10+$0x0] =	vst.idx.msk $0xffff, v0  }
0x41b: {  	[tilespmem:v11+s10+$0x0] =	vst.idx.msk $0xffff, v10;
	v5 =	vor.u32 s24, v19;
	v0 =	vld.idx.msk [tilespmem:v6+s2+$0x0], $0xffff  }
0x41c: {  	v11 =	vor.u32 s25, v19;
	v10 =	vld.idx.msk [tilespmem:v12+s2+$0x0], $0xffff;
	v6 =	vor.u32 $0x4, v4  }
0x41d: {  	v12 =	vor.u32 $0x4, v2;
	[tilespmem:v8+s10+$0x0] =	vst.idx.msk $0xffff, v7  }
0x41e: {  	v8 =	vor.u32 s23, v19;
	v7 =	vld.idx.msk [tilespmem:v9+s2+$0x0], $0xffff  }
0x41f: {  	v9 =	vor.u32 $0x4, v3  }
0x420: {  	[tilespmem:v5+s10+$0x0] =	vst.idx.msk $0xffff, v0  }
0x421: {  	[tilespmem:v11+s10+$0x0] =	vst.idx.msk $0xffff, v10;
	v5 =	vor.u32 s24, v20;
	v0 =	vld.idx.msk [tilespmem:v6+s2+$0x0], $0xffff  }
0x422: {  	v11 =	vor.u32 s25, v20;
	v10 =	vld.idx.msk [tilespmem:v12+s2+$0x0], $0xffff;
	v6 =	vor.u32 $0x5, v4  }
0x423: {  	v12 =	vor.u32 $0x5, v2;
	[tilespmem:v8+s10+$0x0] =	vst.idx.msk $0xffff, v7  }
0x424: {  	v8 =	vor.u32 s23, v20;
	v7 =	vld.idx.msk [tilespmem:v9+s2+$0x0], $0xffff  }
0x425: {  	v9 =	vor.u32 $0x5, v3  }
0x426: {  	[tilespmem:v5+s10+$0x0] =	vst.idx.msk $0xffff, v0  }
0x427: {  	[tilespmem:v11+s10+$0x0] =	vst.idx.msk $0xffff, v10;
	v5 =	vor.u32 s24, v21;
	v0 =	vld.idx.msk [tilespmem:v6+s2+$0x0], $0xffff  }
0x428: {  	v11 =	vor.u32 s25, v21;
	v10 =	vld.idx.msk [tilespmem:v12+s2+$0x0], $0xffff;
	v6 =	vor.u32 $0x6, v4  }
0x429: {  	v12 =	vor.u32 $0x6, v2;
	[tilespmem:v8+s10+$0x0] =	vst.idx.msk $0xffff, v7  }
0x42a: {  	v8 =	vor.u32 s23, v21;
	v7 =	vld.idx.msk [tilespmem:v9+s2+$0x0], $0xffff  }
0x42b: {  	v9 =	vor.u32 $0x6, v3  }
0x42c: {  	[tilespmem:v5+s10+$0x0] =	vst.idx.msk $0xffff, v0  }
0x42d: {  	[tilespmem:v11+s10+$0x0] =	vst.idx.msk $0xffff, v10;
	v5 =	vor.u32 s24, v22;
	v0 =	vld.idx.msk [tilespmem:v6+s2+$0x0], $0xffff  }
0x42e: {  	v11 =	vor.u32 s25, v22;
	v10 =	vld.idx.msk [tilespmem:v12+s2+$0x0], $0xffff;
	v6 =	vor.u32 $0x7, v4  }
0x42f: {  	v12 =	vor.u32 $0x7, v2;
	[tilespmem:v8+s10+$0x0] =	vst.idx.msk $0xffff, v7  }
0x430: {  	v8 =	vor.u32 s23, v22;
	v7 =	vld.idx.msk [tilespmem:v9+s2+$0x0], $0xffff  }
0x431: {  	v9 =	vor.u32 $0x7, v3  }
0x432: {  	[tilespmem:v5+s10+$0x0] =	vst.idx.msk $0xffff, v0  }
0x433: {  	[tilespmem:v11+s10+$0x0] =	vst.idx.msk $0xffff, v10;
	v5 =	vor.u32 s24, v23;
	v0 =	vld.idx.msk [tilespmem:v6+s2+$0x0], $0xffff  }
0x434: {  	v11 =	vor.u32 s25, v23;
	v10 =	vld.idx.msk [tilespmem:v12+s2+$0x0], $0xffff;
	v6 =	vor.u32 $0x8, v4  }
0x435: {  	v12 =	vor.u32 $0x8, v2;
	[tilespmem:v8+s10+$0x0] =	vst.idx.msk $0xffff, v7  }
0x436: {  	v8 =	vor.u32 s23, v23;
	v7 =	vld.idx.msk [tilespmem:v9+s2+$0x0], $0xffff  }
0x437: {  	v9 =	vor.u32 $0x8, v3  }
0x438: {  	[tilespmem:v5+s10+$0x0] =	vst.idx.msk $0xffff, v0  }
0x439: {  	[tilespmem:v11+s10+$0x0] =	vst.idx.msk $0xffff, v10;
	v5 =	vor.u32 s24, v24;
	v0 =	vld.idx.msk [tilespmem:v6+s2+$0x0], $0xffff  }
0x43a: {  	v11 =	vor.u32 s25, v24;
	v10 =	vld.idx.msk [tilespmem:v12+s2+$0x0], $0xffff;
	v6 =	vor.u32 $0x9, v4  }
0x43b: {  	v12 =	vor.u32 $0x9, v2;
	[tilespmem:v8+s10+$0x0] =	vst.idx.msk $0xffff, v7  }
0x43c: {  	v8 =	vor.u32 s23, v24;
	v7 =	vld.idx.msk [tilespmem:v9+s2+$0x0], $0xffff  }
0x43d: {  	v9 =	vor.u32 $0x9, v3  }
0x43e: {  	[tilespmem:v5+s10+$0x0] =	vst.idx.msk $0xffff, v0  }
0x43f: {  	[tilespmem:v11+s10+$0x0] =	vst.idx.msk $0xffff, v10;
	v5 =	vor.u32 s24, v25;
	v0 =	vld.idx.msk [tilespmem:v6+s2+$0x0], $0xffff  }
0x440: {  	v11 =	vor.u32 s25, v25;
	v10 =	vld.idx.msk [tilespmem:v12+s2+$0x0], $0xffff;
	v6 =	vor.u32 $0xA, v4  }
0x441: {  	v12 =	vor.u32 $0xA, v2;
	[tilespmem:v8+s10+$0x0] =	vst.idx.msk $0xffff, v7  }
0x442: {  	v8 =	vor.u32 s23, v25;
	v7 =	vld.idx.msk [tilespmem:v9+s2+$0x0], $0xffff  }
0x443: {  	v9 =	vor.u32 $0xA, v3  }
0x444: {  	[tilespmem:v5+s10+$0x0] =	vst.idx.msk $0xffff, v0  }
0x445: {  	[tilespmem:v11+s10+$0x0] =	vst.idx.msk $0xffff, v10;
	v5 =	vor.u32 s24, v26;
	v0 =	vld.idx.msk [tilespmem:v6+s2+$0x0], $0xffff  }
0x446: {  	v11 =	vor.u32 s25, v26;
	v10 =	vld.idx.msk [tilespmem:v12+s2+$0x0], $0xffff;
	v6 =	vor.u32 $0xB, v4  }
0x447: {  	v12 =	vor.u32 $0xB, v2;
	[tilespmem:v8+s10+$0x0] =	vst.idx.msk $0xffff, v7  }
0x448: {  	v8 =	vor.u32 s23, v26;
	v7 =	vld.idx.msk [tilespmem:v9+s2+$0x0], $0xffff  }
0x449: {  	v9 =	vor.u32 $0xB, v3  }
0x44a: {  	[tilespmem:v5+s10+$0x0] =	vst.idx.msk $0xffff, v0  }
0x44b: {  	[tilespmem:v11+s10+$0x0] =	vst.idx.msk $0xffff, v10;
	v5 =	vor.u32 s24, v27;
	v0 =	vld.idx.msk [tilespmem:v6+s2+$0x0], $0xffff  }
0x44c: {  	v11 =	vor.u32 s25, v27;
	v10 =	vld.idx.msk [tilespmem:v12+s2+$0x0], $0xffff;
	v6 =	vor.u32 $0xC, v4  }
0x44d: {  	v12 =	vor.u32 $0xC, v2;
	[tilespmem:v8+s10+$0x0] =	vst.idx.msk $0xffff, v7  }
0x44e: {  	v8 =	vor.u32 s23, v27;
	v7 =	vld.idx.msk [tilespmem:v9+s2+$0x0], $0xffff  }
0x44f: {  	v9 =	vor.u32 $0xC, v3  }
0x450: {  	[tilespmem:v5+s10+$0x0] =	vst.idx.msk $0xffff, v0  }
0x451: {  	[tilespmem:v11+s10+$0x0] =	vst.idx.msk $0xffff, v10;
	v5 =	vor.u32 s24, v13;
	v0 =	vld.idx.msk [tilespmem:v6+s2+$0x0], $0xffff  }
0x452: {  	v11 =	vor.u32 s25, v13;
	v10 =	vld.idx.msk [tilespmem:v12+s2+$0x0], $0xffff;
	v6 =	vor.u32 $0xD, v4  }
0x453: {  	v12 =	vor.u32 $0xD, v2;
	[tilespmem:v8+s10+$0x0] =	vst.idx.msk $0xffff, v7  }
0x454: {  	v8 =	vor.u32 s23, v13;
	v7 =	vld.idx.msk [tilespmem:v9+s2+$0x0], $0xffff  }
0x455: {  	v9 =	vor.u32 $0xD, v3  }
0x456: {  	[tilespmem:v5+s10+$0x0] =	vst.idx.msk $0xffff, v0  }
0x457: {  	[tilespmem:v11+s10+$0x0] =	vst.idx.msk $0xffff, v10;
	v5 =	vor.u32 s24, v14;
	v0 =	vld.idx.msk [tilespmem:v6+s2+$0x0], $0xffff  }
0x458: {  	v11 =	vor.u32 s25, v14;
	v10 =	vld.idx.msk [tilespmem:v12+s2+$0x0], $0xffff;
	v6 =	vor.u32 $0xE, v4  }
0x459: {  	v12 =	vor.u32 $0xE, v2;
	[tilespmem:v8+s10+$0x0] =	vst.idx.msk $0xffff, v7  }
0x45a: {  	v8 =	vor.u32 s23, v14;
	v7 =	vld.idx.msk [tilespmem:v9+s2+$0x0], $0xffff  }
0x45b: {  	v9 =	vor.u32 $0xE, v3  }
0x45c: {  	[tilespmem:v5+s10+$0x0] =	vst.idx.msk $0xffff, v0  }
0x45d: {  	[tilespmem:v11+s10+$0x0] =	vst.idx.msk $0xffff, v10;
	v5 =	vor.u32 s24, v15;
	v0 =	vld.idx.msk [tilespmem:v6+s2+$0x0], $0xffff  }
0x45e: {  	v11 =	vor.u32 s25, v15;
	v10 =	vld.idx.msk [tilespmem:v12+s2+$0x0], $0xffff;
	v6 =	vor.u32 $0xF, v4  }
0x45f: {  	v12 =	vor.u32 $0xF, v2;
	[tilespmem:v8+s10+$0x0] =	vst.idx.msk $0xffff, v7  }
0x460: {  	v13 =	vor.u32 $0x10, v1;
	v8 =	vor.u32 s23, v15;
	v7 =	vld.idx.msk [tilespmem:v9+s2+$0x0], $0xffff  }
0x461: {  	v9 =	vor.u32 $0xF, v3  }
0x462: {  	[tilespmem:v5+s10+$0x0] =	vst.idx.msk $0xffff, v0  }
0x463: {  	[tilespmem:v11+s10+$0x0] =	vst.idx.msk $0xffff, v10;
	v5 =	vor.u32 s24, v41;
	v0 =	vld.idx.msk [tilespmem:v6+s2+$0x0], $0xffff  }
0x464: {  	v10 =	vld.idx.msk [tilespmem:v12+s2+$0x0], $0xffff  }
0x465: {  	v13 =	vld.idx.msk [tilespmem:v13+s2+$0x0], $0xffff;
	[tilespmem:v8+s10+$0x0] =	vst.idx.msk $0xffff, v7  }
0x466: {  	v11 =	vor.u32 s25, v41;
	v7 =	vld.idx.msk [tilespmem:v9+s2+$0x0], $0xffff  }
0x467: {  	v8 =	vor.u32 s23, v41;
	v14 =	vld [tilespmem:$0x1FCA0]  }
0x468: {  	v6 =	vor.u32 $0x10, v4;
	[tilespmem:v5+s10+$0x0] =	vst.idx.msk $0xffff, v0;
	v5 =	vld [tilespmem:$0x1FCA0];
	_ =	sdelay $0x2  }
0x469: {  	v12 =	vor.u32 $0x10, v2;
	[tilespmem:v11+s10+$0x0] =	vst.idx.msk $0xffff, v10;
	v11 =	vld [tilespmem:$0x1FCA0]  }
0x46a: {  	v9 =	vor.u32 $0x10, v3;
	[tilespmem:v8+s10+$0x0] =	vst.idx.msk $0xffff, v7;
	v8 =	vld [tilespmem:$0x1FCA0]  }
0x46b: {  	v0 =	vld.idx.msk [tilespmem:v6+s2+$0x0], $0xffff;
	v5 =	vor.u32 s24, v5  }
0x46c: {  	v42 =	vld [tilespmem:$0x1FCB0];
	v6 =	vor.u32 $0x11, v4  }
0x46d: {  	v14 =	vor.u32 s22, v14  }
0x46e: {  	v15 =	vor.u32 $0x11, v1;
	v10 =	vld.idx.msk [tilespmem:v12+s2+$0x0], $0xffff;
	v11 =	vor.u32 s25, v11  }
0x46f: {  	v12 =	vor.u32 $0x11, v2;
	v7 =	vld.idx.msk [tilespmem:v9+s2+$0x0], $0xffff;
	v8 =	vor.u32 s23, v8  }
0x470: {  	v9 =	vor.u32 $0x11, v3;
	[tilespmem:v5+s10+$0x0] =	vst.idx.msk $0xffff, v0  }
0x471: {  	v5 =	vor.u32 s24, v42;
	v0 =	vld.idx.msk [tilespmem:v6+s2+$0x0], $0xffff  }
0x472: {  	[tilespmem:v14+s10+$0x0] =	vst.idx.msk $0xffff, v13  }
0x473: {  	v14 =	vor.u32 s22, v42;
	[tilespmem:v11+s10+$0x0] =	vst.idx.msk $0xffff, v10;
	v13 =	vld.idx.msk [tilespmem:v15+s2+$0x0], $0xffff  }
0x474: {  	v11 =	vor.u32 s25, v42;
	v10 =	vld.idx.msk [tilespmem:v12+s2+$0x0], $0xffff;
	[tilespmem:v8+s10+$0x0] =	vst.idx.msk $0xffff, v7  }
0x475: {  	v8 =	vor.u32 s23, v42;
	v7 =	vld.idx.msk [tilespmem:v9+s2+$0x0], $0xffff  }
0x476: {  	v6 =	vor.u32 $0x12, v4;
	[tilespmem:v5+s10+$0x0] =	vst.idx.msk $0xffff, v0;
	v5 =	vld [tilespmem:$0x1FCC0];
	_ =	sdelay $0x1  }
0x477: {  	v15 =	vor.u32 $0x12, v1;
	[tilespmem:v14+s10+$0x0] =	vst.idx.msk $0xffff, v13;
	v14 =	vld [tilespmem:$0x1FCC0]  }
0x478: {  	v12 =	vor.u32 $0x12, v2;
	[tilespmem:v11+s10+$0x0] =	vst.idx.msk $0xffff, v10;
	v11 =	vld [tilespmem:$0x1FCC0]  }
0x479: {  	v9 =	vor.u32 $0x12, v3;
	[tilespmem:v8+s10+$0x0] =	vst.idx.msk $0xffff, v7;
	v8 =	vld [tilespmem:$0x1FCC0]  }
0x47a: {  	v0 =	vld.idx.msk [tilespmem:v6+s2+$0x0], $0xffff;
	v5 =	vor.u32 s24, v5  }
0x47b: {  	v43 =	vld [tilespmem:$0x1FCD0];
	v6 =	vor.u32 $0x13, v4  }
0x47c: {  	v13 =	vld.idx.msk [tilespmem:v15+s2+$0x0], $0xffff;
	v14 =	vor.u32 s22, v14  }
0x47d: {  	v15 =	vor.u32 $0x13, v1;
	v10 =	vld.idx.msk [tilespmem:v12+s2+$0x0], $0xffff;
	v11 =	vor.u32 s25, v11  }
0x47e: {  	v12 =	vor.u32 $0x13, v2;
	v7 =	vld.idx.msk [tilespmem:v9+s2+$0x0], $0xffff;
	v8 =	vor.u32 s23, v8  }
0x47f: {  	v9 =	vor.u32 $0x13, v3;
	[tilespmem:v5+s10+$0x0] =	vst.idx.msk $0xffff, v0  }
0x480: {  	v5 =	vor.u32 s24, v43;
	v0 =	vld.idx.msk [tilespmem:v6+s2+$0x0], $0xffff  }
0x481: {  	[tilespmem:v14+s10+$0x0] =	vst.idx.msk $0xffff, v13  }
0x482: {  	v14 =	vor.u32 s22, v43;
	[tilespmem:v11+s10+$0x0] =	vst.idx.msk $0xffff, v10;
	v13 =	vld.idx.msk [tilespmem:v15+s2+$0x0], $0xffff  }
0x483: {  	v11 =	vor.u32 s25, v43;
	v10 =	vld.idx.msk [tilespmem:v12+s2+$0x0], $0xffff;
	[tilespmem:v8+s10+$0x0] =	vst.idx.msk $0xffff, v7  }
0x484: {  	v8 =	vor.u32 s23, v43;
	v7 =	vld.idx.msk [tilespmem:v9+s2+$0x0], $0xffff  }
0x485: {  	v6 =	vor.u32 $0x14, v4;
	[tilespmem:v5+s10+$0x0] =	vst.idx.msk $0xffff, v0;
	v5 =	vld [tilespmem:$0x1FCE0];
	_ =	sdelay $0x1  }
0x486: {  	v15 =	vor.u32 $0x14, v1;
	[tilespmem:v14+s10+$0x0] =	vst.idx.msk $0xffff, v13;
	v14 =	vld [tilespmem:$0x1FCE0]  }
0x487: {  	v12 =	vor.u32 $0x14, v2;
	[tilespmem:v11+s10+$0x0] =	vst.idx.msk $0xffff, v10;
	v11 =	vld [tilespmem:$0x1FCE0]  }
0x488: {  	v9 =	vor.u32 $0x14, v3;
	[tilespmem:v8+s10+$0x0] =	vst.idx.msk $0xffff, v7;
	v8 =	vld [tilespmem:$0x1FCE0]  }
0x489: {  	v0 =	vld.idx.msk [tilespmem:v6+s2+$0x0], $0xffff;
	v5 =	vor.u32 s24, v5  }
0x48a: {  	v44 =	vld [tilespmem:$0x1FCF0];
	v6 =	vor.u32 $0x15, v4  }
0x48b: {  	v13 =	vld.idx.msk [tilespmem:v15+s2+$0x0], $0xffff;
	v14 =	vor.u32 s22, v14  }
0x48c: {  	v15 =	vor.u32 $0x15, v1;
	v10 =	vld.idx.msk [tilespmem:v12+s2+$0x0], $0xffff;
	v11 =	vor.u32 s25, v11  }
0x48d: {  	v12 =	vor.u32 $0x15, v2;
	v7 =	vld.idx.msk [tilespmem:v9+s2+$0x0], $0xffff;
	v8 =	vor.u32 s23, v8  }
0x48e: {  	v9 =	vor.u32 $0x15, v3;
	[tilespmem:v5+s10+$0x0] =	vst.idx.msk $0xffff, v0  }
0x48f: {  	v5 =	vor.u32 s24, v44;
	v0 =	vld.idx.msk [tilespmem:v6+s2+$0x0], $0xffff  }
0x490: {  	[tilespmem:v14+s10+$0x0] =	vst.idx.msk $0xffff, v13  }
0x491: {  	v14 =	vor.u32 s22, v44;
	[tilespmem:v11+s10+$0x0] =	vst.idx.msk $0xffff, v10;
	v13 =	vld.idx.msk [tilespmem:v15+s2+$0x0], $0xffff  }
0x492: {  	v11 =	vor.u32 s25, v44;
	v10 =	vld.idx.msk [tilespmem:v12+s2+$0x0], $0xffff;
	[tilespmem:v8+s10+$0x0] =	vst.idx.msk $0xffff, v7  }
0x493: {  	v8 =	vor.u32 s23, v44;
	v7 =	vld.idx.msk [tilespmem:v9+s2+$0x0], $0xffff  }
0x494: {  	v6 =	vor.u32 $0x16, v4;
	[tilespmem:v5+s10+$0x0] =	vst.idx.msk $0xffff, v0;
	v5 =	vld [tilespmem:$0x1FD00];
	_ =	sdelay $0x1  }
0x495: {  	v15 =	vor.u32 $0x16, v1;
	[tilespmem:v14+s10+$0x0] =	vst.idx.msk $0xffff, v13;
	v14 =	vld [tilespmem:$0x1FD00]  }
0x496: {  	v12 =	vor.u32 $0x16, v2;
	[tilespmem:v11+s10+$0x0] =	vst.idx.msk $0xffff, v10;
	v11 =	vld [tilespmem:$0x1FD00]  }
0x497: {  	v9 =	vor.u32 $0x16, v3;
	[tilespmem:v8+s10+$0x0] =	vst.idx.msk $0xffff, v7;
	v8 =	vld [tilespmem:$0x1FD00]  }
0x498: {  	v0 =	vld.idx.msk [tilespmem:v6+s2+$0x0], $0xffff;
	v5 =	vor.u32 s24, v5  }
0x499: {  	v45 =	vld [tilespmem:$0x1FD10];
	v6 =	vor.u32 $0x17, v4  }
0x49a: {  	v13 =	vld.idx.msk [tilespmem:v15+s2+$0x0], $0xffff;
	v14 =	vor.u32 s22, v14  }
0x49b: {  	v15 =	vor.u32 $0x17, v1;
	v10 =	vld.idx.msk [tilespmem:v12+s2+$0x0], $0xffff;
	v11 =	vor.u32 s25, v11  }
0x49c: {  	v12 =	vor.u32 $0x17, v2;
	v7 =	vld.idx.msk [tilespmem:v9+s2+$0x0], $0xffff;
	v8 =	vor.u32 s23, v8  }
0x49d: {  	v9 =	vor.u32 $0x17, v3;
	[tilespmem:v5+s10+$0x0] =	vst.idx.msk $0xffff, v0  }
0x49e: {  	v5 =	vor.u32 s24, v45;
	v0 =	vld.idx.msk [tilespmem:v6+s2+$0x0], $0xffff  }
0x49f: {  	[tilespmem:v14+s10+$0x0] =	vst.idx.msk $0xffff, v13  }
0x4a0: {  	v14 =	vor.u32 s22, v45;
	[tilespmem:v11+s10+$0x0] =	vst.idx.msk $0xffff, v10;
	v13 =	vld.idx.msk [tilespmem:v15+s2+$0x0], $0xffff  }
0x4a1: {  	v11 =	vor.u32 s25, v45;
	v10 =	vld.idx.msk [tilespmem:v12+s2+$0x0], $0xffff;
	[tilespmem:v8+s10+$0x0] =	vst.idx.msk $0xffff, v7  }
0x4a2: {  	v8 =	vor.u32 s23, v45;
	v7 =	vld.idx.msk [tilespmem:v9+s2+$0x0], $0xffff  }
0x4a3: {  	v6 =	vor.u32 $0x18, v4;
	[tilespmem:v5+s10+$0x0] =	vst.idx.msk $0xffff, v0;
	v5 =	vld [tilespmem:$0x1FD20];
	_ =	sdelay $0x1  }
0x4a4: {  	v15 =	vor.u32 $0x18, v1;
	[tilespmem:v14+s10+$0x0] =	vst.idx.msk $0xffff, v13;
	v14 =	vld [tilespmem:$0x1FD20]  }
0x4a5: {  	v12 =	vor.u32 $0x18, v2;
	[tilespmem:v11+s10+$0x0] =	vst.idx.msk $0xffff, v10;
	v11 =	vld [tilespmem:$0x1FD20]  }
0x4a6: {  	v9 =	vor.u32 $0x18, v3;
	[tilespmem:v8+s10+$0x0] =	vst.idx.msk $0xffff, v7;
	v8 =	vld [tilespmem:$0x1FD20]  }
0x4a7: {  	v0 =	vld.idx.msk [tilespmem:v6+s2+$0x0], $0xffff;
	v5 =	vor.u32 s24, v5  }
0x4a8: {  	v46 =	vld [tilespmem:$0x1FD30];
	v6 =	vor.u32 $0x19, v4  }
0x4a9: {  	v13 =	vld.idx.msk [tilespmem:v15+s2+$0x0], $0xffff;
	v14 =	vor.u32 s22, v14  }
0x4aa: {  	v15 =	vor.u32 $0x19, v1;
	v10 =	vld.idx.msk [tilespmem:v12+s2+$0x0], $0xffff;
	v11 =	vor.u32 s25, v11  }
0x4ab: {  	v12 =	vor.u32 $0x19, v2;
	v7 =	vld.idx.msk [tilespmem:v9+s2+$0x0], $0xffff;
	v8 =	vor.u32 s23, v8  }
0x4ac: {  	v9 =	vor.u32 $0x19, v3;
	[tilespmem:v5+s10+$0x0] =	vst.idx.msk $0xffff, v0  }
0x4ad: {  	v5 =	vor.u32 s24, v46;
	v0 =	vld.idx.msk [tilespmem:v6+s2+$0x0], $0xffff  }
0x4ae: {  	[tilespmem:v14+s10+$0x0] =	vst.idx.msk $0xffff, v13  }
0x4af: {  	v14 =	vor.u32 s22, v46;
	[tilespmem:v11+s10+$0x0] =	vst.idx.msk $0xffff, v10;
	v13 =	vld.idx.msk [tilespmem:v15+s2+$0x0], $0xffff  }
0x4b0: {  	v11 =	vor.u32 s25, v46;
	v10 =	vld.idx.msk [tilespmem:v12+s2+$0x0], $0xffff;
	[tilespmem:v8+s10+$0x0] =	vst.idx.msk $0xffff, v7  }
0x4b1: {  	v8 =	vor.u32 s23, v46;
	v7 =	vld.idx.msk [tilespmem:v9+s2+$0x0], $0xffff  }
0x4b2: {  	v6 =	vor.u32 $0x1A, v4;
	[tilespmem:v5+s10+$0x0] =	vst.idx.msk $0xffff, v0;
	v5 =	vld [tilespmem:$0x1FD40];
	_ =	sdelay $0x1  }
0x4b3: {  	v15 =	vor.u32 $0x1A, v1;
	[tilespmem:v14+s10+$0x0] =	vst.idx.msk $0xffff, v13;
	v14 =	vld [tilespmem:$0x1FD40]  }
0x4b4: {  	v12 =	vor.u32 $0x1A, v2;
	[tilespmem:v11+s10+$0x0] =	vst.idx.msk $0xffff, v10;
	v11 =	vld [tilespmem:$0x1FD40]  }
0x4b5: {  	v9 =	vor.u32 $0x1A, v3;
	[tilespmem:v8+s10+$0x0] =	vst.idx.msk $0xffff, v7;
	v8 =	vld [tilespmem:$0x1FD40]  }
0x4b6: {  	v0 =	vld.idx.msk [tilespmem:v6+s2+$0x0], $0xffff;
	v5 =	vor.u32 s24, v5  }
0x4b7: {  	v47 =	vld [tilespmem:$0x1FD50];
	v6 =	vor.u32 $0x1B, v4  }
0x4b8: {  	v13 =	vld.idx.msk [tilespmem:v15+s2+$0x0], $0xffff;
	v14 =	vor.u32 s22, v14  }
0x4b9: {  	v15 =	vor.u32 $0x1B, v1;
	v10 =	vld.idx.msk [tilespmem:v12+s2+$0x0], $0xffff;
	v11 =	vor.u32 s25, v11  }
0x4ba: {  	v12 =	vor.u32 $0x1B, v2;
	v7 =	vld.idx.msk [tilespmem:v9+s2+$0x0], $0xffff;
	v8 =	vor.u32 s23, v8  }
0x4bb: {  	v9 =	vor.u32 $0x1B, v3;
	[tilespmem:v5+s10+$0x0] =	vst.idx.msk $0xffff, v0  }
0x4bc: {  	v5 =	vor.u32 s24, v47;
	v0 =	vld.idx.msk [tilespmem:v6+s2+$0x0], $0xffff  }
0x4bd: {  	[tilespmem:v14+s10+$0x0] =	vst.idx.msk $0xffff, v13  }
0x4be: {  	v14 =	vor.u32 s22, v47;
	[tilespmem:v11+s10+$0x0] =	vst.idx.msk $0xffff, v10;
	v13 =	vld.idx.msk [tilespmem:v15+s2+$0x0], $0xffff  }
0x4bf: {  	v11 =	vor.u32 s25, v47;
	v10 =	vld.idx.msk [tilespmem:v12+s2+$0x0], $0xffff;
	[tilespmem:v8+s10+$0x0] =	vst.idx.msk $0xffff, v7  }
0x4c0: {  	v8 =	vor.u32 s23, v47;
	v7 =	vld.idx.msk [tilespmem:v9+s2+$0x0], $0xffff  }
0x4c1: {  	v6 =	vor.u32 $0x1C, v4;
	[tilespmem:v5+s10+$0x0] =	vst.idx.msk $0xffff, v0;
	v5 =	vld [tilespmem:$0x1FD60];
	_ =	sdelay $0x1  }
0x4c2: {  	v15 =	vor.u32 $0x1C, v1;
	[tilespmem:v14+s10+$0x0] =	vst.idx.msk $0xffff, v13;
	v14 =	vld [tilespmem:$0x1FD60]  }
0x4c3: {  	v12 =	vor.u32 $0x1C, v2;
	[tilespmem:v11+s10+$0x0] =	vst.idx.msk $0xffff, v10;
	v11 =	vld [tilespmem:$0x1FD60]  }
0x4c4: {  	v9 =	vor.u32 $0x1C, v3;
	[tilespmem:v8+s10+$0x0] =	vst.idx.msk $0xffff, v7;
	v8 =	vld [tilespmem:$0x1FD60]  }
0x4c5: {  	v0 =	vld.idx.msk [tilespmem:v6+s2+$0x0], $0xffff;
	v5 =	vor.u32 s24, v5  }
0x4c6: {  	v48 =	vld [tilespmem:$0x1FD70];
	v6 =	vor.u32 $0x1D, v4  }
0x4c7: {  	v13 =	vld.idx.msk [tilespmem:v15+s2+$0x0], $0xffff;
	v14 =	vor.u32 s22, v14  }
0x4c8: {  	v15 =	vor.u32 $0x1D, v1;
	v10 =	vld.idx.msk [tilespmem:v12+s2+$0x0], $0xffff;
	v11 =	vor.u32 s25, v11  }
0x4c9: {  	v12 =	vor.u32 $0x1D, v2;
	v7 =	vld.idx.msk [tilespmem:v9+s2+$0x0], $0xffff;
	v8 =	vor.u32 s23, v8  }
0x4ca: {  	v9 =	vor.u32 $0x1D, v3;
	[tilespmem:v5+s10+$0x0] =	vst.idx.msk $0xffff, v0  }
0x4cb: {  	v5 =	vor.u32 s24, v48;
	v0 =	vld.idx.msk [tilespmem:v6+s2+$0x0], $0xffff  }
0x4cc: {  	[tilespmem:v14+s10+$0x0] =	vst.idx.msk $0xffff, v13  }
0x4cd: {  	v14 =	vor.u32 s22, v48;
	[tilespmem:v11+s10+$0x0] =	vst.idx.msk $0xffff, v10;
	v13 =	vld.idx.msk [tilespmem:v15+s2+$0x0], $0xffff  }
0x4ce: {  	v11 =	vor.u32 s25, v48;
	v10 =	vld.idx.msk [tilespmem:v12+s2+$0x0], $0xffff;
	[tilespmem:v8+s10+$0x0] =	vst.idx.msk $0xffff, v7  }
0x4cf: {  	v8 =	vor.u32 s23, v48;
	v7 =	vld.idx.msk [tilespmem:v9+s2+$0x0], $0xffff  }
0x4d0: {  	v6 =	vor.u32 $0x1E, v4;
	[tilespmem:v5+s10+$0x0] =	vst.idx.msk $0xffff, v0;
	v5 =	vld [tilespmem:$0x1FD80];
	_ =	sdelay $0x1  }
0x4d1: {  	v15 =	vor.u32 $0x1E, v1;
	[tilespmem:v14+s10+$0x0] =	vst.idx.msk $0xffff, v13;
	v14 =	vld [tilespmem:$0x1FD80]  }
0x4d2: {  	v12 =	vor.u32 $0x1E, v2;
	[tilespmem:v11+s10+$0x0] =	vst.idx.msk $0xffff, v10;
	v11 =	vld [tilespmem:$0x1FD80]  }
0x4d3: {  	v9 =	vor.u32 $0x1E, v3;
	[tilespmem:v8+s10+$0x0] =	vst.idx.msk $0xffff, v7;
	v8 =	vld [tilespmem:$0x1FD80]  }
0x4d4: {  	v0 =	vld.idx.msk [tilespmem:v6+s2+$0x0], $0xffff;
	v5 =	vor.u32 s24, v5  }
0x4d5: {  	v49 =	vld [tilespmem:$0x1FD90];
	v6 =	vor.u32 $0x1F, v4  }
0x4d6: {  	v13 =	vld.idx.msk [tilespmem:v15+s2+$0x0], $0xffff;
	v14 =	vor.u32 s22, v14  }
0x4d7: {  	v15 =	vor.u32 $0x1F, v1;
	v10 =	vld.idx.msk [tilespmem:v12+s2+$0x0], $0xffff;
	v11 =	vor.u32 s25, v11  }
0x4d8: {  	v12 =	vor.u32 $0x1F, v2;
	v7 =	vld.idx.msk [tilespmem:v9+s2+$0x0], $0xffff;
	v8 =	vor.u32 s23, v8  }
0x4d9: {  	v9 =	vor.u32 $0x1F, v3;
	[tilespmem:v5+s10+$0x0] =	vst.idx.msk $0xffff, v0  }
0x4da: {  	v5 =	vor.u32 s24, v49;
	v0 =	vld.idx.msk [tilespmem:v6+s2+$0x0], $0xffff  }
0x4db: {  	[tilespmem:v14+s10+$0x0] =	vst.idx.msk $0xffff, v13  }
0x4dc: {  	v14 =	vor.u32 s22, v49;
	[tilespmem:v11+s10+$0x0] =	vst.idx.msk $0xffff, v10;
	v13 =	vld.idx.msk [tilespmem:v15+s2+$0x0], $0xffff  }
0x4dd: {  	v11 =	vor.u32 s25, v49;
	v10 =	vld.idx.msk [tilespmem:v12+s2+$0x0], $0xffff;
	[tilespmem:v8+s10+$0x0] =	vst.idx.msk $0xffff, v7  }
0x4de: {  	v8 =	vor.u32 s23, v49;
	v7 =	vld.idx.msk [tilespmem:v9+s2+$0x0], $0xffff  }
0x4df: {  	v6 =	vor.u32 $0x20, v4;
	[tilespmem:v5+s10+$0x0] =	vst.idx.msk $0xffff, v0;
	v5 =	vld [tilespmem:$0x1FDA0];
	_ =	sdelay $0x1  }
0x4e0: {  	v15 =	vor.u32 $0x20, v1;
	[tilespmem:v14+s10+$0x0] =	vst.idx.msk $0xffff, v13;
	v14 =	vld [tilespmem:$0x1FDA0]  }
0x4e1: {  	v12 =	vor.u32 $0x20, v2;
	[tilespmem:v11+s10+$0x0] =	vst.idx.msk $0xffff, v10;
	v11 =	vld [tilespmem:$0x1FDA0]  }
0x4e2: {  	v9 =	vor.u32 $0x20, v3;
	[tilespmem:v8+s10+$0x0] =	vst.idx.msk $0xffff, v7;
	v8 =	vld [tilespmem:$0x1FDA0]  }
0x4e3: {  	v0 =	vld.idx.msk [tilespmem:v6+s2+$0x0], $0xffff;
	v5 =	vor.u32 s24, v5  }
0x4e4: {  	v50 =	vld [tilespmem:$0x1FDB0];
	v6 =	vor.u32 $0x21, v4  }
0x4e5: {  	v13 =	vld.idx.msk [tilespmem:v15+s2+$0x0], $0xffff;
	v14 =	vor.u32 s22, v14  }
0x4e6: {  	v15 =	vor.u32 $0x21, v1;
	v10 =	vld.idx.msk [tilespmem:v12+s2+$0x0], $0xffff;
	v11 =	vor.u32 s25, v11  }
0x4e7: {  	v12 =	vor.u32 $0x21, v2;
	v7 =	vld.idx.msk [tilespmem:v9+s2+$0x0], $0xffff;
	v8 =	vor.u32 s23, v8  }
0x4e8: {  	v9 =	vor.u32 $0x21, v3;
	[tilespmem:v5+s10+$0x0] =	vst.idx.msk $0xffff, v0  }
0x4e9: {  	v5 =	vor.u32 s24, v50;
	v0 =	vld.idx.msk [tilespmem:v6+s2+$0x0], $0xffff  }
0x4ea: {  	[tilespmem:v14+s10+$0x0] =	vst.idx.msk $0xffff, v13  }
0x4eb: {  	v14 =	vor.u32 s22, v50;
	[tilespmem:v11+s10+$0x0] =	vst.idx.msk $0xffff, v10;
	v13 =	vld.idx.msk [tilespmem:v15+s2+$0x0], $0xffff  }
0x4ec: {  	v11 =	vor.u32 s25, v50;
	v10 =	vld.idx.msk [tilespmem:v12+s2+$0x0], $0xffff;
	[tilespmem:v8+s10+$0x0] =	vst.idx.msk $0xffff, v7  }
0x4ed: {  	v8 =	vor.u32 s23, v50;
	v7 =	vld.idx.msk [tilespmem:v9+s2+$0x0], $0xffff  }
0x4ee: {  	v6 =	vor.u32 $0x22, v4;
	[tilespmem:v5+s10+$0x0] =	vst.idx.msk $0xffff, v0;
	v5 =	vld [tilespmem:$0x1FDC0];
	_ =	sdelay $0x1  }
0x4ef: {  	v15 =	vor.u32 $0x22, v1;
	[tilespmem:v14+s10+$0x0] =	vst.idx.msk $0xffff, v13;
	v14 =	vld [tilespmem:$0x1FDC0]  }
0x4f0: {  	v12 =	vor.u32 $0x22, v2;
	[tilespmem:v11+s10+$0x0] =	vst.idx.msk $0xffff, v10;
	v11 =	vld [tilespmem:$0x1FDC0]  }
0x4f1: {  	v9 =	vor.u32 $0x22, v3;
	[tilespmem:v8+s10+$0x0] =	vst.idx.msk $0xffff, v7;
	v8 =	vld [tilespmem:$0x1FDC0]  }
0x4f2: {  	v0 =	vld.idx.msk [tilespmem:v6+s2+$0x0], $0xffff;
	v5 =	vor.u32 s24, v5  }
0x4f3: {  	v51 =	vld [tilespmem:$0x1FDD0];
	v6 =	vor.u32 $0x23, v4  }
0x4f4: {  	v13 =	vld.idx.msk [tilespmem:v15+s2+$0x0], $0xffff;
	v14 =	vor.u32 s22, v14  }
0x4f5: {  	v15 =	vor.u32 $0x23, v1;
	v10 =	vld.idx.msk [tilespmem:v12+s2+$0x0], $0xffff;
	v11 =	vor.u32 s25, v11  }
0x4f6: {  	v12 =	vor.u32 $0x23, v2;
	v7 =	vld.idx.msk [tilespmem:v9+s2+$0x0], $0xffff;
	v8 =	vor.u32 s23, v8  }
0x4f7: {  	v9 =	vor.u32 $0x23, v3;
	[tilespmem:v5+s10+$0x0] =	vst.idx.msk $0xffff, v0  }
0x4f8: {  	v5 =	vor.u32 s24, v51;
	v0 =	vld.idx.msk [tilespmem:v6+s2+$0x0], $0xffff  }
0x4f9: {  	[tilespmem:v14+s10+$0x0] =	vst.idx.msk $0xffff, v13  }
0x4fa: {  	v14 =	vor.u32 s22, v51;
	[tilespmem:v11+s10+$0x0] =	vst.idx.msk $0xffff, v10;
	v13 =	vld.idx.msk [tilespmem:v15+s2+$0x0], $0xffff  }
0x4fb: {  	v11 =	vor.u32 s25, v51;
	v10 =	vld.idx.msk [tilespmem:v12+s2+$0x0], $0xffff;
	[tilespmem:v8+s10+$0x0] =	vst.idx.msk $0xffff, v7  }
0x4fc: {  	v8 =	vor.u32 s23, v51;
	v7 =	vld.idx.msk [tilespmem:v9+s2+$0x0], $0xffff  }
0x4fd: {  	v6 =	vor.u32 $0x24, v4;
	[tilespmem:v5+s10+$0x0] =	vst.idx.msk $0xffff, v0;
	v5 =	vld [tilespmem:$0x1FDE0];
	_ =	sdelay $0x1  }
0x4fe: {  	v15 =	vor.u32 $0x24, v1;
	[tilespmem:v14+s10+$0x0] =	vst.idx.msk $0xffff, v13;
	v14 =	vld [tilespmem:$0x1FDE0]  }
0x4ff: {  	v12 =	vor.u32 $0x24, v2;
	[tilespmem:v11+s10+$0x0] =	vst.idx.msk $0xffff, v10;
	v11 =	vld [tilespmem:$0x1FDE0]  }
0x500: {  	v9 =	vor.u32 $0x24, v3;
	[tilespmem:v8+s10+$0x0] =	vst.idx.msk $0xffff, v7;
	v8 =	vld [tilespmem:$0x1FDE0]  }
0x501: {  	v0 =	vld.idx.msk [tilespmem:v6+s2+$0x0], $0xffff;
	v5 =	vor.u32 s24, v5  }
0x502: {  	v52 =	vld [tilespmem:$0x1FDF0];
	v6 =	vor.u32 $0x25, v4  }
0x503: {  	v13 =	vld.idx.msk [tilespmem:v15+s2+$0x0], $0xffff;
	v14 =	vor.u32 s22, v14  }
0x504: {  	v15 =	vor.u32 $0x25, v1;
	v10 =	vld.idx.msk [tilespmem:v12+s2+$0x0], $0xffff;
	v11 =	vor.u32 s25, v11  }
0x505: {  	v12 =	vor.u32 $0x25, v2;
	v7 =	vld.idx.msk [tilespmem:v9+s2+$0x0], $0xffff;
	v8 =	vor.u32 s23, v8  }
0x506: {  	v9 =	vor.u32 $0x25, v3;
	[tilespmem:v5+s10+$0x0] =	vst.idx.msk $0xffff, v0  }
0x507: {  	v5 =	vor.u32 s24, v52;
	v0 =	vld.idx.msk [tilespmem:v6+s2+$0x0], $0xffff  }
0x508: {  	[tilespmem:v14+s10+$0x0] =	vst.idx.msk $0xffff, v13  }
0x509: {  	v14 =	vor.u32 s22, v52;
	[tilespmem:v11+s10+$0x0] =	vst.idx.msk $0xffff, v10;
	v13 =	vld.idx.msk [tilespmem:v15+s2+$0x0], $0xffff  }
0x50a: {  	v11 =	vor.u32 s25, v52;
	v10 =	vld.idx.msk [tilespmem:v12+s2+$0x0], $0xffff;
	[tilespmem:v8+s10+$0x0] =	vst.idx.msk $0xffff, v7  }
0x50b: {  	v6 =	vor.u32 $0x26, v4;
	v7 =	vld.idx.msk [tilespmem:v9+s2+$0x0], $0xffff  }
0x50c: {  	v8 =	vor.u32 s23, v52;
	[tilespmem:v5+s10+$0x0] =	vst.idx.msk $0xffff, v0;
	v5 =	vld [tilespmem:$0x1FE00];
	_ =	sdelay $0x1  }
0x50d: {  	v15 =	vor.u32 $0x26, v1;
	[tilespmem:v14+s10+$0x0] =	vst.idx.msk $0xffff, v13;
	v14 =	vld [tilespmem:$0x1FE00]  }
0x50e: {  	[tilespmem:v11+s10+$0x0] =	vst.idx.msk $0xffff, v10;
	v11 =	vld [tilespmem:$0x1FE00]  }
0x50f: {  	v12 =	vor.u32 $0x26, v2;
	v0 =	vld.idx.msk [tilespmem:v6+s2+$0x0], $0xffff  }
0x510: {  	v9 =	vor.u32 $0x26, v3;
	v5 =	vor.u32 s24, v5;
	[tilespmem:v8+s10+$0x0] =	vst.idx.msk $0xffff, v7;
	v8 =	vld [tilespmem:$0x1FE00]  }
0x511: {  	v53 =	vld [tilespmem:$0x1FE10];
	v6 =	vor.u32 $0x27, v4  }
0x512: {  	v13 =	vld.idx.msk [tilespmem:v15+s2+$0x0], $0xffff;
	v14 =	vor.u32 s22, v14  }
0x513: {  	v15 =	vor.u32 $0x27, v1  }
0x514: {  	v10 =	vld.idx.msk [tilespmem:v12+s2+$0x0], $0xffff;
	v11 =	vor.u32 s25, v11  }
0x515: {  	v12 =	vor.u32 $0x27, v2;
	v7 =	vld.idx.msk [tilespmem:v9+s2+$0x0], $0xffff;
	v8 =	vor.u32 s23, v8;
	[tilespmem:v5+s10+$0x0] =	vst.idx.msk $0xffff, v0  }
0x516: {  	v5 =	vor.u32 s24, v53;
	v0 =	vld.idx.msk [tilespmem:v6+s2+$0x0], $0xffff  }
0x517: {  	v9 =	vor.u32 $0x27, v3;
	[tilespmem:v14+s10+$0x0] =	vst.idx.msk $0xffff, v13  }
0x518: {  	v14 =	vor.u32 s22, v53;
	v13 =	vld.idx.msk [tilespmem:v15+s2+$0x0], $0xffff  }
0x519: {  	[tilespmem:v11+s10+$0x0] =	vst.idx.msk $0xffff, v10  }
0x51a: {  	v11 =	vor.u32 s25, v53;
	v10 =	vld.idx.msk [tilespmem:v12+s2+$0x0], $0xffff;
	[tilespmem:v8+s10+$0x0] =	vst.idx.msk $0xffff, v7  }
0x51b: {  	v6 =	vor.u32 $0x28, v4;
	[tilespmem:v5+s10+$0x0] =	vst.idx.msk $0xffff, v0;
	v5 =	vld [tilespmem:$0x1FE20]  }
0x51c: {  	v15 =	vor.u32 $0x28, v1;
	v7 =	vld.idx.msk [tilespmem:v9+s2+$0x0], $0xffff  }
0x51d: {  	v8 =	vor.u32 s23, v53;
	[tilespmem:v14+s10+$0x0] =	vst.idx.msk $0xffff, v13;
	v14 =	vld [tilespmem:$0x1FE20];
	_ =	sdelay $0x1  }
0x51e: {  	[tilespmem:v11+s10+$0x0] =	vst.idx.msk $0xffff, v10;
	v11 =	vld [tilespmem:$0x1FE20]  }
0x51f: {  	v12 =	vor.u32 $0x28, v2;
	v0 =	vld.idx.msk [tilespmem:v6+s2+$0x0], $0xffff;
	v5 =	vor.u32 s24, v5  }
0x520: {  	v13 =	vld.idx.msk [tilespmem:v15+s2+$0x0], $0xffff;
	v6 =	vor.u32 $0x29, v4  }
0x521: {  	v9 =	vor.u32 $0x28, v3;
	v14 =	vor.u32 s22, v14;
	[tilespmem:v8+s10+$0x0] =	vst.idx.msk $0xffff, v7;
	v8 =	vld [tilespmem:$0x1FE20]  }
0x522: {  	v15 =	vor.u32 $0x29, v1;
	_ =	sdelay $0x1  }
0x523: {  	v10 =	vld.idx.msk [tilespmem:v12+s2+$0x0], $0xffff;
	v11 =	vor.u32 s25, v11;
	[tilespmem:v5+s10+$0x0] =	vst.idx.msk $0xffff, v0  }
0x524: {  	v12 =	vor.u32 $0x29, v2;
	v5 =	vor.u32 s24, v54;
	v0 =	vld.idx.msk [tilespmem:v6+s2+$0x0], $0xffff  }
0x525: {  	v7 =	vld.idx.msk [tilespmem:v9+s2+$0x0], $0xffff;
	v8 =	vor.u32 s23, v8;
	[tilespmem:v14+s10+$0x0] =	vst.idx.msk $0xffff, v13;
	v6 =	vor.u32 $0x2A, v4  }
0x526: {  	v9 =	vor.u32 $0x29, v3;
	v14 =	vor.u32 s22, v54;
	v13 =	vld.idx.msk [tilespmem:v15+s2+$0x0], $0xffff  }
0x527: {  	v15 =	vor.u32 $0x2A, v1  }
0x528: {  	[tilespmem:v11+s10+$0x0] =	vst.idx.msk $0xffff, v10  }
0x529: {  	v11 =	vor.u32 s25, v54;
	v10 =	vld.idx.msk [tilespmem:v12+s2+$0x0], $0xffff;
	[tilespmem:v5+s10+$0x0] =	vst.idx.msk $0xffff, v0  }
0x52a: {  	v12 =	vor.u32 $0x2A, v2;
	[tilespmem:v8+s10+$0x0] =	vst.idx.msk $0xffff, v7;
	v5 =	vor.u32 s24, v55;
	v0 =	vld.idx.msk [tilespmem:v6+s2+$0x0], $0xffff  }
0x52b: {  	v8 =	vor.u32 s23, v54;
	v7 =	vld.idx.msk [tilespmem:v9+s2+$0x0], $0xffff;
	[tilespmem:v14+s10+$0x0] =	vst.idx.msk $0xffff, v13;
	v6 =	vor.u32 $0x2B, v4  }
0x52c: {  	v9 =	vor.u32 $0x2A, v3;
	v14 =	vor.u32 s22, v55;
	v13 =	vld.idx.msk [tilespmem:v15+s2+$0x0], $0xffff  }
0x52d: {  	v15 =	vor.u32 $0x2B, v1  }
0x52e: {  	[tilespmem:v11+s10+$0x0] =	vst.idx.msk $0xffff, v10  }
0x52f: {  	v11 =	vor.u32 s25, v55;
	v10 =	vld.idx.msk [tilespmem:v12+s2+$0x0], $0xffff;
	[tilespmem:v5+s10+$0x0] =	vst.idx.msk $0xffff, v0  }
0x530: {  	v12 =	vor.u32 $0x2B, v2;
	[tilespmem:v8+s10+$0x0] =	vst.idx.msk $0xffff, v7;
	v5 =	vor.u32 s24, v56;
	v0 =	vld.idx.msk [tilespmem:v6+s2+$0x0], $0xffff  }
0x531: {  	v8 =	vor.u32 s23, v55;
	v7 =	vld.idx.msk [tilespmem:v9+s2+$0x0], $0xffff;
	[tilespmem:v14+s10+$0x0] =	vst.idx.msk $0xffff, v13;
	v6 =	vor.u32 $0x2C, v4  }
0x532: {  	v9 =	vor.u32 $0x2B, v3;
	v14 =	vor.u32 s22, v56;
	v13 =	vld.idx.msk [tilespmem:v15+s2+$0x0], $0xffff  }
0x533: {  	v15 =	vor.u32 $0x2C, v1  }
0x534: {  	[tilespmem:v11+s10+$0x0] =	vst.idx.msk $0xffff, v10  }
0x535: {  	v11 =	vor.u32 s25, v56;
	v10 =	vld.idx.msk [tilespmem:v12+s2+$0x0], $0xffff;
	[tilespmem:v5+s10+$0x0] =	vst.idx.msk $0xffff, v0  }
0x536: {  	v12 =	vor.u32 $0x2C, v2;
	[tilespmem:v8+s10+$0x0] =	vst.idx.msk $0xffff, v7;
	v5 =	vor.u32 s24, v57;
	v0 =	vld.idx.msk [tilespmem:v6+s2+$0x0], $0xffff  }
0x537: {  	v8 =	vor.u32 s23, v56;
	v7 =	vld.idx.msk [tilespmem:v9+s2+$0x0], $0xffff;
	[tilespmem:v14+s10+$0x0] =	vst.idx.msk $0xffff, v13;
	v6 =	vor.u32 $0x2D, v4  }
0x538: {  	v9 =	vor.u32 $0x2C, v3;
	v14 =	vor.u32 s22, v57;
	v13 =	vld.idx.msk [tilespmem:v15+s2+$0x0], $0xffff  }
0x539: {  	v15 =	vor.u32 $0x2D, v1  }
0x53a: {  	[tilespmem:v11+s10+$0x0] =	vst.idx.msk $0xffff, v10  }
0x53b: {  	v11 =	vor.u32 s25, v57;
	v10 =	vld.idx.msk [tilespmem:v12+s2+$0x0], $0xffff;
	[tilespmem:v5+s10+$0x0] =	vst.idx.msk $0xffff, v0  }
0x53c: {  	v12 =	vor.u32 $0x2D, v2;
	[tilespmem:v8+s10+$0x0] =	vst.idx.msk $0xffff, v7;
	v5 =	vor.u32 s24, v58;
	v0 =	vld.idx.msk [tilespmem:v6+s2+$0x0], $0xffff  }
0x53d: {  	v8 =	vor.u32 s23, v57;
	v7 =	vld.idx.msk [tilespmem:v9+s2+$0x0], $0xffff;
	[tilespmem:v14+s10+$0x0] =	vst.idx.msk $0xffff, v13;
	v6 =	vor.u32 $0x2E, v4  }
0x53e: {  	v9 =	vor.u32 $0x2D, v3;
	v14 =	vor.u32 s22, v58;
	v13 =	vld.idx.msk [tilespmem:v15+s2+$0x0], $0xffff  }
0x53f: {  	v15 =	vor.u32 $0x2E, v1  }
0x540: {  	[tilespmem:v11+s10+$0x0] =	vst.idx.msk $0xffff, v10  }
0x541: {  	v11 =	vor.u32 s25, v58;
	v10 =	vld.idx.msk [tilespmem:v12+s2+$0x0], $0xffff;
	[tilespmem:v5+s10+$0x0] =	vst.idx.msk $0xffff, v0  }
0x542: {  	v12 =	vor.u32 $0x2E, v2;
	[tilespmem:v8+s10+$0x0] =	vst.idx.msk $0xffff, v7;
	v5 =	vor.u32 s24, v59;
	v0 =	vld.idx.msk [tilespmem:v6+s2+$0x0], $0xffff  }
0x543: {  	v8 =	vor.u32 s23, v58;
	v7 =	vld.idx.msk [tilespmem:v9+s2+$0x0], $0xffff;
	[tilespmem:v14+s10+$0x0] =	vst.idx.msk $0xffff, v13;
	v6 =	vor.u32 $0x2F, v4  }
0x544: {  	v9 =	vor.u32 $0x2E, v3;
	v14 =	vor.u32 s22, v59;
	v13 =	vld.idx.msk [tilespmem:v15+s2+$0x0], $0xffff  }
0x545: {  	v15 =	vor.u32 $0x2F, v1  }
0x546: {  	[tilespmem:v11+s10+$0x0] =	vst.idx.msk $0xffff, v10  }
0x547: {  	v11 =	vor.u32 s25, v59;
	v10 =	vld.idx.msk [tilespmem:v12+s2+$0x0], $0xffff;
	[tilespmem:v5+s10+$0x0] =	vst.idx.msk $0xffff, v0  }
0x548: {  	v12 =	vor.u32 $0x2F, v2;
	[tilespmem:v8+s10+$0x0] =	vst.idx.msk $0xffff, v7;
	v5 =	vor.u32 s24, v60;
	v0 =	vld.idx.msk [tilespmem:v6+s2+$0x0], $0xffff  }
0x549: {  	v8 =	vor.u32 s23, v59;
	v7 =	vld.idx.msk [tilespmem:v9+s2+$0x0], $0xffff;
	[tilespmem:v14+s10+$0x0] =	vst.idx.msk $0xffff, v13;
	v6 =	vor.u32 $0x30, v4  }
0x54a: {  	v9 =	vor.u32 $0x2F, v3;
	v14 =	vor.u32 s22, v60;
	v13 =	vld.idx.msk [tilespmem:v15+s2+$0x0], $0xffff  }
0x54b: {  	v15 =	vor.u32 $0x30, v1  }
0x54c: {  	[tilespmem:v11+s10+$0x0] =	vst.idx.msk $0xffff, v10  }
0x54d: {  	v11 =	vor.u32 s25, v60;
	v10 =	vld.idx.msk [tilespmem:v12+s2+$0x0], $0xffff;
	[tilespmem:v5+s10+$0x0] =	vst.idx.msk $0xffff, v0  }
0x54e: {  	v12 =	vor.u32 $0x30, v2;
	[tilespmem:v8+s10+$0x0] =	vst.idx.msk $0xffff, v7;
	v5 =	vor.u32 s24, v61;
	v0 =	vld.idx.msk [tilespmem:v6+s2+$0x0], $0xffff  }
0x54f: {  	v8 =	vor.u32 s23, v60;
	v7 =	vld.idx.msk [tilespmem:v9+s2+$0x0], $0xffff;
	[tilespmem:v14+s10+$0x0] =	vst.idx.msk $0xffff, v13;
	v6 =	vor.u32 $0x31, v4  }
0x550: {  	v9 =	vor.u32 $0x30, v3;
	v14 =	vor.u32 s22, v61;
	v13 =	vld.idx.msk [tilespmem:v15+s2+$0x0], $0xffff  }
0x551: {  	v15 =	vor.u32 $0x31, v1  }
0x552: {  	[tilespmem:v11+s10+$0x0] =	vst.idx.msk $0xffff, v10  }
0x553: {  	v11 =	vor.u32 s25, v61;
	v10 =	vld.idx.msk [tilespmem:v12+s2+$0x0], $0xffff;
	[tilespmem:v5+s10+$0x0] =	vst.idx.msk $0xffff, v0  }
0x554: {  	v12 =	vor.u32 $0x31, v2;
	[tilespmem:v8+s10+$0x0] =	vst.idx.msk $0xffff, v7;
	v5 =	vor.u32 s24, v62;
	v0 =	vld.idx.msk [tilespmem:v6+s2+$0x0], $0xffff  }
0x555: {  	v8 =	vor.u32 s23, v61;
	v7 =	vld.idx.msk [tilespmem:v9+s2+$0x0], $0xffff;
	[tilespmem:v14+s10+$0x0] =	vst.idx.msk $0xffff, v13;
	v6 =	vor.u32 $0x32, v4  }
0x556: {  	v9 =	vor.u32 $0x31, v3;
	v14 =	vor.u32 s22, v62;
	v13 =	vld.idx.msk [tilespmem:v15+s2+$0x0], $0xffff  }
0x557: {  	v15 =	vor.u32 $0x32, v1  }
0x558: {  	[tilespmem:v11+s10+$0x0] =	vst.idx.msk $0xffff, v10  }
0x559: {  	v11 =	vor.u32 s25, v62;
	v10 =	vld.idx.msk [tilespmem:v12+s2+$0x0], $0xffff;
	[tilespmem:v5+s10+$0x0] =	vst.idx.msk $0xffff, v0  }
0x55a: {  	v12 =	vor.u32 $0x32, v2;
	[tilespmem:v8+s10+$0x0] =	vst.idx.msk $0xffff, v7;
	v5 =	vor.u32 s24, v63;
	v0 =	vld.idx.msk [tilespmem:v6+s2+$0x0], $0xffff  }
0x55b: {  	v8 =	vor.u32 s23, v62;
	v7 =	vld.idx.msk [tilespmem:v9+s2+$0x0], $0xffff;
	[tilespmem:v14+s10+$0x0] =	vst.idx.msk $0xffff, v13;
	v6 =	vor.u32 $0x33, v4  }
0x55c: {  	v9 =	vor.u32 $0x32, v3;
	v14 =	vor.u32 s22, v63;
	v13 =	vld.idx.msk [tilespmem:v15+s2+$0x0], $0xffff  }
0x55d: {  	v15 =	vor.u32 $0x33, v1  }
0x55e: {  	[tilespmem:v11+s10+$0x0] =	vst.idx.msk $0xffff, v10  }
0x55f: {  	v11 =	vor.u32 s25, v63;
	v10 =	vld.idx.msk [tilespmem:v12+s2+$0x0], $0xffff;
	[tilespmem:v5+s10+$0x0] =	vst.idx.msk $0xffff, v0  }
0x560: {  	v12 =	vor.u32 $0x33, v2;
	[tilespmem:v8+s10+$0x0] =	vst.idx.msk $0xffff, v7;
	v5 =	vor.u32 s24, v28;
	v0 =	vld.idx.msk [tilespmem:v6+s2+$0x0], $0xffff  }
0x561: {  	v8 =	vor.u32 s23, v63;
	v7 =	vld.idx.msk [tilespmem:v9+s2+$0x0], $0xffff;
	[tilespmem:v14+s10+$0x0] =	vst.idx.msk $0xffff, v13;
	v6 =	vor.u32 $0x34, v4  }
0x562: {  	v9 =	vor.u32 $0x33, v3;
	v14 =	vor.u32 s22, v28;
	v13 =	vld.idx.msk [tilespmem:v15+s2+$0x0], $0xffff  }
0x563: {  	v15 =	vor.u32 $0x34, v1  }
0x564: {  	[tilespmem:v11+s10+$0x0] =	vst.idx.msk $0xffff, v10  }
0x565: {  	v11 =	vor.u32 s25, v28;
	v10 =	vld.idx.msk [tilespmem:v12+s2+$0x0], $0xffff;
	[tilespmem:v5+s10+$0x0] =	vst.idx.msk $0xffff, v0  }
0x566: {  	v12 =	vor.u32 $0x34, v2;
	[tilespmem:v8+s10+$0x0] =	vst.idx.msk $0xffff, v7;
	v5 =	vor.u32 s24, v29;
	v0 =	vld.idx.msk [tilespmem:v6+s2+$0x0], $0xffff  }
0x567: {  	v8 =	vor.u32 s23, v28;
	v7 =	vld.idx.msk [tilespmem:v9+s2+$0x0], $0xffff;
	[tilespmem:v14+s10+$0x0] =	vst.idx.msk $0xffff, v13;
	v6 =	vor.u32 $0x35, v4  }
0x568: {  	v9 =	vor.u32 $0x34, v3;
	v14 =	vor.u32 s22, v29;
	v13 =	vld.idx.msk [tilespmem:v15+s2+$0x0], $0xffff  }
0x569: {  	v15 =	vor.u32 $0x35, v1  }
0x56a: {  	[tilespmem:v11+s10+$0x0] =	vst.idx.msk $0xffff, v10  }
0x56b: {  	v11 =	vor.u32 s25, v29;
	v10 =	vld.idx.msk [tilespmem:v12+s2+$0x0], $0xffff;
	[tilespmem:v5+s10+$0x0] =	vst.idx.msk $0xffff, v0  }
0x56c: {  	v12 =	vor.u32 $0x35, v2;
	[tilespmem:v8+s10+$0x0] =	vst.idx.msk $0xffff, v7;
	v5 =	vor.u32 s24, v30;
	v0 =	vld.idx.msk [tilespmem:v6+s2+$0x0], $0xffff  }
0x56d: {  	v8 =	vor.u32 s23, v29;
	v7 =	vld.idx.msk [tilespmem:v9+s2+$0x0], $0xffff;
	[tilespmem:v14+s10+$0x0] =	vst.idx.msk $0xffff, v13;
	v6 =	vor.u32 $0x36, v4  }
0x56e: {  	v9 =	vor.u32 $0x35, v3;
	v14 =	vor.u32 s22, v30;
	v13 =	vld.idx.msk [tilespmem:v15+s2+$0x0], $0xffff  }
0x56f: {  	v15 =	vor.u32 $0x36, v1  }
0x570: {  	[tilespmem:v11+s10+$0x0] =	vst.idx.msk $0xffff, v10  }
0x571: {  	v11 =	vor.u32 s25, v30;
	v10 =	vld.idx.msk [tilespmem:v12+s2+$0x0], $0xffff;
	[tilespmem:v5+s10+$0x0] =	vst.idx.msk $0xffff, v0  }
0x572: {  	[tilespmem:v8+s10+$0x0] =	vst.idx.msk $0xffff, v7;
	v5 =	vor.u32 s24, v31;
	v0 =	vld.idx.msk [tilespmem:v6+s2+$0x0], $0xffff  }
0x573: {  	v12 =	vor.u32 $0x36, v2;
	v8 =	vor.u32 s23, v30;
	v7 =	vld.idx.msk [tilespmem:v9+s2+$0x0], $0xffff;
	[tilespmem:v14+s10+$0x0] =	vst.idx.msk $0xffff, v13  }
0x574: {  	v9 =	vor.u32 $0x36, v3;
	v14 =	vor.u32 s22, v31;
	v13 =	vld.idx.msk [tilespmem:v15+s2+$0x0], $0xffff  }
0x575: {  	v15 =	vor.u32 $0x37, v1  }
0x576: {  	[tilespmem:v11+s10+$0x0] =	vst.idx.msk $0xffff, v10  }
0x577: {  	[tilespmem:v5+s10+$0x0] =	vst.idx.msk $0xffff, v0;
	v0 =	vld [tilespmem:s20+$0xFFFFFFD0]  }
0x578: {  	v11 =	vor.u32 s25, v31;
	v6 =	vor.u32 $0x37, v4;
	v10 =	vld.idx.msk [tilespmem:v12+s2+$0x0], $0xffff;
	[tilespmem:v8+s10+$0x0] =	vst.idx.msk $0xffff, v7  }
0x579: {  	v12 =	vor.u32 $0x37, v2;
	v8 =	vor.u32 s23, v31;
	v7 =	vld.idx.msk [tilespmem:v9+s2+$0x0], $0xffff;
	[tilespmem:v14+s10+$0x0] =	vst.idx.msk $0xffff, v13  }
0x57a: {  	v9 =	vor.u32 $0x37, v3;
	v14 =	vor.u32 s22, v32;
	v13 =	vld.idx.msk [tilespmem:v15+s2+$0x0], $0xffff  }
0x57b: {  	v5 =	vor.u32 $0x38, v1  }
0x57c: {  	v17 =	vld [tilespmem:$0x1FFA0];
	v0 =	vshll.u32 v0, $0x6  }
0x57d: {  	[tilespmem:v11+s10+$0x0] =	vst.idx.msk $0xffff, v10;
	v6 =	vld.idx.msk [tilespmem:v6+s2+$0x0], $0xffff;
	v15 =	vor.u32 s24, v32  }
0x57e: {  	v11 =	vld.idx.msk [tilespmem:v12+s2+$0x0], $0xffff;
	v12 =	vor.u32 s25, v32;
	[tilespmem:v8+s10+$0x0] =	vst.idx.msk $0xffff, v7  }
0x57f: {  	v7 =	vor.u32 $0x38, v4;
	v8 =	vld.idx.msk [tilespmem:v9+s2+$0x0], $0xffff;
	v9 =	vor.u32 s23, v32;
	[tilespmem:v14+s10+$0x0] =	vst.idx.msk $0xffff, v13  }
0x580: {  	s21 =	sadd.s32 $0xFFFFF400, s19;
	v10 =	vor.u32 $0x38, v3;
	v13 =	vor.u32 s22, v33;
	v5 =	vld.idx.msk [tilespmem:v5+s2+$0x0], $0xffff  }
0x581: {  	v17 =	vor.u32 s21, v17;
	v18 =	vld.idx.msk [tilespmem:v0+s2+$0x0], $0xffff  }
0x582: {  	v16 =	vor.u32 $0x38, v2;
	[tilespmem:v15+s10+$0x0] =	vst.idx.msk $0xffff, v6  }
0x583: {  	[tilespmem:v12+s10+$0x0] =	vst.idx.msk $0xffff, v11  }
0x584: {  	v6 =	vor.u32 $0x39, v1;
	v14 =	vor.u32 s24, v33;
	v7 =	vld.idx.msk [tilespmem:v7+s2+$0x0], $0xffff;
	[tilespmem:v9+s10+$0x0] =	vst.idx.msk $0xffff, v8  }
0x585: {  	v8 =	vor.u32 $0x39, v4;
	v9 =	vld.idx.msk [tilespmem:v10+s2+$0x0], $0xffff;
	[tilespmem:v13+s10+$0x0] =	vst.idx.msk $0xffff, v5  }
0x586: {  	v10 =	vor.u32 s23, v33;
	v5 =	vor.u32 $0x1, v0;
	[tilespmem:v17+s10+$0x0] =	vst.idx.msk $0xffff, v18;
	v18 =	vld [tilespmem:$0x1FFB0]  }
0x587: {  	v11 =	vor.u32 $0x39, v3;
	v15 =	vor.u32 s25, v33;
	v12 =	vld.idx.msk [tilespmem:v16+s2+$0x0], $0xffff  }
0x588: {  	v16 =	vor.u32 $0x39, v2  }
0x589: {  	v13 =	vor.u32 s22, v34;
	v6 =	vld.idx.msk [tilespmem:v6+s2+$0x0], $0xffff;
	[tilespmem:v14+s10+$0x0] =	vst.idx.msk $0xffff, v7  }
0x58a: {  	v7 =	vor.u32 $0x3A, v1;
	v14 =	vor.u32 s24, v34;
	v8 =	vld.idx.msk [tilespmem:v8+s2+$0x0], $0xffff  }
0x58b: {  	[tilespmem:v10+s10+$0x0] =	vst.idx.msk $0xffff, v9;
	v5 =	vld.idx.msk [tilespmem:v5+s2+$0x0], $0xffff;
	v18 =	vor.u32 s21, v18  }
0x58c: {  	[tilespmem:v15+s10+$0x0] =	vst.idx.msk $0xffff, v12;
	v9 =	vor.u32 $0x3A, v4;
	v10 =	vld.idx.msk [tilespmem:v11+s2+$0x0], $0xffff;
	v11 =	vor.u32 s23, v34  }
0x58d: {  	v12 =	vor.u32 $0x3A, v3;
	v15 =	vld.idx.msk [tilespmem:v16+s2+$0x0], $0xffff;
	v16 =	vor.u32 s25, v34  }
0x58e: {  	v17 =	vor.u32 $0x3A, v2;
	[tilespmem:v13+s10+$0x0] =	vst.idx.msk $0xffff, v6  }
0x58f: {  	v7 =	vld.idx.msk [tilespmem:v7+s2+$0x0], $0xffff;
	[tilespmem:v14+s10+$0x0] =	vst.idx.msk $0xffff, v8  }
0x590: {  	v6 =	vor.u32 $0x2, v0;
	v13 =	vor.u32 s22, v35;
	[tilespmem:v18+s10+$0x0] =	vst.idx.msk $0xffff, v5;
	v18 =	vld [tilespmem:$0x1FFC0]  }
0x591: {  	v8 =	vor.u32 $0x3B, v1;
	v14 =	vor.u32 s24, v35;
	v9 =	vld.idx.msk [tilespmem:v9+s2+$0x0], $0xffff;
	[tilespmem:v11+s10+$0x0] =	vst.idx.msk $0xffff, v10  }
0x592: {  	[tilespmem:v16+s10+$0x0] =	vst.idx.msk $0xffff, v15;
	v10 =	vor.u32 $0x3B, v4;
	v11 =	vld.idx.msk [tilespmem:v12+s2+$0x0], $0xffff;
	v12 =	vor.u32 s23, v35  }
0x593: {  	v15 =	vor.u32 $0x3B, v3;
	v16 =	vld.idx.msk [tilespmem:v17+s2+$0x0], $0xffff;
	v17 =	vor.u32 s25, v35  }
0x594: {  	v5 =	vor.u32 $0x3B, v2  }
0x595: {  	[tilespmem:v13+s10+$0x0] =	vst.idx.msk $0xffff, v7;
	v6 =	vld.idx.msk [tilespmem:v6+s2+$0x0], $0xffff;
	v18 =	vor.u32 s21, v18  }
0x596: {  	v7 =	vor.u32 $0x3, v0;
	v13 =	vor.u32 s22, v36;
	v8 =	vld.idx.msk [tilespmem:v8+s2+$0x0], $0xffff;
	[tilespmem:v14+s10+$0x0] =	vst.idx.msk $0xffff, v9  }
0x597: {  	v9 =	vor.u32 $0x3C, v1;
	v14 =	vor.u32 s24, v36;
	v10 =	vld.idx.msk [tilespmem:v10+s2+$0x0], $0xffff;
	[tilespmem:v12+s10+$0x0] =	vst.idx.msk $0xffff, v11  }
0x598: {  	[tilespmem:v17+s10+$0x0] =	vst.idx.msk $0xffff, v16;
	v11 =	vor.u32 $0x3C, v4;
	v12 =	vld.idx.msk [tilespmem:v15+s2+$0x0], $0xffff;
	v15 =	vor.u32 s23, v36  }
0x599: {  	v16 =	vor.u32 $0x3C, v3;
	v17 =	vor.u32 s25, v36;
	v5 =	vld.idx.msk [tilespmem:v5+s2+$0x0], $0xffff  }
0x59a: {  	[tilespmem:v18+s10+$0x0] =	vst.idx.msk $0xffff, v6;
	v6 =	vor.u32 $0x3C, v2  }
0x59b: {  	[tilespmem:v13+s10+$0x0] =	vst.idx.msk $0xffff, v8;
	v18 =	vor.u32 s21, v19;
	v7 =	vld.idx.msk [tilespmem:v7+s2+$0x0], $0xffff  }
0x59c: {  	v8 =	vor.u32 $0x4, v0;
	v13 =	vor.u32 s22, v37;
	v9 =	vld.idx.msk [tilespmem:v9+s2+$0x0], $0xffff;
	[tilespmem:v14+s10+$0x0] =	vst.idx.msk $0xffff, v10  }
0x59d: {  	v10 =	vor.u32 $0x3D, v1;
	v14 =	vor.u32 s24, v37;
	v11 =	vld.idx.msk [tilespmem:v11+s2+$0x0], $0xffff;
	[tilespmem:v15+s10+$0x0] =	vst.idx.msk $0xffff, v12  }
0x59e: {  	v12 =	vor.u32 $0x3D, v4;
	[tilespmem:v17+s10+$0x0] =	vst.idx.msk $0xffff, v5;
	v15 =	vld.idx.msk [tilespmem:v16+s2+$0x0], $0xffff;
	v16 =	vor.u32 s23, v37  }
0x59f: {  	v5 =	vor.u32 $0x3D, v3;
	v17 =	vor.u32 s25, v37;
	v6 =	vld.idx.msk [tilespmem:v6+s2+$0x0], $0xffff  }
0x5a0: {  	[tilespmem:v18+s10+$0x0] =	vst.idx.msk $0xffff, v7;
	v7 =	vor.u32 $0x3D, v2  }
0x5a1: {  	[tilespmem:v13+s10+$0x0] =	vst.idx.msk $0xffff, v9;
	v18 =	vor.u32 s21, v20;
	v8 =	vld.idx.msk [tilespmem:v8+s2+$0x0], $0xffff  }
0x5a2: {  	v13 =	vor.u32 s22, v38;
	v10 =	vld.idx.msk [tilespmem:v10+s2+$0x0], $0xffff;
	[tilespmem:v14+s10+$0x0] =	vst.idx.msk $0xffff, v11  }
0x5a3: {  	v14 =	vor.u32 s24, v38;
	v12 =	vld.idx.msk [tilespmem:v12+s2+$0x0], $0xffff;
	[tilespmem:v16+s10+$0x0] =	vst.idx.msk $0xffff, v15  }
0x5a4: {  	v11 =	vor.u32 $0x3E, v1;
	v16 =	vor.u32 s23, v38;
	v5 =	vld.idx.msk [tilespmem:v5+s2+$0x0], $0xffff;
	[tilespmem:v17+s10+$0x0] =	vst.idx.msk $0xffff, v6  }
0x5a5: {  	v15 =	vor.u32 $0x3E, v4;
	v17 =	vor.u32 s25, v38;
	v7 =	vld.idx.msk [tilespmem:v7+s2+$0x0], $0xffff  }
0x5a6: {  	[tilespmem:v18+s10+$0x0] =	vst.idx.msk $0xffff, v8;
	v8 =	vor.u32 $0x3E, v2  }
0x5a7: {  	[tilespmem:v13+s10+$0x0] =	vst.idx.msk $0xffff, v10;
	v6 =	vor.u32 $0x3E, v3  }
0x5a8: {  	v9 =	vor.u32 $0x5, v0;
	[tilespmem:v14+s10+$0x0] =	vst.idx.msk $0xffff, v12  }
0x5a9: {  	v11 =	vld.idx.msk [tilespmem:v11+s2+$0x0], $0xffff;
	v12 =	vor.u32 s22, v39;
	[tilespmem:v16+s10+$0x0] =	vst.idx.msk $0xffff, v5  }
0x5aa: {  	v1 =	vor.u32 $0x3F, v1;
	v13 =	vor.u32 s24, v39;
	v5 =	vld.idx.msk [tilespmem:v15+s2+$0x0], $0xffff;
	[tilespmem:v17+s10+$0x0] =	vst.idx.msk $0xffff, v7  }
0x5ab: {  	v14 =	vor.u32 s25, v39;
	v8 =	vld.idx.msk [tilespmem:v8+s2+$0x0], $0xffff  }
0x5ac: {  	v2 =	vor.u32 $0x3F, v2;
	v6 =	vld.idx.msk [tilespmem:v6+s2+$0x0], $0xffff;
	v7 =	vor.u32 s23, v39  }
0x5ad: {  	v4 =	vor.u32 $0x3F, v4;
	v18 =	vor.u32 s21, v21;
	v9 =	vld.idx.msk [tilespmem:v9+s2+$0x0], $0xffff  }
0x5ae: {  	v10 =	vor.u32 $0x6, v0;
	[tilespmem:v12+s10+$0x0] =	vst.idx.msk $0xffff, v11  }
0x5af: {  	v12 =	vor.u32 s22, v40;
	v1 =	vld.idx.msk [tilespmem:v1+s2+$0x0], $0xffff;
	[tilespmem:v13+s10+$0x0] =	vst.idx.msk $0xffff, v5  }
0x5b0: {  	v3 =	vor.u32 $0x3F, v3;
	[tilespmem:v14+s10+$0x0] =	vst.idx.msk $0xffff, v8  }
0x5b1: {  	[tilespmem:v7+s10+$0x0] =	vst.idx.msk $0xffff, v6;
	v7 =	vor.u32 s25, v40;
	v2 =	vld.idx.msk [tilespmem:v2+s2+$0x0], $0xffff  }
0x5b2: {  	v5 =	vor.u32 s24, v40;
	[tilespmem:v18+s10+$0x0] =	vst.idx.msk $0xffff, v9;
	v4 =	vld.idx.msk [tilespmem:v4+s2+$0x0], $0xffff  }
0x5b3: {  	v9 =	vld.idx.msk [tilespmem:v10+s2+$0x0], $0xffff  }
0x5b4: {  	v10 =	vor.u32 s21, v22;
	[tilespmem:v12+s10+$0x0] =	vst.idx.msk $0xffff, v1;
	v1 =	vld [tilespmem:s20+$0xFFFFFFE0]  }
0x5b5: {  	v6 =	vor.u32 s23, v40;
	v3 =	vld.idx.msk [tilespmem:v3+s2+$0x0], $0xffff  }
0x5b6: {  	v11 =	vor.u32 $0x7, v0;
	[tilespmem:v7+s10+$0x0] =	vst.idx.msk $0xffff, v2;
	v2 =	vld [tilespmem:s20+$0xFFFFFFF0]  }
0x5b7: {  	[tilespmem:v5+s10+$0x0] =	vst.idx.msk $0xffff, v4;
	v4 =	vld [tilespmem:s20+$0x0];
	_ =	sdelay $0x1  }
0x5b8: {  	[tilespmem:v10+s10+$0x0] =	vst.idx.msk $0xffff, v9  }
0x5b9: {  	v16 =	vld [tilespmem:$0x1FFA0];
	[tilespmem:v6+s10+$0x0] =	vst.idx.msk $0xffff, v3;
	v3 =	vshll.u32 v1, $0x6  }
0x5ba: {  	v9 =	vor.u32 s21, v23;
	v8 =	vld.idx.msk [tilespmem:v11+s2+$0x0], $0xffff;
	v2 =	vshll.u32 v2, $0x6  }
0x5bb: {  	v1 =	vshll.u32 v4, $0x6;
	_ =	sdelay $0x1  }
0x5bc: {  	s30 =	sadd.s32 $0xFFFFF800, s19;
	v17 =	vld [tilespmem:$0x1FFB0]  }
0x5bd: {  	s31 =	sadd.s32 $0xFFFFFC00, s19;
	v4 =	vor.u32 s30, v16;
	v5 =	vld.idx.msk [tilespmem:v3+s2+$0x0], $0xffff  }
0x5be: {  	v6 =	vor.u32 $0x1, v3;
	v7 =	vor.u32 s31, v16;
	[tilespmem:v9+s10+$0x0] =	vst.idx.msk $0xffff, v8;
	v8 =	vld.idx.msk [tilespmem:v2+s2+$0x0], $0xffff  }
0x5bf: {  	v10 =	vor.u32 s19, v16;
	v11 =	vld.idx.msk [tilespmem:v1+s2+$0x0], $0xffff;
	v9 =	vor.u32 $0x1, v2  }
0x5c0: {  	v12 =	vor.u32 $0x1, v1;
	_ =	sdelay $0x1  }
0x5c1: {  	v18 =	vld [tilespmem:$0x1FFC0];
	[tilespmem:v4+s10+$0x0] =	vst.idx.msk $0xffff, v5  }
0x5c2: {  	v5 =	vor.u32 s30, v17;
	v4 =	vld.idx.msk [tilespmem:v6+s2+$0x0], $0xffff;
	[tilespmem:v7+s10+$0x0] =	vst.idx.msk $0xffff, v8  }
0x5c3: {  	v6 =	vor.u32 $0x2, v3;
	[tilespmem:v10+s10+$0x0] =	vst.idx.msk $0xffff, v11;
	v8 =	vor.u32 s31, v17;
	v7 =	vld.idx.msk [tilespmem:v9+s2+$0x0], $0xffff  }
0x5c4: {  	v11 =	vor.u32 s19, v17;
	v10 =	vld.idx.msk [tilespmem:v12+s2+$0x0], $0xffff;
	v9 =	vor.u32 $0x2, v2  }
0x5c5: {  	v12 =	vor.u32 $0x2, v1;
	_ =	sdelay $0x1  }
0x5c6: {  	[tilespmem:v5+s10+$0x0] =	vst.idx.msk $0xffff, v4  }
0x5c7: {  	v5 =	vor.u32 s30, v18;
	v4 =	vld.idx.msk [tilespmem:v6+s2+$0x0], $0xffff;
	[tilespmem:v8+s10+$0x0] =	vst.idx.msk $0xffff, v7  }
0x5c8: {  	v6 =	vor.u32 $0x3, v3;
	[tilespmem:v11+s10+$0x0] =	vst.idx.msk $0xffff, v10;
	v8 =	vor.u32 s31, v18;
	v7 =	vld.idx.msk [tilespmem:v9+s2+$0x0], $0xffff  }
0x5c9: {  	v11 =	vor.u32 s19, v18;
	v10 =	vld.idx.msk [tilespmem:v12+s2+$0x0], $0xffff;
	v9 =	vor.u32 $0x3, v2  }
0x5ca: {  	v12 =	vor.u32 $0x3, v1;
	_ =	sdelay $0x1  }
0x5cb: {  	[tilespmem:v5+s10+$0x0] =	vst.idx.msk $0xffff, v4  }
0x5cc: {  	v5 =	vor.u32 s30, v19;
	v4 =	vld.idx.msk [tilespmem:v6+s2+$0x0], $0xffff;
	[tilespmem:v8+s10+$0x0] =	vst.idx.msk $0xffff, v7  }
0x5cd: {  	v6 =	vor.u32 $0x4, v3;
	[tilespmem:v11+s10+$0x0] =	vst.idx.msk $0xffff, v10;
	v8 =	vor.u32 s31, v19;
	v7 =	vld.idx.msk [tilespmem:v9+s2+$0x0], $0xffff  }
0x5ce: {  	v11 =	vor.u32 s19, v19;
	v10 =	vld.idx.msk [tilespmem:v12+s2+$0x0], $0xffff;
	v9 =	vor.u32 $0x4, v2  }
0x5cf: {  	v12 =	vor.u32 $0x4, v1;
	_ =	sdelay $0x1  }
0x5d0: {  	[tilespmem:v5+s10+$0x0] =	vst.idx.msk $0xffff, v4  }
0x5d1: {  	v5 =	vor.u32 s30, v20;
	v4 =	vld.idx.msk [tilespmem:v6+s2+$0x0], $0xffff;
	[tilespmem:v8+s10+$0x0] =	vst.idx.msk $0xffff, v7  }
0x5d2: {  	v6 =	vor.u32 $0x5, v3;
	v8 =	vor.u32 s31, v20;
	v7 =	vld.idx.msk [tilespmem:v9+s2+$0x0], $0xffff;
	[tilespmem:v11+s10+$0x0] =	vst.idx.msk $0xffff, v10  }
0x5d3: {  	v9 =	vor.u32 $0x5, v2;
	v11 =	vor.u32 s19, v20;
	v10 =	vld.idx.msk [tilespmem:v12+s2+$0x0], $0xffff  }
0x5d4: {  	v12 =	vor.u32 $0x5, v1;
	_ =	sdelay $0x1  }
0x5d5: {  	[tilespmem:v5+s10+$0x0] =	vst.idx.msk $0xffff, v4  }
0x5d6: {  	v5 =	vor.u32 s30, v21;
	v4 =	vld.idx.msk [tilespmem:v6+s2+$0x0], $0xffff;
	[tilespmem:v8+s10+$0x0] =	vst.idx.msk $0xffff, v7  }
0x5d7: {  	v6 =	vor.u32 $0x6, v3;
	v8 =	vor.u32 s31, v21;
	v7 =	vld.idx.msk [tilespmem:v9+s2+$0x0], $0xffff;
	[tilespmem:v11+s10+$0x0] =	vst.idx.msk $0xffff, v10  }
0x5d8: {  	v9 =	vor.u32 $0x6, v2;
	v11 =	vor.u32 s19, v21;
	v10 =	vld.idx.msk [tilespmem:v12+s2+$0x0], $0xffff  }
0x5d9: {  	v12 =	vor.u32 $0x6, v1;
	_ =	sdelay $0x1  }
0x5da: {  	[tilespmem:v5+s10+$0x0] =	vst.idx.msk $0xffff, v4  }
0x5db: {  	v5 =	vor.u32 s30, v22;
	v4 =	vld.idx.msk [tilespmem:v6+s2+$0x0], $0xffff;
	[tilespmem:v8+s10+$0x0] =	vst.idx.msk $0xffff, v7  }
0x5dc: {  	v6 =	vor.u32 $0x7, v3;
	v8 =	vor.u32 s31, v22;
	v7 =	vld.idx.msk [tilespmem:v9+s2+$0x0], $0xffff;
	[tilespmem:v11+s10+$0x0] =	vst.idx.msk $0xffff, v10  }
0x5dd: {  	v9 =	vor.u32 $0x7, v2;
	v11 =	vor.u32 s19, v22;
	v10 =	vld.idx.msk [tilespmem:v12+s2+$0x0], $0xffff  }
0x5de: {  	v12 =	vor.u32 $0x7, v1;
	_ =	sdelay $0x1  }
0x5df: {  	[tilespmem:v5+s10+$0x0] =	vst.idx.msk $0xffff, v4  }
0x5e0: {  	v4 =	vor.u32 $0x8, v0;
	v5 =	vld.idx.msk [tilespmem:v6+s2+$0x0], $0xffff;
	v6 =	vor.u32 s30, v23;
	[tilespmem:v8+s10+$0x0] =	vst.idx.msk $0xffff, v7  }
0x5e1: {  	v7 =	vor.u32 $0x8, v3;
	v8 =	vld.idx.msk [tilespmem:v9+s2+$0x0], $0xffff;
	v9 =	vor.u32 s31, v23;
	[tilespmem:v11+s10+$0x0] =	vst.idx.msk $0xffff, v10  }
0x5e2: {  	v10 =	vor.u32 $0x8, v2;
	v11 =	vld.idx.msk [tilespmem:v12+s2+$0x0], $0xffff;
	v12 =	vor.u32 s19, v23  }
0x5e3: {  	v13 =	vor.u32 $0x8, v1;
	_ =	sdelay $0x1  }
0x5e4: {  	v14 =	vor.u32 s21, v24;
	v4 =	vld.idx.msk [tilespmem:v4+s2+$0x0], $0xffff;
	[tilespmem:v6+s10+$0x0] =	vst.idx.msk $0xffff, v5  }
0x5e5: {  	v5 =	vor.u32 $0x9, v0;
	v6 =	vld.idx.msk [tilespmem:v7+s2+$0x0], $0xffff;
	v7 =	vor.u32 s30, v24;
	[tilespmem:v9+s10+$0x0] =	vst.idx.msk $0xffff, v8  }
0x5e6: {  	v8 =	vor.u32 $0x9, v3;
	v9 =	vld.idx.msk [tilespmem:v10+s2+$0x0], $0xffff;
	v10 =	vor.u32 s31, v24;
	[tilespmem:v12+s10+$0x0] =	vst.idx.msk $0xffff, v11  }
0x5e7: {  	v11 =	vor.u32 $0x9, v2;
	v12 =	vld.idx.msk [tilespmem:v13+s2+$0x0], $0xffff;
	v13 =	vor.u32 s19, v24  }
0x5e8: {  	v15 =	vor.u32 $0x9, v1  }
0x5e9: {  	[tilespmem:v14+s10+$0x0] =	vst.idx.msk $0xffff, v4  }
0x5ea: {  	v4 =	vld.idx.msk [tilespmem:v5+s2+$0x0], $0xffff;
	v5 =	vor.u32 s21, v25;
	[tilespmem:v7+s10+$0x0] =	vst.idx.msk $0xffff, v6  }
0x5eb: {  	v6 =	vor.u32 $0xA, v0;
	v7 =	vld.idx.msk [tilespmem:v8+s2+$0x0], $0xffff;
	v8 =	vor.u32 s30, v25;
	[tilespmem:v10+s10+$0x0] =	vst.idx.msk $0xffff, v9  }
0x5ec: {  	v9 =	vor.u32 $0xA, v3;
	v10 =	vld.idx.msk [tilespmem:v11+s2+$0x0], $0xffff;
	v11 =	vor.u32 s31, v25;
	[tilespmem:v13+s10+$0x0] =	vst.idx.msk $0xffff, v12  }
0x5ed: {  	v14 =	vor.u32 s19, v25;
	v12 =	vor.u32 $0xA, v2;
	v13 =	vld.idx.msk [tilespmem:v15+s2+$0x0], $0xffff  }
0x5ee: {  	v15 =	vor.u32 $0xA, v1  }
0x5ef: {  	[tilespmem:v5+s10+$0x0] =	vst.idx.msk $0xffff, v4  }
0x5f0: {  	v5 =	vor.u32 s21, v26;
	v4 =	vld.idx.msk [tilespmem:v6+s2+$0x0], $0xffff;
	[tilespmem:v8+s10+$0x0] =	vst.idx.msk $0xffff, v7  }
0x5f1: {  	v6 =	vor.u32 $0xB, v0;
	v8 =	vor.u32 s30, v26;
	v7 =	vld.idx.msk [tilespmem:v9+s2+$0x0], $0xffff;
	[tilespmem:v11+s10+$0x0] =	vst.idx.msk $0xffff, v10  }
0x5f2: {  	v9 =	vor.u32 $0xB, v3;
	v11 =	vor.u32 s31, v26;
	v10 =	vld.idx.msk [tilespmem:v12+s2+$0x0], $0xffff;
	[tilespmem:v14+s10+$0x0] =	vst.idx.msk $0xffff, v13  }
0x5f3: {  	v12 =	vor.u32 $0xB, v2;
	v14 =	vor.u32 s19, v26;
	v13 =	vld.idx.msk [tilespmem:v15+s2+$0x0], $0xffff  }
0x5f4: {  	v15 =	vor.u32 $0xB, v1  }
0x5f5: {  	[tilespmem:v5+s10+$0x0] =	vst.idx.msk $0xffff, v4  }
0x5f6: {  	v5 =	vor.u32 s21, v27;
	v4 =	vld.idx.msk [tilespmem:v6+s2+$0x0], $0xffff;
	[tilespmem:v8+s10+$0x0] =	vst.idx.msk $0xffff, v7  }
0x5f7: {  	v8 =	vor.u32 s30, v27;
	v7 =	vld.idx.msk [tilespmem:v9+s2+$0x0], $0xffff;
	[tilespmem:v11+s10+$0x0] =	vst.idx.msk $0xffff, v10  }
0x5f8: {  	v11 =	vor.u32 s31, v27;
	v10 =	vld.idx.msk [tilespmem:v12+s2+$0x0], $0xffff;
	[tilespmem:v14+s10+$0x0] =	vst.idx.msk $0xffff, v13  }
0x5f9: {  	v14 =	vor.u32 s19, v27;
	v13 =	vld.idx.msk [tilespmem:v15+s2+$0x0], $0xffff;
	_ =	sdelay $0x1  }
0x5fa: {  	v6 =	vor.u32 $0xC, v0;
	[tilespmem:v5+s10+$0x0] =	vst.idx.msk $0xffff, v4;
	v5 =	vld [tilespmem:$0x1FFD0]  }
0x5fb: {  	v9 =	vor.u32 $0xC, v3;
	[tilespmem:v8+s10+$0x0] =	vst.idx.msk $0xffff, v7;
	v8 =	vld [tilespmem:$0x1FFD0]  }
0x5fc: {  	v12 =	vor.u32 $0xC, v2;
	[tilespmem:v11+s10+$0x0] =	vst.idx.msk $0xffff, v10;
	v11 =	vld [tilespmem:$0x1FFD0]  }
0x5fd: {  	v15 =	vor.u32 $0xC, v1;
	[tilespmem:v14+s10+$0x0] =	vst.idx.msk $0xffff, v13;
	v14 =	vld [tilespmem:$0x1FFD0];
	_ =	sdelay $0x1  }
0x5fe: {  	v4 =	vld.idx.msk [tilespmem:v6+s2+$0x0], $0xffff;
	v5 =	vor.u32 s21, v5  }
0x5ff: {  	v7 =	vld.idx.msk [tilespmem:v9+s2+$0x0], $0xffff;
	v8 =	vor.u32 s30, v8  }
0x600: {  	v10 =	vld.idx.msk [tilespmem:v12+s2+$0x0], $0xffff;
	v11 =	vor.u32 s31, v11  }
0x601: {  	v13 =	vld.idx.msk [tilespmem:v15+s2+$0x0], $0xffff;
	v14 =	vor.u32 s19, v14;
	_ =	sdelay $0x1  }
0x602: {  	v6 =	vor.u32 $0xD, v0;
	[tilespmem:v5+s10+$0x0] =	vst.idx.msk $0xffff, v4;
	v5 =	vld [tilespmem:$0x1FFE0]  }
0x603: {  	v9 =	vor.u32 $0xD, v3;
	[tilespmem:v8+s10+$0x0] =	vst.idx.msk $0xffff, v7;
	v8 =	vld [tilespmem:$0x1FFE0]  }
0x604: {  	v12 =	vor.u32 $0xD, v2;
	[tilespmem:v11+s10+$0x0] =	vst.idx.msk $0xffff, v10;
	v11 =	vld [tilespmem:$0x1FFE0]  }
0x605: {  	v15 =	vor.u32 $0xD, v1;
	[tilespmem:v14+s10+$0x0] =	vst.idx.msk $0xffff, v13;
	v14 =	vld [tilespmem:$0x1FFE0];
	_ =	sdelay $0x1  }
0x606: {  	v4 =	vld.idx.msk [tilespmem:v6+s2+$0x0], $0xffff;
	v5 =	vor.u32 s21, v5  }
0x607: {  	v7 =	vld.idx.msk [tilespmem:v9+s2+$0x0], $0xffff;
	v8 =	vor.u32 s30, v8  }
0x608: {  	v10 =	vld.idx.msk [tilespmem:v12+s2+$0x0], $0xffff;
	v11 =	vor.u32 s31, v11  }
0x609: {  	v13 =	vld.idx.msk [tilespmem:v15+s2+$0x0], $0xffff;
	v14 =	vor.u32 s19, v14;
	_ =	sdelay $0x1  }
0x60a: {  	v6 =	vor.u32 $0xE, v0;
	[tilespmem:v5+s10+$0x0] =	vst.idx.msk $0xffff, v4;
	v5 =	vld [tilespmem:$0x1FFF0]  }
0x60b: {  	v9 =	vor.u32 $0xE, v3;
	[tilespmem:v8+s10+$0x0] =	vst.idx.msk $0xffff, v7;
	v8 =	vld [tilespmem:$0x1FFF0]  }
0x60c: {  	v12 =	vor.u32 $0xE, v2;
	[tilespmem:v11+s10+$0x0] =	vst.idx.msk $0xffff, v10;
	v11 =	vld [tilespmem:$0x1FFF0]  }
0x60d: {  	v15 =	vor.u32 $0xE, v1;
	[tilespmem:v14+s10+$0x0] =	vst.idx.msk $0xffff, v13;
	v14 =	vld [tilespmem:$0x1FFF0];
	_ =	sdelay $0x1  }
0x60e: {  	v4 =	vld.idx.msk [tilespmem:v6+s2+$0x0], $0xffff;
	v5 =	vor.u32 s21, v5  }
0x60f: {  	v6 =	vor.u32 $0xF, v0;
	v7 =	vld.idx.msk [tilespmem:v9+s2+$0x0], $0xffff;
	v8 =	vor.u32 s30, v8  }
0x610: {  	v9 =	vor.u32 $0xF, v3;
	v10 =	vld.idx.msk [tilespmem:v12+s2+$0x0], $0xffff;
	v11 =	vor.u32 s31, v11  }
0x611: {  	v13 =	vld.idx.msk [tilespmem:v15+s2+$0x0], $0xffff;
	v14 =	vor.u32 s19, v14  }
0x612: {  	v12 =	vor.u32 $0xF, v2  }
0x613: {  	v15 =	vor.u32 $0xF, v1;
	[tilespmem:v5+s10+$0x0] =	vst.idx.msk $0xffff, v4  }
0x614: {  	v4 =	vld.idx.msk [tilespmem:v6+s2+$0x0], $0xffff;
	[tilespmem:v8+s10+$0x0] =	vst.idx.msk $0xffff, v7  }
0x615: {  	v5 =	vor.u32 s21, v41;
	v6 =	vor.u32 $0x10, v0;
	v7 =	vld.idx.msk [tilespmem:v9+s2+$0x0], $0xffff;
	[tilespmem:v11+s10+$0x0] =	vst.idx.msk $0xffff, v10  }
0x616: {  	v8 =	vor.u32 s30, v41;
	v11 =	vor.u32 s31, v41;
	[tilespmem:v14+s10+$0x0] =	vst.idx.msk $0xffff, v13;
	v14 =	vor.u32 s19, v41;
	v41 =	vld [tilespmem:$0x1FCA0]  }
0x617: {  	v9 =	vor.u32 $0x10, v3;
	v10 =	vld.idx.msk [tilespmem:v12+s2+$0x0], $0xffff  }
0x618: {  	v12 =	vor.u32 $0x10, v2;
	v13 =	vld.idx.msk [tilespmem:v15+s2+$0x0], $0xffff  }
0x619: {  	v15 =	vor.u32 $0x10, v1  }
0x61a: {  	[tilespmem:v5+s10+$0x0] =	vst.idx.msk $0xffff, v4  }
0x61b: {  	v4 =	vld.idx.msk [tilespmem:v6+s2+$0x0], $0xffff;
	[tilespmem:v8+s10+$0x0] =	vst.idx.msk $0xffff, v7;
	v5 =	vor.u32 s21, v41  }
0x61c: {  	v6 =	vor.u32 $0x11, v0;
	v7 =	vld.idx.msk [tilespmem:v9+s2+$0x0], $0xffff;
	v8 =	vor.u32 s30, v41;
	[tilespmem:v11+s10+$0x0] =	vst.idx.msk $0xffff, v10  }
0x61d: {  	v9 =	vor.u32 $0x11, v3;
	v11 =	vor.u32 s31, v41;
	v10 =	vld.idx.msk [tilespmem:v12+s2+$0x0], $0xffff;
	[tilespmem:v14+s10+$0x0] =	vst.idx.msk $0xffff, v13  }
0x61e: {  	v12 =	vor.u32 $0x11, v2;
	v14 =	vor.u32 s19, v41;
	v13 =	vld.idx.msk [tilespmem:v15+s2+$0x0], $0xffff  }
0x61f: {  	v15 =	vor.u32 $0x11, v1  }
0x620: {  	v41 =	vld [tilespmem:$0x1FCC0];
	[tilespmem:v5+s10+$0x0] =	vst.idx.msk $0xffff, v4  }
0x621: {  	v5 =	vor.u32 s21, v42;
	[tilespmem:v8+s10+$0x0] =	vst.idx.msk $0xffff, v7;
	v4 =	vld.idx.msk [tilespmem:v6+s2+$0x0], $0xffff  }
0x622: {  	v8 =	vor.u32 s30, v42;
	v6 =	vor.u32 $0x12, v0;
	v7 =	vld.idx.msk [tilespmem:v9+s2+$0x0], $0xffff;
	[tilespmem:v11+s10+$0x0] =	vst.idx.msk $0xffff, v10  }
0x623: {  	v9 =	vor.u32 $0x12, v3;
	v11 =	vor.u32 s31, v42;
	v10 =	vld.idx.msk [tilespmem:v12+s2+$0x0], $0xffff;
	[tilespmem:v14+s10+$0x0] =	vst.idx.msk $0xffff, v13  }
0x624: {  	v12 =	vor.u32 $0x12, v2;
	v14 =	vor.u32 s19, v42;
	v13 =	vld.idx.msk [tilespmem:v15+s2+$0x0], $0xffff  }
0x625: {  	v15 =	vor.u32 $0x12, v1  }
0x626: {  	[tilespmem:v5+s10+$0x0] =	vst.idx.msk $0xffff, v4  }
0x627: {  	v5 =	vor.u32 s21, v41;
	[tilespmem:v8+s10+$0x0] =	vst.idx.msk $0xffff, v7;
	v4 =	vld.idx.msk [tilespmem:v6+s2+$0x0], $0xffff  }
0x628: {  	v8 =	vor.u32 s30, v41;
	v6 =	vor.u32 $0x13, v0;
	v7 =	vld.idx.msk [tilespmem:v9+s2+$0x0], $0xffff;
	[tilespmem:v11+s10+$0x0] =	vst.idx.msk $0xffff, v10  }
0x629: {  	v9 =	vor.u32 $0x13, v3;
	v11 =	vor.u32 s31, v41;
	v10 =	vld.idx.msk [tilespmem:v12+s2+$0x0], $0xffff;
	[tilespmem:v14+s10+$0x0] =	vst.idx.msk $0xffff, v13  }
0x62a: {  	v12 =	vor.u32 $0x13, v2;
	v14 =	vor.u32 s19, v41;
	v13 =	vld.idx.msk [tilespmem:v15+s2+$0x0], $0xffff  }
0x62b: {  	v15 =	vor.u32 $0x13, v1  }
0x62c: {  	v41 =	vld [tilespmem:$0x1FCE0];
	[tilespmem:v5+s10+$0x0] =	vst.idx.msk $0xffff, v4  }
0x62d: {  	v5 =	vor.u32 s21, v43;
	[tilespmem:v8+s10+$0x0] =	vst.idx.msk $0xffff, v7;
	v4 =	vld.idx.msk [tilespmem:v6+s2+$0x0], $0xffff  }
0x62e: {  	v8 =	vor.u32 s30, v43;
	v6 =	vor.u32 $0x14, v0;
	v7 =	vld.idx.msk [tilespmem:v9+s2+$0x0], $0xffff;
	[tilespmem:v11+s10+$0x0] =	vst.idx.msk $0xffff, v10  }
0x62f: {  	v9 =	vor.u32 $0x14, v3;
	v11 =	vor.u32 s31, v43;
	v10 =	vld.idx.msk [tilespmem:v12+s2+$0x0], $0xffff;
	[tilespmem:v14+s10+$0x0] =	vst.idx.msk $0xffff, v13  }
0x630: {  	v12 =	vor.u32 $0x14, v2;
	v14 =	vor.u32 s19, v43;
	v13 =	vld.idx.msk [tilespmem:v15+s2+$0x0], $0xffff  }
0x631: {  	v15 =	vor.u32 $0x14, v1  }
0x632: {  	[tilespmem:v5+s10+$0x0] =	vst.idx.msk $0xffff, v4  }
0x633: {  	v5 =	vor.u32 s21, v41;
	[tilespmem:v8+s10+$0x0] =	vst.idx.msk $0xffff, v7;
	v4 =	vld.idx.msk [tilespmem:v6+s2+$0x0], $0xffff  }
0x634: {  	v8 =	vor.u32 s30, v41;
	v6 =	vor.u32 $0x15, v0;
	v7 =	vld.idx.msk [tilespmem:v9+s2+$0x0], $0xffff;
	[tilespmem:v11+s10+$0x0] =	vst.idx.msk $0xffff, v10  }
0x635: {  	v9 =	vor.u32 $0x15, v3;
	v11 =	vor.u32 s31, v41;
	v10 =	vld.idx.msk [tilespmem:v12+s2+$0x0], $0xffff;
	[tilespmem:v14+s10+$0x0] =	vst.idx.msk $0xffff, v13  }
0x636: {  	v14 =	vor.u32 s19, v41;
	v13 =	vld.idx.msk [tilespmem:v15+s2+$0x0], $0xffff  }
0x637: {  	v12 =	vor.u32 $0x15, v2  }
0x638: {  	v15 =	vor.u32 $0x15, v1;
	[tilespmem:v5+s10+$0x0] =	vst.idx.msk $0xffff, v4  }
0x639: {  	[tilespmem:v8+s10+$0x0] =	vst.idx.msk $0xffff, v7;
	v4 =	vld.idx.msk [tilespmem:v6+s2+$0x0], $0xffff  }
0x63a: {  	v5 =	vor.u32 s21, v44;
	v8 =	vor.u32 s30, v44;
	v7 =	vld.idx.msk [tilespmem:v9+s2+$0x0], $0xffff;
	[tilespmem:v11+s10+$0x0] =	vst.idx.msk $0xffff, v10  }
0x63b: {  	v6 =	vor.u32 $0x16, v0;
	v11 =	vor.u32 s31, v44;
	[tilespmem:v14+s10+$0x0] =	vst.idx.msk $0xffff, v13;
	v14 =	vor.u32 s19, v44;
	v44 =	vld [tilespmem:$0x1FD00]  }
0x63c: {  	v9 =	vor.u32 $0x16, v3;
	v10 =	vld.idx.msk [tilespmem:v12+s2+$0x0], $0xffff  }
0x63d: {  	v12 =	vor.u32 $0x16, v2;
	v13 =	vld.idx.msk [tilespmem:v15+s2+$0x0], $0xffff  }
0x63e: {  	v15 =	vor.u32 $0x16, v1  }
0x63f: {  	[tilespmem:v5+s10+$0x0] =	vst.idx.msk $0xffff, v4  }
0x640: {  	[tilespmem:v8+s10+$0x0] =	vst.idx.msk $0xffff, v7;
	v4 =	vld.idx.msk [tilespmem:v6+s2+$0x0], $0xffff;
	v5 =	vor.u32 s21, v44  }
0x641: {  	v6 =	vor.u32 $0x17, v0;
	v7 =	vld.idx.msk [tilespmem:v9+s2+$0x0], $0xffff;
	v8 =	vor.u32 s30, v44;
	[tilespmem:v11+s10+$0x0] =	vst.idx.msk $0xffff, v10  }
0x642: {  	v9 =	vor.u32 $0x17, v3;
	v11 =	vor.u32 s31, v44;
	v10 =	vld.idx.msk [tilespmem:v12+s2+$0x0], $0xffff;
	[tilespmem:v14+s10+$0x0] =	vst.idx.msk $0xffff, v13  }
0x643: {  	v14 =	vor.u32 s19, v44;
	v13 =	vld.idx.msk [tilespmem:v15+s2+$0x0], $0xffff  }
0x644: {  	v12 =	vor.u32 $0x17, v2  }
0x645: {  	v15 =	vor.u32 $0x17, v1;
	[tilespmem:v5+s10+$0x0] =	vst.idx.msk $0xffff, v4  }
0x646: {  	[tilespmem:v8+s10+$0x0] =	vst.idx.msk $0xffff, v7;
	v4 =	vld.idx.msk [tilespmem:v6+s2+$0x0], $0xffff  }
0x647: {  	v5 =	vor.u32 s21, v45;
	v8 =	vor.u32 s30, v45;
	v7 =	vld.idx.msk [tilespmem:v9+s2+$0x0], $0xffff;
	[tilespmem:v11+s10+$0x0] =	vst.idx.msk $0xffff, v10  }
0x648: {  	v6 =	vor.u32 $0x18, v0;
	v11 =	vor.u32 s31, v45;
	[tilespmem:v14+s10+$0x0] =	vst.idx.msk $0xffff, v13;
	v14 =	vor.u32 s19, v45;
	v45 =	vld [tilespmem:$0x1FD20]  }
0x649: {  	v9 =	vor.u32 $0x18, v3;
	v10 =	vld.idx.msk [tilespmem:v12+s2+$0x0], $0xffff  }
0x64a: {  	v12 =	vor.u32 $0x18, v2;
	v13 =	vld.idx.msk [tilespmem:v15+s2+$0x0], $0xffff  }
0x64b: {  	v15 =	vor.u32 $0x18, v1  }
0x64c: {  	[tilespmem:v5+s10+$0x0] =	vst.idx.msk $0xffff, v4  }
0x64d: {  	[tilespmem:v8+s10+$0x0] =	vst.idx.msk $0xffff, v7;
	v4 =	vld.idx.msk [tilespmem:v6+s2+$0x0], $0xffff;
	v5 =	vor.u32 s21, v45  }
0x64e: {  	v6 =	vor.u32 $0x19, v0;
	v7 =	vld.idx.msk [tilespmem:v9+s2+$0x0], $0xffff;
	v8 =	vor.u32 s30, v45;
	[tilespmem:v11+s10+$0x0] =	vst.idx.msk $0xffff, v10  }
0x64f: {  	v9 =	vor.u32 $0x19, v3;
	v11 =	vor.u32 s31, v45;
	v10 =	vld.idx.msk [tilespmem:v12+s2+$0x0], $0xffff;
	[tilespmem:v14+s10+$0x0] =	vst.idx.msk $0xffff, v13  }
0x650: {  	v14 =	vor.u32 s19, v45;
	v13 =	vld.idx.msk [tilespmem:v15+s2+$0x0], $0xffff  }
0x651: {  	v12 =	vor.u32 $0x19, v2  }
0x652: {  	v15 =	vor.u32 $0x19, v1;
	[tilespmem:v5+s10+$0x0] =	vst.idx.msk $0xffff, v4  }
0x653: {  	[tilespmem:v8+s10+$0x0] =	vst.idx.msk $0xffff, v7;
	v4 =	vld.idx.msk [tilespmem:v6+s2+$0x0], $0xffff  }
0x654: {  	v5 =	vor.u32 s21, v46;
	v8 =	vor.u32 s30, v46;
	v7 =	vld.idx.msk [tilespmem:v9+s2+$0x0], $0xffff;
	[tilespmem:v11+s10+$0x0] =	vst.idx.msk $0xffff, v10  }
0x655: {  	v6 =	vor.u32 $0x1A, v0;
	v11 =	vor.u32 s31, v46;
	[tilespmem:v14+s10+$0x0] =	vst.idx.msk $0xffff, v13;
	v14 =	vor.u32 s19, v46;
	v46 =	vld [tilespmem:$0x1FD40]  }
0x656: {  	v9 =	vor.u32 $0x1A, v3;
	v10 =	vld.idx.msk [tilespmem:v12+s2+$0x0], $0xffff  }
0x657: {  	v12 =	vor.u32 $0x1A, v2;
	v13 =	vld.idx.msk [tilespmem:v15+s2+$0x0], $0xffff  }
0x658: {  	v15 =	vor.u32 $0x1A, v1  }
0x659: {  	[tilespmem:v5+s10+$0x0] =	vst.idx.msk $0xffff, v4  }
0x65a: {  	[tilespmem:v8+s10+$0x0] =	vst.idx.msk $0xffff, v7;
	v4 =	vld.idx.msk [tilespmem:v6+s2+$0x0], $0xffff;
	v5 =	vor.u32 s21, v46  }
0x65b: {  	v6 =	vor.u32 $0x1B, v0;
	v7 =	vld.idx.msk [tilespmem:v9+s2+$0x0], $0xffff;
	v8 =	vor.u32 s30, v46;
	[tilespmem:v11+s10+$0x0] =	vst.idx.msk $0xffff, v10  }
0x65c: {  	v9 =	vor.u32 $0x1B, v3;
	v11 =	vor.u32 s31, v46;
	v10 =	vld.idx.msk [tilespmem:v12+s2+$0x0], $0xffff;
	[tilespmem:v14+s10+$0x0] =	vst.idx.msk $0xffff, v13  }
0x65d: {  	v14 =	vor.u32 s19, v46;
	v13 =	vld.idx.msk [tilespmem:v15+s2+$0x0], $0xffff  }
0x65e: {  	v12 =	vor.u32 $0x1B, v2  }
0x65f: {  	v15 =	vor.u32 $0x1B, v1;
	[tilespmem:v5+s10+$0x0] =	vst.idx.msk $0xffff, v4  }
0x660: {  	[tilespmem:v8+s10+$0x0] =	vst.idx.msk $0xffff, v7;
	v4 =	vld.idx.msk [tilespmem:v6+s2+$0x0], $0xffff  }
0x661: {  	v5 =	vor.u32 s21, v47;
	v8 =	vor.u32 s30, v47;
	v7 =	vld.idx.msk [tilespmem:v9+s2+$0x0], $0xffff;
	[tilespmem:v11+s10+$0x0] =	vst.idx.msk $0xffff, v10  }
0x662: {  	v6 =	vor.u32 $0x1C, v0;
	v11 =	vor.u32 s31, v47;
	[tilespmem:v14+s10+$0x0] =	vst.idx.msk $0xffff, v13;
	v14 =	vor.u32 s19, v47;
	v47 =	vld [tilespmem:$0x1FD60]  }
0x663: {  	v9 =	vor.u32 $0x1C, v3;
	v10 =	vld.idx.msk [tilespmem:v12+s2+$0x0], $0xffff  }
0x664: {  	v12 =	vor.u32 $0x1C, v2;
	v13 =	vld.idx.msk [tilespmem:v15+s2+$0x0], $0xffff  }
0x665: {  	v15 =	vor.u32 $0x1C, v1  }
0x666: {  	[tilespmem:v5+s10+$0x0] =	vst.idx.msk $0xffff, v4  }
0x667: {  	[tilespmem:v8+s10+$0x0] =	vst.idx.msk $0xffff, v7;
	v4 =	vld.idx.msk [tilespmem:v6+s2+$0x0], $0xffff;
	v5 =	vor.u32 s21, v47  }
0x668: {  	v6 =	vor.u32 $0x1D, v0;
	v7 =	vld.idx.msk [tilespmem:v9+s2+$0x0], $0xffff;
	v8 =	vor.u32 s30, v47;
	[tilespmem:v11+s10+$0x0] =	vst.idx.msk $0xffff, v10  }
0x669: {  	v9 =	vor.u32 $0x1D, v3;
	v11 =	vor.u32 s31, v47;
	v10 =	vld.idx.msk [tilespmem:v12+s2+$0x0], $0xffff;
	[tilespmem:v14+s10+$0x0] =	vst.idx.msk $0xffff, v13  }
0x66a: {  	v14 =	vor.u32 s19, v47;
	v13 =	vld.idx.msk [tilespmem:v15+s2+$0x0], $0xffff  }
0x66b: {  	v12 =	vor.u32 $0x1D, v2  }
0x66c: {  	v15 =	vor.u32 $0x1D, v1;
	[tilespmem:v5+s10+$0x0] =	vst.idx.msk $0xffff, v4  }
0x66d: {  	[tilespmem:v8+s10+$0x0] =	vst.idx.msk $0xffff, v7;
	v4 =	vld.idx.msk [tilespmem:v6+s2+$0x0], $0xffff  }
0x66e: {  	v5 =	vor.u32 s21, v48;
	v8 =	vor.u32 s30, v48;
	v7 =	vld.idx.msk [tilespmem:v9+s2+$0x0], $0xffff;
	[tilespmem:v11+s10+$0x0] =	vst.idx.msk $0xffff, v10  }
0x66f: {  	v6 =	vor.u32 $0x1E, v0;
	v11 =	vor.u32 s31, v48;
	[tilespmem:v14+s10+$0x0] =	vst.idx.msk $0xffff, v13;
	v14 =	vor.u32 s19, v48;
	v48 =	vld [tilespmem:$0x1FD80]  }
0x670: {  	v9 =	vor.u32 $0x1E, v3;
	v10 =	vld.idx.msk [tilespmem:v12+s2+$0x0], $0xffff  }
0x671: {  	v12 =	vor.u32 $0x1E, v2;
	v13 =	vld.idx.msk [tilespmem:v15+s2+$0x0], $0xffff  }
0x672: {  	v15 =	vor.u32 $0x1E, v1  }
0x673: {  	[tilespmem:v5+s10+$0x0] =	vst.idx.msk $0xffff, v4  }
0x674: {  	[tilespmem:v8+s10+$0x0] =	vst.idx.msk $0xffff, v7;
	v4 =	vld.idx.msk [tilespmem:v6+s2+$0x0], $0xffff;
	v5 =	vor.u32 s21, v48  }
0x675: {  	v6 =	vor.u32 $0x1F, v0;
	v7 =	vld.idx.msk [tilespmem:v9+s2+$0x0], $0xffff;
	v8 =	vor.u32 s30, v48;
	[tilespmem:v11+s10+$0x0] =	vst.idx.msk $0xffff, v10  }
0x676: {  	v9 =	vor.u32 $0x1F, v3;
	v11 =	vor.u32 s31, v48;
	v10 =	vld.idx.msk [tilespmem:v12+s2+$0x0], $0xffff;
	[tilespmem:v14+s10+$0x0] =	vst.idx.msk $0xffff, v13  }
0x677: {  	v14 =	vor.u32 s19, v48;
	v13 =	vld.idx.msk [tilespmem:v15+s2+$0x0], $0xffff  }
0x678: {  	v12 =	vor.u32 $0x1F, v2  }
0x679: {  	v15 =	vor.u32 $0x1F, v1;
	[tilespmem:v5+s10+$0x0] =	vst.idx.msk $0xffff, v4  }
0x67a: {  	[tilespmem:v8+s10+$0x0] =	vst.idx.msk $0xffff, v7;
	v4 =	vld.idx.msk [tilespmem:v6+s2+$0x0], $0xffff  }
0x67b: {  	v5 =	vor.u32 s21, v49;
	v8 =	vor.u32 s30, v49;
	v7 =	vld.idx.msk [tilespmem:v9+s2+$0x0], $0xffff;
	[tilespmem:v11+s10+$0x0] =	vst.idx.msk $0xffff, v10  }
0x67c: {  	v6 =	vor.u32 $0x20, v0;
	v11 =	vor.u32 s31, v49;
	[tilespmem:v14+s10+$0x0] =	vst.idx.msk $0xffff, v13;
	v14 =	vor.u32 s19, v49;
	v49 =	vld [tilespmem:$0x1FDA0]  }
0x67d: {  	v9 =	vor.u32 $0x20, v3;
	v10 =	vld.idx.msk [tilespmem:v12+s2+$0x0], $0xffff  }
0x67e: {  	v12 =	vor.u32 $0x20, v2;
	v13 =	vld.idx.msk [tilespmem:v15+s2+$0x0], $0xffff  }
0x67f: {  	v15 =	vor.u32 $0x20, v1  }
0x680: {  	[tilespmem:v5+s10+$0x0] =	vst.idx.msk $0xffff, v4  }
0x681: {  	[tilespmem:v8+s10+$0x0] =	vst.idx.msk $0xffff, v7;
	v4 =	vld.idx.msk [tilespmem:v6+s2+$0x0], $0xffff;
	v5 =	vor.u32 s21, v49  }
0x682: {  	v6 =	vor.u32 $0x21, v0;
	v7 =	vld.idx.msk [tilespmem:v9+s2+$0x0], $0xffff;
	v8 =	vor.u32 s30, v49;
	[tilespmem:v11+s10+$0x0] =	vst.idx.msk $0xffff, v10  }
0x683: {  	v9 =	vor.u32 $0x21, v3;
	v11 =	vor.u32 s31, v49;
	v10 =	vld.idx.msk [tilespmem:v12+s2+$0x0], $0xffff;
	[tilespmem:v14+s10+$0x0] =	vst.idx.msk $0xffff, v13  }
0x684: {  	v14 =	vor.u32 s19, v49;
	v13 =	vld.idx.msk [tilespmem:v15+s2+$0x0], $0xffff  }
0x685: {  	v12 =	vor.u32 $0x21, v2  }
0x686: {  	v15 =	vor.u32 $0x21, v1;
	[tilespmem:v5+s10+$0x0] =	vst.idx.msk $0xffff, v4  }
0x687: {  	[tilespmem:v8+s10+$0x0] =	vst.idx.msk $0xffff, v7;
	v4 =	vld.idx.msk [tilespmem:v6+s2+$0x0], $0xffff  }
0x688: {  	v5 =	vor.u32 s21, v50;
	v8 =	vor.u32 s30, v50;
	v7 =	vld.idx.msk [tilespmem:v9+s2+$0x0], $0xffff;
	[tilespmem:v11+s10+$0x0] =	vst.idx.msk $0xffff, v10  }
0x689: {  	v6 =	vor.u32 $0x22, v0;
	v11 =	vor.u32 s31, v50;
	[tilespmem:v14+s10+$0x0] =	vst.idx.msk $0xffff, v13;
	v14 =	vor.u32 s19, v50;
	v50 =	vld [tilespmem:$0x1FDC0]  }
0x68a: {  	v9 =	vor.u32 $0x22, v3;
	v10 =	vld.idx.msk [tilespmem:v12+s2+$0x0], $0xffff  }
0x68b: {  	v12 =	vor.u32 $0x22, v2;
	v13 =	vld.idx.msk [tilespmem:v15+s2+$0x0], $0xffff  }
0x68c: {  	v15 =	vor.u32 $0x22, v1  }
0x68d: {  	[tilespmem:v5+s10+$0x0] =	vst.idx.msk $0xffff, v4  }
0x68e: {  	[tilespmem:v8+s10+$0x0] =	vst.idx.msk $0xffff, v7;
	v4 =	vld.idx.msk [tilespmem:v6+s2+$0x0], $0xffff;
	v5 =	vor.u32 s21, v50  }
0x68f: {  	v6 =	vor.u32 $0x23, v0;
	v7 =	vld.idx.msk [tilespmem:v9+s2+$0x0], $0xffff;
	v8 =	vor.u32 s30, v50;
	[tilespmem:v11+s10+$0x0] =	vst.idx.msk $0xffff, v10  }
0x690: {  	v9 =	vor.u32 $0x23, v3;
	v11 =	vor.u32 s31, v50;
	v10 =	vld.idx.msk [tilespmem:v12+s2+$0x0], $0xffff;
	[tilespmem:v14+s10+$0x0] =	vst.idx.msk $0xffff, v13  }
0x691: {  	v14 =	vor.u32 s19, v50;
	v13 =	vld.idx.msk [tilespmem:v15+s2+$0x0], $0xffff  }
0x692: {  	v12 =	vor.u32 $0x23, v2  }
0x693: {  	v15 =	vor.u32 $0x23, v1;
	[tilespmem:v5+s10+$0x0] =	vst.idx.msk $0xffff, v4  }
0x694: {  	[tilespmem:v8+s10+$0x0] =	vst.idx.msk $0xffff, v7;
	v4 =	vld.idx.msk [tilespmem:v6+s2+$0x0], $0xffff  }
0x695: {  	v5 =	vor.u32 s21, v51;
	v8 =	vor.u32 s30, v51;
	v7 =	vld.idx.msk [tilespmem:v9+s2+$0x0], $0xffff;
	[tilespmem:v11+s10+$0x0] =	vst.idx.msk $0xffff, v10  }
0x696: {  	v6 =	vor.u32 $0x24, v0;
	v11 =	vor.u32 s31, v51;
	[tilespmem:v14+s10+$0x0] =	vst.idx.msk $0xffff, v13;
	v14 =	vor.u32 s19, v51;
	v51 =	vld [tilespmem:$0x1FDE0]  }
0x697: {  	v9 =	vor.u32 $0x24, v3;
	v10 =	vld.idx.msk [tilespmem:v12+s2+$0x0], $0xffff  }
0x698: {  	v12 =	vor.u32 $0x24, v2;
	v13 =	vld.idx.msk [tilespmem:v15+s2+$0x0], $0xffff  }
0x699: {  	v15 =	vor.u32 $0x24, v1  }
0x69a: {  	[tilespmem:v5+s10+$0x0] =	vst.idx.msk $0xffff, v4  }
0x69b: {  	[tilespmem:v8+s10+$0x0] =	vst.idx.msk $0xffff, v7;
	v4 =	vld.idx.msk [tilespmem:v6+s2+$0x0], $0xffff;
	v5 =	vor.u32 s21, v51  }
0x69c: {  	v6 =	vor.u32 $0x25, v0;
	v7 =	vld.idx.msk [tilespmem:v9+s2+$0x0], $0xffff;
	v8 =	vor.u32 s30, v51;
	[tilespmem:v11+s10+$0x0] =	vst.idx.msk $0xffff, v10  }
0x69d: {  	v9 =	vor.u32 $0x25, v3;
	v11 =	vor.u32 s31, v51;
	v10 =	vld.idx.msk [tilespmem:v12+s2+$0x0], $0xffff;
	[tilespmem:v14+s10+$0x0] =	vst.idx.msk $0xffff, v13  }
0x69e: {  	v14 =	vor.u32 s19, v51;
	v13 =	vld.idx.msk [tilespmem:v15+s2+$0x0], $0xffff  }
0x69f: {  	v12 =	vor.u32 $0x25, v2  }
0x6a0: {  	v15 =	vor.u32 $0x25, v1;
	[tilespmem:v5+s10+$0x0] =	vst.idx.msk $0xffff, v4  }
0x6a1: {  	[tilespmem:v8+s10+$0x0] =	vst.idx.msk $0xffff, v7;
	v4 =	vld.idx.msk [tilespmem:v6+s2+$0x0], $0xffff  }
0x6a2: {  	v5 =	vor.u32 s21, v52;
	v8 =	vor.u32 s30, v52;
	v7 =	vld.idx.msk [tilespmem:v9+s2+$0x0], $0xffff;
	[tilespmem:v11+s10+$0x0] =	vst.idx.msk $0xffff, v10  }
0x6a3: {  	v6 =	vor.u32 $0x26, v0;
	v11 =	vor.u32 s31, v52;
	[tilespmem:v14+s10+$0x0] =	vst.idx.msk $0xffff, v13;
	v14 =	vor.u32 s19, v52;
	v52 =	vld [tilespmem:$0x1FE00]  }
0x6a4: {  	v9 =	vor.u32 $0x26, v3;
	v10 =	vld.idx.msk [tilespmem:v12+s2+$0x0], $0xffff  }
0x6a5: {  	v12 =	vor.u32 $0x26, v2;
	v13 =	vld.idx.msk [tilespmem:v15+s2+$0x0], $0xffff  }
0x6a6: {  	v15 =	vor.u32 $0x26, v1  }
0x6a7: {  	[tilespmem:v5+s10+$0x0] =	vst.idx.msk $0xffff, v4  }
0x6a8: {  	[tilespmem:v8+s10+$0x0] =	vst.idx.msk $0xffff, v7;
	v4 =	vld.idx.msk [tilespmem:v6+s2+$0x0], $0xffff;
	v5 =	vor.u32 s21, v52  }
0x6a9: {  	v6 =	vor.u32 $0x27, v0;
	v7 =	vld.idx.msk [tilespmem:v9+s2+$0x0], $0xffff;
	v8 =	vor.u32 s30, v52;
	[tilespmem:v11+s10+$0x0] =	vst.idx.msk $0xffff, v10  }
0x6aa: {  	v9 =	vor.u32 $0x27, v3;
	v11 =	vor.u32 s31, v52;
	v10 =	vld.idx.msk [tilespmem:v12+s2+$0x0], $0xffff;
	[tilespmem:v14+s10+$0x0] =	vst.idx.msk $0xffff, v13  }
0x6ab: {  	v14 =	vor.u32 s19, v52;
	v13 =	vld.idx.msk [tilespmem:v15+s2+$0x0], $0xffff  }
0x6ac: {  	v12 =	vor.u32 $0x27, v2  }
0x6ad: {  	v15 =	vor.u32 $0x27, v1;
	[tilespmem:v5+s10+$0x0] =	vst.idx.msk $0xffff, v4  }
0x6ae: {  	[tilespmem:v8+s10+$0x0] =	vst.idx.msk $0xffff, v7;
	v4 =	vld.idx.msk [tilespmem:v6+s2+$0x0], $0xffff  }
0x6af: {  	v5 =	vor.u32 s21, v53;
	v8 =	vor.u32 s30, v53;
	v7 =	vld.idx.msk [tilespmem:v9+s2+$0x0], $0xffff;
	[tilespmem:v11+s10+$0x0] =	vst.idx.msk $0xffff, v10  }
0x6b0: {  	v6 =	vor.u32 $0x28, v0;
	v11 =	vor.u32 s31, v53;
	[tilespmem:v14+s10+$0x0] =	vst.idx.msk $0xffff, v13;
	v14 =	vor.u32 s19, v53;
	v53 =	vld [tilespmem:$0x1FE20]  }
0x6b1: {  	v9 =	vor.u32 $0x28, v3;
	v10 =	vld.idx.msk [tilespmem:v12+s2+$0x0], $0xffff  }
0x6b2: {  	v12 =	vor.u32 $0x28, v2;
	v13 =	vld.idx.msk [tilespmem:v15+s2+$0x0], $0xffff  }
0x6b3: {  	v15 =	vor.u32 $0x28, v1  }
0x6b4: {  	[tilespmem:v5+s10+$0x0] =	vst.idx.msk $0xffff, v4  }
0x6b5: {  	[tilespmem:v8+s10+$0x0] =	vst.idx.msk $0xffff, v7;
	v4 =	vld.idx.msk [tilespmem:v6+s2+$0x0], $0xffff;
	v5 =	vor.u32 s21, v53  }
0x6b6: {  	v6 =	vor.u32 $0x29, v0;
	v7 =	vld.idx.msk [tilespmem:v9+s2+$0x0], $0xffff;
	v8 =	vor.u32 s30, v53;
	[tilespmem:v11+s10+$0x0] =	vst.idx.msk $0xffff, v10  }
0x6b7: {  	v9 =	vor.u32 $0x29, v3;
	v11 =	vor.u32 s31, v53;
	v10 =	vld.idx.msk [tilespmem:v12+s2+$0x0], $0xffff;
	[tilespmem:v14+s10+$0x0] =	vst.idx.msk $0xffff, v13  }
0x6b8: {  	v12 =	vor.u32 $0x29, v2;
	v14 =	vor.u32 s19, v53;
	v13 =	vld.idx.msk [tilespmem:v15+s2+$0x0], $0xffff  }
0x6b9: {  	v15 =	vor.u32 $0x29, v1  }
0x6ba: {  	[tilespmem:v5+s10+$0x0] =	vst.idx.msk $0xffff, v4  }
0x6bb: {  	v5 =	vor.u32 s21, v54;
	[tilespmem:v8+s10+$0x0] =	vst.idx.msk $0xffff, v7;
	v4 =	vld.idx.msk [tilespmem:v6+s2+$0x0], $0xffff  }
0x6bc: {  	v8 =	vor.u32 s30, v54;
	v6 =	vor.u32 $0x2A, v0;
	v7 =	vld.idx.msk [tilespmem:v9+s2+$0x0], $0xffff;
	[tilespmem:v11+s10+$0x0] =	vst.idx.msk $0xffff, v10  }
0x6bd: {  	v9 =	vor.u32 $0x2A, v3;
	v11 =	vor.u32 s31, v54;
	v10 =	vld.idx.msk [tilespmem:v12+s2+$0x0], $0xffff;
	[tilespmem:v14+s10+$0x0] =	vst.idx.msk $0xffff, v13  }
0x6be: {  	v12 =	vor.u32 $0x2A, v2;
	v14 =	vor.u32 s19, v54;
	v13 =	vld.idx.msk [tilespmem:v15+s2+$0x0], $0xffff  }
0x6bf: {  	v15 =	vor.u32 $0x2A, v1  }
0x6c0: {  	[tilespmem:v5+s10+$0x0] =	vst.idx.msk $0xffff, v4  }
0x6c1: {  	v5 =	vor.u32 s21, v55;
	[tilespmem:v8+s10+$0x0] =	vst.idx.msk $0xffff, v7;
	v4 =	vld.idx.msk [tilespmem:v6+s2+$0x0], $0xffff  }
0x6c2: {  	v8 =	vor.u32 s30, v55;
	v6 =	vor.u32 $0x2B, v0;
	v7 =	vld.idx.msk [tilespmem:v9+s2+$0x0], $0xffff;
	[tilespmem:v11+s10+$0x0] =	vst.idx.msk $0xffff, v10  }
0x6c3: {  	v9 =	vor.u32 $0x2B, v3;
	v11 =	vor.u32 s31, v55;
	v10 =	vld.idx.msk [tilespmem:v12+s2+$0x0], $0xffff;
	[tilespmem:v14+s10+$0x0] =	vst.idx.msk $0xffff, v13  }
0x6c4: {  	v12 =	vor.u32 $0x2B, v2;
	v14 =	vor.u32 s19, v55;
	v13 =	vld.idx.msk [tilespmem:v15+s2+$0x0], $0xffff  }
0x6c5: {  	v15 =	vor.u32 $0x2B, v1  }
0x6c6: {  	[tilespmem:v5+s10+$0x0] =	vst.idx.msk $0xffff, v4  }
0x6c7: {  	v5 =	vor.u32 s21, v56;
	[tilespmem:v8+s10+$0x0] =	vst.idx.msk $0xffff, v7;
	v4 =	vld.idx.msk [tilespmem:v6+s2+$0x0], $0xffff  }
0x6c8: {  	v8 =	vor.u32 s30, v56;
	v6 =	vor.u32 $0x2C, v0;
	v7 =	vld.idx.msk [tilespmem:v9+s2+$0x0], $0xffff;
	[tilespmem:v11+s10+$0x0] =	vst.idx.msk $0xffff, v10  }
0x6c9: {  	v9 =	vor.u32 $0x2C, v3;
	v11 =	vor.u32 s31, v56;
	v10 =	vld.idx.msk [tilespmem:v12+s2+$0x0], $0xffff;
	[tilespmem:v14+s10+$0x0] =	vst.idx.msk $0xffff, v13  }
0x6ca: {  	v12 =	vor.u32 $0x2C, v2;
	v14 =	vor.u32 s19, v56;
	v13 =	vld.idx.msk [tilespmem:v15+s2+$0x0], $0xffff  }
0x6cb: {  	v15 =	vor.u32 $0x2C, v1  }
0x6cc: {  	[tilespmem:v5+s10+$0x0] =	vst.idx.msk $0xffff, v4  }
0x6cd: {  	v5 =	vor.u32 s21, v57;
	[tilespmem:v8+s10+$0x0] =	vst.idx.msk $0xffff, v7;
	v4 =	vld.idx.msk [tilespmem:v6+s2+$0x0], $0xffff  }
0x6ce: {  	v8 =	vor.u32 s30, v57;
	v6 =	vor.u32 $0x2D, v0;
	v7 =	vld.idx.msk [tilespmem:v9+s2+$0x0], $0xffff;
	[tilespmem:v11+s10+$0x0] =	vst.idx.msk $0xffff, v10  }
0x6cf: {  	v9 =	vor.u32 $0x2D, v3;
	v11 =	vor.u32 s31, v57;
	v10 =	vld.idx.msk [tilespmem:v12+s2+$0x0], $0xffff;
	[tilespmem:v14+s10+$0x0] =	vst.idx.msk $0xffff, v13  }
0x6d0: {  	v12 =	vor.u32 $0x2D, v2;
	v14 =	vor.u32 s19, v57;
	v13 =	vld.idx.msk [tilespmem:v15+s2+$0x0], $0xffff  }
0x6d1: {  	v15 =	vor.u32 $0x2D, v1  }
0x6d2: {  	[tilespmem:v5+s10+$0x0] =	vst.idx.msk $0xffff, v4  }
0x6d3: {  	v5 =	vor.u32 s21, v58;
	[tilespmem:v8+s10+$0x0] =	vst.idx.msk $0xffff, v7;
	v4 =	vld.idx.msk [tilespmem:v6+s2+$0x0], $0xffff  }
0x6d4: {  	v8 =	vor.u32 s30, v58;
	v6 =	vor.u32 $0x2E, v0;
	v7 =	vld.idx.msk [tilespmem:v9+s2+$0x0], $0xffff;
	[tilespmem:v11+s10+$0x0] =	vst.idx.msk $0xffff, v10  }
0x6d5: {  	v9 =	vor.u32 $0x2E, v3;
	v11 =	vor.u32 s31, v58;
	v10 =	vld.idx.msk [tilespmem:v12+s2+$0x0], $0xffff;
	[tilespmem:v14+s10+$0x0] =	vst.idx.msk $0xffff, v13  }
0x6d6: {  	v12 =	vor.u32 $0x2E, v2;
	v14 =	vor.u32 s19, v58;
	v13 =	vld.idx.msk [tilespmem:v15+s2+$0x0], $0xffff  }
0x6d7: {  	v15 =	vor.u32 $0x2E, v1  }
0x6d8: {  	[tilespmem:v5+s10+$0x0] =	vst.idx.msk $0xffff, v4  }
0x6d9: {  	v5 =	vor.u32 s21, v59;
	[tilespmem:v8+s10+$0x0] =	vst.idx.msk $0xffff, v7;
	v4 =	vld.idx.msk [tilespmem:v6+s2+$0x0], $0xffff  }
0x6da: {  	v8 =	vor.u32 s30, v59;
	v6 =	vor.u32 $0x2F, v0;
	v7 =	vld.idx.msk [tilespmem:v9+s2+$0x0], $0xffff;
	[tilespmem:v11+s10+$0x0] =	vst.idx.msk $0xffff, v10  }
0x6db: {  	v9 =	vor.u32 $0x2F, v3;
	v11 =	vor.u32 s31, v59;
	v10 =	vld.idx.msk [tilespmem:v12+s2+$0x0], $0xffff;
	[tilespmem:v14+s10+$0x0] =	vst.idx.msk $0xffff, v13  }
0x6dc: {  	v12 =	vor.u32 $0x2F, v2;
	v14 =	vor.u32 s19, v59;
	v13 =	vld.idx.msk [tilespmem:v15+s2+$0x0], $0xffff  }
0x6dd: {  	v15 =	vor.u32 $0x2F, v1  }
0x6de: {  	[tilespmem:v5+s10+$0x0] =	vst.idx.msk $0xffff, v4  }
0x6df: {  	v5 =	vor.u32 s21, v60;
	[tilespmem:v8+s10+$0x0] =	vst.idx.msk $0xffff, v7;
	v4 =	vld.idx.msk [tilespmem:v6+s2+$0x0], $0xffff  }
0x6e0: {  	v8 =	vor.u32 s30, v60;
	v6 =	vor.u32 $0x30, v0;
	v7 =	vld.idx.msk [tilespmem:v9+s2+$0x0], $0xffff;
	[tilespmem:v11+s10+$0x0] =	vst.idx.msk $0xffff, v10  }
0x6e1: {  	v9 =	vor.u32 $0x30, v3;
	v11 =	vor.u32 s31, v60;
	v10 =	vld.idx.msk [tilespmem:v12+s2+$0x0], $0xffff;
	[tilespmem:v14+s10+$0x0] =	vst.idx.msk $0xffff, v13  }
0x6e2: {  	v12 =	vor.u32 $0x30, v2;
	v14 =	vor.u32 s19, v60;
	v13 =	vld.idx.msk [tilespmem:v15+s2+$0x0], $0xffff  }
0x6e3: {  	v15 =	vor.u32 $0x30, v1  }
0x6e4: {  	[tilespmem:v5+s10+$0x0] =	vst.idx.msk $0xffff, v4  }
0x6e5: {  	v5 =	vor.u32 s21, v61;
	[tilespmem:v8+s10+$0x0] =	vst.idx.msk $0xffff, v7;
	v4 =	vld.idx.msk [tilespmem:v6+s2+$0x0], $0xffff  }
0x6e6: {  	v8 =	vor.u32 s30, v61;
	v6 =	vor.u32 $0x31, v0;
	v7 =	vld.idx.msk [tilespmem:v9+s2+$0x0], $0xffff;
	[tilespmem:v11+s10+$0x0] =	vst.idx.msk $0xffff, v10  }
0x6e7: {  	v9 =	vor.u32 $0x31, v3;
	v11 =	vor.u32 s31, v61;
	v10 =	vld.idx.msk [tilespmem:v12+s2+$0x0], $0xffff;
	[tilespmem:v14+s10+$0x0] =	vst.idx.msk $0xffff, v13  }
0x6e8: {  	v12 =	vor.u32 $0x31, v2;
	v14 =	vor.u32 s19, v61;
	v13 =	vld.idx.msk [tilespmem:v15+s2+$0x0], $0xffff  }
0x6e9: {  	v15 =	vor.u32 $0x31, v1  }
0x6ea: {  	[tilespmem:v5+s10+$0x0] =	vst.idx.msk $0xffff, v4  }
0x6eb: {  	v5 =	vor.u32 s21, v62;
	[tilespmem:v8+s10+$0x0] =	vst.idx.msk $0xffff, v7;
	v4 =	vld.idx.msk [tilespmem:v6+s2+$0x0], $0xffff  }
0x6ec: {  	v8 =	vor.u32 s30, v62;
	v6 =	vor.u32 $0x32, v0;
	v7 =	vld.idx.msk [tilespmem:v9+s2+$0x0], $0xffff;
	[tilespmem:v11+s10+$0x0] =	vst.idx.msk $0xffff, v10  }
0x6ed: {  	v9 =	vor.u32 $0x32, v3;
	v11 =	vor.u32 s31, v62;
	v10 =	vld.idx.msk [tilespmem:v12+s2+$0x0], $0xffff;
	[tilespmem:v14+s10+$0x0] =	vst.idx.msk $0xffff, v13  }
0x6ee: {  	v12 =	vor.u32 $0x32, v2;
	v14 =	vor.u32 s19, v62;
	v13 =	vld.idx.msk [tilespmem:v15+s2+$0x0], $0xffff  }
0x6ef: {  	v15 =	vor.u32 $0x32, v1  }
0x6f0: {  	[tilespmem:v5+s10+$0x0] =	vst.idx.msk $0xffff, v4  }
0x6f1: {  	v5 =	vor.u32 s21, v63;
	[tilespmem:v8+s10+$0x0] =	vst.idx.msk $0xffff, v7;
	v4 =	vld.idx.msk [tilespmem:v6+s2+$0x0], $0xffff  }
0x6f2: {  	v8 =	vor.u32 s30, v63;
	v6 =	vor.u32 $0x33, v0;
	v7 =	vld.idx.msk [tilespmem:v9+s2+$0x0], $0xffff;
	[tilespmem:v11+s10+$0x0] =	vst.idx.msk $0xffff, v10  }
0x6f3: {  	v9 =	vor.u32 $0x33, v3;
	v11 =	vor.u32 s31, v63;
	v10 =	vld.idx.msk [tilespmem:v12+s2+$0x0], $0xffff;
	[tilespmem:v14+s10+$0x0] =	vst.idx.msk $0xffff, v13  }
0x6f4: {  	v12 =	vor.u32 $0x33, v2;
	v14 =	vor.u32 s19, v63;
	v13 =	vld.idx.msk [tilespmem:v15+s2+$0x0], $0xffff  }
0x6f5: {  	v15 =	vor.u32 $0x33, v1  }
0x6f6: {  	[tilespmem:v5+s10+$0x0] =	vst.idx.msk $0xffff, v4  }
0x6f7: {  	v5 =	vor.u32 s21, v28;
	[tilespmem:v8+s10+$0x0] =	vst.idx.msk $0xffff, v7;
	v4 =	vld.idx.msk [tilespmem:v6+s2+$0x0], $0xffff  }
0x6f8: {  	v8 =	vor.u32 s30, v28;
	v6 =	vor.u32 $0x34, v0;
	v7 =	vld.idx.msk [tilespmem:v9+s2+$0x0], $0xffff;
	[tilespmem:v11+s10+$0x0] =	vst.idx.msk $0xffff, v10  }
0x6f9: {  	v9 =	vor.u32 $0x34, v3;
	v11 =	vor.u32 s31, v28;
	v10 =	vld.idx.msk [tilespmem:v12+s2+$0x0], $0xffff;
	[tilespmem:v14+s10+$0x0] =	vst.idx.msk $0xffff, v13  }
0x6fa: {  	v12 =	vor.u32 $0x34, v2;
	v14 =	vor.u32 s19, v28;
	v13 =	vld.idx.msk [tilespmem:v15+s2+$0x0], $0xffff  }
0x6fb: {  	v15 =	vor.u32 $0x34, v1  }
0x6fc: {  	[tilespmem:v5+s10+$0x0] =	vst.idx.msk $0xffff, v4  }
0x6fd: {  	v5 =	vor.u32 s21, v29;
	[tilespmem:v8+s10+$0x0] =	vst.idx.msk $0xffff, v7;
	v4 =	vld.idx.msk [tilespmem:v6+s2+$0x0], $0xffff  }
0x6fe: {  	v8 =	vor.u32 s30, v29;
	v6 =	vor.u32 $0x35, v0;
	v7 =	vld.idx.msk [tilespmem:v9+s2+$0x0], $0xffff;
	[tilespmem:v11+s10+$0x0] =	vst.idx.msk $0xffff, v10  }
0x6ff: {  	v9 =	vor.u32 $0x35, v3;
	v11 =	vor.u32 s31, v29;
	v10 =	vld.idx.msk [tilespmem:v12+s2+$0x0], $0xffff;
	[tilespmem:v14+s10+$0x0] =	vst.idx.msk $0xffff, v13  }
0x700: {  	v12 =	vor.u32 $0x35, v2;
	v14 =	vor.u32 s19, v29;
	v13 =	vld.idx.msk [tilespmem:v15+s2+$0x0], $0xffff  }
0x701: {  	v15 =	vor.u32 $0x35, v1  }
0x702: {  	[tilespmem:v5+s10+$0x0] =	vst.idx.msk $0xffff, v4  }
0x703: {  	v5 =	vor.u32 s21, v30;
	[tilespmem:v8+s10+$0x0] =	vst.idx.msk $0xffff, v7;
	v4 =	vld.idx.msk [tilespmem:v6+s2+$0x0], $0xffff  }
0x704: {  	v8 =	vor.u32 s30, v30;
	v6 =	vor.u32 $0x36, v0;
	v7 =	vld.idx.msk [tilespmem:v9+s2+$0x0], $0xffff;
	[tilespmem:v11+s10+$0x0] =	vst.idx.msk $0xffff, v10  }
0x705: {  	v9 =	vor.u32 $0x36, v3;
	v11 =	vor.u32 s31, v30;
	v10 =	vld.idx.msk [tilespmem:v12+s2+$0x0], $0xffff;
	[tilespmem:v14+s10+$0x0] =	vst.idx.msk $0xffff, v13  }
0x706: {  	v12 =	vor.u32 $0x36, v2;
	v14 =	vor.u32 s19, v30;
	v13 =	vld.idx.msk [tilespmem:v15+s2+$0x0], $0xffff  }
0x707: {  	v15 =	vor.u32 $0x36, v1  }
0x708: {  	[tilespmem:v5+s10+$0x0] =	vst.idx.msk $0xffff, v4  }
0x709: {  	v5 =	vor.u32 s21, v31;
	[tilespmem:v8+s10+$0x0] =	vst.idx.msk $0xffff, v7;
	v4 =	vld.idx.msk [tilespmem:v6+s2+$0x0], $0xffff  }
0x70a: {  	v8 =	vor.u32 s30, v31;
	v6 =	vor.u32 $0x37, v0;
	v7 =	vld.idx.msk [tilespmem:v9+s2+$0x0], $0xffff;
	[tilespmem:v11+s10+$0x0] =	vst.idx.msk $0xffff, v10  }
0x70b: {  	v9 =	vor.u32 $0x37, v3;
	v11 =	vor.u32 s31, v31;
	v10 =	vld.idx.msk [tilespmem:v12+s2+$0x0], $0xffff;
	[tilespmem:v14+s10+$0x0] =	vst.idx.msk $0xffff, v13  }
0x70c: {  	v12 =	vor.u32 $0x37, v2;
	v14 =	vor.u32 s19, v31;
	v13 =	vld.idx.msk [tilespmem:v15+s2+$0x0], $0xffff  }
0x70d: {  	v15 =	vor.u32 $0x37, v1  }
0x70e: {  	[tilespmem:v5+s10+$0x0] =	vst.idx.msk $0xffff, v4  }
0x70f: {  	v5 =	vor.u32 s21, v32;
	[tilespmem:v8+s10+$0x0] =	vst.idx.msk $0xffff, v7;
	v4 =	vld.idx.msk [tilespmem:v6+s2+$0x0], $0xffff  }
0x710: {  	v8 =	vor.u32 s30, v32;
	v6 =	vor.u32 $0x38, v0;
	v7 =	vld.idx.msk [tilespmem:v9+s2+$0x0], $0xffff;
	[tilespmem:v11+s10+$0x0] =	vst.idx.msk $0xffff, v10  }
0x711: {  	v9 =	vor.u32 $0x38, v3;
	v11 =	vor.u32 s31, v32;
	v10 =	vld.idx.msk [tilespmem:v12+s2+$0x0], $0xffff;
	[tilespmem:v14+s10+$0x0] =	vst.idx.msk $0xffff, v13  }
0x712: {  	v12 =	vor.u32 $0x38, v2;
	v14 =	vor.u32 s19, v32;
	v13 =	vld.idx.msk [tilespmem:v15+s2+$0x0], $0xffff  }
0x713: {  	v15 =	vor.u32 $0x38, v1  }
0x714: {  	[tilespmem:v5+s10+$0x0] =	vst.idx.msk $0xffff, v4  }
0x715: {  	v5 =	vor.u32 s21, v33;
	[tilespmem:v8+s10+$0x0] =	vst.idx.msk $0xffff, v7;
	v4 =	vld.idx.msk [tilespmem:v6+s2+$0x0], $0xffff  }
0x716: {  	v8 =	vor.u32 s30, v33;
	v6 =	vor.u32 $0x39, v0;
	v7 =	vld.idx.msk [tilespmem:v9+s2+$0x0], $0xffff;
	[tilespmem:v11+s10+$0x0] =	vst.idx.msk $0xffff, v10  }
0x717: {  	v9 =	vor.u32 $0x39, v3;
	v11 =	vor.u32 s31, v33;
	v10 =	vld.idx.msk [tilespmem:v12+s2+$0x0], $0xffff;
	[tilespmem:v14+s10+$0x0] =	vst.idx.msk $0xffff, v13  }
0x718: {  	v12 =	vor.u32 $0x39, v2;
	v14 =	vor.u32 s19, v33;
	v13 =	vld.idx.msk [tilespmem:v15+s2+$0x0], $0xffff  }
0x719: {  	v15 =	vor.u32 $0x39, v1  }
0x71a: {  	[tilespmem:v5+s10+$0x0] =	vst.idx.msk $0xffff, v4  }
0x71b: {  	v5 =	vor.u32 s21, v34;
	[tilespmem:v8+s10+$0x0] =	vst.idx.msk $0xffff, v7;
	v4 =	vld.idx.msk [tilespmem:v6+s2+$0x0], $0xffff  }
0x71c: {  	v8 =	vor.u32 s30, v34;
	v6 =	vor.u32 $0x3A, v0;
	v7 =	vld.idx.msk [tilespmem:v9+s2+$0x0], $0xffff;
	[tilespmem:v11+s10+$0x0] =	vst.idx.msk $0xffff, v10  }
0x71d: {  	v9 =	vor.u32 $0x3A, v3;
	v11 =	vor.u32 s31, v34;
	v10 =	vld.idx.msk [tilespmem:v12+s2+$0x0], $0xffff;
	[tilespmem:v14+s10+$0x0] =	vst.idx.msk $0xffff, v13  }
0x71e: {  	v12 =	vor.u32 $0x3A, v2;
	v14 =	vor.u32 s19, v34;
	v13 =	vld.idx.msk [tilespmem:v15+s2+$0x0], $0xffff  }
0x71f: {  	v15 =	vor.u32 $0x3A, v1  }
0x720: {  	[tilespmem:v5+s10+$0x0] =	vst.idx.msk $0xffff, v4  }
0x721: {  	v5 =	vor.u32 s21, v35;
	[tilespmem:v8+s10+$0x0] =	vst.idx.msk $0xffff, v7;
	v4 =	vld.idx.msk [tilespmem:v6+s2+$0x0], $0xffff  }
0x722: {  	v8 =	vor.u32 s30, v35;
	v6 =	vor.u32 $0x3B, v0;
	v7 =	vld.idx.msk [tilespmem:v9+s2+$0x0], $0xffff;
	[tilespmem:v11+s10+$0x0] =	vst.idx.msk $0xffff, v10  }
0x723: {  	v9 =	vor.u32 $0x3B, v3;
	v11 =	vor.u32 s31, v35;
	v10 =	vld.idx.msk [tilespmem:v12+s2+$0x0], $0xffff;
	[tilespmem:v14+s10+$0x0] =	vst.idx.msk $0xffff, v13  }
0x724: {  	v12 =	vor.u32 $0x3B, v2;
	v14 =	vor.u32 s19, v35;
	v13 =	vld.idx.msk [tilespmem:v15+s2+$0x0], $0xffff  }
0x725: {  	v15 =	vor.u32 $0x3B, v1  }
0x726: {  	[tilespmem:v5+s10+$0x0] =	vst.idx.msk $0xffff, v4  }
0x727: {  	v5 =	vor.u32 s21, v36;
	[tilespmem:v8+s10+$0x0] =	vst.idx.msk $0xffff, v7;
	v4 =	vld.idx.msk [tilespmem:v6+s2+$0x0], $0xffff  }
0x728: {  	v8 =	vor.u32 s30, v36;
	v6 =	vor.u32 $0x3C, v0;
	v7 =	vld.idx.msk [tilespmem:v9+s2+$0x0], $0xffff;
	[tilespmem:v11+s10+$0x0] =	vst.idx.msk $0xffff, v10  }
0x729: {  	v9 =	vor.u32 $0x3C, v3;
	v11 =	vor.u32 s31, v36;
	v10 =	vld.idx.msk [tilespmem:v12+s2+$0x0], $0xffff;
	[tilespmem:v14+s10+$0x0] =	vst.idx.msk $0xffff, v13  }
0x72a: {  	v12 =	vor.u32 $0x3C, v2;
	v14 =	vor.u32 s19, v36;
	v13 =	vld.idx.msk [tilespmem:v15+s2+$0x0], $0xffff  }
0x72b: {  	v15 =	vor.u32 $0x3C, v1  }
0x72c: {  	[tilespmem:v5+s10+$0x0] =	vst.idx.msk $0xffff, v4  }
0x72d: {  	v5 =	vor.u32 s21, v37;
	[tilespmem:v8+s10+$0x0] =	vst.idx.msk $0xffff, v7;
	v4 =	vld.idx.msk [tilespmem:v6+s2+$0x0], $0xffff  }
0x72e: {  	v8 =	vor.u32 s30, v37;
	v6 =	vor.u32 $0x3D, v0;
	v7 =	vld.idx.msk [tilespmem:v9+s2+$0x0], $0xffff;
	[tilespmem:v11+s10+$0x0] =	vst.idx.msk $0xffff, v10  }
0x72f: {  	v9 =	vor.u32 $0x3D, v3;
	v11 =	vor.u32 s31, v37;
	v10 =	vld.idx.msk [tilespmem:v12+s2+$0x0], $0xffff;
	[tilespmem:v14+s10+$0x0] =	vst.idx.msk $0xffff, v13  }
0x730: {  	v12 =	vor.u32 $0x3D, v2;
	v14 =	vor.u32 s19, v37;
	v13 =	vld.idx.msk [tilespmem:v15+s2+$0x0], $0xffff  }
0x731: {  	v15 =	vor.u32 $0x3D, v1  }
0x732: {  	[tilespmem:v5+s10+$0x0] =	vst.idx.msk $0xffff, v4  }
0x733: {  	v5 =	vor.u32 s21, v38;
	[tilespmem:v8+s10+$0x0] =	vst.idx.msk $0xffff, v7;
	v4 =	vld.idx.msk [tilespmem:v6+s2+$0x0], $0xffff  }
0x734: {  	v8 =	vor.u32 s30, v38;
	v6 =	vor.u32 $0x3E, v0;
	v7 =	vld.idx.msk [tilespmem:v9+s2+$0x0], $0xffff;
	[tilespmem:v11+s10+$0x0] =	vst.idx.msk $0xffff, v10  }
0x735: {  	v9 =	vor.u32 $0x3E, v3;
	v11 =	vor.u32 s31, v38;
	v10 =	vld.idx.msk [tilespmem:v12+s2+$0x0], $0xffff;
	[tilespmem:v14+s10+$0x0] =	vst.idx.msk $0xffff, v13  }
0x736: {  	v12 =	vor.u32 $0x3E, v2;
	v14 =	vor.u32 s19, v38;
	v13 =	vld.idx.msk [tilespmem:v15+s2+$0x0], $0xffff  }
0x737: {  	v15 =	vor.u32 $0x3E, v1  }
0x738: {  	[tilespmem:v5+s10+$0x0] =	vst.idx.msk $0xffff, v4  }
0x739: {  	[tilespmem:v8+s10+$0x0] =	vst.idx.msk $0xffff, v7;
	v5 =	vor.u32 s21, v39;
	v4 =	vld.idx.msk [tilespmem:v6+s2+$0x0], $0xffff  }
0x73a: {  	v0 =	vor.u32 $0x3F, v0;
	v7 =	vor.u32 s30, v39;
	[tilespmem:v11+s10+$0x0] =	vst.idx.msk $0xffff, v10;
	v6 =	vld.idx.msk [tilespmem:v9+s2+$0x0], $0xffff  }
0x73b: {  	v3 =	vor.u32 $0x3F, v3;
	v9 =	vor.u32 s31, v39;
	v8 =	vld.idx.msk [tilespmem:v12+s2+$0x0], $0xffff;
	[tilespmem:v14+s10+$0x0] =	vst.idx.msk $0xffff, v13  }
0x73c: {  	v2 =	vor.u32 $0x3F, v2;
	v11 =	vor.u32 s19, v39;
	v10 =	vld.idx.msk [tilespmem:v15+s2+$0x0], $0xffff  }
0x73d: {  	v1 =	vor.u32 $0x3F, v1  }
0x73e: {  	[tilespmem:v5+s10+$0x0] =	vst.idx.msk $0xffff, v4  }
0x73f: {  	[tilespmem:v7+s10+$0x0] =	vst.idx.msk $0xffff, v6;
	v4 =	vor.u32 s21, v40;
	v0 =	vld.idx.msk [tilespmem:v0+s2+$0x0], $0xffff  }
0x740: {  	v5 =	vor.u32 s30, v40;
	[tilespmem:v9+s10+$0x0] =	vst.idx.msk $0xffff, v8;
	v3 =	vld.idx.msk [tilespmem:v3+s2+$0x0], $0xffff  }
0x741: {  	s18 =	sadd.s32 $0x8, s18;
	v6 =	vor.u32 s31, v40;
	v2 =	vld.idx.msk [tilespmem:v2+s2+$0x0], $0xffff;
	[tilespmem:v11+s10+$0x0] =	vst.idx.msk $0xffff, v10  }
0x742: {  	p0 =	slt.u32 s18, $0x18;
	v7 =	vor.u32 s19, v40;
	v1 =	vld.idx.msk [tilespmem:v1+s2+$0x0], $0xffff  }
.Ltmp1:
0x743: {  	_ = 	snop;
	(pc) =	sbr.rel @p0 .LBB2_5-.Ltmp1, $4  }
0x744: {  	[tilespmem:v4+s10+$0x0] =	vst.idx.msk $0xffff, v0  }
0x745: {  	v14 =	vld [tilespmem:$0x1FFE0];
	[tilespmem:v5+s10+$0x0] =	vst.idx.msk $0xffff, v3  }
0x746: {  	v12 =	vmovc v27;
	v13 =	vld [tilespmem:$0x1FFD0];
	v9 =	vmov v24;
	v8 =	vmov v23;
	v11 =	vmov v26;
	[tilespmem:v6+s10+$0x0] =	vst.idx.msk $0xffff, v2  }
0x747: {  	s20 =	sadd.s32 $0x80, s20;
	v15 =	vld [tilespmem:$0x1FFF0];
	s19 =	sadd.s32 $0x2000, s19;
	v10 =	vmovc v25;
	v4 =	vmovc v19;
	v5 =	vmov v20;
	v6 =	vmov v21;
	[tilespmem:v7+s10+$0x0] =	vst.idx.msk $0xffff, v1;
	v7 =	vmov v22  }
0x748: {  	s16 =	sadd.s32 $0x1, s16  }
0x749: {  	p0 =	sne.s32 s16, $0x4  }
.Ltmp2:
0x74a: {  	_ = 	snop;
	(pc) =	sbr.rel @p0 .LBB2_2-.Ltmp2, $4  }
0x74b: {  	_ = 	snop  }
0x74c: {  	s17 =	sshll.u32 s17, $0xC  }
0x74d: {  	s14 =	sadd.s32 $0x400, s14;
	s15 =	sadd.s32 $0x400, s15;
	s17 =	sadd.s32 s17, s5  }
0x74e: {  	[hbm4b:s17+s2] =	stream.linear.scatter [tilespmem:s10], [sflag:$0x2], $0x8000, $0x38;
	[tilespmem:$0x19000] =	vst v63  }
0x74f: {  	s13 =	sadd.s32 $0x1, s13  }
0x750: {  	_ =	swait.ge [sflag:s11], $0x8000;
	p0 =	sne.s32 s13, s6  }
.Ltmp3:
0x751: {  	[sflag:s11] =	ssyncset.done $0x0;
	(pc) =	sbr.rel @p0 .LBB2_1-.Ltmp3, $4  }
0x752: {  	[sflag:s11] =	ssyncadd.s32 $0xFFFF8000  }
0x753: {  	_ =	swait.ge [sflag:s12], $0x8000  }
0x754: {  	[sflag:s12] =	ssyncset.done $0x0  }
0x755: {  	[sflag:s12] =	ssyncadd.s32 $0xFFFF8000  }
0x756: {  	_ =	sfence.sel $0x180000  }
0x757: {  	[bflag:$0x0] =	sbarrier.arrive $0xFFFF  }
0x758: {  	p0 =	sne.s32 s1, $0x0;
	_ =	strace $0x90000047  }
0x759: {  	s0 =	sadd.s32 @!p0 $0x100000, s0;
	[bflag:$0x2] =	sbarrier.arrive $0xFFFF  }
0x75a: {  	[sflag:s0] =	ssyncadd.tile.s32 @!p0 $0x1;
	_ =	shalt  }
.Lfunc_end2:
_tile_overlayer_lowered:
.L_overlay_start_2:
0x75b: {  	(tag) =	ssettag $0x2  }
0x75c: {  	s0 =	rddreg [dreg:$0x0];
	s2 =	stileid.u32  }
0x75d: {  	s1 =	rddreg [dreg:$0x1];
	p0 =	sne.s32 s2, $0x0  }
0x75e: {  	s3 =	rddreg [dreg:$0x2];
	[bflag:$0x3] =	sbarrier.arrive $0xFFFF;
	s2 =	simm.s32 @!p0 $0x1C03  }
0x75f: {  	[timem:s3], [sflag:s2] =	dma.local @!p0 [hbm:s0], s1  }
0x760: {  	s0 =	simm.s32 @!p0 $0x3  }
0x761: {  	_ =	swait.ge @!p0 [sflag:s0], s1  }
0x762: {  	s1 =	ssub.s32 @!p0 $0x0, s1;
	[sflag:s0] =	ssyncset.done @!p0 $0x0  }
0x763: {  	[sflag:s0] =	ssyncadd.s32 @!p0 s1  }
0x764: {  	[bflag:$0x3] =	sbarrier.arrive $0xFFFF  }
0x765: {  	_ =	shalt  }

// kernel: sparse-core-data-format-call.cloned.1.call-start
scs
called_computation_lowered:
.L_overlay_start_0:
0x0: {  	s2 =	sld [smem:$0x3FD9]  }
0x1: {  	s3 =	sld [smem:$0x3FFE];
	_ =	sdelay $0x1  }
0x2: {  	s1 =	srdreg.scid  }
0x3: {  	s0 =	sand.u32 $0x1, s1  }
0x4: {  	s15 =	sshll.u32 s0, $0xA;
	s2 =	sadd.s32 s3, s2  }
0x5: {  	s2 =	sadd.s32 s2, s15  }
0x6: {  	[smem:$0x3FC5] =	sst s2  }
0x7: {  	_ = 	snop  }
0x8: {  	s2 =	sld [smem:$0x3FD0];
	_ =	sdelay $0x2  }
0x9: {  	s16 =	simm.s32 $0xA;
	s4 =	simm.s32 $0x10  }
0xa: {  	[smem:s4], [sflag:s16] =	dma.local [hbm:s2], $0x1  }
0xb: {  	_ =	swait.eq [sflag:s16], $0x1  }
0xc: {  	[sflag:s16] =	ssyncset.done $0x0  }
0xd: {  	[sflag:s16] =	ssyncadd.s32 $0xFFFFFFFF  }
0xe: {  	s17 =	sld [smem:$0x10];
	(tm) =	ssettm $0x1  }
0xf: {  	s18 =	sld [smem:$0x3FFB];
	_ =	sdelay $0x3  }
0x10: {  	_ =	strace s18  }
0x11: {  	s3 =	sld [smem:$0x3FFC];
	_ =	sdelay $0x3  }
0x12: {  	_ =	strace s3  }
0x13: {  	s3 =	sld [smem:$0x3FFD];
	_ =	sdelay $0x3  }
0x14: {  	_ =	strace s3  }
0x15: {  	_ =	strace $0x8FFFFFFF  }
0x16: {  	s19 =	sld [smem:$0x3FDB];
	_ =	sdelay $0x1  }
0x17: {  	s20 =	simm.s32 $_scs_section_size  }
0x18: {  	s5 =	simm.s32 $_size__tile_overlayer_lowered;
	s6 =	simm.s32 $_tile_overlayer_lowered  }
0x19: {  	s23 =	simm.s32 $0x1BFF;
	s22 =	sshll.u32 s6, $0x1;
	s3 =	sadd.s32 s20, s19  }
0x1a: {  	s7 =	simm.s32 $0x0;
	s21 =	sshll.u32 s5, $0x1;
	s5 =	sadd.s32 s22, s3  }
0x1b: {  	[timem:s7], [sflag:s23] =	dma.local [hbm:s5], s21  }
0x1c: {  	_ =	swait.ge [sflag:s23], s21  }
0x1d: {  	s4 =	ssub.s32 $0x0, s21;
	[sflag:s23] =	ssyncset.done $0x0  }
0x1e: {  	[sflag:s23] =	ssyncadd.s32 s4;
	_ =	sdelay $0x1  }
0x1f: {  	s24 =	simm.s32 $0x1B8B  }
0x20: {  	_ =	swait.ge [sflag:s24], $0x1  }
0x21: {  	[sflag:s24] =	ssyncset.done $0x0  }
0x22: {  	s26 =	simm.s32 $0x1B8E;
	s25 =	sld [smem:$0x3FFE];
	[sflag:s24] =	ssyncadd.s32 $0xFFFFFFFF  }
0x23: {  	s27 =	simm.s32 $execute0_lowered;
	[smem:$0x3FD2] =	sst s26  }
0x24: {  	s5 =	sshll.u32 s27, $0x1;
	_ =	strace $0x80000049;
	[dreg:$0x1] =	wrdreg $0xFFFFFFFF  }
0x25: {  	s28 =	simm.s32 $_size_execute0_lowered;
	s3 =	sadd.s32 s3, s5;
	[dreg:$0x0] =	wrdreg $0x0  }
0x26: {  	s5 =	sshll.u32 s28, $0x1;
	[dreg:$0x2] =	wrdreg s3  }
0x27: {  	[dreg:$0x3] =	wrdreg s5  }
0x28: {  	[dreg:$0x4] =	wrdreg $0xC0  }
0x29: {  	_ =	task [dreg:s7], $0x5FFFF  }
0x2a: {  	[dreg:$0x1] =	wrdreg $0xFFFFFFFF  }
0x2b: {  	[dreg:$0x0] =	wrdreg $0x60  }
0x2c: {  	[dreg:$0x2] =	wrdreg s25  }
0x2d: {  	[dreg:$0x3] =	wrdreg s17  }
0x2e: {  	[dreg:$0x4] =	wrdreg $0x9  }
0x2f: {  	_ =	task.clear_ibuf [dreg:s7], $0x5FFFF;
	_ =	strace $0x90000049  }
0x30: {  	s29 =	simm.s32 $0x9;
	_ =	strace $0x8000004B  }
0x31: {  	_ =	swait.ge [sflag:s29], $0x1  }
0x32: {  	[sflag:s29] =	ssyncadd.s32 $0xFFFFFFFF  }
0x33: {  	_ =	strace $0x9000004B  }
0x34: {  	_ =	sfence  }
0x35: {  	s30 =	sld [smem:$0x0];
	_ =	sdelay $0x2  }
0x36: {  	s31 =	sshll.u32 s1, $0xD;
	s1 =	sshrl.u32 s1, $0x2  }
0x37: {  	s3 =	sand.u32 $0x4000, s31;
	s1 =	sadd.s32 s1, s30  }
0x38: {  	s0 =	sor.u32 s3, s0;
	s1 =	sshll.u32 s1, $0x11  }
0x39: {  	s0 =	sor.u32 s1, s0  }
0x3a: {  	s0 =	sadd.s32 $0x8F2B, s0  }
0x3b: {  	[sflag:s0] =	ssyncadd.remote.s32 $0x1  }
0x3c: {  	_ =	sfence.sel $0xFFFF  }
0x3d: {  	[dreg:$0x0] =	wrdreg $0xFFFFFFFF;
	(pc) =	sbr.abs _section_cstart, $3  }
0x3e: {  	[dreg:$0x1] =	wrdreg $0xFFFFFFFF  }
0x3f: {  	_ =	task.clear_ibuf [dreg:s7], $0x2FFFF;
	_ =	strace $0x9FFFFFFF  }
0x40: {  	(tm) =	ssettm $0x7FFFFFFF  }
0x41: {  	_ =	shalt  }
tec
execute0_lowered:
.L_overlay_start_1:
0x0: {  	(tag) =	ssettag $0x1  }
0x1: {  	s0 =	srdreg.scid  }
0x2: {  	s1 =	sshll.u32 s0, $0x4  }
0x3: {  	s4 =	rddreg [dreg:$0x0];
	s0 =	stileid.u32;
	s1 =	sand.u32 $0x10, s1  }
0x4: {  	s2 =	rddreg [dreg:$0x1];
	s7 =	simm.s32 $0x1;
	s1 =	sor.u32 s0, s1  }
0x5: {  	s8 =	simm.s32 $0x2;
	s11 =	simm.s32 $0x0;
	s3 =	sshll.u32 s1, $0x7  }
0x6: {  	s10 =	simm.s32 $0x0;
	s4 =	sadd.s32 $0x200, s4;
	s6 =	ssub.s32 $0x20000, s3  }
.Ltmp0:
0x7: {  	s1 =	rddreg [dreg:$0x2];
	s5 =	sand.u32 $0xF80, s6;
	(pc) =	sbr.rel .LBB1_1-.Ltmp0, $4  }
0x8: {  	_ =	strace $0x8000004A;
	s9 =	smov.u32 s3;
	p0 =	sne.s32 s5, $0x0  }
0x9: {  	s6 =	sshrl.u32 s6, $0xC;
	s5 =	simm.s32 $0x1;
	s7 =	simm.s32 @!p0 $0x0  }
0xa: {  	[sflag:s5] =	ssyncpa.u1 $0x0;
	p0 =	por $0x0, $0x0;
	s6 =	sadd.s32 s7, s6  }
0xb: {  	[sflag:s8] =	ssyncpa.u1 $0x0;
	s8 =	simm.s32 $0x100000;
	s7 =	sadd.s32 $0x1, s6  }
.LBB1_4:
0xc: {  	s14 =	sshll.u32 s11, $0x3  }
0xd: {  	s15 =	sand.u32 $0x78, s11;
	s14 =	sand.u32 $0x1FC00, s14  }
0xe: {  	[tilespmem:s13+$0x810 ss:$0x81] =	vst.msk $0xffff, v2;
	s29 =	sand.u32 $0xFC000, s11;
	s30 =	sand.u32 $0x7, s11;
	s14 =	sor.u32 s15, s14  }
0xf: {  	[tilespmem:s13+$0x1020 ss:$0x81] =	vst.msk $0xffff, v0;
	s11 =	sshll.u32 s30, $0x12;
	s15 =	sadd.s32 s2, s29;
	s14 =	sshrl.u32 s14, $0x3  }
0x10: {  	[tilespmem:s13+$0x0 ss:$0x81] =	vst.msk $0xffff, v1;
	s11 =	sor.u32 $0x400, s11;
	s31 =	sadd.s32 s14, s15  }
0x11: {  	[hbm4b:s31+s11] =	stream.strided.scatter [tilespmem:s12], [sflag:$0x2], $0x2000, s8, s11, $0x20;
	[tilespmem:$0x8080] =	vst v63  }
.LBB1_5:
0x12: {  	s13 =	sadd.s32 $0x1000, s9  }
0x13: {  	p2 =	sgt.s32 s13, $0x1FFFF  }
0x14: {  	s13 =	smov.u32 @p2 s3;
	p2 =	sne.s32 s10, s7  }
.Ltmp1:
0x15: {  	p1 =	slt.u32 s10, $0x2;
	(pc) =	sbr.rel @!p2 .LBB1_6-.Ltmp1, $4  }
0x16: {  	s12 =	simm.s32 @!p1 $0x2  }
0x17: {  	s14 =	sadd.s32 $0x1, s10;
	_ =	swait.ge @!p1 [sflag:s12], $0x2000  }
0x18: {  	s11 =	smov.u32 s9;
	p0 =	por !p0, !p0;
	[sflag:s12] =	ssyncset.done @!p1 $0x0  }
0x19: {  	s10 =	smov.u32 s14;
	s9 =	smov.u32 s13;
	[sflag:s12] =	ssyncadd.s32 @!p1 $0xFFFFE000  }
.LBB1_1:
0x1a: {  	p1 =	sge.u32 s10, s6  }
0x1b: {  	s31 =	sadd.s32 $0xFFFFFFFF, s10;
	s12 =	sxor.u32 @!p1 $0xFFFFFFFF, s10;
	s13 =	sshll.u32 @!p1 s9, $0x4  }
0x1c: {  	s14 =	simm.s32 @!p1 $0x40;
	s12 =	sshll.u32 @!p1 s12, $0xD;
	s13 =	sand.u32 @!p1 $0x1FFFF0, s13  }
0x1d: {  	s15 =	simm.s32 @!p1 $0x80;
	s12 =	sand.u32 @!p1 $0x2000, s12;
	s13 =	sadd.s32 @!p1 s4, s13  }
0x1e: {  	[tilespmem:s12], [sflag:$0x1] =	stream.strided.gather @!p1 [hbm4b:s13+s14], $0x2000, s15, s14, $0x38;
	[tilespmem:$0x8080] =	vst v63  }
0x1f: {  	p1 =	sge.u32 s31, s6  }
.Ltmp2:
0x20: {  	_ = 	snop;
	(pc) =	sbr.rel @p1 .LBB1_5-.Ltmp2, $1  }
0x21: {  	_ =	sdelay $0x3  }
0x22: {  	s12 =	simm.s32 $0x1  }
0x23: {  	_ =	swait.ge [sflag:s5], $0x2000;
	s12 =	simm.s32 @!p0 $0x0  }
0x24: {  	[sflag:s5] =	ssyncset.done $0x0;
	s13 =	sshll.u32 s12, $0xD  }
0x25: {  	[sflag:s5] =	ssyncadd.s32 $0xFFFFE000;
	s16 =	sor.u32 $0x20, s13  }
0x26: {  	s12 =	smul.u32 $0x8100, s12;
	v3 =	vld [tilespmem:s16+$0x10]  }
0x27: {  	s30 =	sand.u32 $0x1, s10;
	v2 =	vld [tilespmem:s16+$0xFFFFFFF0]  }
0x28: {  	s13 =	smul.u32 $0x8100, s30;
	s12 =	sshrl.u32 s12, $0x2;
	v0 =	vld [tilespmem:s16+$0x0]  }
0x29: {  	v1 =	vld [tilespmem:s16+$0xFFFFFFE0];
	s14 =	sor.u32 $0x4000, s12  }
0x2a: {  	s31 =	sshrl.u32 s13, $0x2;
	s13 =	sadd.s32 $0x0, s14  }
0x2b: {  	s15 =	simm.s32 $0x4;
	s16 =	sadd.s32 $0x40, s16;
	s12 =	sor.u32 $0x4000, s31;
	[tilespmem:s13+$0x1830 ss:$0x81] =	vst.msk $0xffff, v3  }
.LBB1_3:
0x2c: {  	v3 =	vld [tilespmem:s16+$0x10];
	p1 =	sne.s32 s15, $0x1FC;
	[tilespmem:s13+$0x810 ss:$0x81] =	vst.msk $0xffff, v2;
	s17 =	smov.u32 s15;
	s15 =	sadd.s32 $0x4, s15  }
.Ltmp3:
0x2d: {  	v2 =	vld [tilespmem:s16+$0xFFFFFFF0];
	[tilespmem:s13+$0x1020 ss:$0x81] =	vst.msk $0xffff, v0;
	(pc) =	sbr.rel @p1 .LBB1_3-.Ltmp3, $4  }
0x2e: {  	v0 =	vld [tilespmem:s16+$0x0];
	[tilespmem:s13+$0x0 ss:$0x81] =	vst.msk $0xffff, v1  }
0x2f: {  	s13 =	sshra.s32 s17, $0x2;
	v1 =	vld [tilespmem:s16+$0xFFFFFFE0]  }
0x30: {  	s13 =	sadd.s32 s13, s14  }
0x31: {  	s16 =	sadd.s32 $0x40, s16;
	[tilespmem:s13+$0x1830 ss:$0x81] =	vst.msk $0xffff, v3  }
.Ltmp4:
0x32: {  	_ = 	snop;
	(pc) =	sbr.rel .LBB1_4-.Ltmp4, $1  }
0x33: {  	_ =	sdelay $0x3  }
.LBB1_6:
0x34: {  	_ =	sfence.sel $0x180000  }
0x35: {  	s2 =	simm.s32 $0x1;
	[bflag:$0x0] =	sbarrier.arrive $0xFFFF  }
0x36: {  	s31 =	simm.s32 $0x2;
	[sflag:s2] =	ssyncpa.u1 $0x1  }
0x37: {  	[sflag:s31] =	ssyncpa.u1 $0x1  }
0x38: {  	p0 =	sne.s32 s0, $0x0;
	_ =	strace $0x9000004A  }
0x39: {  	s0 =	sadd.s32 @!p0 $0x100000, s1;
	[bflag:$0x2] =	sbarrier.arrive $0xFFFF  }
0x3a: {  	[sflag:s0] =	ssyncadd.tile.s32 @!p0 $0x1;
	_ =	shalt  }
.Lfunc_end1:
_tile_overlayer_lowered:
.L_overlay_start_2:
0x3b: {  	(tag) =	ssettag $0x2  }
0x3c: {  	s0 =	rddreg [dreg:$0x0];
	s2 =	stileid.u32  }
0x3d: {  	s1 =	rddreg [dreg:$0x1];
	p0 =	sne.s32 s2, $0x0  }
0x3e: {  	s3 =	rddreg [dreg:$0x2];
	[bflag:$0x3] =	sbarrier.arrive $0xFFFF;
	s2 =	simm.s32 @!p0 $0x1C01  }
0x3f: {  	[timem:s3], [sflag:s2] =	dma.local @!p0 [hbm:s0], s1  }
0x40: {  	s0 =	simm.s32 @!p0 $0x1  }
0x41: {  	_ =	swait.ge @!p0 [sflag:s0], s1  }
0x42: {  	s1 =	ssub.s32 @!p0 $0x0, s1;
	[sflag:s0] =	ssyncset.done @!p0 $0x0  }
0x43: {  	[sflag:s0] =	ssyncadd.s32 @!p0 s1  }
0x44: {  	[bflag:$0x3] =	sbarrier.arrive $0xFFFF  }
0x45: {  	_ =	shalt  }

</sc_bundles>
